<compile_context>
chip_gen: v7x
topology: tpu7x:2x2x1
jax: 0.10.2.dev20260603
libtpu: 0.0.44.dev20260713+nightly
codegen_flags: <defaults>
</compile_context>

<pallas_src>
import functools

import jax
import jax.numpy as jnp
from jax import lax
from jax.experimental import pallas as pl
from jax.experimental.pallas import tpu as pltpu
from jax.experimental.pallas import tpu_sc as plsc

NC = 2
NS = 16
L = 16
NW = NC * NS
SCH = 2048
GCH = 128
QCAP = SCH + 2 * GCH


@functools.lru_cache(maxsize=None)
def _make_sc_kernel(nsc, outf, b):
    rpt = outf // NW
    mesh = plsc.VectorSubcoreMesh(core_axis_name="c", subcore_axis_name="s")

    @functools.partial(
        pl.kernel,
        out_type=jax.ShapeDtypeStruct((outf, b), jnp.float32),
        mesh=mesh,
        compiler_params=pltpu.CompilerParams(needs_layout_passes=False),
        scratch_types=[
            pltpu.VMEM((2, SCH), jnp.int32),
            pltpu.VMEM((2, SCH), jnp.int32),
            pltpu.VMEM((2, SCH), jnp.float32),
            pltpu.VMEM((2 * QCAP,), jnp.int32),
            pltpu.VMEM((2 * QCAP,), jnp.int32),
            pltpu.VMEM((2 * QCAP,), jnp.float32),
            pltpu.VMEM((2, GCH, b), jnp.float32),
            pltpu.VMEM((rpt, b), jnp.float32),
            pltpu.SemaphoreType.DMA,
            pltpu.SemaphoreType.DMA,
            pltpu.SemaphoreType.DMA,
            pltpu.SemaphoreType.DMA,
        ],
    )
    def sc_kernel(xT, rows_h, cols_h, vals_h, out,
                  rows_b, cols_b, vals_b, q_r, q_c, q_v,
                  gath, acc, sem_i0, sem_i1, sem_a, sem_b):
        cid = lax.axis_index("c")
        sid = lax.axis_index("s")
        wid = sid * NC + cid
        lo = wid * rpt

        def issue3(k, pp, sem):
            pltpu.async_copy(rows_h.at[k], rows_b.at[pp], sem)
            pltpu.async_copy(cols_h.at[k], cols_b.at[pp], sem)
            pltpu.async_copy(vals_h.at[k], vals_b.at[pp], sem)

        def wait3(k, pp, sem):
            pltpu.make_async_copy(rows_h.at[k], rows_b.at[pp], sem).wait()
            pltpu.make_async_copy(cols_h.at[k], cols_b.at[pp], sem).wait()
            pltpu.make_async_copy(vals_h.at[k], vals_b.at[pp], sem).wait()

        def issue_g(qp, d, p):
            src = xT.at[q_c.at[pl.ds(qp * QCAP + d * GCH, GCH)]]

            @pl.when(p == 0)
            def _():
                pltpu.async_copy(src, gath.at[0], sem_a)

            @pl.when(p == 1)
            def _():
                pltpu.async_copy(src, gath.at[1], sem_b)

        def wait_g(qp, d, p):
            src = xT.at[q_c.at[pl.ds(qp * QCAP + d * GCH, GCH)]]

            @pl.when(p == 0)
            def _():
                pltpu.make_async_copy(src, gath.at[0], sem_a).wait()

            @pl.when(p == 1)
            def _():
                pltpu.make_async_copy(src, gath.at[1], sem_b).wait()

        def consume(qp, d, p):
            qbase = qp * QCAP + d * GCH

            @plsc.parallel_loop(0, GCH, unroll=2)
            def ent(e):
                qi = jnp.full((L,), qbase + e, jnp.int32)
                vs = plsc.load_gather(q_v, [qi])
                rl = plsc.load_gather(q_r, [qi])[0]
                for m in range(b // L):
                    sl = pl.ds(m * L, L)
                    plsc.addupdate(acc.at[rl, sl], gath[p, e, sl] * vs)

        def drain_ready(qp, nready):
            def dbody(d, c2):
                p = d & 1

                @pl.when(d >= 2)
                def _():
                    issue_g(qp, d, p)
                wait_g(qp, d, p)
                consume(qp, d, p)
                return c2
            lax.fori_loop(0, nready, dbody, 0)

        def zrow(i, carry):
            for m in range(b // L):
                acc[i, pl.ds(m * L, L)] = jnp.zeros((L,), jnp.float32)
            return carry
        lax.fori_loop(0, rpt, zrow, 0)

        issue3(0, 0, sem_i0)

        def scan_chunk(k, carry):
            rem, nprev = carry
            pp = k & 1
            qo = 1 - pp

            pb = pp * QCAP
            ob = qo * QCAP + nprev * GCH
            for m in range(GCH // L):
                dst = pl.ds(pb + m * L, L)
                src = pl.ds(ob + m * L, L)
                q_r[dst] = q_r[src]
                q_c[dst] = q_c[src]
                q_v[dst] = q_v[src]

            @pl.when((k + 1 < nsc) & (pp == 0))
            def _():
                issue3(k + 1, 1, sem_i1)

            @pl.when((k + 1 < nsc) & (pp == 1))
            def _():
                issue3(k + 1, 0, sem_i0)

            @pl.when(pp == 0)
            def _():
                wait3(k, 0, sem_i0)

            @pl.when(pp == 1)
            def _():
                wait3(k, 1, sem_i1)

            @plsc.parallel_loop(0, SCH // L, unroll=4, carry=rem)
            def group(g, cnt2):
                sl = pl.ds(g * L, L)
                r = rows_b[pp, sl]
                msk = (r >= lo) & (r < lo + rpt)
                npop = plsc.all_reduce_population_count(msk)[0]
                cs = plsc.cumsum(jnp.where(msk, 1, 0))
                idx = pb + cnt2 + cs - 1
                plsc.store_scatter(q_r, [idx], r - lo, mask=msk)
                plsc.store_scatter(q_c, [idx], cols_b[pp, sl], mask=msk)
                plsc.store_scatter(q_v, [idx], vals_b[pp, sl], mask=msk)
                return cnt2 + npop
            cnt = group

            drain_ready(qo, nprev)

            nfull = cnt // GCH

            @pl.when(nfull > 0)
            def _():
                issue_g(pp, 0, 0)

            @pl.when(nfull > 1)
            def _():
                issue_g(pp, 1, 1)
            return (cnt - nfull * GCH, nfull)
        rem, nprev = lax.fori_loop(0, nsc, scan_chunk, (0, 0))

        lpp = (nsc - 1) & 1
        drain_ready(lpp, nprev)
        offt = lpp * QCAP + nprev * GCH
        for m in range(GCH // L):
            sl = pl.ds(offt + rem + m * L, L)
            q_r[sl] = jnp.zeros((L,), jnp.int32)
            q_c[sl] = jnp.zeros((L,), jnp.int32)
            q_v[sl] = jnp.zeros((L,), jnp.float32)
        pt = nprev & 1
        issue_g(lpp, nprev, pt)
        wait_g(lpp, nprev, pt)
        consume(lpp, nprev, pt)

        pltpu.sync_copy(acc, out.at[pl.ds(lo, rpt)])

    return sc_kernel


@functools.lru_cache(maxsize=None)
def _make_tc_epilogue(outf, b):
    blk = 512

    def body(p_ref, bias_ref, o_ref):
        o_ref[...] = p_ref[...].T + bias_ref[...]

    return pl.pallas_call(
        body,
        grid=(outf // blk,),
        in_specs=[
            pl.BlockSpec((blk, b), lambda i: (i, 0)),
            pl.BlockSpec((1, blk), lambda i: (0, i)),
        ],
        out_specs=pl.BlockSpec((b, blk), lambda i: (0, i)),
        out_shape=jax.ShapeDtypeStruct((b, outf), jnp.float32),
    )


def kernel(x, indices, values, bias):
    b, inf = x.shape
    outf = bias.shape[0]
    nnz = values.shape[0]

    rows = indices[0].astype(jnp.int32)
    cols = indices[1].astype(jnp.int32)
    vals = values.astype(jnp.float32)

    nsc = -(-nnz // SCH)
    pad = nsc * SCH - nnz
    if pad:
        rows = jnp.pad(rows, (0, pad))
        cols = jnp.pad(cols, (0, pad))
        vals = jnp.pad(vals, (0, pad))
    rows2 = rows.reshape(nsc, SCH)
    cols2 = cols.reshape(nsc, SCH)
    vals2 = vals.reshape(nsc, SCH)

    xT = x.T

    out_t = _make_sc_kernel(nsc, outf, b)(xT, rows2, cols2, vals2)
    return _make_tc_epilogue(outf, b)(out_t, bias.reshape(1, outf))

# --- scband reference (transcript-rebuilt; emitter-appended) ---
"""Pipeline reference for scband-sparse-linear-62380105007243 (READ-ONLY COPY).

The authoritative reference and input builder live on the scoring server;
editing this copy changes nothing except your own understanding.
"""

import jax, jax.numpy as jnp
import numpy as np

IN_FEATURES = 4096
OUT_FEATURES = 4096
NNZ = 167772  # 0.01 density of 4096*4096
BATCH = 256


def setup_inputs(seed: int = 0) -> dict:
    key = jax.random.key(seed)
    k1, k2, k3, k4 = jax.random.split(key, 4)
    x = jax.random.normal(k1, (BATCH, IN_FEATURES), dtype=jnp.float32)
    rows = jax.random.randint(k2, (NNZ,), 0, OUT_FEATURES)
    cols = jax.random.randint(k3, (NNZ,), 0, IN_FEATURES)
    indices = jnp.stack([rows, cols]).astype(jnp.int64)
    values = jax.random.normal(k4, (NNZ,), dtype=jnp.float32) * 0.02
    bias = jnp.zeros((OUT_FEATURES,), dtype=jnp.float32)
    return {"x": x, "indices": indices, "values": values, "bias": bias}


def reference(x, indices, values, bias):
    # Faithful translation of SparseLinear.forward:
    #   out = torch.sparse.mm(W_coo, x_flat.t()).t() + bias
    # where W_coo is COO (indices=[2,nnz], values=[nnz], shape=[out,in]).
    orig_shape = x.shape[:-1]
    in_features = x.shape[-1]
    out_features = bias.shape[0]
    x_flat = x.reshape(-1, in_features)  # [T, in]
    rows = indices[0]
    cols = indices[1]
    # contrib[e, t] = values[e] * x_flat[t, cols[e]]
    gathered = jnp.take(x_flat, cols, axis=1)      # [T, nnz] (SparseCore gather)
    contrib = values[None, :] * gathered            # [T, nnz]
    # scatter-add over rows -> W @ x^T, shape [out, T]
    out_t = jax.ops.segment_sum(contrib.T, rows, num_segments=out_features)
    out = out_t.T + bias[None, :]                   # [T, out]
    return out.reshape(*orig_shape, out_features)

if __name__ == "__main__":
    import jax
    _d = setup_inputs()
    print(jax.jit(kernel)(*tuple(_d.values())))

</pallas_src>

<mosaic_0001>
#map = affine_map<(d0, d1) -> (0, 0)>
module attributes {stable_mosaic.version = 14 : i64} {
  func.func @sc_kernel(%arg0: i32, %arg1: i32, %arg2: memref<4096x256xf32, #tpu.memory_space<hbm>>, %arg3: memref<82x2048xi32, #tpu.memory_space<hbm>>, %arg4: memref<82x2048xi32, #tpu.memory_space<hbm>>, %arg5: memref<82x2048xf32, #tpu.memory_space<hbm>>, %arg6: memref<4096x256xf32, #tpu.memory_space<hbm>>, %arg7: memref<2x2048xi32, #tpu.memory_space<vmem>>, %arg8: memref<2x2048xi32, #tpu.memory_space<vmem>>, %arg9: memref<2x2048xf32, #tpu.memory_space<vmem>>, %arg10: memref<4608xi32, #tpu.memory_space<vmem>>, %arg11: memref<4608xi32, #tpu.memory_space<vmem>>, %arg12: memref<4608xf32, #tpu.memory_space<vmem>>, %arg13: memref<2x128x256xf32, #tpu.memory_space<vmem>>, %arg14: memref<128x256xf32, #tpu.memory_space<vmem>>, %arg15: memref<!tpu.dma_semaphore, #tpu.memory_space<semaphore_mem>>, %arg16: memref<!tpu.dma_semaphore, #tpu.memory_space<semaphore_mem>>, %arg17: memref<!tpu.dma_semaphore, #tpu.memory_space<semaphore_mem>>, %arg18: memref<!tpu.dma_semaphore, #tpu.memory_space<semaphore_mem>>) attributes {dimension_semantics = [#tpu.dimension_semantics<core_parallel>, #tpu.dimension_semantics<subcore_parallel>], iteration_bounds = array<i64: 2, 16>, scalar_prefetch = 0 : i64, scratch_operands = 12 : i64, tpu.core_type = #tpu.core_type<sc_vector_subcore>, window_params = [{transform_indices = #map}, {transform_indices = #map}, {transform_indices = #map}, {transform_indices = #map}, {transform_indices = #map}]} {
    %mul3A = arith.constant 2 : i32
    %mul3A_0 = arith.muli %arg1, %mul3A : i32
    %add3A = arith.addi %mul3A_0, %arg0 : i32
    %mul3A_1 = arith.constant 128 : i32
    %mul3A_2 = arith.muli %add3A, %mul3A_1 : i32
    %scan3A = arith.constant 0 : i32
    %scan3A_3 = arith.constant 0 : i32
    %scan3A_4 = arith.constant 128 : i32
    %scan3A_5 = arith.addi %scan3A_3, %scan3A_4 : i32
    %scan3A_6 = arith.constant 1 : i32
    scf.for %scan3A_220 = %scan3A_3 to %scan3A_5 step %scan3A_6  : i32 {
      %broadcast_in_dim3A_221 = arith.constant 0.000000e+00 : f32
      %broadcast_in_dim3A_222 = vector.broadcast %broadcast_in_dim3A_221 : f32 to vector<16xf32>
      %swap3A_223 = arith.index_cast %scan3A_220 : i32 to index
      %swap3A_224 = arith.constant 0 : index
      %swap3A_225 = tpu.vector_load %arg14[%swap3A_223, %swap3A_224] {strides = array<i32>} : memref<128x256xf32, #tpu.memory_space<vmem>>, vector<16xf32>,
      tpu.vector_store %arg14[%swap3A_223, %swap3A_224], %broadcast_in_dim3A_222 {strides = array<i32>} : memref<128x256xf32, #tpu.memory_space<vmem>>, vector<16xf32>,
      %broadcast_in_dim3A_226 = arith.constant 0.000000e+00 : f32
      %broadcast_in_dim3A_227 = vector.broadcast %broadcast_in_dim3A_226 : f32 to vector<16xf32>
      %swap3A_228 = arith.index_cast %scan3A_220 : i32 to index
      %swap3A_229 = arith.constant 16 : index
      %swap3A_230 = tpu.vector_load %arg14[%swap3A_228, %swap3A_229] {strides = array<i32>} : memref<128x256xf32, #tpu.memory_space<vmem>>, vector<16xf32>,
      tpu.vector_store %arg14[%swap3A_228, %swap3A_229], %broadcast_in_dim3A_227 {strides = array<i32>} : memref<128x256xf32, #tpu.memory_space<vmem>>, vector<16xf32>,
      %broadcast_in_dim3A_231 = arith.constant 0.000000e+00 : f32
      %broadcast_in_dim3A_232 = vector.broadcast %broadcast_in_dim3A_231 : f32 to vector<16xf32>
      %swap3A_233 = arith.index_cast %scan3A_220 : i32 to index
      %swap3A_234 = arith.constant 32 : index
      %swap3A_235 = tpu.vector_load %arg14[%swap3A_233, %swap3A_234] {strides = array<i32>} : memref<128x256xf32, #tpu.memory_space<vmem>>, vector<16xf32>,
      tpu.vector_store %arg14[%swap3A_233, %swap3A_234], %broadcast_in_dim3A_232 {strides = array<i32>} : memref<128x256xf32, #tpu.memory_space<vmem>>, vector<16xf32>,
      %broadcast_in_dim3A_236 = arith.constant 0.000000e+00 : f32
      %broadcast_in_dim3A_237 = vector.broadcast %broadcast_in_dim3A_236 : f32 to vector<16xf32>
      %swap3A_238 = arith.index_cast %scan3A_220 : i32 to index
      %swap3A_239 = arith.constant 48 : index
      %swap3A_240 = tpu.vector_load %arg14[%swap3A_238, %swap3A_239] {strides = array<i32>} : memref<128x256xf32, #tpu.memory_space<vmem>>, vector<16xf32>,
      tpu.vector_store %arg14[%swap3A_238, %swap3A_239], %broadcast_in_dim3A_237 {strides = array<i32>} : memref<128x256xf32, #tpu.memory_space<vmem>>, vector<16xf32>,
      %broadcast_in_dim3A_241 = arith.constant 0.000000e+00 : f32
      %broadcast_in_dim3A_242 = vector.broadcast %broadcast_in_dim3A_241 : f32 to vector<16xf32>
      %swap3A_243 = arith.index_cast %scan3A_220 : i32 to index
      %swap3A_244 = arith.constant 64 : index
      %swap3A_245 = tpu.vector_load %arg14[%swap3A_243, %swap3A_244] {strides = array<i32>} : memref<128x256xf32, #tpu.memory_space<vmem>>, vector<16xf32>,
      tpu.vector_store %arg14[%swap3A_243, %swap3A_244], %broadcast_in_dim3A_242 {strides = array<i32>} : memref<128x256xf32, #tpu.memory_space<vmem>>, vector<16xf32>,
      %broadcast_in_dim3A_246 = arith.constant 0.000000e+00 : f32
      %broadcast_in_dim3A_247 = vector.broadcast %broadcast_in_dim3A_246 : f32 to vector<16xf32>
      %swap3A_248 = arith.index_cast %scan3A_220 : i32 to index
      %swap3A_249 = arith.constant 80 : index
      %swap3A_250 = tpu.vector_load %arg14[%swap3A_248, %swap3A_249] {strides = array<i32>} : memref<128x256xf32, #tpu.memory_space<vmem>>, vector<16xf32>,
      tpu.vector_store %arg14[%swap3A_248, %swap3A_249], %broadcast_in_dim3A_247 {strides = array<i32>} : memref<128x256xf32, #tpu.memory_space<vmem>>, vector<16xf32>,
      %broadcast_in_dim3A_251 = arith.constant 0.000000e+00 : f32
      %broadcast_in_dim3A_252 = vector.broadcast %broadcast_in_dim3A_251 : f32 to vector<16xf32>
      %swap3A_253 = arith.index_cast %scan3A_220 : i32 to index
      %swap3A_254 = arith.constant 96 : index
      %swap3A_255 = tpu.vector_load %arg14[%swap3A_253, %swap3A_254] {strides = array<i32>} : memref<128x256xf32, #tpu.memory_space<vmem>>, vector<16xf32>,
      tpu.vector_store %arg14[%swap3A_253, %swap3A_254], %broadcast_in_dim3A_252 {strides = array<i32>} : memref<128x256xf32, #tpu.memory_space<vmem>>, vector<16xf32>,
      %broadcast_in_dim3A_256 = arith.constant 0.000000e+00 : f32
      %broadcast_in_dim3A_257 = vector.broadcast %broadcast_in_dim3A_256 : f32 to vector<16xf32>
      %swap3A_258 = arith.index_cast %scan3A_220 : i32 to index
      %swap3A_259 = arith.constant 112 : index
      %swap3A_260 = tpu.vector_load %arg14[%swap3A_258, %swap3A_259] {strides = array<i32>} : memref<128x256xf32, #tpu.memory_space<vmem>>, vector<16xf32>,
      tpu.vector_store %arg14[%swap3A_258, %swap3A_259], %broadcast_in_dim3A_257 {strides = array<i32>} : memref<128x256xf32, #tpu.memory_space<vmem>>, vector<16xf32>,
      %broadcast_in_dim3A_261 = arith.constant 0.000000e+00 : f32
      %broadcast_in_dim3A_262 = vector.broadcast %broadcast_in_dim3A_261 : f32 to vector<16xf32>
      %swap3A_263 = arith.index_cast %scan3A_220 : i32 to index
      %swap3A_264 = arith.constant 128 : index
      %swap3A_265 = tpu.vector_load %arg14[%swap3A_263, %swap3A_264] {strides = array<i32>} : memref<128x256xf32, #tpu.memory_space<vmem>>, vector<16xf32>,
      tpu.vector_store %arg14[%swap3A_263, %swap3A_264], %broadcast_in_dim3A_262 {strides = array<i32>} : memref<128x256xf32, #tpu.memory_space<vmem>>, vector<16xf32>,
      %broadcast_in_dim3A_266 = arith.constant 0.000000e+00 : f32
      %broadcast_in_dim3A_267 = vector.broadcast %broadcast_in_dim3A_266 : f32 to vector<16xf32>
      %swap3A_268 = arith.index_cast %scan3A_220 : i32 to index
      %swap3A_269 = arith.constant 144 : index
      %swap3A_270 = tpu.vector_load %arg14[%swap3A_268, %swap3A_269] {strides = array<i32>} : memref<128x256xf32, #tpu.memory_space<vmem>>, vector<16xf32>,
      tpu.vector_store %arg14[%swap3A_268, %swap3A_269], %broadcast_in_dim3A_267 {strides = array<i32>} : memref<128x256xf32, #tpu.memory_space<vmem>>, vector<16xf32>,
      %broadcast_in_dim3A_271 = arith.constant 0.000000e+00 : f32
      %broadcast_in_dim3A_272 = vector.broadcast %broadcast_in_dim3A_271 : f32 to vector<16xf32>
      %swap3A_273 = arith.index_cast %scan3A_220 : i32 to index
      %swap3A_274 = arith.constant 160 : index
      %swap3A_275 = tpu.vector_load %arg14[%swap3A_273, %swap3A_274] {strides = array<i32>} : memref<128x256xf32, #tpu.memory_space<vmem>>, vector<16xf32>,
      tpu.vector_store %arg14[%swap3A_273, %swap3A_274], %broadcast_in_dim3A_272 {strides = array<i32>} : memref<128x256xf32, #tpu.memory_space<vmem>>, vector<16xf32>,
      %broadcast_in_dim3A_276 = arith.constant 0.000000e+00 : f32
      %broadcast_in_dim3A_277 = vector.broadcast %broadcast_in_dim3A_276 : f32 to vector<16xf32>
      %swap3A_278 = arith.index_cast %scan3A_220 : i32 to index
      %swap3A_279 = arith.constant 176 : index
      %swap3A_280 = tpu.vector_load %arg14[%swap3A_278, %swap3A_279] {strides = array<i32>} : memref<128x256xf32, #tpu.memory_space<vmem>>, vector<16xf32>,
      tpu.vector_store %arg14[%swap3A_278, %swap3A_279], %broadcast_in_dim3A_277 {strides = array<i32>} : memref<128x256xf32, #tpu.memory_space<vmem>>, vector<16xf32>,
      %broadcast_in_dim3A_281 = arith.constant 0.000000e+00 : f32
      %broadcast_in_dim3A_282 = vector.broadcast %broadcast_in_dim3A_281 : f32 to vector<16xf32>
      %swap3A_283 = arith.index_cast %scan3A_220 : i32 to index
      %swap3A_284 = arith.constant 192 : index
      %swap3A_285 = tpu.vector_load %arg14[%swap3A_283, %swap3A_284] {strides = array<i32>} : memref<128x256xf32, #tpu.memory_space<vmem>>, vector<16xf32>,
      tpu.vector_store %arg14[%swap3A_283, %swap3A_284], %broadcast_in_dim3A_282 {strides = array<i32>} : memref<128x256xf32, #tpu.memory_space<vmem>>, vector<16xf32>,
      %broadcast_in_dim3A_286 = arith.constant 0.000000e+00 : f32
      %broadcast_in_dim3A_287 = vector.broadcast %broadcast_in_dim3A_286 : f32 to vector<16xf32>
      %swap3A_288 = arith.index_cast %scan3A_220 : i32 to index
      %swap3A_289 = arith.constant 208 : index
      %swap3A_290 = tpu.vector_load %arg14[%swap3A_288, %swap3A_289] {strides = array<i32>} : memref<128x256xf32, #tpu.memory_space<vmem>>, vector<16xf32>,
      tpu.vector_store %arg14[%swap3A_288, %swap3A_289], %broadcast_in_dim3A_287 {strides = array<i32>} : memref<128x256xf32, #tpu.memory_space<vmem>>, vector<16xf32>,
      %broadcast_in_dim3A_291 = arith.constant 0.000000e+00 : f32
      %broadcast_in_dim3A_292 = vector.broadcast %broadcast_in_dim3A_291 : f32 to vector<16xf32>
      %swap3A_293 = arith.index_cast %scan3A_220 : i32 to index
      %swap3A_294 = arith.constant 224 : index
      %swap3A_295 = tpu.vector_load %arg14[%swap3A_293, %swap3A_294] {strides = array<i32>} : memref<128x256xf32, #tpu.memory_space<vmem>>, vector<16xf32>,
      tpu.vector_store %arg14[%swap3A_293, %swap3A_294], %broadcast_in_dim3A_292 {strides = array<i32>} : memref<128x256xf32, #tpu.memory_space<vmem>>, vector<16xf32>,
      %broadcast_in_dim3A_296 = arith.constant 0.000000e+00 : f32
      %broadcast_in_dim3A_297 = vector.broadcast %broadcast_in_dim3A_296 : f32 to vector<16xf32>
      %swap3A_298 = arith.index_cast %scan3A_220 : i32 to index
      %swap3A_299 = arith.constant 240 : index
      %swap3A_300 = tpu.vector_load %arg14[%swap3A_298, %swap3A_299] {strides = array<i32>} : memref<128x256xf32, #tpu.memory_space<vmem>>, vector<16xf32>,
      tpu.vector_store %arg14[%swap3A_298, %swap3A_299], %broadcast_in_dim3A_297 {strides = array<i32>} : memref<128x256xf32, #tpu.memory_space<vmem>>, vector<16xf32>,
    }
    %scan3A_7 = arith.constant 128 : i32
    %dma_start3A = arith.constant 0 : i32
    %dma_start3A_8 = arith.constant 0 : i32
    %dma_start3A_9 = arith.constant 0 : i32
    %dma_start3A_10 = tpu.memref_slice %arg7[%dma_start3A_8, %dma_start3A_9] : memref<2x2048xi32, #tpu.memory_space<vmem>> -> memref<1x2048xi32, #tpu.memory_space<vmem>>
    %dma_start3A_11 = tpu.memref_squeeze %dma_start3A_10 : memref<1x2048xi32, #tpu.memory_space<vmem>> -> memref<2048xi32, #tpu.memory_space<vmem>>
    %dma_start3A_12 = arith.constant 0 : i32
    %dma_start3A_13 = tpu.memref_slice %arg3[%dma_start3A, %dma_start3A_12] : memref<82x2048xi32, #tpu.memory_space<hbm>> -> memref<1x2048xi32, #tpu.memory_space<hbm>>
    %dma_start3A_14 = tpu.memref_squeeze %dma_start3A_13 : memref<1x2048xi32, #tpu.memory_space<hbm>> -> memref<2048xi32, #tpu.memory_space<hbm>>
    %dma_start3A_15 = arith.constant 0 : i32
    %dma_start3A_16 = tpu.memref_slice %arg7[%dma_start3A_8, %dma_start3A_15] : memref<2x2048xi32, #tpu.memory_space<vmem>> -> memref<1x2048xi32, #tpu.memory_space<vmem>>
    %dma_start3A_17 = tpu.memref_squeeze %dma_start3A_16 : memref<1x2048xi32, #tpu.memory_space<vmem>> -> memref<2048xi32, #tpu.memory_space<vmem>>
    %dma_start3A_18 = arith.constant 0 : i32
    %dma_start3A_19 = tpu.memref_slice %arg3[%dma_start3A, %dma_start3A_18] : memref<82x2048xi32, #tpu.memory_space<hbm>> -> memref<1x2048xi32, #tpu.memory_space<hbm>>
    %dma_start3A_20 = tpu.memref_squeeze %dma_start3A_19 : memref<1x2048xi32, #tpu.memory_space<hbm>> -> memref<2048xi32, #tpu.memory_space<hbm>>
    tpu.enqueue_dma source(%dma_start3A_20 : memref<2048xi32, #tpu.memory_space<hbm>>) target(%dma_start3A_17 : memref<2048xi32, #tpu.memory_space<vmem>>) target_semaphore(%arg15 : memref<!tpu.dma_semaphore, #tpu.memory_space<semaphore_mem>>)
    %dma_start3A_21 = arith.constant 0 : i32
    %dma_start3A_22 = arith.constant 0 : i32
    %dma_start3A_23 = arith.constant 0 : i32
    %dma_start3A_24 = tpu.memref_slice %arg8[%dma_start3A_22, %dma_start3A_23] : memref<2x2048xi32, #tpu.memory_space<vmem>> -> memref<1x2048xi32, #tpu.memory_space<vmem>>
    %dma_start3A_25 = tpu.memref_squeeze %dma_start3A_24 : memref<1x2048xi32, #tpu.memory_space<vmem>> -> memref<2048xi32, #tpu.memory_space<vmem>>
    %dma_start3A_26 = arith.constant 0 : i32
    %dma_start3A_27 = tpu.memref_slice %arg4[%dma_start3A_21, %dma_start3A_26] : memref<82x2048xi32, #tpu.memory_space<hbm>> -> memref<1x2048xi32, #tpu.memory_space<hbm>>
    %dma_start3A_28 = tpu.memref_squeeze %dma_start3A_27 : memref<1x2048xi32, #tpu.memory_space<hbm>> -> memref<2048xi32, #tpu.memory_space<hbm>>
    %dma_start3A_29 = arith.constant 0 : i32
    %dma_start3A_30 = tpu.memref_slice %arg8[%dma_start3A_22, %dma_start3A_29] : memref<2x2048xi32, #tpu.memory_space<vmem>> -> memref<1x2048xi32, #tpu.memory_space<vmem>>
    %dma_start3A_31 = tpu.memref_squeeze %dma_start3A_30 : memref<1x2048xi32, #tpu.memory_space<vmem>> -> memref<2048xi32, #tpu.memory_space<vmem>>
    %dma_start3A_32 = arith.constant 0 : i32
    %dma_start3A_33 = tpu.memref_slice %arg4[%dma_start3A_21, %dma_start3A_32] : memref<82x2048xi32, #tpu.memory_space<hbm>> -> memref<1x2048xi32, #tpu.memory_space<hbm>>
    %dma_start3A_34 = tpu.memref_squeeze %dma_start3A_33 : memref<1x2048xi32, #tpu.memory_space<hbm>> -> memref<2048xi32, #tpu.memory_space<hbm>>
    tpu.enqueue_dma source(%dma_start3A_34 : memref<2048xi32, #tpu.memory_space<hbm>>) target(%dma_start3A_31 : memref<2048xi32, #tpu.memory_space<vmem>>) target_semaphore(%arg15 : memref<!tpu.dma_semaphore, #tpu.memory_space<semaphore_mem>>)
    %dma_start3A_35 = arith.constant 0 : i32
    %dma_start3A_36 = arith.constant 0 : i32
    %dma_start3A_37 = arith.constant 0 : i32
    %dma_start3A_38 = tpu.memref_slice %arg9[%dma_start3A_36, %dma_start3A_37] : memref<2x2048xf32, #tpu.memory_space<vmem>> -> memref<1x2048xf32, #tpu.memory_space<vmem>>
    %dma_start3A_39 = tpu.memref_squeeze %dma_start3A_38 : memref<1x2048xf32, #tpu.memory_space<vmem>> -> memref<2048xf32, #tpu.memory_space<vmem>>
    %dma_start3A_40 = arith.constant 0 : i32
    %dma_start3A_41 = tpu.memref_slice %arg5[%dma_start3A_35, %dma_start3A_40] : memref<82x2048xf32, #tpu.memory_space<hbm>> -> memref<1x2048xf32, #tpu.memory_space<hbm>>
    %dma_start3A_42 = tpu.memref_squeeze %dma_start3A_41 : memref<1x2048xf32, #tpu.memory_space<hbm>> -> memref<2048xf32, #tpu.memory_space<hbm>>
    %dma_start3A_43 = arith.constant 0 : i32
    %dma_start3A_44 = tpu.memref_slice %arg9[%dma_start3A_36, %dma_start3A_43] : memref<2x2048xf32, #tpu.memory_space<vmem>> -> memref<1x2048xf32, #tpu.memory_space<vmem>>
    %dma_start3A_45 = tpu.memref_squeeze %dma_start3A_44 : memref<1x2048xf32, #tpu.memory_space<vmem>> -> memref<2048xf32, #tpu.memory_space<vmem>>
    %dma_start3A_46 = arith.constant 0 : i32
    %dma_start3A_47 = tpu.memref_slice %arg5[%dma_start3A_35, %dma_start3A_46] : memref<82x2048xf32, #tpu.memory_space<hbm>> -> memref<1x2048xf32, #tpu.memory_space<hbm>>
    %dma_start3A_48 = tpu.memref_squeeze %dma_start3A_47 : memref<1x2048xf32, #tpu.memory_space<hbm>> -> memref<2048xf32, #tpu.memory_space<hbm>>
    tpu.enqueue_dma source(%dma_start3A_48 : memref<2048xf32, #tpu.memory_space<hbm>>) target(%dma_start3A_45 : memref<2048xf32, #tpu.memory_space<vmem>>) target_semaphore(%arg15 : memref<!tpu.dma_semaphore, #tpu.memory_space<semaphore_mem>>)
    %scan3A_49 = arith.constant 0 : i32
    %scan3A_50 = arith.constant 0 : i32
    %scan3A_51 = arith.constant 0 : i32
    %scan3A_52 = arith.constant 82 : i32
    %scan3A_53 = arith.addi %scan3A_51, %scan3A_52 : i32
    %scan3A_54 = arith.constant 1 : i32
    %scan3A_55:2 = scf.for %scan3A_220 = %scan3A_51 to %scan3A_53 step %scan3A_54 iter_args(%scan3A_221 = %scan3A_49, %scan3A_222 = %scan3A_50) -> (i32, i32)  : i32 {
      %and3A_223 = arith.constant 1 : i32
      %and3A_224 = arith.andi %scan3A_220, %and3A_223 : i32
      %sub3A = arith.constant 1 : i32
      %sub3A_225 = arith.subi %sub3A, %and3A_224 : i32
      %mul3A_226 = arith.constant 2304 : i32
      %mul3A_227 = arith.muli %and3A_224, %mul3A_226 : i32
      %mul3A_228 = arith.constant 2304 : i32
      %mul3A_229 = arith.muli %sub3A_225, %mul3A_228 : i32
      %mul3A_230 = arith.constant 128 : i32
      %mul3A_231 = arith.muli %scan3A_222, %mul3A_230 : i32
      %add3A_232 = arith.addi %mul3A_229, %mul3A_231 : i32
      %add3A_233 = arith.constant 0 : i32
      %add3A_234 = arith.addi %mul3A_227, %add3A_233 : i32
      %add3A_235 = arith.constant 0 : i32
      %add3A_236 = arith.addi %add3A_232, %add3A_235 : i32
      %get3A = arith.index_cast %add3A_236 : i32 to index
      %get3A_237 = tpu.vector_load %arg10[%get3A] {strides = array<i32>} : memref<4608xi32, #tpu.memory_space<vmem>>, vector<16xi32>,
      %swap3A_238 = arith.index_cast %add3A_234 : i32 to index
      %swap3A_239 = tpu.vector_load %arg10[%swap3A_238] {strides = array<i32>} : memref<4608xi32, #tpu.memory_space<vmem>>, vector<16xi32>,
      tpu.vector_store %arg10[%swap3A_238], %get3A_237 {strides = array<i32>} : memref<4608xi32, #tpu.memory_space<vmem>>, vector<16xi32>,
      %get3A_240 = arith.index_cast %add3A_236 : i32 to index
      %get3A_241 = tpu.vector_load %arg11[%get3A_240] {strides = array<i32>} : memref<4608xi32, #tpu.memory_space<vmem>>, vector<16xi32>,
      %swap3A_242 = arith.index_cast %add3A_234 : i32 to index
      %swap3A_243 = tpu.vector_load %arg11[%swap3A_242] {strides = array<i32>} : memref<4608xi32, #tpu.memory_space<vmem>>, vector<16xi32>,
      tpu.vector_store %arg11[%swap3A_242], %get3A_241 {strides = array<i32>} : memref<4608xi32, #tpu.memory_space<vmem>>, vector<16xi32>,
      %get3A_244 = arith.index_cast %add3A_236 : i32 to index
      %get3A_245 = tpu.vector_load %arg12[%get3A_244] {strides = array<i32>} : memref<4608xf32, #tpu.memory_space<vmem>>, vector<16xf32>,
      %swap3A_246 = arith.index_cast %add3A_234 : i32 to index
      %swap3A_247 = tpu.vector_load %arg12[%swap3A_246] {strides = array<i32>} : memref<4608xf32, #tpu.memory_space<vmem>>, vector<16xf32>,
      tpu.vector_store %arg12[%swap3A_246], %get3A_245 {strides = array<i32>} : memref<4608xf32, #tpu.memory_space<vmem>>, vector<16xf32>,
      %add3A_248 = arith.constant 16 : i32
      %add3A_249 = arith.addi %mul3A_227, %add3A_248 : i32
      %add3A_250 = arith.constant 16 : i32
      %add3A_251 = arith.addi %add3A_232, %add3A_250 : i32
      %get3A_252 = arith.index_cast %add3A_251 : i32 to index
      %get3A_253 = tpu.vector_load %arg10[%get3A_252] {strides = array<i32>} : memref<4608xi32, #tpu.memory_space<vmem>>, vector<16xi32>,
      %swap3A_254 = arith.index_cast %add3A_249 : i32 to index
      %swap3A_255 = tpu.vector_load %arg10[%swap3A_254] {strides = array<i32>} : memref<4608xi32, #tpu.memory_space<vmem>>, vector<16xi32>,
      tpu.vector_store %arg10[%swap3A_254], %get3A_253 {strides = array<i32>} : memref<4608xi32, #tpu.memory_space<vmem>>, vector<16xi32>,
      %get3A_256 = arith.index_cast %add3A_251 : i32 to index
      %get3A_257 = tpu.vector_load %arg11[%get3A_256] {strides = array<i32>} : memref<4608xi32, #tpu.memory_space<vmem>>, vector<16xi32>,
      %swap3A_258 = arith.index_cast %add3A_249 : i32 to index
      %swap3A_259 = tpu.vector_load %arg11[%swap3A_258] {strides = array<i32>} : memref<4608xi32, #tpu.memory_space<vmem>>, vector<16xi32>,
      tpu.vector_store %arg11[%swap3A_258], %get3A_257 {strides = array<i32>} : memref<4608xi32, #tpu.memory_space<vmem>>, vector<16xi32>,
      %get3A_260 = arith.index_cast %add3A_251 : i32 to index
      %get3A_261 = tpu.vector_load %arg12[%get3A_260] {strides = array<i32>} : memref<4608xf32, #tpu.memory_space<vmem>>, vector<16xf32>,
      %swap3A_262 = arith.index_cast %add3A_249 : i32 to index
      %swap3A_263 = tpu.vector_load %arg12[%swap3A_262] {strides = array<i32>} : memref<4608xf32, #tpu.memory_space<vmem>>, vector<16xf32>,
      tpu.vector_store %arg12[%swap3A_262], %get3A_261 {strides = array<i32>} : memref<4608xf32, #tpu.memory_space<vmem>>, vector<16xf32>,
      %add3A_264 = arith.constant 32 : i32
      %add3A_265 = arith.addi %mul3A_227, %add3A_264 : i32
      %add3A_266 = arith.constant 32 : i32
      %add3A_267 = arith.addi %add3A_232, %add3A_266 : i32
      %get3A_268 = arith.index_cast %add3A_267 : i32 to index
      %get3A_269 = tpu.vector_load %arg10[%get3A_268] {strides = array<i32>} : memref<4608xi32, #tpu.memory_space<vmem>>, vector<16xi32>,
      %swap3A_270 = arith.index_cast %add3A_265 : i32 to index
      %swap3A_271 = tpu.vector_load %arg10[%swap3A_270] {strides = array<i32>} : memref<4608xi32, #tpu.memory_space<vmem>>, vector<16xi32>,
      tpu.vector_store %arg10[%swap3A_270], %get3A_269 {strides = array<i32>} : memref<4608xi32, #tpu.memory_space<vmem>>, vector<16xi32>,
      %get3A_272 = arith.index_cast %add3A_267 : i32 to index
      %get3A_273 = tpu.vector_load %arg11[%get3A_272] {strides = array<i32>} : memref<4608xi32, #tpu.memory_space<vmem>>, vector<16xi32>,
      %swap3A_274 = arith.index_cast %add3A_265 : i32 to index
      %swap3A_275 = tpu.vector_load %arg11[%swap3A_274] {strides = array<i32>} : memref<4608xi32, #tpu.memory_space<vmem>>, vector<16xi32>,
      tpu.vector_store %arg11[%swap3A_274], %get3A_273 {strides = array<i32>} : memref<4608xi32, #tpu.memory_space<vmem>>, vector<16xi32>,
      %get3A_276 = arith.index_cast %add3A_267 : i32 to index
      %get3A_277 = tpu.vector_load %arg12[%get3A_276] {strides = array<i32>} : memref<4608xf32, #tpu.memory_space<vmem>>, vector<16xf32>,
      %swap3A_278 = arith.index_cast %add3A_265 : i32 to index
      %swap3A_279 = tpu.vector_load %arg12[%swap3A_278] {strides = array<i32>} : memref<4608xf32, #tpu.memory_space<vmem>>, vector<16xf32>,
      tpu.vector_store %arg12[%swap3A_278], %get3A_277 {strides = array<i32>} : memref<4608xf32, #tpu.memory_space<vmem>>, vector<16xf32>,
      %add3A_280 = arith.constant 48 : i32
      %add3A_281 = arith.addi %mul3A_227, %add3A_280 : i32
      %add3A_282 = arith.constant 48 : i32
      %add3A_283 = arith.addi %add3A_232, %add3A_282 : i32
      %get3A_284 = arith.index_cast %add3A_283 : i32 to index
      %get3A_285 = tpu.vector_load %arg10[%get3A_284] {strides = array<i32>} : memref<4608xi32, #tpu.memory_space<vmem>>, vector<16xi32>,
      %swap3A_286 = arith.index_cast %add3A_281 : i32 to index
      %swap3A_287 = tpu.vector_load %arg10[%swap3A_286] {strides = array<i32>} : memref<4608xi32, #tpu.memory_space<vmem>>, vector<16xi32>,
      tpu.vector_store %arg10[%swap3A_286], %get3A_285 {strides = array<i32>} : memref<4608xi32, #tpu.memory_space<vmem>>, vector<16xi32>,
      %get3A_288 = arith.index_cast %add3A_283 : i32 to index
      %get3A_289 = tpu.vector_load %arg11[%get3A_288] {strides = array<i32>} : memref<4608xi32, #tpu.memory_space<vmem>>, vector<16xi32>,
      %swap3A_290 = arith.index_cast %add3A_281 : i32 to index
      %swap3A_291 = tpu.vector_load %arg11[%swap3A_290] {strides = array<i32>} : memref<4608xi32, #tpu.memory_space<vmem>>, vector<16xi32>,
      tpu.vector_store %arg11[%swap3A_290], %get3A_289 {strides = array<i32>} : memref<4608xi32, #tpu.memory_space<vmem>>, vector<16xi32>,
      %get3A_292 = arith.index_cast %add3A_283 : i32 to index
      %get3A_293 = tpu.vector_load %arg12[%get3A_292] {strides = array<i32>} : memref<4608xf32, #tpu.memory_space<vmem>>, vector<16xf32>,
      %swap3A_294 = arith.index_cast %add3A_281 : i32 to index
      %swap3A_295 = tpu.vector_load %arg12[%swap3A_294] {strides = array<i32>} : memref<4608xf32, #tpu.memory_space<vmem>>, vector<16xf32>,
      tpu.vector_store %arg12[%swap3A_294], %get3A_293 {strides = array<i32>} : memref<4608xf32, #tpu.memory_space<vmem>>, vector<16xf32>,
      %add3A_296 = arith.constant 64 : i32
      %add3A_297 = arith.addi %mul3A_227, %add3A_296 : i32
      %add3A_298 = arith.constant 64 : i32
      %add3A_299 = arith.addi %add3A_232, %add3A_298 : i32
      %get3A_300 = arith.index_cast %add3A_299 : i32 to index
      %get3A_301 = tpu.vector_load %arg10[%get3A_300] {strides = array<i32>} : memref<4608xi32, #tpu.memory_space<vmem>>, vector<16xi32>,
      %swap3A_302 = arith.index_cast %add3A_297 : i32 to index
      %swap3A_303 = tpu.vector_load %arg10[%swap3A_302] {strides = array<i32>} : memref<4608xi32, #tpu.memory_space<vmem>>, vector<16xi32>,
      tpu.vector_store %arg10[%swap3A_302], %get3A_301 {strides = array<i32>} : memref<4608xi32, #tpu.memory_space<vmem>>, vector<16xi32>,
      %get3A_304 = arith.index_cast %add3A_299 : i32 to index
      %get3A_305 = tpu.vector_load %arg11[%get3A_304] {strides = array<i32>} : memref<4608xi32, #tpu.memory_space<vmem>>, vector<16xi32>,
      %swap3A_306 = arith.index_cast %add3A_297 : i32 to index
      %swap3A_307 = tpu.vector_load %arg11[%swap3A_306] {strides = array<i32>} : memref<4608xi32, #tpu.memory_space<vmem>>, vector<16xi32>,
      tpu.vector_store %arg11[%swap3A_306], %get3A_305 {strides = array<i32>} : memref<4608xi32, #tpu.memory_space<vmem>>, vector<16xi32>,
      %get3A_308 = arith.index_cast %add3A_299 : i32 to index
      %get3A_309 = tpu.vector_load %arg12[%get3A_308] {strides = array<i32>} : memref<4608xf32, #tpu.memory_space<vmem>>, vector<16xf32>,
      %swap3A_310 = arith.index_cast %add3A_297 : i32 to index
      %swap3A_311 = tpu.vector_load %arg12[%swap3A_310] {strides = array<i32>} : memref<4608xf32, #tpu.memory_space<vmem>>, vector<16xf32>,
      tpu.vector_store %arg12[%swap3A_310], %get3A_309 {strides = array<i32>} : memref<4608xf32, #tpu.memory_space<vmem>>, vector<16xf32>,
      %add3A_312 = arith.constant 80 : i32
      %add3A_313 = arith.addi %mul3A_227, %add3A_312 : i32
      %add3A_314 = arith.constant 80 : i32
      %add3A_315 = arith.addi %add3A_232, %add3A_314 : i32
      %get3A_316 = arith.index_cast %add3A_315 : i32 to index
      %get3A_317 = tpu.vector_load %arg10[%get3A_316] {strides = array<i32>} : memref<4608xi32, #tpu.memory_space<vmem>>, vector<16xi32>,
      %swap3A_318 = arith.index_cast %add3A_313 : i32 to index
      %swap3A_319 = tpu.vector_load %arg10[%swap3A_318] {strides = array<i32>} : memref<4608xi32, #tpu.memory_space<vmem>>, vector<16xi32>,
      tpu.vector_store %arg10[%swap3A_318], %get3A_317 {strides = array<i32>} : memref<4608xi32, #tpu.memory_space<vmem>>, vector<16xi32>,
      %get3A_320 = arith.index_cast %add3A_315 : i32 to index
      %get3A_321 = tpu.vector_load %arg11[%get3A_320] {strides = array<i32>} : memref<4608xi32, #tpu.memory_space<vmem>>, vector<16xi32>,
      %swap3A_322 = arith.index_cast %add3A_313 : i32 to index
      %swap3A_323 = tpu.vector_load %arg11[%swap3A_322] {strides = array<i32>} : memref<4608xi32, #tpu.memory_space<vmem>>, vector<16xi32>,
      tpu.vector_store %arg11[%swap3A_322], %get3A_321 {strides = array<i32>} : memref<4608xi32, #tpu.memory_space<vmem>>, vector<16xi32>,
      %get3A_324 = arith.index_cast %add3A_315 : i32 to index
      %get3A_325 = tpu.vector_load %arg12[%get3A_324] {strides = array<i32>} : memref<4608xf32, #tpu.memory_space<vmem>>, vector<16xf32>,
      %swap3A_326 = arith.index_cast %add3A_313 : i32 to index
      %swap3A_327 = tpu.vector_load %arg12[%swap3A_326] {strides = array<i32>} : memref<4608xf32, #tpu.memory_space<vmem>>, vector<16xf32>,
      tpu.vector_store %arg12[%swap3A_326], %get3A_325 {strides = array<i32>} : memref<4608xf32, #tpu.memory_space<vmem>>, vector<16xf32>,
      %add3A_328 = arith.constant 96 : i32
      %add3A_329 = arith.addi %mul3A_227, %add3A_328 : i32
      %add3A_330 = arith.constant 96 : i32
      %add3A_331 = arith.addi %add3A_232, %add3A_330 : i32
      %get3A_332 = arith.index_cast %add3A_331 : i32 to index
      %get3A_333 = tpu.vector_load %arg10[%get3A_332] {strides = array<i32>} : memref<4608xi32, #tpu.memory_space<vmem>>, vector<16xi32>,
      %swap3A_334 = arith.index_cast %add3A_329 : i32 to index
      %swap3A_335 = tpu.vector_load %arg10[%swap3A_334] {strides = array<i32>} : memref<4608xi32, #tpu.memory_space<vmem>>, vector<16xi32>,
      tpu.vector_store %arg10[%swap3A_334], %get3A_333 {strides = array<i32>} : memref<4608xi32, #tpu.memory_space<vmem>>, vector<16xi32>,
      %get3A_336 = arith.index_cast %add3A_331 : i32 to index
      %get3A_337 = tpu.vector_load %arg11[%get3A_336] {strides = array<i32>} : memref<4608xi32, #tpu.memory_space<vmem>>, vector<16xi32>,
      %swap3A_338 = arith.index_cast %add3A_329 : i32 to index
      %swap3A_339 = tpu.vector_load %arg11[%swap3A_338] {strides = array<i32>} : memref<4608xi32, #tpu.memory_space<vmem>>, vector<16xi32>,
      tpu.vector_store %arg11[%swap3A_338], %get3A_337 {strides = array<i32>} : memref<4608xi32, #tpu.memory_space<vmem>>, vector<16xi32>,
      %get3A_340 = arith.index_cast %add3A_331 : i32 to index
      %get3A_341 = tpu.vector_load %arg12[%get3A_340] {strides = array<i32>} : memref<4608xf32, #tpu.memory_space<vmem>>, vector<16xf32>,
      %swap3A_342 = arith.index_cast %add3A_329 : i32 to index
      %swap3A_343 = tpu.vector_load %arg12[%swap3A_342] {strides = array<i32>} : memref<4608xf32, #tpu.memory_space<vmem>>, vector<16xf32>,
      tpu.vector_store %arg12[%swap3A_342], %get3A_341 {strides = array<i32>} : memref<4608xf32, #tpu.memory_space<vmem>>, vector<16xf32>,
      %add3A_344 = arith.constant 112 : i32
      %add3A_345 = arith.addi %mul3A_227, %add3A_344 : i32
      %add3A_346 = arith.constant 112 : i32
      %add3A_347 = arith.addi %add3A_232, %add3A_346 : i32
      %get3A_348 = arith.index_cast %add3A_347 : i32 to index
      %get3A_349 = tpu.vector_load %arg10[%get3A_348] {strides = array<i32>} : memref<4608xi32, #tpu.memory_space<vmem>>, vector<16xi32>,
      %swap3A_350 = arith.index_cast %add3A_345 : i32 to index
      %swap3A_351 = tpu.vector_load %arg10[%swap3A_350] {strides = array<i32>} : memref<4608xi32, #tpu.memory_space<vmem>>, vector<16xi32>,
      tpu.vector_store %arg10[%swap3A_350], %get3A_349 {strides = array<i32>} : memref<4608xi32, #tpu.memory_space<vmem>>, vector<16xi32>,
      %get3A_352 = arith.index_cast %add3A_347 : i32 to index
      %get3A_353 = tpu.vector_load %arg11[%get3A_352] {strides = array<i32>} : memref<4608xi32, #tpu.memory_space<vmem>>, vector<16xi32>,
      %swap3A_354 = arith.index_cast %add3A_345 : i32 to index
      %swap3A_355 = tpu.vector_load %arg11[%swap3A_354] {strides = array<i32>} : memref<4608xi32, #tpu.memory_space<vmem>>, vector<16xi32>,
      tpu.vector_store %arg11[%swap3A_354], %get3A_353 {strides = array<i32>} : memref<4608xi32, #tpu.memory_space<vmem>>, vector<16xi32>,
      %get3A_356 = arith.index_cast %add3A_347 : i32 to index
      %get3A_357 = tpu.vector_load %arg12[%get3A_356] {strides = array<i32>} : memref<4608xf32, #tpu.memory_space<vmem>>, vector<16xf32>,
      %swap3A_358 = arith.index_cast %add3A_345 : i32 to index
      %swap3A_359 = tpu.vector_load %arg12[%swap3A_358] {strides = array<i32>} : memref<4608xf32, #tpu.memory_space<vmem>>, vector<16xf32>,
      tpu.vector_store %arg12[%swap3A_358], %get3A_357 {strides = array<i32>} : memref<4608xf32, #tpu.memory_space<vmem>>, vector<16xf32>,
      %add3A_360 = arith.constant 1 : i32
      %add3A_361 = arith.addi %scan3A_220, %add3A_360 : i32
      %lt3A = arith.constant 82 : i32
      %lt3A_362 = arith.cmpi slt, %add3A_361, %lt3A : i32
      %eq3A_363 = arith.constant 0 : i32
      %eq3A_364 = arith.cmpi eq, %and3A_224, %eq3A_363 : i32
      %and3A_365 = arith.andi %lt3A_362, %eq3A_364 : i1
      %convert_element_type3A_366 = arith.extui %and3A_365 : i1 to i32
      %cond3A_367 = arith.constant 0 : i32
      %cond3A_368 = arith.cmpi ne, %convert_element_type3A_366, %cond3A_367 : i32
      scf.if %cond3A_368 {
        %add3A_433 = arith.constant 1 : i32
        %add3A_434 = arith.addi %scan3A_220, %add3A_433 : i32
        %dma_start3A_435 = arith.constant 1 : i32
        %dma_start3A_436 = arith.constant 0 : i32
        %dma_start3A_437 = tpu.memref_slice %arg7[%dma_start3A_435, %dma_start3A_436] : memref<2x2048xi32, #tpu.memory_space<vmem>> -> memref<1x2048xi32, #tpu.memory_space<vmem>>
        %dma_start3A_438 = tpu.memref_squeeze %dma_start3A_437 : memref<1x2048xi32, #tpu.memory_space<vmem>> -> memref<2048xi32, #tpu.memory_space<vmem>>
        %dma_start3A_439 = arith.constant 0 : i32
        %dma_start3A_440 = tpu.memref_slice %arg3[%add3A_434, %dma_start3A_439] : memref<82x2048xi32, #tpu.memory_space<hbm>> -> memref<1x2048xi32, #tpu.memory_space<hbm>>
        %dma_start3A_441 = tpu.memref_squeeze %dma_start3A_440 : memref<1x2048xi32, #tpu.memory_space<hbm>> -> memref<2048xi32, #tpu.memory_space<hbm>>
        %dma_start3A_442 = arith.constant 0 : i32
        %dma_start3A_443 = tpu.memref_slice %arg7[%dma_start3A_435, %dma_start3A_442] : memref<2x2048xi32, #tpu.memory_space<vmem>> -> memref<1x2048xi32, #tpu.memory_space<vmem>>
        %dma_start3A_444 = tpu.memref_squeeze %dma_start3A_443 : memref<1x2048xi32, #tpu.memory_space<vmem>> -> memref<2048xi32, #tpu.memory_space<vmem>>
        %dma_start3A_445 = arith.constant 0 : i32
        %dma_start3A_446 = tpu.memref_slice %arg3[%add3A_434, %dma_start3A_445] : memref<82x2048xi32, #tpu.memory_space<hbm>> -> memref<1x2048xi32, #tpu.memory_space<hbm>>
        %dma_start3A_447 = tpu.memref_squeeze %dma_start3A_446 : memref<1x2048xi32, #tpu.memory_space<hbm>> -> memref<2048xi32, #tpu.memory_space<hbm>>
        tpu.enqueue_dma source(%dma_start3A_447 : memref<2048xi32, #tpu.memory_space<hbm>>) target(%dma_start3A_444 : memref<2048xi32, #tpu.memory_space<vmem>>) target_semaphore(%arg16 : memref<!tpu.dma_semaphore, #tpu.memory_space<semaphore_mem>>)
        %dma_start3A_448 = arith.constant 1 : i32
        %dma_start3A_449 = arith.constant 0 : i32
        %dma_start3A_450 = tpu.memref_slice %arg8[%dma_start3A_448, %dma_start3A_449] : memref<2x2048xi32, #tpu.memory_space<vmem>> -> memref<1x2048xi32, #tpu.memory_space<vmem>>
        %dma_start3A_451 = tpu.memref_squeeze %dma_start3A_450 : memref<1x2048xi32, #tpu.memory_space<vmem>> -> memref<2048xi32, #tpu.memory_space<vmem>>
        %dma_start3A_452 = arith.constant 0 : i32
        %dma_start3A_453 = tpu.memref_slice %arg4[%add3A_434, %dma_start3A_452] : memref<82x2048xi32, #tpu.memory_space<hbm>> -> memref<1x2048xi32, #tpu.memory_space<hbm>>
        %dma_start3A_454 = tpu.memref_squeeze %dma_start3A_453 : memref<1x2048xi32, #tpu.memory_space<hbm>> -> memref<2048xi32, #tpu.memory_space<hbm>>
        %dma_start3A_455 = arith.constant 0 : i32
        %dma_start3A_456 = tpu.memref_slice %arg8[%dma_start3A_448, %dma_start3A_455] : memref<2x2048xi32, #tpu.memory_space<vmem>> -> memref<1x2048xi32, #tpu.memory_space<vmem>>
        %dma_start3A_457 = tpu.memref_squeeze %dma_start3A_456 : memref<1x2048xi32, #tpu.memory_space<vmem>> -> memref<2048xi32, #tpu.memory_space<vmem>>
        %dma_start3A_458 = arith.constant 0 : i32
        %dma_start3A_459 = tpu.memref_slice %arg4[%add3A_434, %dma_start3A_458] : memref<82x2048xi32, #tpu.memory_space<hbm>> -> memref<1x2048xi32, #tpu.memory_space<hbm>>
        %dma_start3A_460 = tpu.memref_squeeze %dma_start3A_459 : memref<1x2048xi32, #tpu.memory_space<hbm>> -> memref<2048xi32, #tpu.memory_space<hbm>>
        tpu.enqueue_dma source(%dma_start3A_460 : memref<2048xi32, #tpu.memory_space<hbm>>) target(%dma_start3A_457 : memref<2048xi32, #tpu.memory_space<vmem>>) target_semaphore(%arg16 : memref<!tpu.dma_semaphore, #tpu.memory_space<semaphore_mem>>)
        %dma_start3A_461 = arith.constant 1 : i32
        %dma_start3A_462 = arith.constant 0 : i32
        %dma_start3A_463 = tpu.memref_slice %arg9[%dma_start3A_461, %dma_start3A_462] : memref<2x2048xf32, #tpu.memory_space<vmem>> -> memref<1x2048xf32, #tpu.memory_space<vmem>>
        %dma_start3A_464 = tpu.memref_squeeze %dma_start3A_463 : memref<1x2048xf32, #tpu.memory_space<vmem>> -> memref<2048xf32, #tpu.memory_space<vmem>>
        %dma_start3A_465 = arith.constant 0 : i32
        %dma_start3A_466 = tpu.memref_slice %arg5[%add3A_434, %dma_start3A_465] : memref<82x2048xf32, #tpu.memory_space<hbm>> -> memref<1x2048xf32, #tpu.memory_space<hbm>>
        %dma_start3A_467 = tpu.memref_squeeze %dma_start3A_466 : memref<1x2048xf32, #tpu.memory_space<hbm>> -> memref<2048xf32, #tpu.memory_space<hbm>>
        %dma_start3A_468 = arith.constant 0 : i32
        %dma_start3A_469 = tpu.memref_slice %arg9[%dma_start3A_461, %dma_start3A_468] : memref<2x2048xf32, #tpu.memory_space<vmem>> -> memref<1x2048xf32, #tpu.memory_space<vmem>>
        %dma_start3A_470 = tpu.memref_squeeze %dma_start3A_469 : memref<1x2048xf32, #tpu.memory_space<vmem>> -> memref<2048xf32, #tpu.memory_space<vmem>>
        %dma_start3A_471 = arith.constant 0 : i32
        %dma_start3A_472 = tpu.memref_slice %arg5[%add3A_434, %dma_start3A_471] : memref<82x2048xf32, #tpu.memory_space<hbm>> -> memref<1x2048xf32, #tpu.memory_space<hbm>>
        %dma_start3A_473 = tpu.memref_squeeze %dma_start3A_472 : memref<1x2048xf32, #tpu.memory_space<hbm>> -> memref<2048xf32, #tpu.memory_space<hbm>>
        tpu.enqueue_dma source(%dma_start3A_473 : memref<2048xf32, #tpu.memory_space<hbm>>) target(%dma_start3A_470 : memref<2048xf32, #tpu.memory_space<vmem>>) target_semaphore(%arg16 : memref<!tpu.dma_semaphore, #tpu.memory_space<semaphore_mem>>)
      } else {
      }
      %add3A_369 = arith.constant 1 : i32
      %add3A_370 = arith.addi %scan3A_220, %add3A_369 : i32
      %lt3A_371 = arith.constant 82 : i32
      %lt3A_372 = arith.cmpi slt, %add3A_370, %lt3A_371 : i32
      %eq3A_373 = arith.constant 1 : i32
      %eq3A_374 = arith.cmpi eq, %and3A_224, %eq3A_373 : i32
      %and3A_375 = arith.andi %lt3A_372, %eq3A_374 : i1
      %convert_element_type3A_376 = arith.extui %and3A_375 : i1 to i32
      %cond3A_377 = arith.constant 0 : i32
      %cond3A_378 = arith.cmpi ne, %convert_element_type3A_376, %cond3A_377 : i32
      scf.if %cond3A_378 {
        %add3A_433 = arith.constant 1 : i32
        %add3A_434 = arith.addi %scan3A_220, %add3A_433 : i32
        %dma_start3A_435 = arith.constant 0 : i32
        %dma_start3A_436 = arith.constant 0 : i32
        %dma_start3A_437 = tpu.memref_slice %arg7[%dma_start3A_435, %dma_start3A_436] : memref<2x2048xi32, #tpu.memory_space<vmem>> -> memref<1x2048xi32, #tpu.memory_space<vmem>>
        %dma_start3A_438 = tpu.memref_squeeze %dma_start3A_437 : memref<1x2048xi32, #tpu.memory_space<vmem>> -> memref<2048xi32, #tpu.memory_space<vmem>>
        %dma_start3A_439 = arith.constant 0 : i32
        %dma_start3A_440 = tpu.memref_slice %arg3[%add3A_434, %dma_start3A_439] : memref<82x2048xi32, #tpu.memory_space<hbm>> -> memref<1x2048xi32, #tpu.memory_space<hbm>>
        %dma_start3A_441 = tpu.memref_squeeze %dma_start3A_440 : memref<1x2048xi32, #tpu.memory_space<hbm>> -> memref<2048xi32, #tpu.memory_space<hbm>>
        %dma_start3A_442 = arith.constant 0 : i32
        %dma_start3A_443 = tpu.memref_slice %arg7[%dma_start3A_435, %dma_start3A_442] : memref<2x2048xi32, #tpu.memory_space<vmem>> -> memref<1x2048xi32, #tpu.memory_space<vmem>>
        %dma_start3A_444 = tpu.memref_squeeze %dma_start3A_443 : memref<1x2048xi32, #tpu.memory_space<vmem>> -> memref<2048xi32, #tpu.memory_space<vmem>>
        %dma_start3A_445 = arith.constant 0 : i32
        %dma_start3A_446 = tpu.memref_slice %arg3[%add3A_434, %dma_start3A_445] : memref<82x2048xi32, #tpu.memory_space<hbm>> -> memref<1x2048xi32, #tpu.memory_space<hbm>>
        %dma_start3A_447 = tpu.memref_squeeze %dma_start3A_446 : memref<1x2048xi32, #tpu.memory_space<hbm>> -> memref<2048xi32, #tpu.memory_space<hbm>>
        tpu.enqueue_dma source(%dma_start3A_447 : memref<2048xi32, #tpu.memory_space<hbm>>) target(%dma_start3A_444 : memref<2048xi32, #tpu.memory_space<vmem>>) target_semaphore(%arg15 : memref<!tpu.dma_semaphore, #tpu.memory_space<semaphore_mem>>)
        %dma_start3A_448 = arith.constant 0 : i32
        %dma_start3A_449 = arith.constant 0 : i32
        %dma_start3A_450 = tpu.memref_slice %arg8[%dma_start3A_448, %dma_start3A_449] : memref<2x2048xi32, #tpu.memory_space<vmem>> -> memref<1x2048xi32, #tpu.memory_space<vmem>>
        %dma_start3A_451 = tpu.memref_squeeze %dma_start3A_450 : memref<1x2048xi32, #tpu.memory_space<vmem>> -> memref<2048xi32, #tpu.memory_space<vmem>>
        %dma_start3A_452 = arith.constant 0 : i32
        %dma_start3A_453 = tpu.memref_slice %arg4[%add3A_434, %dma_start3A_452] : memref<82x2048xi32, #tpu.memory_space<hbm>> -> memref<1x2048xi32, #tpu.memory_space<hbm>>
        %dma_start3A_454 = tpu.memref_squeeze %dma_start3A_453 : memref<1x2048xi32, #tpu.memory_space<hbm>> -> memref<2048xi32, #tpu.memory_space<hbm>>
        %dma_start3A_455 = arith.constant 0 : i32
        %dma_start3A_456 = tpu.memref_slice %arg8[%dma_start3A_448, %dma_start3A_455] : memref<2x2048xi32, #tpu.memory_space<vmem>> -> memref<1x2048xi32, #tpu.memory_space<vmem>>
        %dma_start3A_457 = tpu.memref_squeeze %dma_start3A_456 : memref<1x2048xi32, #tpu.memory_space<vmem>> -> memref<2048xi32, #tpu.memory_space<vmem>>
        %dma_start3A_458 = arith.constant 0 : i32
        %dma_start3A_459 = tpu.memref_slice %arg4[%add3A_434, %dma_start3A_458] : memref<82x2048xi32, #tpu.memory_space<hbm>> -> memref<1x2048xi32, #tpu.memory_space<hbm>>
        %dma_start3A_460 = tpu.memref_squeeze %dma_start3A_459 : memref<1x2048xi32, #tpu.memory_space<hbm>> -> memref<2048xi32, #tpu.memory_space<hbm>>
        tpu.enqueue_dma source(%dma_start3A_460 : memref<2048xi32, #tpu.memory_space<hbm>>) target(%dma_start3A_457 : memref<2048xi32, #tpu.memory_space<vmem>>) target_semaphore(%arg15 : memref<!tpu.dma_semaphore, #tpu.memory_space<semaphore_mem>>)
        %dma_start3A_461 = arith.constant 0 : i32
        %dma_start3A_462 = arith.constant 0 : i32
        %dma_start3A_463 = tpu.memref_slice %arg9[%dma_start3A_461, %dma_start3A_462] : memref<2x2048xf32, #tpu.memory_space<vmem>> -> memref<1x2048xf32, #tpu.memory_space<vmem>>
        %dma_start3A_464 = tpu.memref_squeeze %dma_start3A_463 : memref<1x2048xf32, #tpu.memory_space<vmem>> -> memref<2048xf32, #tpu.memory_space<vmem>>
        %dma_start3A_465 = arith.constant 0 : i32
        %dma_start3A_466 = tpu.memref_slice %arg5[%add3A_434, %dma_start3A_465] : memref<82x2048xf32, #tpu.memory_space<hbm>> -> memref<1x2048xf32, #tpu.memory_space<hbm>>
        %dma_start3A_467 = tpu.memref_squeeze %dma_start3A_466 : memref<1x2048xf32, #tpu.memory_space<hbm>> -> memref<2048xf32, #tpu.memory_space<hbm>>
        %dma_start3A_468 = arith.constant 0 : i32
        %dma_start3A_469 = tpu.memref_slice %arg9[%dma_start3A_461, %dma_start3A_468] : memref<2x2048xf32, #tpu.memory_space<vmem>> -> memref<1x2048xf32, #tpu.memory_space<vmem>>
        %dma_start3A_470 = tpu.memref_squeeze %dma_start3A_469 : memref<1x2048xf32, #tpu.memory_space<vmem>> -> memref<2048xf32, #tpu.memory_space<vmem>>
        %dma_start3A_471 = arith.constant 0 : i32
        %dma_start3A_472 = tpu.memref_slice %arg5[%add3A_434, %dma_start3A_471] : memref<82x2048xf32, #tpu.memory_space<hbm>> -> memref<1x2048xf32, #tpu.memory_space<hbm>>
        %dma_start3A_473 = tpu.memref_squeeze %dma_start3A_472 : memref<1x2048xf32, #tpu.memory_space<hbm>> -> memref<2048xf32, #tpu.memory_space<hbm>>
        tpu.enqueue_dma source(%dma_start3A_473 : memref<2048xf32, #tpu.memory_space<hbm>>) target(%dma_start3A_470 : memref<2048xf32, #tpu.memory_space<vmem>>) target_semaphore(%arg15 : memref<!tpu.dma_semaphore, #tpu.memory_space<semaphore_mem>>)
      } else {
      }
      %eq3A_379 = arith.constant 0 : i32
      %eq3A_380 = arith.cmpi eq, %and3A_224, %eq3A_379 : i32
      %convert_element_type3A_381 = arith.extui %eq3A_380 : i1 to i32
      %cond3A_382 = arith.constant 0 : i32
      %cond3A_383 = arith.cmpi ne, %convert_element_type3A_381, %cond3A_382 : i32
      scf.if %cond3A_383 {
        %dma_wait3A = arith.constant 0 : i32
        %dma_wait3A_433 = arith.constant 0 : i32
        %dma_wait3A_434 = tpu.memref_slice %arg7[%dma_wait3A, %dma_wait3A_433] : memref<2x2048xi32, #tpu.memory_space<vmem>> -> memref<1x2048xi32, #tpu.memory_space<vmem>>
        %dma_wait3A_435 = tpu.memref_squeeze %dma_wait3A_434 : memref<1x2048xi32, #tpu.memory_space<vmem>> -> memref<2048xi32, #tpu.memory_space<vmem>>
        %dma_wait3A_436 = arith.constant 0 : i32
        %dma_wait3A_437 = tpu.memref_slice %arg3[%scan3A_220, %dma_wait3A_436] : memref<82x2048xi32, #tpu.memory_space<hbm>> -> memref<1x2048xi32, #tpu.memory_space<hbm>>
        %dma_wait3A_438 = tpu.memref_squeeze %dma_wait3A_437 : memref<1x2048xi32, #tpu.memory_space<hbm>> -> memref<2048xi32, #tpu.memory_space<hbm>>
        %dma_wait3A_439 = arith.constant 0 : i32
        %dma_wait3A_440 = tpu.memref_slice %arg7[%dma_wait3A, %dma_wait3A_439] : memref<2x2048xi32, #tpu.memory_space<vmem>> -> memref<1x2048xi32, #tpu.memory_space<vmem>>
        %dma_wait3A_441 = tpu.memref_squeeze %dma_wait3A_440 : memref<1x2048xi32, #tpu.memory_space<vmem>> -> memref<2048xi32, #tpu.memory_space<vmem>>
        %dma_wait3A_442 = arith.constant 0 : i32
        %dma_wait3A_443 = tpu.memref_slice %arg3[%scan3A_220, %dma_wait3A_442] : memref<82x2048xi32, #tpu.memory_space<hbm>> -> memref<1x2048xi32, #tpu.memory_space<hbm>>
        %dma_wait3A_444 = tpu.memref_squeeze %dma_wait3A_443 : memref<1x2048xi32, #tpu.memory_space<hbm>> -> memref<2048xi32, #tpu.memory_space<hbm>>
        tpu.wait_dma2 semaphore(%arg15 : memref<!tpu.dma_semaphore, #tpu.memory_space<semaphore_mem>>) src(%dma_wait3A_444 : memref<2048xi32, #tpu.memory_space<hbm>>) dst(%dma_wait3A_441 : memref<2048xi32, #tpu.memory_space<vmem>>)
        %dma_wait3A_445 = arith.constant 0 : i32
        %dma_wait3A_446 = arith.constant 0 : i32
        %dma_wait3A_447 = tpu.memref_slice %arg8[%dma_wait3A_445, %dma_wait3A_446] : memref<2x2048xi32, #tpu.memory_space<vmem>> -> memref<1x2048xi32, #tpu.memory_space<vmem>>
        %dma_wait3A_448 = tpu.memref_squeeze %dma_wait3A_447 : memref<1x2048xi32, #tpu.memory_space<vmem>> -> memref<2048xi32, #tpu.memory_space<vmem>>
        %dma_wait3A_449 = arith.constant 0 : i32
        %dma_wait3A_450 = tpu.memref_slice %arg4[%scan3A_220, %dma_wait3A_449] : memref<82x2048xi32, #tpu.memory_space<hbm>> -> memref<1x2048xi32, #tpu.memory_space<hbm>>
        %dma_wait3A_451 = tpu.memref_squeeze %dma_wait3A_450 : memref<1x2048xi32, #tpu.memory_space<hbm>> -> memref<2048xi32, #tpu.memory_space<hbm>>
        %dma_wait3A_452 = arith.constant 0 : i32
        %dma_wait3A_453 = tpu.memref_slice %arg8[%dma_wait3A_445, %dma_wait3A_452] : memref<2x2048xi32, #tpu.memory_space<vmem>> -> memref<1x2048xi32, #tpu.memory_space<vmem>>
        %dma_wait3A_454 = tpu.memref_squeeze %dma_wait3A_453 : memref<1x2048xi32, #tpu.memory_space<vmem>> -> memref<2048xi32, #tpu.memory_space<vmem>>
        %dma_wait3A_455 = arith.constant 0 : i32
        %dma_wait3A_456 = tpu.memref_slice %arg4[%scan3A_220, %dma_wait3A_455] : memref<82x2048xi32, #tpu.memory_space<hbm>> -> memref<1x2048xi32, #tpu.memory_space<hbm>>
        %dma_wait3A_457 = tpu.memref_squeeze %dma_wait3A_456 : memref<1x2048xi32, #tpu.memory_space<hbm>> -> memref<2048xi32, #tpu.memory_space<hbm>>
        tpu.wait_dma2 semaphore(%arg15 : memref<!tpu.dma_semaphore, #tpu.memory_space<semaphore_mem>>) src(%dma_wait3A_457 : memref<2048xi32, #tpu.memory_space<hbm>>) dst(%dma_wait3A_454 : memref<2048xi32, #tpu.memory_space<vmem>>)
        %dma_wait3A_458 = arith.constant 0 : i32
        %dma_wait3A_459 = arith.constant 0 : i32
        %dma_wait3A_460 = tpu.memref_slice %arg9[%dma_wait3A_458, %dma_wait3A_459] : memref<2x2048xf32, #tpu.memory_space<vmem>> -> memref<1x2048xf32, #tpu.memory_space<vmem>>
        %dma_wait3A_461 = tpu.memref_squeeze %dma_wait3A_460 : memref<1x2048xf32, #tpu.memory_space<vmem>> -> memref<2048xf32, #tpu.memory_space<vmem>>
        %dma_wait3A_462 = arith.constant 0 : i32
        %dma_wait3A_463 = tpu.memref_slice %arg5[%scan3A_220, %dma_wait3A_462] : memref<82x2048xf32, #tpu.memory_space<hbm>> -> memref<1x2048xf32, #tpu.memory_space<hbm>>
        %dma_wait3A_464 = tpu.memref_squeeze %dma_wait3A_463 : memref<1x2048xf32, #tpu.memory_space<hbm>> -> memref<2048xf32, #tpu.memory_space<hbm>>
        %dma_wait3A_465 = arith.constant 0 : i32
        %dma_wait3A_466 = tpu.memref_slice %arg9[%dma_wait3A_458, %dma_wait3A_465] : memref<2x2048xf32, #tpu.memory_space<vmem>> -> memref<1x2048xf32, #tpu.memory_space<vmem>>
        %dma_wait3A_467 = tpu.memref_squeeze %dma_wait3A_466 : memref<1x2048xf32, #tpu.memory_space<vmem>> -> memref<2048xf32, #tpu.memory_space<vmem>>
        %dma_wait3A_468 = arith.constant 0 : i32
        %dma_wait3A_469 = tpu.memref_slice %arg5[%scan3A_220, %dma_wait3A_468] : memref<82x2048xf32, #tpu.memory_space<hbm>> -> memref<1x2048xf32, #tpu.memory_space<hbm>>
        %dma_wait3A_470 = tpu.memref_squeeze %dma_wait3A_469 : memref<1x2048xf32, #tpu.memory_space<hbm>> -> memref<2048xf32, #tpu.memory_space<hbm>>
        tpu.wait_dma2 semaphore(%arg15 : memref<!tpu.dma_semaphore, #tpu.memory_space<semaphore_mem>>) src(%dma_wait3A_470 : memref<2048xf32, #tpu.memory_space<hbm>>) dst(%dma_wait3A_467 : memref<2048xf32, #tpu.memory_space<vmem>>)
      } else {
      }
      %eq3A_384 = arith.constant 1 : i32
      %eq3A_385 = arith.cmpi eq, %and3A_224, %eq3A_384 : i32
      %convert_element_type3A_386 = arith.extui %eq3A_385 : i1 to i32
      %cond3A_387 = arith.constant 0 : i32
      %cond3A_388 = arith.cmpi ne, %convert_element_type3A_386, %cond3A_387 : i32
      scf.if %cond3A_388 {
        %dma_wait3A = arith.constant 1 : i32
        %dma_wait3A_433 = arith.constant 0 : i32
        %dma_wait3A_434 = tpu.memref_slice %arg7[%dma_wait3A, %dma_wait3A_433] : memref<2x2048xi32, #tpu.memory_space<vmem>> -> memref<1x2048xi32, #tpu.memory_space<vmem>>
        %dma_wait3A_435 = tpu.memref_squeeze %dma_wait3A_434 : memref<1x2048xi32, #tpu.memory_space<vmem>> -> memref<2048xi32, #tpu.memory_space<vmem>>
        %dma_wait3A_436 = arith.constant 0 : i32
        %dma_wait3A_437 = tpu.memref_slice %arg3[%scan3A_220, %dma_wait3A_436] : memref<82x2048xi32, #tpu.memory_space<hbm>> -> memref<1x2048xi32, #tpu.memory_space<hbm>>
        %dma_wait3A_438 = tpu.memref_squeeze %dma_wait3A_437 : memref<1x2048xi32, #tpu.memory_space<hbm>> -> memref<2048xi32, #tpu.memory_space<hbm>>
        %dma_wait3A_439 = arith.constant 0 : i32
        %dma_wait3A_440 = tpu.memref_slice %arg7[%dma_wait3A, %dma_wait3A_439] : memref<2x2048xi32, #tpu.memory_space<vmem>> -> memref<1x2048xi32, #tpu.memory_space<vmem>>
        %dma_wait3A_441 = tpu.memref_squeeze %dma_wait3A_440 : memref<1x2048xi32, #tpu.memory_space<vmem>> -> memref<2048xi32, #tpu.memory_space<vmem>>
        %dma_wait3A_442 = arith.constant 0 : i32
        %dma_wait3A_443 = tpu.memref_slice %arg3[%scan3A_220, %dma_wait3A_442] : memref<82x2048xi32, #tpu.memory_space<hbm>> -> memref<1x2048xi32, #tpu.memory_space<hbm>>
        %dma_wait3A_444 = tpu.memref_squeeze %dma_wait3A_443 : memref<1x2048xi32, #tpu.memory_space<hbm>> -> memref<2048xi32, #tpu.memory_space<hbm>>
        tpu.wait_dma2 semaphore(%arg16 : memref<!tpu.dma_semaphore, #tpu.memory_space<semaphore_mem>>) src(%dma_wait3A_444 : memref<2048xi32, #tpu.memory_space<hbm>>) dst(%dma_wait3A_441 : memref<2048xi32, #tpu.memory_space<vmem>>)
        %dma_wait3A_445 = arith.constant 1 : i32
        %dma_wait3A_446 = arith.constant 0 : i32
        %dma_wait3A_447 = tpu.memref_slice %arg8[%dma_wait3A_445, %dma_wait3A_446] : memref<2x2048xi32, #tpu.memory_space<vmem>> -> memref<1x2048xi32, #tpu.memory_space<vmem>>
        %dma_wait3A_448 = tpu.memref_squeeze %dma_wait3A_447 : memref<1x2048xi32, #tpu.memory_space<vmem>> -> memref<2048xi32, #tpu.memory_space<vmem>>
        %dma_wait3A_449 = arith.constant 0 : i32
        %dma_wait3A_450 = tpu.memref_slice %arg4[%scan3A_220, %dma_wait3A_449] : memref<82x2048xi32, #tpu.memory_space<hbm>> -> memref<1x2048xi32, #tpu.memory_space<hbm>>
        %dma_wait3A_451 = tpu.memref_squeeze %dma_wait3A_450 : memref<1x2048xi32, #tpu.memory_space<hbm>> -> memref<2048xi32, #tpu.memory_space<hbm>>
        %dma_wait3A_452 = arith.constant 0 : i32
        %dma_wait3A_453 = tpu.memref_slice %arg8[%dma_wait3A_445, %dma_wait3A_452] : memref<2x2048xi32, #tpu.memory_space<vmem>> -> memref<1x2048xi32, #tpu.memory_space<vmem>>
        %dma_wait3A_454 = tpu.memref_squeeze %dma_wait3A_453 : memref<1x2048xi32, #tpu.memory_space<vmem>> -> memref<2048xi32, #tpu.memory_space<vmem>>
        %dma_wait3A_455 = arith.constant 0 : i32
        %dma_wait3A_456 = tpu.memref_slice %arg4[%scan3A_220, %dma_wait3A_455] : memref<82x2048xi32, #tpu.memory_space<hbm>> -> memref<1x2048xi32, #tpu.memory_space<hbm>>
        %dma_wait3A_457 = tpu.memref_squeeze %dma_wait3A_456 : memref<1x2048xi32, #tpu.memory_space<hbm>> -> memref<2048xi32, #tpu.memory_space<hbm>>
        tpu.wait_dma2 semaphore(%arg16 : memref<!tpu.dma_semaphore, #tpu.memory_space<semaphore_mem>>) src(%dma_wait3A_457 : memref<2048xi32, #tpu.memory_space<hbm>>) dst(%dma_wait3A_454 : memref<2048xi32, #tpu.memory_space<vmem>>)
        %dma_wait3A_458 = arith.constant 1 : i32
        %dma_wait3A_459 = arith.constant 0 : i32
        %dma_wait3A_460 = tpu.memref_slice %arg9[%dma_wait3A_458, %dma_wait3A_459] : memref<2x2048xf32, #tpu.memory_space<vmem>> -> memref<1x2048xf32, #tpu.memory_space<vmem>>
        %dma_wait3A_461 = tpu.memref_squeeze %dma_wait3A_460 : memref<1x2048xf32, #tpu.memory_space<vmem>> -> memref<2048xf32, #tpu.memory_space<vmem>>
        %dma_wait3A_462 = arith.constant 0 : i32
        %dma_wait3A_463 = tpu.memref_slice %arg5[%scan3A_220, %dma_wait3A_462] : memref<82x2048xf32, #tpu.memory_space<hbm>> -> memref<1x2048xf32, #tpu.memory_space<hbm>>
        %dma_wait3A_464 = tpu.memref_squeeze %dma_wait3A_463 : memref<1x2048xf32, #tpu.memory_space<hbm>> -> memref<2048xf32, #tpu.memory_space<hbm>>
        %dma_wait3A_465 = arith.constant 0 : i32
        %dma_wait3A_466 = tpu.memref_slice %arg9[%dma_wait3A_458, %dma_wait3A_465] : memref<2x2048xf32, #tpu.memory_space<vmem>> -> memref<1x2048xf32, #tpu.memory_space<vmem>>
        %dma_wait3A_467 = tpu.memref_squeeze %dma_wait3A_466 : memref<1x2048xf32, #tpu.memory_space<vmem>> -> memref<2048xf32, #tpu.memory_space<vmem>>
        %dma_wait3A_468 = arith.constant 0 : i32
        %dma_wait3A_469 = tpu.memref_slice %arg5[%scan3A_220, %dma_wait3A_468] : memref<82x2048xf32, #tpu.memory_space<hbm>> -> memref<1x2048xf32, #tpu.memory_space<hbm>>
        %dma_wait3A_470 = tpu.memref_squeeze %dma_wait3A_469 : memref<1x2048xf32, #tpu.memory_space<hbm>> -> memref<2048xf32, #tpu.memory_space<hbm>>
        tpu.wait_dma2 semaphore(%arg16 : memref<!tpu.dma_semaphore, #tpu.memory_space<semaphore_mem>>) src(%dma_wait3A_470 : memref<2048xf32, #tpu.memory_space<hbm>>) dst(%dma_wait3A_467 : memref<2048xf32, #tpu.memory_space<vmem>>)
      } else {
      }
      %parallel_loop3A_389 = arith.constant 0 : i32
      %parallel_loop3A_390 = arith.constant 128 : i32
      %parallel_loop3A_391 = arith.constant 1 : i32
      %parallel_loop3A_392 = scf.for %parallel_loop3A_433 = %parallel_loop3A_389 to %parallel_loop3A_390 step %parallel_loop3A_391 iter_args(%parallel_loop3A_434 = %scan3A_221) -> (i32)  : i32 {
        %parallel_loop3A_435 = arith.constant 16 : i32
        %parallel_loop3A_436 = arith.muli %parallel_loop3A_433, %parallel_loop3A_435 : i32
        %parallel_loop3A_437 = arith.index_cast %and3A_224 : i32 to index
        %parallel_loop3A_438 = arith.index_cast %parallel_loop3A_436 : i32 to index
        %parallel_loop3A_439 = tpu.vector_load %arg7[%parallel_loop3A_437, %parallel_loop3A_438] {strides = array<i32>} : memref<2x2048xi32, #tpu.memory_space<vmem>>, vector<16xi32>,
        %parallel_loop3A_440 = vector.broadcast %mul3A_2 : i32 to vector<16xi32>
        %parallel_loop3A_441 = arith.cmpi sge, %parallel_loop3A_439, %parallel_loop3A_440 : vector<16xi32>
        %parallel_loop3A_442 = arith.constant 128 : i32
        %parallel_loop3A_443 = arith.addi %mul3A_2, %parallel_loop3A_442 : i32
        %parallel_loop3A_444 = vector.broadcast %parallel_loop3A_443 : i32 to vector<16xi32>
        %parallel_loop3A_445 = arith.cmpi slt, %parallel_loop3A_439, %parallel_loop3A_444 : vector<16xi32>
        %parallel_loop3A_446 = arith.andi %parallel_loop3A_441, %parallel_loop3A_445 : vector<16xi1>
        %parallel_loop3A_447 = tpu.all_reduce %parallel_loop3A_446 {dim = 0 : i64, kind = #tpu.reduction_kind<sum>} : vector<16xi1> -> vector<16xi32>
        %parallel_loop3A_448 = vector.extract_strided_slice %parallel_loop3A_447 {offsets = [0], sizes = [1], strides = [1]} : vector<16xi32> to vector<1xi32>
        %parallel_loop3A_449 = vector.extract %parallel_loop3A_448[0] : i32 from vector<1xi32>
        %parallel_loop3A_450 = arith.constant 1 : i32
        %parallel_loop3A_451 = arith.constant 0 : i32
        %parallel_loop3A_452 = vector.broadcast %parallel_loop3A_450 : i32 to vector<16xi32>
        %parallel_loop3A_453 = vector.broadcast %parallel_loop3A_451 : i32 to vector<16xi32>
        %parallel_loop3A_454 = arith.select %parallel_loop3A_446, %parallel_loop3A_452, %parallel_loop3A_453 : vector<16xi1>, vector<16xi32>
        %parallel_loop3A_455 = arith.constant true
        %parallel_loop3A_456 = vector.broadcast %parallel_loop3A_455 : i1 to vector<16xi1>
        %parallel_loop3A_457 = tpu.scan <sum>, %parallel_loop3A_454 masked %parallel_loop3A_456 : vector<16xi32>, vector<16xi1> -> vector<16xi32>
        %parallel_loop3A_458 = arith.addi %mul3A_227, %parallel_loop3A_434 : i32
        %parallel_loop3A_459 = vector.broadcast %parallel_loop3A_458 : i32 to vector<16xi32>
        %parallel_loop3A_460 = arith.addi %parallel_loop3A_459, %parallel_loop3A_457 : vector<16xi32>
        %parallel_loop3A_461 = arith.constant 1 : i32
        %parallel_loop3A_462 = vector.broadcast %parallel_loop3A_461 : i32 to vector<16xi32>
        %parallel_loop3A_463 = arith.subi %parallel_loop3A_460, %parallel_loop3A_462 : vector<16xi32>
        %parallel_loop3A_464 = vector.broadcast %mul3A_2 : i32 to vector<16xi32>
        %parallel_loop3A_465 = arith.subi %parallel_loop3A_439, %parallel_loop3A_464 : vector<16xi32>
        tpu.vector_store_idx %arg10[%parallel_loop3A_463], %parallel_loop3A_465 masked %parallel_loop3A_446 : memref<4608xi32, #tpu.memory_space<vmem>>[vector<16xi32>], vector<16xi32>, vector<16xi1>
        %parallel_loop3A_466 = arith.index_cast %and3A_224 : i32 to index
        %parallel_loop3A_467 = arith.index_cast %parallel_loop3A_436 : i32 to index
        %parallel_loop3A_468 = tpu.vector_load %arg8[%parallel_loop3A_466, %parallel_loop3A_467] {strides = array<i32>} : memref<2x2048xi32, #tpu.memory_space<vmem>>, vector<16xi32>,
        tpu.vector_store_idx %arg11[%parallel_loop3A_463], %parallel_loop3A_468 masked %parallel_loop3A_446 : memref<4608xi32, #tpu.memory_space<vmem>>[vector<16xi32>], vector<16xi32>, vector<16xi1>
        %parallel_loop3A_469 = arith.index_cast %and3A_224 : i32 to index
        %parallel_loop3A_470 = arith.index_cast %parallel_loop3A_436 : i32 to index
        %parallel_loop3A_471 = tpu.vector_load %arg9[%parallel_loop3A_469, %parallel_loop3A_470] {strides = array<i32>} : memref<2x2048xf32, #tpu.memory_space<vmem>>, vector<16xf32>,
        tpu.vector_store_idx %arg12[%parallel_loop3A_463], %parallel_loop3A_471 masked %parallel_loop3A_446 : memref<4608xf32, #tpu.memory_space<vmem>>[vector<16xi32>], vector<16xf32>, vector<16xi1>
        %parallel_loop3A_472 = arith.addi %parallel_loop3A_434, %parallel_loop3A_449 : i32
        scf.yield %parallel_loop3A_472 : i32
      } {sc.loop_unroll_factor = 4 : i64, sc.parallel_access}
      %while3A_393 = arith.constant 0 : i32
      %while3A_394 = arith.constant 0 : i32
      %while3A_395 = arith.subi %scan3A_222, %while3A_394 : i32
      %while3A_396 = arith.addi %while3A_394, %while3A_395 : i32
      %while3A_397 = arith.constant 1 : i32
      %while3A_398 = arith.divsi %while3A_395, %while3A_397 : i32
      %while3A_399 = arith.muli %while3A_398, %while3A_397 : i32
      %while3A_400 = arith.addi %while3A_394, %while3A_399 : i32
      %while3A_401 = arith.constant 1 : i32
      scf.for %while3A_433 = %while3A_394 to %while3A_400 step %while3A_401  : i32 {
        %and3A_434 = arith.constant 1 : i32
        %and3A_435 = arith.andi %while3A_433, %and3A_434 : i32
        %ge3A = arith.constant 2 : i32
        %ge3A_436 = arith.cmpi sge, %while3A_433, %ge3A : i32
        %convert_element_type3A_437 = arith.extui %ge3A_436 : i1 to i32
        %cond3A_438 = arith.constant 0 : i32
        %cond3A_439 = arith.cmpi ne, %convert_element_type3A_437, %cond3A_438 : i32
        scf.if %cond3A_439 {
          %mul3A_463 = arith.constant 2304 : i32
          %mul3A_464 = arith.muli %sub3A_225, %mul3A_463 : i32
          %mul3A_465 = arith.constant 128 : i32
          %mul3A_466 = arith.muli %while3A_433, %mul3A_465 : i32
          %add3A_467 = arith.addi %mul3A_464, %mul3A_466 : i32
          %eq3A_468 = arith.constant 0 : i32
          %eq3A_469 = arith.cmpi eq, %and3A_435, %eq3A_468 : i32
          %convert_element_type3A_470 = arith.extui %eq3A_469 : i1 to i32
          %cond3A_471 = arith.constant 0 : i32
          %cond3A_472 = arith.cmpi ne, %convert_element_type3A_470, %cond3A_471 : i32
          scf.if %cond3A_472 {
            %dma_start3A_478 = arith.constant 0 : i32
            %dma_start3A_479 = arith.constant 0 : i32
            %dma_start3A_480 = arith.constant 0 : i32
            %dma_start3A_481 = tpu.memref_slice %arg13[%dma_start3A_478, %dma_start3A_479, %dma_start3A_480] : memref<2x128x256xf32, #tpu.memory_space<vmem>> -> memref<1x128x256xf32, #tpu.memory_space<vmem>>
            %dma_start3A_482 = tpu.memref_squeeze %dma_start3A_481 : memref<1x128x256xf32, #tpu.memory_space<vmem>> -> memref<128x256xf32, #tpu.memory_space<vmem>>
            %dma_start3A_483 = tpu.memref_slice %arg11[%add3A_467] : memref<4608xi32, #tpu.memory_space<vmem>> -> memref<128xi32, #tpu.memory_space<vmem>>
            %dma_start3A_484 = arith.constant 0 : i32
            %dma_start3A_485 = arith.constant 0 : i32
            %dma_start3A_486 = tpu.memref_slice %arg2[%dma_start3A_484, %dma_start3A_485] : memref<4096x256xf32, #tpu.memory_space<hbm>> -> memref<4096x256xf32, #tpu.memory_space<hbm>>
            tpu.enqueue_indirect_dma source(%dma_start3A_486 : memref<4096x256xf32, #tpu.memory_space<hbm>>) target(%dma_start3A_482 : memref<128x256xf32, #tpu.memory_space<vmem>>) offsets(%dma_start3A_483 : memref<128xi32, #tpu.memory_space<vmem>>) semaphore(%arg17 : memref<!tpu.dma_semaphore, #tpu.memory_space<semaphore_mem>>)
          } else {
          }
          %eq3A_473 = arith.constant 1 : i32
          %eq3A_474 = arith.cmpi eq, %and3A_435, %eq3A_473 : i32
          %convert_element_type3A_475 = arith.extui %eq3A_474 : i1 to i32
          %cond3A_476 = arith.constant 0 : i32
          %cond3A_477 = arith.cmpi ne, %convert_element_type3A_475, %cond3A_476 : i32
          scf.if %cond3A_477 {
            %dma_start3A_478 = arith.constant 1 : i32
            %dma_start3A_479 = arith.constant 0 : i32
            %dma_start3A_480 = arith.constant 0 : i32
            %dma_start3A_481 = tpu.memref_slice %arg13[%dma_start3A_478, %dma_start3A_479, %dma_start3A_480] : memref<2x128x256xf32, #tpu.memory_space<vmem>> -> memref<1x128x256xf32, #tpu.memory_space<vmem>>
            %dma_start3A_482 = tpu.memref_squeeze %dma_start3A_481 : memref<1x128x256xf32, #tpu.memory_space<vmem>> -> memref<128x256xf32, #tpu.memory_space<vmem>>
            %dma_start3A_483 = tpu.memref_slice %arg11[%add3A_467] : memref<4608xi32, #tpu.memory_space<vmem>> -> memref<128xi32, #tpu.memory_space<vmem>>
            %dma_start3A_484 = arith.constant 0 : i32
            %dma_start3A_485 = arith.constant 0 : i32
            %dma_start3A_486 = tpu.memref_slice %arg2[%dma_start3A_484, %dma_start3A_485] : memref<4096x256xf32, #tpu.memory_space<hbm>> -> memref<4096x256xf32, #tpu.memory_space<hbm>>
            tpu.enqueue_indirect_dma source(%dma_start3A_486 : memref<4096x256xf32, #tpu.memory_space<hbm>>) target(%dma_start3A_482 : memref<128x256xf32, #tpu.memory_space<vmem>>) offsets(%dma_start3A_483 : memref<128xi32, #tpu.memory_space<vmem>>) semaphore(%arg18 : memref<!tpu.dma_semaphore, #tpu.memory_space<semaphore_mem>>)
          } else {
          }
        } else {
        }
        %mul3A_440 = arith.constant 2304 : i32
        %mul3A_441 = arith.muli %sub3A_225, %mul3A_440 : i32
        %mul3A_442 = arith.constant 128 : i32
        %mul3A_443 = arith.muli %while3A_433, %mul3A_442 : i32
        %add3A_444 = arith.addi %mul3A_441, %mul3A_443 : i32
        %eq3A_445 = arith.constant 0 : i32
        %eq3A_446 = arith.cmpi eq, %and3A_435, %eq3A_445 : i32
        %convert_element_type3A_447 = arith.extui %eq3A_446 : i1 to i32
        %cond3A_448 = arith.constant 0 : i32
        %cond3A_449 = arith.cmpi ne, %convert_element_type3A_447, %cond3A_448 : i32
        scf.if %cond3A_449 {
          %dma_wait3A = arith.constant 0 : i32
          %dma_wait3A_463 = arith.constant 0 : i32
          %dma_wait3A_464 = arith.constant 0 : i32
          %dma_wait3A_465 = tpu.memref_slice %arg13[%dma_wait3A, %dma_wait3A_463, %dma_wait3A_464] : memref<2x128x256xf32, #tpu.memory_space<vmem>> -> memref<1x128x256xf32, #tpu.memory_space<vmem>>
          %dma_wait3A_466 = tpu.memref_squeeze %dma_wait3A_465 : memref<1x128x256xf32, #tpu.memory_space<vmem>> -> memref<128x256xf32, #tpu.memory_space<vmem>>
          %dma_wait3A_467 = tpu.memref_slice %arg11[%add3A_444] : memref<4608xi32, #tpu.memory_space<vmem>> -> memref<128xi32, #tpu.memory_space<vmem>>
          %dma_wait3A_468 = arith.constant 0 : i32
          %dma_wait3A_469 = arith.constant 0 : i32
          %dma_wait3A_470 = tpu.memref_slice %arg2[%dma_wait3A_468, %dma_wait3A_469] : memref<4096x256xf32, #tpu.memory_space<hbm>> -> memref<4096x256xf32, #tpu.memory_space<hbm>>
          tpu.wait_indirect_dma semaphore(%arg17 : memref<!tpu.dma_semaphore, #tpu.memory_space<semaphore_mem>>) src(%dma_wait3A_470 : memref<4096x256xf32, #tpu.memory_space<hbm>>) dst(%dma_wait3A_466 : memref<128x256xf32, #tpu.memory_space<vmem>>)
        } else {
        }
        %eq3A_450 = arith.constant 1 : i32
        %eq3A_451 = arith.cmpi eq, %and3A_435, %eq3A_450 : i32
        %convert_element_type3A_452 = arith.extui %eq3A_451 : i1 to i32
        %cond3A_453 = arith.constant 0 : i32
        %cond3A_454 = arith.cmpi ne, %convert_element_type3A_452, %cond3A_453 : i32
        scf.if %cond3A_454 {
          %dma_wait3A = arith.constant 1 : i32
          %dma_wait3A_463 = arith.constant 0 : i32
          %dma_wait3A_464 = arith.constant 0 : i32
          %dma_wait3A_465 = tpu.memref_slice %arg13[%dma_wait3A, %dma_wait3A_463, %dma_wait3A_464] : memref<2x128x256xf32, #tpu.memory_space<vmem>> -> memref<1x128x256xf32, #tpu.memory_space<vmem>>
          %dma_wait3A_466 = tpu.memref_squeeze %dma_wait3A_465 : memref<1x128x256xf32, #tpu.memory_space<vmem>> -> memref<128x256xf32, #tpu.memory_space<vmem>>
          %dma_wait3A_467 = tpu.memref_slice %arg11[%add3A_444] : memref<4608xi32, #tpu.memory_space<vmem>> -> memref<128xi32, #tpu.memory_space<vmem>>
          %dma_wait3A_468 = arith.constant 0 : i32
          %dma_wait3A_469 = arith.constant 0 : i32
          %dma_wait3A_470 = tpu.memref_slice %arg2[%dma_wait3A_468, %dma_wait3A_469] : memref<4096x256xf32, #tpu.memory_space<hbm>> -> memref<4096x256xf32, #tpu.memory_space<hbm>>
          tpu.wait_indirect_dma semaphore(%arg18 : memref<!tpu.dma_semaphore, #tpu.memory_space<semaphore_mem>>) src(%dma_wait3A_470 : memref<4096x256xf32, #tpu.memory_space<hbm>>) dst(%dma_wait3A_466 : memref<128x256xf32, #tpu.memory_space<vmem>>)
        } else {
        }
        %mul3A_455 = arith.constant 2304 : i32
        %mul3A_456 = arith.muli %sub3A_225, %mul3A_455 : i32
        %mul3A_457 = arith.constant 128 : i32
        %mul3A_458 = arith.muli %while3A_433, %mul3A_457 : i32
        %add3A_459 = arith.addi %mul3A_456, %mul3A_458 : i32
        %parallel_loop3A_460 = arith.constant 0 : i32
        %parallel_loop3A_461 = arith.constant 128 : i32
        %parallel_loop3A_462 = arith.constant 1 : i32
        scf.for %parallel_loop3A_463 = %parallel_loop3A_460 to %parallel_loop3A_461 step %parallel_loop3A_462  : i32 {
          %parallel_loop3A_464 = arith.addi %add3A_459, %parallel_loop3A_463 : i32
          %parallel_loop3A_465 = vector.broadcast %parallel_loop3A_464 : i32 to vector<16xi32>
          %parallel_loop3A_466 = tpu.vector_load_idx %arg12[%parallel_loop3A_465] : memref<4608xf32, #tpu.memory_space<vmem>>[vector<16xi32>], vector<16xf32>,
          %parallel_loop3A_467 = tpu.vector_load_idx %arg10[%parallel_loop3A_465] : memref<4608xi32, #tpu.memory_space<vmem>>[vector<16xi32>], vector<16xi32>,
          %parallel_loop3A_468 = vector.extract_strided_slice %parallel_loop3A_467 {offsets = [0], sizes = [1], strides = [1]} : vector<16xi32> to vector<1xi32>
          %parallel_loop3A_469 = vector.extract %parallel_loop3A_468[0] : i32 from vector<1xi32>
          %parallel_loop3A_470 = arith.index_cast %and3A_435 : i32 to index
          %parallel_loop3A_471 = arith.index_cast %parallel_loop3A_463 : i32 to index
          %parallel_loop3A_472 = arith.constant 0 : index
          %parallel_loop3A_473 = tpu.vector_load %arg13[%parallel_loop3A_470, %parallel_loop3A_471, %parallel_loop3A_472] {strides = array<i32>} : memref<2x128x256xf32, #tpu.memory_space<vmem>>, vector<16xf32>,
          %parallel_loop3A_474 = arith.mulf %parallel_loop3A_473, %parallel_loop3A_466 : vector<16xf32>
          %parallel_loop3A_475 = arith.index_cast %parallel_loop3A_469 : i32 to index
          %parallel_loop3A_476 = arith.constant 0 : index
          %parallel_loop3A_477 = tpu.vector_load %arg14[%parallel_loop3A_475, %parallel_loop3A_476] {strides = array<i32>} : memref<128x256xf32, #tpu.memory_space<vmem>>, vector<16xf32>,
          tpu.vector_store %arg14[%parallel_loop3A_475, %parallel_loop3A_476], %parallel_loop3A_474 {add = true, strides = array<i32>} : memref<128x256xf32, #tpu.memory_space<vmem>>, vector<16xf32>,
          %parallel_loop3A_478 = arith.index_cast %and3A_435 : i32 to index
          %parallel_loop3A_479 = arith.index_cast %parallel_loop3A_463 : i32 to index
          %parallel_loop3A_480 = arith.constant 16 : index
          %parallel_loop3A_481 = tpu.vector_load %arg13[%parallel_loop3A_478, %parallel_loop3A_479, %parallel_loop3A_480] {strides = array<i32>} : memref<2x128x256xf32, #tpu.memory_space<vmem>>, vector<16xf32>,
          %parallel_loop3A_482 = arith.mulf %parallel_loop3A_481, %parallel_loop3A_466 : vector<16xf32>
          %parallel_loop3A_483 = arith.index_cast %parallel_loop3A_469 : i32 to index
          %parallel_loop3A_484 = arith.constant 16 : index
          %parallel_loop3A_485 = tpu.vector_load %arg14[%parallel_loop3A_483, %parallel_loop3A_484] {strides = array<i32>} : memref<128x256xf32, #tpu.memory_space<vmem>>, vector<16xf32>,
          tpu.vector_store %arg14[%parallel_loop3A_483, %parallel_loop3A_484], %parallel_loop3A_482 {add = true, strides = array<i32>} : memref<128x256xf32, #tpu.memory_space<vmem>>, vector<16xf32>,
          %parallel_loop3A_486 = arith.index_cast %and3A_435 : i32 to index
          %parallel_loop3A_487 = arith.index_cast %parallel_loop3A_463 : i32 to index
          %parallel_loop3A_488 = arith.constant 32 : index
          %parallel_loop3A_489 = tpu.vector_load %arg13[%parallel_loop3A_486, %parallel_loop3A_487, %parallel_loop3A_488] {strides = array<i32>} : memref<2x128x256xf32, #tpu.memory_space<vmem>>, vector<16xf32>,
          %parallel_loop3A_490 = arith.mulf %parallel_loop3A_489, %parallel_loop3A_466 : vector<16xf32>
          %parallel_loop3A_491 = arith.index_cast %parallel_loop3A_469 : i32 to index
          %parallel_loop3A_492 = arith.constant 32 : index
          %parallel_loop3A_493 = tpu.vector_load %arg14[%parallel_loop3A_491, %parallel_loop3A_492] {strides = array<i32>} : memref<128x256xf32, #tpu.memory_space<vmem>>, vector<16xf32>,
          tpu.vector_store %arg14[%parallel_loop3A_491, %parallel_loop3A_492], %parallel_loop3A_490 {add = true, strides = array<i32>} : memref<128x256xf32, #tpu.memory_space<vmem>>, vector<16xf32>,
          %parallel_loop3A_494 = arith.index_cast %and3A_435 : i32 to index
          %parallel_loop3A_495 = arith.index_cast %parallel_loop3A_463 : i32 to index
          %parallel_loop3A_496 = arith.constant 48 : index
          %parallel_loop3A_497 = tpu.vector_load %arg13[%parallel_loop3A_494, %parallel_loop3A_495, %parallel_loop3A_496] {strides = array<i32>} : memref<2x128x256xf32, #tpu.memory_space<vmem>>, vector<16xf32>,
          %parallel_loop3A_498 = arith.mulf %parallel_loop3A_497, %parallel_loop3A_466 : vector<16xf32>
          %parallel_loop3A_499 = arith.index_cast %parallel_loop3A_469 : i32 to index
          %parallel_loop3A_500 = arith.constant 48 : index
          %parallel_loop3A_501 = tpu.vector_load %arg14[%parallel_loop3A_499, %parallel_loop3A_500] {strides = array<i32>} : memref<128x256xf32, #tpu.memory_space<vmem>>, vector<16xf32>,
          tpu.vector_store %arg14[%parallel_loop3A_499, %parallel_loop3A_500], %parallel_loop3A_498 {add = true, strides = array<i32>} : memref<128x256xf32, #tpu.memory_space<vmem>>, vector<16xf32>,
          %parallel_loop3A_502 = arith.index_cast %and3A_435 : i32 to index
          %parallel_loop3A_503 = arith.index_cast %parallel_loop3A_463 : i32 to index
          %parallel_loop3A_504 = arith.constant 64 : index
          %parallel_loop3A_505 = tpu.vector_load %arg13[%parallel_loop3A_502, %parallel_loop3A_503, %parallel_loop3A_504] {strides = array<i32>} : memref<2x128x256xf32, #tpu.memory_space<vmem>>, vector<16xf32>,
          %parallel_loop3A_506 = arith.mulf %parallel_loop3A_505, %parallel_loop3A_466 : vector<16xf32>
          %parallel_loop3A_507 = arith.index_cast %parallel_loop3A_469 : i32 to index
          %parallel_loop3A_508 = arith.constant 64 : index
          %parallel_loop3A_509 = tpu.vector_load %arg14[%parallel_loop3A_507, %parallel_loop3A_508] {strides = array<i32>} : memref<128x256xf32, #tpu.memory_space<vmem>>, vector<16xf32>,
          tpu.vector_store %arg14[%parallel_loop3A_507, %parallel_loop3A_508], %parallel_loop3A_506 {add = true, strides = array<i32>} : memref<128x256xf32, #tpu.memory_space<vmem>>, vector<16xf32>,
          %parallel_loop3A_510 = arith.index_cast %and3A_435 : i32 to index
          %parallel_loop3A_511 = arith.index_cast %parallel_loop3A_463 : i32 to index
          %parallel_loop3A_512 = arith.constant 80 : index
          %parallel_loop3A_513 = tpu.vector_load %arg13[%parallel_loop3A_510, %parallel_loop3A_511, %parallel_loop3A_512] {strides = array<i32>} : memref<2x128x256xf32, #tpu.memory_space<vmem>>, vector<16xf32>,
          %parallel_loop3A_514 = arith.mulf %parallel_loop3A_513, %parallel_loop3A_466 : vector<16xf32>
          %parallel_loop3A_515 = arith.index_cast %parallel_loop3A_469 : i32 to index
          %parallel_loop3A_516 = arith.constant 80 : index
          %parallel_loop3A_517 = tpu.vector_load %arg14[%parallel_loop3A_515, %parallel_loop3A_516] {strides = array<i32>} : memref<128x256xf32, #tpu.memory_space<vmem>>, vector<16xf32>,
          tpu.vector_store %arg14[%parallel_loop3A_515, %parallel_loop3A_516], %parallel_loop3A_514 {add = true, strides = array<i32>} : memref<128x256xf32, #tpu.memory_space<vmem>>, vector<16xf32>,
          %parallel_loop3A_518 = arith.index_cast %and3A_435 : i32 to index
          %parallel_loop3A_519 = arith.index_cast %parallel_loop3A_463 : i32 to index
          %parallel_loop3A_520 = arith.constant 96 : index
          %parallel_loop3A_521 = tpu.vector_load %arg13[%parallel_loop3A_518, %parallel_loop3A_519, %parallel_loop3A_520] {strides = array<i32>} : memref<2x128x256xf32, #tpu.memory_space<vmem>>, vector<16xf32>,
          %parallel_loop3A_522 = arith.mulf %parallel_loop3A_521, %parallel_loop3A_466 : vector<16xf32>
          %parallel_loop3A_523 = arith.index_cast %parallel_loop3A_469 : i32 to index
          %parallel_loop3A_524 = arith.constant 96 : index
          %parallel_loop3A_525 = tpu.vector_load %arg14[%parallel_loop3A_523, %parallel_loop3A_524] {strides = array<i32>} : memref<128x256xf32, #tpu.memory_space<vmem>>, vector<16xf32>,
          tpu.vector_store %arg14[%parallel_loop3A_523, %parallel_loop3A_524], %parallel_loop3A_522 {add = true, strides = array<i32>} : memref<128x256xf32, #tpu.memory_space<vmem>>, vector<16xf32>,
          %parallel_loop3A_526 = arith.index_cast %and3A_435 : i32 to index
          %parallel_loop3A_527 = arith.index_cast %parallel_loop3A_463 : i32 to index
          %parallel_loop3A_528 = arith.constant 112 : index
          %parallel_loop3A_529 = tpu.vector_load %arg13[%parallel_loop3A_526, %parallel_loop3A_527, %parallel_loop3A_528] {strides = array<i32>} : memref<2x128x256xf32, #tpu.memory_space<vmem>>, vector<16xf32>,
          %parallel_loop3A_530 = arith.mulf %parallel_loop3A_529, %parallel_loop3A_466 : vector<16xf32>
          %parallel_loop3A_531 = arith.index_cast %parallel_loop3A_469 : i32 to index
          %parallel_loop3A_532 = arith.constant 112 : index
          %parallel_loop3A_533 = tpu.vector_load %arg14[%parallel_loop3A_531, %parallel_loop3A_532] {strides = array<i32>} : memref<128x256xf32, #tpu.memory_space<vmem>>, vector<16xf32>,
          tpu.vector_store %arg14[%parallel_loop3A_531, %parallel_loop3A_532], %parallel_loop3A_530 {add = true, strides = array<i32>} : memref<128x256xf32, #tpu.memory_space<vmem>>, vector<16xf32>,
          %parallel_loop3A_534 = arith.index_cast %and3A_435 : i32 to index
          %parallel_loop3A_535 = arith.index_cast %parallel_loop3A_463 : i32 to index
          %parallel_loop3A_536 = arith.constant 128 : index
          %parallel_loop3A_537 = tpu.vector_load %arg13[%parallel_loop3A_534, %parallel_loop3A_535, %parallel_loop3A_536] {strides = array<i32>} : memref<2x128x256xf32, #tpu.memory_space<vmem>>, vector<16xf32>,
          %parallel_loop3A_538 = arith.mulf %parallel_loop3A_537, %parallel_loop3A_466 : vector<16xf32>
          %parallel_loop3A_539 = arith.index_cast %parallel_loop3A_469 : i32 to index
          %parallel_loop3A_540 = arith.constant 128 : index
          %parallel_loop3A_541 = tpu.vector_load %arg14[%parallel_loop3A_539, %parallel_loop3A_540] {strides = array<i32>} : memref<128x256xf32, #tpu.memory_space<vmem>>, vector<16xf32>,
          tpu.vector_store %arg14[%parallel_loop3A_539, %parallel_loop3A_540], %parallel_loop3A_538 {add = true, strides = array<i32>} : memref<128x256xf32, #tpu.memory_space<vmem>>, vector<16xf32>,
          %parallel_loop3A_542 = arith.index_cast %and3A_435 : i32 to index
          %parallel_loop3A_543 = arith.index_cast %parallel_loop3A_463 : i32 to index
          %parallel_loop3A_544 = arith.constant 144 : index
          %parallel_loop3A_545 = tpu.vector_load %arg13[%parallel_loop3A_542, %parallel_loop3A_543, %parallel_loop3A_544] {strides = array<i32>} : memref<2x128x256xf32, #tpu.memory_space<vmem>>, vector<16xf32>,
          %parallel_loop3A_546 = arith.mulf %parallel_loop3A_545, %parallel_loop3A_466 : vector<16xf32>
          %parallel_loop3A_547 = arith.index_cast %parallel_loop3A_469 : i32 to index
          %parallel_loop3A_548 = arith.constant 144 : index
          %parallel_loop3A_549 = tpu.vector_load %arg14[%parallel_loop3A_547, %parallel_loop3A_548] {strides = array<i32>} : memref<128x256xf32, #tpu.memory_space<vmem>>, vector<16xf32>,
          tpu.vector_store %arg14[%parallel_loop3A_547, %parallel_loop3A_548], %parallel_loop3A_546 {add = true, strides = array<i32>} : memref<128x256xf32, #tpu.memory_space<vmem>>, vector<16xf32>,
          %parallel_loop3A_550 = arith.index_cast %and3A_435 : i32 to index
          %parallel_loop3A_551 = arith.index_cast %parallel_loop3A_463 : i32 to index
          %parallel_loop3A_552 = arith.constant 160 : index
          %parallel_loop3A_553 = tpu.vector_load %arg13[%parallel_loop3A_550, %parallel_loop3A_551, %parallel_loop3A_552] {strides = array<i32>} : memref<2x128x256xf32, #tpu.memory_space<vmem>>, vector<16xf32>,
          %parallel_loop3A_554 = arith.mulf %parallel_loop3A_553, %parallel_loop3A_466 : vector<16xf32>
          %parallel_loop3A_555 = arith.index_cast %parallel_loop3A_469 : i32 to index
          %parallel_loop3A_556 = arith.constant 160 : index
          %parallel_loop3A_557 = tpu.vector_load %arg14[%parallel_loop3A_555, %parallel_loop3A_556] {strides = array<i32>} : memref<128x256xf32, #tpu.memory_space<vmem>>, vector<16xf32>,
          tpu.vector_store %arg14[%parallel_loop3A_555, %parallel_loop3A_556], %parallel_loop3A_554 {add = true, strides = array<i32>} : memref<128x256xf32, #tpu.memory_space<vmem>>, vector<16xf32>,
          %parallel_loop3A_558 = arith.index_cast %and3A_435 : i32 to index
          %parallel_loop3A_559 = arith.index_cast %parallel_loop3A_463 : i32 to index
          %parallel_loop3A_560 = arith.constant 176 : index
          %parallel_loop3A_561 = tpu.vector_load %arg13[%parallel_loop3A_558, %parallel_loop3A_559, %parallel_loop3A_560] {strides = array<i32>} : memref<2x128x256xf32, #tpu.memory_space<vmem>>, vector<16xf32>,
          %parallel_loop3A_562 = arith.mulf %parallel_loop3A_561, %parallel_loop3A_466 : vector<16xf32>
          %parallel_loop3A_563 = arith.index_cast %parallel_loop3A_469 : i32 to index
          %parallel_loop3A_564 = arith.constant 176 : index
          %parallel_loop3A_565 = tpu.vector_load %arg14[%parallel_loop3A_563, %parallel_loop3A_564] {strides = array<i32>} : memref<128x256xf32, #tpu.memory_space<vmem>>, vector<16xf32>,
          tpu.vector_store %arg14[%parallel_loop3A_563, %parallel_loop3A_564], %parallel_loop3A_562 {add = true, strides = array<i32>} : memref<128x256xf32, #tpu.memory_space<vmem>>, vector<16xf32>,
          %parallel_loop3A_566 = arith.index_cast %and3A_435 : i32 to index
          %parallel_loop3A_567 = arith.index_cast %parallel_loop3A_463 : i32 to index
          %parallel_loop3A_568 = arith.constant 192 : index
          %parallel_loop3A_569 = tpu.vector_load %arg13[%parallel_loop3A_566, %parallel_loop3A_567, %parallel_loop3A_568] {strides = array<i32>} : memref<2x128x256xf32, #tpu.memory_space<vmem>>, vector<16xf32>,
          %parallel_loop3A_570 = arith.mulf %parallel_loop3A_569, %parallel_loop3A_466 : vector<16xf32>
          %parallel_loop3A_571 = arith.index_cast %parallel_loop3A_469 : i32 to index
          %parallel_loop3A_572 = arith.constant 192 : index
          %parallel_loop3A_573 = tpu.vector_load %arg14[%parallel_loop3A_571, %parallel_loop3A_572] {strides = array<i32>} : memref<128x256xf32, #tpu.memory_space<vmem>>, vector<16xf32>,
          tpu.vector_store %arg14[%parallel_loop3A_571, %parallel_loop3A_572], %parallel_loop3A_570 {add = true, strides = array<i32>} : memref<128x256xf32, #tpu.memory_space<vmem>>, vector<16xf32>,
          %parallel_loop3A_574 = arith.index_cast %and3A_435 : i32 to index
          %parallel_loop3A_575 = arith.index_cast %parallel_loop3A_463 : i32 to index
          %parallel_loop3A_576 = arith.constant 208 : index
          %parallel_loop3A_577 = tpu.vector_load %arg13[%parallel_loop3A_574, %parallel_loop3A_575, %parallel_loop3A_576] {strides = array<i32>} : memref<2x128x256xf32, #tpu.memory_space<vmem>>, vector<16xf32>,
          %parallel_loop3A_578 = arith.mulf %parallel_loop3A_577, %parallel_loop3A_466 : vector<16xf32>
          %parallel_loop3A_579 = arith.index_cast %parallel_loop3A_469 : i32 to index
          %parallel_loop3A_580 = arith.constant 208 : index
          %parallel_loop3A_581 = tpu.vector_load %arg14[%parallel_loop3A_579, %parallel_loop3A_580] {strides = array<i32>} : memref<128x256xf32, #tpu.memory_space<vmem>>, vector<16xf32>,
          tpu.vector_store %arg14[%parallel_loop3A_579, %parallel_loop3A_580], %parallel_loop3A_578 {add = true, strides = array<i32>} : memref<128x256xf32, #tpu.memory_space<vmem>>, vector<16xf32>,
          %parallel_loop3A_582 = arith.index_cast %and3A_435 : i32 to index
          %parallel_loop3A_583 = arith.index_cast %parallel_loop3A_463 : i32 to index
          %parallel_loop3A_584 = arith.constant 224 : index
          %parallel_loop3A_585 = tpu.vector_load %arg13[%parallel_loop3A_582, %parallel_loop3A_583, %parallel_loop3A_584] {strides = array<i32>} : memref<2x128x256xf32, #tpu.memory_space<vmem>>, vector<16xf32>,
          %parallel_loop3A_586 = arith.mulf %parallel_loop3A_585, %parallel_loop3A_466 : vector<16xf32>
          %parallel_loop3A_587 = arith.index_cast %parallel_loop3A_469 : i32 to index
          %parallel_loop3A_588 = arith.constant 224 : index
          %parallel_loop3A_589 = tpu.vector_load %arg14[%parallel_loop3A_587, %parallel_loop3A_588] {strides = array<i32>} : memref<128x256xf32, #tpu.memory_space<vmem>>, vector<16xf32>,
          tpu.vector_store %arg14[%parallel_loop3A_587, %parallel_loop3A_588], %parallel_loop3A_586 {add = true, strides = array<i32>} : memref<128x256xf32, #tpu.memory_space<vmem>>, vector<16xf32>,
          %parallel_loop3A_590 = arith.index_cast %and3A_435 : i32 to index
          %parallel_loop3A_591 = arith.index_cast %parallel_loop3A_463 : i32 to index
          %parallel_loop3A_592 = arith.constant 240 : index
          %parallel_loop3A_593 = tpu.vector_load %arg13[%parallel_loop3A_590, %parallel_loop3A_591, %parallel_loop3A_592] {strides = array<i32>} : memref<2x128x256xf32, #tpu.memory_space<vmem>>, vector<16xf32>,
          %parallel_loop3A_594 = arith.mulf %parallel_loop3A_593, %parallel_loop3A_466 : vector<16xf32>
          %parallel_loop3A_595 = arith.index_cast %parallel_loop3A_469 : i32 to index
          %parallel_loop3A_596 = arith.constant 240 : index
          %parallel_loop3A_597 = tpu.vector_load %arg14[%parallel_loop3A_595, %parallel_loop3A_596] {strides = array<i32>} : memref<128x256xf32, #tpu.memory_space<vmem>>, vector<16xf32>,
          tpu.vector_store %arg14[%parallel_loop3A_595, %parallel_loop3A_596], %parallel_loop3A_594 {add = true, strides = array<i32>} : memref<128x256xf32, #tpu.memory_space<vmem>>, vector<16xf32>,
        } {sc.loop_unroll_factor = 2 : i64, sc.parallel_access}
      }
      %while3A_402 = arith.constant 1 : i32
      scf.for %while3A_433 = %while3A_400 to %while3A_396 step %while3A_402  : i32 {
        %and3A_434 = arith.constant 1 : i32
        %and3A_435 = arith.andi %while3A_433, %and3A_434 : i32
        %ge3A = arith.constant 2 : i32
        %ge3A_436 = arith.cmpi sge, %while3A_433, %ge3A : i32
        %convert_element_type3A_437 = arith.extui %ge3A_436 : i1 to i32
        %cond3A_438 = arith.constant 0 : i32
        %cond3A_439 = arith.cmpi ne, %convert_element_type3A_437, %cond3A_438 : i32
        scf.if %cond3A_439 {
          %mul3A_463 = arith.constant 2304 : i32
          %mul3A_464 = arith.muli %sub3A_225, %mul3A_463 : i32
          %mul3A_465 = arith.constant 128 : i32
          %mul3A_466 = arith.muli %while3A_433, %mul3A_465 : i32
          %add3A_467 = arith.addi %mul3A_464, %mul3A_466 : i32
          %eq3A_468 = arith.constant 0 : i32
          %eq3A_469 = arith.cmpi eq, %and3A_435, %eq3A_468 : i32
          %convert_element_type3A_470 = arith.extui %eq3A_469 : i1 to i32
          %cond3A_471 = arith.constant 0 : i32
          %cond3A_472 = arith.cmpi ne, %convert_element_type3A_470, %cond3A_471 : i32
          scf.if %cond3A_472 {
            %dma_start3A_478 = arith.constant 0 : i32
            %dma_start3A_479 = arith.constant 0 : i32
            %dma_start3A_480 = arith.constant 0 : i32
            %dma_start3A_481 = tpu.memref_slice %arg13[%dma_start3A_478, %dma_start3A_479, %dma_start3A_480] : memref<2x128x256xf32, #tpu.memory_space<vmem>> -> memref<1x128x256xf32, #tpu.memory_space<vmem>>
            %dma_start3A_482 = tpu.memref_squeeze %dma_start3A_481 : memref<1x128x256xf32, #tpu.memory_space<vmem>> -> memref<128x256xf32, #tpu.memory_space<vmem>>
            %dma_start3A_483 = tpu.memref_slice %arg11[%add3A_467] : memref<4608xi32, #tpu.memory_space<vmem>> -> memref<128xi32, #tpu.memory_space<vmem>>
            %dma_start3A_484 = arith.constant 0 : i32
            %dma_start3A_485 = arith.constant 0 : i32
            %dma_start3A_486 = tpu.memref_slice %arg2[%dma_start3A_484, %dma_start3A_485] : memref<4096x256xf32, #tpu.memory_space<hbm>> -> memref<4096x256xf32, #tpu.memory_space<hbm>>
            tpu.enqueue_indirect_dma source(%dma_start3A_486 : memref<4096x256xf32, #tpu.memory_space<hbm>>) target(%dma_start3A_482 : memref<128x256xf32, #tpu.memory_space<vmem>>) offsets(%dma_start3A_483 : memref<128xi32, #tpu.memory_space<vmem>>) semaphore(%arg17 : memref<!tpu.dma_semaphore, #tpu.memory_space<semaphore_mem>>)
          } else {
          }
          %eq3A_473 = arith.constant 1 : i32
          %eq3A_474 = arith.cmpi eq, %and3A_435, %eq3A_473 : i32
          %convert_element_type3A_475 = arith.extui %eq3A_474 : i1 to i32
          %cond3A_476 = arith.constant 0 : i32
          %cond3A_477 = arith.cmpi ne, %convert_element_type3A_475, %cond3A_476 : i32
          scf.if %cond3A_477 {
            %dma_start3A_478 = arith.constant 1 : i32
            %dma_start3A_479 = arith.constant 0 : i32
            %dma_start3A_480 = arith.constant 0 : i32
            %dma_start3A_481 = tpu.memref_slice %arg13[%dma_start3A_478, %dma_start3A_479, %dma_start3A_480] : memref<2x128x256xf32, #tpu.memory_space<vmem>> -> memref<1x128x256xf32, #tpu.memory_space<vmem>>
            %dma_start3A_482 = tpu.memref_squeeze %dma_start3A_481 : memref<1x128x256xf32, #tpu.memory_space<vmem>> -> memref<128x256xf32, #tpu.memory_space<vmem>>
            %dma_start3A_483 = tpu.memref_slice %arg11[%add3A_467] : memref<4608xi32, #tpu.memory_space<vmem>> -> memref<128xi32, #tpu.memory_space<vmem>>
            %dma_start3A_484 = arith.constant 0 : i32
            %dma_start3A_485 = arith.constant 0 : i32
            %dma_start3A_486 = tpu.memref_slice %arg2[%dma_start3A_484, %dma_start3A_485] : memref<4096x256xf32, #tpu.memory_space<hbm>> -> memref<4096x256xf32, #tpu.memory_space<hbm>>
            tpu.enqueue_indirect_dma source(%dma_start3A_486 : memref<4096x256xf32, #tpu.memory_space<hbm>>) target(%dma_start3A_482 : memref<128x256xf32, #tpu.memory_space<vmem>>) offsets(%dma_start3A_483 : memref<128xi32, #tpu.memory_space<vmem>>) semaphore(%arg18 : memref<!tpu.dma_semaphore, #tpu.memory_space<semaphore_mem>>)
          } else {
          }
        } else {
        }
        %mul3A_440 = arith.constant 2304 : i32
        %mul3A_441 = arith.muli %sub3A_225, %mul3A_440 : i32
        %mul3A_442 = arith.constant 128 : i32
        %mul3A_443 = arith.muli %while3A_433, %mul3A_442 : i32
        %add3A_444 = arith.addi %mul3A_441, %mul3A_443 : i32
        %eq3A_445 = arith.constant 0 : i32
        %eq3A_446 = arith.cmpi eq, %and3A_435, %eq3A_445 : i32
        %convert_element_type3A_447 = arith.extui %eq3A_446 : i1 to i32
        %cond3A_448 = arith.constant 0 : i32
        %cond3A_449 = arith.cmpi ne, %convert_element_type3A_447, %cond3A_448 : i32
        scf.if %cond3A_449 {
          %dma_wait3A = arith.constant 0 : i32
          %dma_wait3A_463 = arith.constant 0 : i32
          %dma_wait3A_464 = arith.constant 0 : i32
          %dma_wait3A_465 = tpu.memref_slice %arg13[%dma_wait3A, %dma_wait3A_463, %dma_wait3A_464] : memref<2x128x256xf32, #tpu.memory_space<vmem>> -> memref<1x128x256xf32, #tpu.memory_space<vmem>>
          %dma_wait3A_466 = tpu.memref_squeeze %dma_wait3A_465 : memref<1x128x256xf32, #tpu.memory_space<vmem>> -> memref<128x256xf32, #tpu.memory_space<vmem>>
          %dma_wait3A_467 = tpu.memref_slice %arg11[%add3A_444] : memref<4608xi32, #tpu.memory_space<vmem>> -> memref<128xi32, #tpu.memory_space<vmem>>
          %dma_wait3A_468 = arith.constant 0 : i32
          %dma_wait3A_469 = arith.constant 0 : i32
          %dma_wait3A_470 = tpu.memref_slice %arg2[%dma_wait3A_468, %dma_wait3A_469] : memref<4096x256xf32, #tpu.memory_space<hbm>> -> memref<4096x256xf32, #tpu.memory_space<hbm>>
          tpu.wait_indirect_dma semaphore(%arg17 : memref<!tpu.dma_semaphore, #tpu.memory_space<semaphore_mem>>) src(%dma_wait3A_470 : memref<4096x256xf32, #tpu.memory_space<hbm>>) dst(%dma_wait3A_466 : memref<128x256xf32, #tpu.memory_space<vmem>>)
        } else {
        }
        %eq3A_450 = arith.constant 1 : i32
        %eq3A_451 = arith.cmpi eq, %and3A_435, %eq3A_450 : i32
        %convert_element_type3A_452 = arith.extui %eq3A_451 : i1 to i32
        %cond3A_453 = arith.constant 0 : i32
        %cond3A_454 = arith.cmpi ne, %convert_element_type3A_452, %cond3A_453 : i32
        scf.if %cond3A_454 {
          %dma_wait3A = arith.constant 1 : i32
          %dma_wait3A_463 = arith.constant 0 : i32
          %dma_wait3A_464 = arith.constant 0 : i32
          %dma_wait3A_465 = tpu.memref_slice %arg13[%dma_wait3A, %dma_wait3A_463, %dma_wait3A_464] : memref<2x128x256xf32, #tpu.memory_space<vmem>> -> memref<1x128x256xf32, #tpu.memory_space<vmem>>
          %dma_wait3A_466 = tpu.memref_squeeze %dma_wait3A_465 : memref<1x128x256xf32, #tpu.memory_space<vmem>> -> memref<128x256xf32, #tpu.memory_space<vmem>>
          %dma_wait3A_467 = tpu.memref_slice %arg11[%add3A_444] : memref<4608xi32, #tpu.memory_space<vmem>> -> memref<128xi32, #tpu.memory_space<vmem>>
          %dma_wait3A_468 = arith.constant 0 : i32
          %dma_wait3A_469 = arith.constant 0 : i32
          %dma_wait3A_470 = tpu.memref_slice %arg2[%dma_wait3A_468, %dma_wait3A_469] : memref<4096x256xf32, #tpu.memory_space<hbm>> -> memref<4096x256xf32, #tpu.memory_space<hbm>>
          tpu.wait_indirect_dma semaphore(%arg18 : memref<!tpu.dma_semaphore, #tpu.memory_space<semaphore_mem>>) src(%dma_wait3A_470 : memref<4096x256xf32, #tpu.memory_space<hbm>>) dst(%dma_wait3A_466 : memref<128x256xf32, #tpu.memory_space<vmem>>)
        } else {
        }
        %mul3A_455 = arith.constant 2304 : i32
        %mul3A_456 = arith.muli %sub3A_225, %mul3A_455 : i32
        %mul3A_457 = arith.constant 128 : i32
        %mul3A_458 = arith.muli %while3A_433, %mul3A_457 : i32
        %add3A_459 = arith.addi %mul3A_456, %mul3A_458 : i32
        %parallel_loop3A_460 = arith.constant 0 : i32
        %parallel_loop3A_461 = arith.constant 128 : i32
        %parallel_loop3A_462 = arith.constant 1 : i32
        scf.for %parallel_loop3A_463 = %parallel_loop3A_460 to %parallel_loop3A_461 step %parallel_loop3A_462  : i32 {
          %parallel_loop3A_464 = arith.addi %add3A_459, %parallel_loop3A_463 : i32
          %parallel_loop3A_465 = vector.broadcast %parallel_loop3A_464 : i32 to vector<16xi32>
          %parallel_loop3A_466 = tpu.vector_load_idx %arg12[%parallel_loop3A_465] : memref<4608xf32, #tpu.memory_space<vmem>>[vector<16xi32>], vector<16xf32>,
          %parallel_loop3A_467 = tpu.vector_load_idx %arg10[%parallel_loop3A_465] : memref<4608xi32, #tpu.memory_space<vmem>>[vector<16xi32>], vector<16xi32>,
          %parallel_loop3A_468 = vector.extract_strided_slice %parallel_loop3A_467 {offsets = [0], sizes = [1], strides = [1]} : vector<16xi32> to vector<1xi32>
          %parallel_loop3A_469 = vector.extract %parallel_loop3A_468[0] : i32 from vector<1xi32>
          %parallel_loop3A_470 = arith.index_cast %and3A_435 : i32 to index
          %parallel_loop3A_471 = arith.index_cast %parallel_loop3A_463 : i32 to index
          %parallel_loop3A_472 = arith.constant 0 : index
          %parallel_loop3A_473 = tpu.vector_load %arg13[%parallel_loop3A_470, %parallel_loop3A_471, %parallel_loop3A_472] {strides = array<i32>} : memref<2x128x256xf32, #tpu.memory_space<vmem>>, vector<16xf32>,
          %parallel_loop3A_474 = arith.mulf %parallel_loop3A_473, %parallel_loop3A_466 : vector<16xf32>
          %parallel_loop3A_475 = arith.index_cast %parallel_loop3A_469 : i32 to index
          %parallel_loop3A_476 = arith.constant 0 : index
          %parallel_loop3A_477 = tpu.vector_load %arg14[%parallel_loop3A_475, %parallel_loop3A_476] {strides = array<i32>} : memref<128x256xf32, #tpu.memory_space<vmem>>, vector<16xf32>,
          tpu.vector_store %arg14[%parallel_loop3A_475, %parallel_loop3A_476], %parallel_loop3A_474 {add = true, strides = array<i32>} : memref<128x256xf32, #tpu.memory_space<vmem>>, vector<16xf32>,
          %parallel_loop3A_478 = arith.index_cast %and3A_435 : i32 to index
          %parallel_loop3A_479 = arith.index_cast %parallel_loop3A_463 : i32 to index
          %parallel_loop3A_480 = arith.constant 16 : index
          %parallel_loop3A_481 = tpu.vector_load %arg13[%parallel_loop3A_478, %parallel_loop3A_479, %parallel_loop3A_480] {strides = array<i32>} : memref<2x128x256xf32, #tpu.memory_space<vmem>>, vector<16xf32>,
          %parallel_loop3A_482 = arith.mulf %parallel_loop3A_481, %parallel_loop3A_466 : vector<16xf32>
          %parallel_loop3A_483 = arith.index_cast %parallel_loop3A_469 : i32 to index
          %parallel_loop3A_484 = arith.constant 16 : index
          %parallel_loop3A_485 = tpu.vector_load %arg14[%parallel_loop3A_483, %parallel_loop3A_484] {strides = array<i32>} : memref<128x256xf32, #tpu.memory_space<vmem>>, vector<16xf32>,
          tpu.vector_store %arg14[%parallel_loop3A_483, %parallel_loop3A_484], %parallel_loop3A_482 {add = true, strides = array<i32>} : memref<128x256xf32, #tpu.memory_space<vmem>>, vector<16xf32>,
          %parallel_loop3A_486 = arith.index_cast %and3A_435 : i32 to index
          %parallel_loop3A_487 = arith.index_cast %parallel_loop3A_463 : i32 to index
          %parallel_loop3A_488 = arith.constant 32 : index
          %parallel_loop3A_489 = tpu.vector_load %arg13[%parallel_loop3A_486, %parallel_loop3A_487, %parallel_loop3A_488] {strides = array<i32>} : memref<2x128x256xf32, #tpu.memory_space<vmem>>, vector<16xf32>,
          %parallel_loop3A_490 = arith.mulf %parallel_loop3A_489, %parallel_loop3A_466 : vector<16xf32>
          %parallel_loop3A_491 = arith.index_cast %parallel_loop3A_469 : i32 to index
          %parallel_loop3A_492 = arith.constant 32 : index
          %parallel_loop3A_493 = tpu.vector_load %arg14[%parallel_loop3A_491, %parallel_loop3A_492] {strides = array<i32>} : memref<128x256xf32, #tpu.memory_space<vmem>>, vector<16xf32>,
          tpu.vector_store %arg14[%parallel_loop3A_491, %parallel_loop3A_492], %parallel_loop3A_490 {add = true, strides = array<i32>} : memref<128x256xf32, #tpu.memory_space<vmem>>, vector<16xf32>,
          %parallel_loop3A_494 = arith.index_cast %and3A_435 : i32 to index
          %parallel_loop3A_495 = arith.index_cast %parallel_loop3A_463 : i32 to index
          %parallel_loop3A_496 = arith.constant 48 : index
          %parallel_loop3A_497 = tpu.vector_load %arg13[%parallel_loop3A_494, %parallel_loop3A_495, %parallel_loop3A_496] {strides = array<i32>} : memref<2x128x256xf32, #tpu.memory_space<vmem>>, vector<16xf32>,
          %parallel_loop3A_498 = arith.mulf %parallel_loop3A_497, %parallel_loop3A_466 : vector<16xf32>
          %parallel_loop3A_499 = arith.index_cast %parallel_loop3A_469 : i32 to index
          %parallel_loop3A_500 = arith.constant 48 : index
          %parallel_loop3A_501 = tpu.vector_load %arg14[%parallel_loop3A_499, %parallel_loop3A_500] {strides = array<i32>} : memref<128x256xf32, #tpu.memory_space<vmem>>, vector<16xf32>,
          tpu.vector_store %arg14[%parallel_loop3A_499, %parallel_loop3A_500], %parallel_loop3A_498 {add = true, strides = array<i32>} : memref<128x256xf32, #tpu.memory_space<vmem>>, vector<16xf32>,
          %parallel_loop3A_502 = arith.index_cast %and3A_435 : i32 to index
          %parallel_loop3A_503 = arith.index_cast %parallel_loop3A_463 : i32 to index
          %parallel_loop3A_504 = arith.constant 64 : index
          %parallel_loop3A_505 = tpu.vector_load %arg13[%parallel_loop3A_502, %parallel_loop3A_503, %parallel_loop3A_504] {strides = array<i32>} : memref<2x128x256xf32, #tpu.memory_space<vmem>>, vector<16xf32>,
          %parallel_loop3A_506 = arith.mulf %parallel_loop3A_505, %parallel_loop3A_466 : vector<16xf32>
          %parallel_loop3A_507 = arith.index_cast %parallel_loop3A_469 : i32 to index
          %parallel_loop3A_508 = arith.constant 64 : index
          %parallel_loop3A_509 = tpu.vector_load %arg14[%parallel_loop3A_507, %parallel_loop3A_508] {strides = array<i32>} : memref<128x256xf32, #tpu.memory_space<vmem>>, vector<16xf32>,
          tpu.vector_store %arg14[%parallel_loop3A_507, %parallel_loop3A_508], %parallel_loop3A_506 {add = true, strides = array<i32>} : memref<128x256xf32, #tpu.memory_space<vmem>>, vector<16xf32>,
          %parallel_loop3A_510 = arith.index_cast %and3A_435 : i32 to index
          %parallel_loop3A_511 = arith.index_cast %parallel_loop3A_463 : i32 to index
          %parallel_loop3A_512 = arith.constant 80 : index
          %parallel_loop3A_513 = tpu.vector_load %arg13[%parallel_loop3A_510, %parallel_loop3A_511, %parallel_loop3A_512] {strides = array<i32>} : memref<2x128x256xf32, #tpu.memory_space<vmem>>, vector<16xf32>,
          %parallel_loop3A_514 = arith.mulf %parallel_loop3A_513, %parallel_loop3A_466 : vector<16xf32>
          %parallel_loop3A_515 = arith.index_cast %parallel_loop3A_469 : i32 to index
          %parallel_loop3A_516 = arith.constant 80 : index
          %parallel_loop3A_517 = tpu.vector_load %arg14[%parallel_loop3A_515, %parallel_loop3A_516] {strides = array<i32>} : memref<128x256xf32, #tpu.memory_space<vmem>>, vector<16xf32>,
          tpu.vector_store %arg14[%parallel_loop3A_515, %parallel_loop3A_516], %parallel_loop3A_514 {add = true, strides = array<i32>} : memref<128x256xf32, #tpu.memory_space<vmem>>, vector<16xf32>,
          %parallel_loop3A_518 = arith.index_cast %and3A_435 : i32 to index
          %parallel_loop3A_519 = arith.index_cast %parallel_loop3A_463 : i32 to index
          %parallel_loop3A_520 = arith.constant 96 : index
          %parallel_loop3A_521 = tpu.vector_load %arg13[%parallel_loop3A_518, %parallel_loop3A_519, %parallel_loop3A_520] {strides = array<i32>} : memref<2x128x256xf32, #tpu.memory_space<vmem>>, vector<16xf32>,
          %parallel_loop3A_522 = arith.mulf %parallel_loop3A_521, %parallel_loop3A_466 : vector<16xf32>
          %parallel_loop3A_523 = arith.index_cast %parallel_loop3A_469 : i32 to index
          %parallel_loop3A_524 = arith.constant 96 : index
          %parallel_loop3A_525 = tpu.vector_load %arg14[%parallel_loop3A_523, %parallel_loop3A_524] {strides = array<i32>} : memref<128x256xf32, #tpu.memory_space<vmem>>, vector<16xf32>,
          tpu.vector_store %arg14[%parallel_loop3A_523, %parallel_loop3A_524], %parallel_loop3A_522 {add = true, strides = array<i32>} : memref<128x256xf32, #tpu.memory_space<vmem>>, vector<16xf32>,
          %parallel_loop3A_526 = arith.index_cast %and3A_435 : i32 to index
          %parallel_loop3A_527 = arith.index_cast %parallel_loop3A_463 : i32 to index
          %parallel_loop3A_528 = arith.constant 112 : index
          %parallel_loop3A_529 = tpu.vector_load %arg13[%parallel_loop3A_526, %parallel_loop3A_527, %parallel_loop3A_528] {strides = array<i32>} : memref<2x128x256xf32, #tpu.memory_space<vmem>>, vector<16xf32>,
          %parallel_loop3A_530 = arith.mulf %parallel_loop3A_529, %parallel_loop3A_466 : vector<16xf32>
          %parallel_loop3A_531 = arith.index_cast %parallel_loop3A_469 : i32 to index
          %parallel_loop3A_532 = arith.constant 112 : index
          %parallel_loop3A_533 = tpu.vector_load %arg14[%parallel_loop3A_531, %parallel_loop3A_532] {strides = array<i32>} : memref<128x256xf32, #tpu.memory_space<vmem>>, vector<16xf32>,
          tpu.vector_store %arg14[%parallel_loop3A_531, %parallel_loop3A_532], %parallel_loop3A_530 {add = true, strides = array<i32>} : memref<128x256xf32, #tpu.memory_space<vmem>>, vector<16xf32>,
          %parallel_loop3A_534 = arith.index_cast %and3A_435 : i32 to index
          %parallel_loop3A_535 = arith.index_cast %parallel_loop3A_463 : i32 to index
          %parallel_loop3A_536 = arith.constant 128 : index
          %parallel_loop3A_537 = tpu.vector_load %arg13[%parallel_loop3A_534, %parallel_loop3A_535, %parallel_loop3A_536] {strides = array<i32>} : memref<2x128x256xf32, #tpu.memory_space<vmem>>, vector<16xf32>,
          %parallel_loop3A_538 = arith.mulf %parallel_loop3A_537, %parallel_loop3A_466 : vector<16xf32>
          %parallel_loop3A_539 = arith.index_cast %parallel_loop3A_469 : i32 to index
          %parallel_loop3A_540 = arith.constant 128 : index
          %parallel_loop3A_541 = tpu.vector_load %arg14[%parallel_loop3A_539, %parallel_loop3A_540] {strides = array<i32>} : memref<128x256xf32, #tpu.memory_space<vmem>>, vector<16xf32>,
          tpu.vector_store %arg14[%parallel_loop3A_539, %parallel_loop3A_540], %parallel_loop3A_538 {add = true, strides = array<i32>} : memref<128x256xf32, #tpu.memory_space<vmem>>, vector<16xf32>,
          %parallel_loop3A_542 = arith.index_cast %and3A_435 : i32 to index
          %parallel_loop3A_543 = arith.index_cast %parallel_loop3A_463 : i32 to index
          %parallel_loop3A_544 = arith.constant 144 : index
          %parallel_loop3A_545 = tpu.vector_load %arg13[%parallel_loop3A_542, %parallel_loop3A_543, %parallel_loop3A_544] {strides = array<i32>} : memref<2x128x256xf32, #tpu.memory_space<vmem>>, vector<16xf32>,
          %parallel_loop3A_546 = arith.mulf %parallel_loop3A_545, %parallel_loop3A_466 : vector<16xf32>
          %parallel_loop3A_547 = arith.index_cast %parallel_loop3A_469 : i32 to index
          %parallel_loop3A_548 = arith.constant 144 : index
          %parallel_loop3A_549 = tpu.vector_load %arg14[%parallel_loop3A_547, %parallel_loop3A_548] {strides = array<i32>} : memref<128x256xf32, #tpu.memory_space<vmem>>, vector<16xf32>,
          tpu.vector_store %arg14[%parallel_loop3A_547, %parallel_loop3A_548], %parallel_loop3A_546 {add = true, strides = array<i32>} : memref<128x256xf32, #tpu.memory_space<vmem>>, vector<16xf32>,
          %parallel_loop3A_550 = arith.index_cast %and3A_435 : i32 to index
          %parallel_loop3A_551 = arith.index_cast %parallel_loop3A_463 : i32 to index
          %parallel_loop3A_552 = arith.constant 160 : index
          %parallel_loop3A_553 = tpu.vector_load %arg13[%parallel_loop3A_550, %parallel_loop3A_551, %parallel_loop3A_552] {strides = array<i32>} : memref<2x128x256xf32, #tpu.memory_space<vmem>>, vector<16xf32>,
          %parallel_loop3A_554 = arith.mulf %parallel_loop3A_553, %parallel_loop3A_466 : vector<16xf32>
          %parallel_loop3A_555 = arith.index_cast %parallel_loop3A_469 : i32 to index
          %parallel_loop3A_556 = arith.constant 160 : index
          %parallel_loop3A_557 = tpu.vector_load %arg14[%parallel_loop3A_555, %parallel_loop3A_556] {strides = array<i32>} : memref<128x256xf32, #tpu.memory_space<vmem>>, vector<16xf32>,
          tpu.vector_store %arg14[%parallel_loop3A_555, %parallel_loop3A_556], %parallel_loop3A_554 {add = true, strides = array<i32>} : memref<128x256xf32, #tpu.memory_space<vmem>>, vector<16xf32>,
          %parallel_loop3A_558 = arith.index_cast %and3A_435 : i32 to index
          %parallel_loop3A_559 = arith.index_cast %parallel_loop3A_463 : i32 to index
          %parallel_loop3A_560 = arith.constant 176 : index
          %parallel_loop3A_561 = tpu.vector_load %arg13[%parallel_loop3A_558, %parallel_loop3A_559, %parallel_loop3A_560] {strides = array<i32>} : memref<2x128x256xf32, #tpu.memory_space<vmem>>, vector<16xf32>,
          %parallel_loop3A_562 = arith.mulf %parallel_loop3A_561, %parallel_loop3A_466 : vector<16xf32>
          %parallel_loop3A_563 = arith.index_cast %parallel_loop3A_469 : i32 to index
          %parallel_loop3A_564 = arith.constant 176 : index
          %parallel_loop3A_565 = tpu.vector_load %arg14[%parallel_loop3A_563, %parallel_loop3A_564] {strides = array<i32>} : memref<128x256xf32, #tpu.memory_space<vmem>>, vector<16xf32>,
          tpu.vector_store %arg14[%parallel_loop3A_563, %parallel_loop3A_564], %parallel_loop3A_562 {add = true, strides = array<i32>} : memref<128x256xf32, #tpu.memory_space<vmem>>, vector<16xf32>,
          %parallel_loop3A_566 = arith.index_cast %and3A_435 : i32 to index
          %parallel_loop3A_567 = arith.index_cast %parallel_loop3A_463 : i32 to index
          %parallel_loop3A_568 = arith.constant 192 : index
          %parallel_loop3A_569 = tpu.vector_load %arg13[%parallel_loop3A_566, %parallel_loop3A_567, %parallel_loop3A_568] {strides = array<i32>} : memref<2x128x256xf32, #tpu.memory_space<vmem>>, vector<16xf32>,
          %parallel_loop3A_570 = arith.mulf %parallel_loop3A_569, %parallel_loop3A_466 : vector<16xf32>
          %parallel_loop3A_571 = arith.index_cast %parallel_loop3A_469 : i32 to index
          %parallel_loop3A_572 = arith.constant 192 : index
          %parallel_loop3A_573 = tpu.vector_load %arg14[%parallel_loop3A_571, %parallel_loop3A_572] {strides = array<i32>} : memref<128x256xf32, #tpu.memory_space<vmem>>, vector<16xf32>,
          tpu.vector_store %arg14[%parallel_loop3A_571, %parallel_loop3A_572], %parallel_loop3A_570 {add = true, strides = array<i32>} : memref<128x256xf32, #tpu.memory_space<vmem>>, vector<16xf32>,
          %parallel_loop3A_574 = arith.index_cast %and3A_435 : i32 to index
          %parallel_loop3A_575 = arith.index_cast %parallel_loop3A_463 : i32 to index
          %parallel_loop3A_576 = arith.constant 208 : index
          %parallel_loop3A_577 = tpu.vector_load %arg13[%parallel_loop3A_574, %parallel_loop3A_575, %parallel_loop3A_576] {strides = array<i32>} : memref<2x128x256xf32, #tpu.memory_space<vmem>>, vector<16xf32>,
          %parallel_loop3A_578 = arith.mulf %parallel_loop3A_577, %parallel_loop3A_466 : vector<16xf32>
          %parallel_loop3A_579 = arith.index_cast %parallel_loop3A_469 : i32 to index
          %parallel_loop3A_580 = arith.constant 208 : index
          %parallel_loop3A_581 = tpu.vector_load %arg14[%parallel_loop3A_579, %parallel_loop3A_580] {strides = array<i32>} : memref<128x256xf32, #tpu.memory_space<vmem>>, vector<16xf32>,
          tpu.vector_store %arg14[%parallel_loop3A_579, %parallel_loop3A_580], %parallel_loop3A_578 {add = true, strides = array<i32>} : memref<128x256xf32, #tpu.memory_space<vmem>>, vector<16xf32>,
          %parallel_loop3A_582 = arith.index_cast %and3A_435 : i32 to index
          %parallel_loop3A_583 = arith.index_cast %parallel_loop3A_463 : i32 to index
          %parallel_loop3A_584 = arith.constant 224 : index
          %parallel_loop3A_585 = tpu.vector_load %arg13[%parallel_loop3A_582, %parallel_loop3A_583, %parallel_loop3A_584] {strides = array<i32>} : memref<2x128x256xf32, #tpu.memory_space<vmem>>, vector<16xf32>,
          %parallel_loop3A_586 = arith.mulf %parallel_loop3A_585, %parallel_loop3A_466 : vector<16xf32>
          %parallel_loop3A_587 = arith.index_cast %parallel_loop3A_469 : i32 to index
          %parallel_loop3A_588 = arith.constant 224 : index
          %parallel_loop3A_589 = tpu.vector_load %arg14[%parallel_loop3A_587, %parallel_loop3A_588] {strides = array<i32>} : memref<128x256xf32, #tpu.memory_space<vmem>>, vector<16xf32>,
          tpu.vector_store %arg14[%parallel_loop3A_587, %parallel_loop3A_588], %parallel_loop3A_586 {add = true, strides = array<i32>} : memref<128x256xf32, #tpu.memory_space<vmem>>, vector<16xf32>,
          %parallel_loop3A_590 = arith.index_cast %and3A_435 : i32 to index
          %parallel_loop3A_591 = arith.index_cast %parallel_loop3A_463 : i32 to index
          %parallel_loop3A_592 = arith.constant 240 : index
          %parallel_loop3A_593 = tpu.vector_load %arg13[%parallel_loop3A_590, %parallel_loop3A_591, %parallel_loop3A_592] {strides = array<i32>} : memref<2x128x256xf32, #tpu.memory_space<vmem>>, vector<16xf32>,
          %parallel_loop3A_594 = arith.mulf %parallel_loop3A_593, %parallel_loop3A_466 : vector<16xf32>
          %parallel_loop3A_595 = arith.index_cast %parallel_loop3A_469 : i32 to index
          %parallel_loop3A_596 = arith.constant 240 : index
          %parallel_loop3A_597 = tpu.vector_load %arg14[%parallel_loop3A_595, %parallel_loop3A_596] {strides = array<i32>} : memref<128x256xf32, #tpu.memory_space<vmem>>, vector<16xf32>,
          tpu.vector_store %arg14[%parallel_loop3A_595, %parallel_loop3A_596], %parallel_loop3A_594 {add = true, strides = array<i32>} : memref<128x256xf32, #tpu.memory_space<vmem>>, vector<16xf32>,
        } {sc.loop_unroll_factor = 2 : i64, sc.parallel_access}
      }
      %jit3A = arith.constant 128 : i32
      %div3A = arith.divsi %parallel_loop3A_392, %jit3A : i32
      %sign3A = arith.constant 0 : i32
      %sign3A_403 = arith.cmpi sgt, %parallel_loop3A_392, %sign3A : i32
      %sign3A_404 = arith.extui %sign3A_403 : i1 to i32
      %sign3A_405 = arith.constant 0 : i32
      %sign3A_406 = arith.cmpi slt, %parallel_loop3A_392, %sign3A_405 : i32
      %sign3A_407 = arith.extui %sign3A_406 : i1 to i32
      %sign3A_408 = arith.subi %sign3A_404, %sign3A_407 : i32
      %sign3A_409 = arith.constant 0 : i32
      %sign3A_410 = arith.cmpi sgt, %jit3A, %sign3A_409 : i32
      %sign3A_411 = arith.extui %sign3A_410 : i1 to i32
      %sign3A_412 = arith.constant 0 : i32
      %sign3A_413 = arith.cmpi slt, %jit3A, %sign3A_412 : i32
      %sign3A_414 = arith.extui %sign3A_413 : i1 to i32
      %sign3A_415 = arith.subi %sign3A_411, %sign3A_414 : i32
      %ne3A = arith.cmpi ne, %sign3A_408, %sign3A_415 : i32
      %rem3A = arith.remsi %parallel_loop3A_392, %jit3A : i32
      %ne3A_416 = arith.constant 0 : i32
      %ne3A_417 = arith.cmpi ne, %rem3A, %ne3A_416 : i32
      %and3A_418 = arith.andi %ne3A, %ne3A_417 : i1
      %sub3A_419 = arith.constant 1 : i32
      %sub3A_420 = arith.subi %div3A, %sub3A_419 : i32
      %select_n3A = arith.select %and3A_418, %sub3A_420, %div3A : i32
      %gt3A = arith.constant 0 : i32
      %gt3A_421 = arith.cmpi sgt, %select_n3A, %gt3A : i32
      %convert_element_type3A_422 = arith.extui %gt3A_421 : i1 to i32
      %cond3A_423 = arith.constant 0 : i32
      %cond3A_424 = arith.cmpi ne, %convert_element_type3A_422, %cond3A_423 : i32
      scf.if %cond3A_424 {
        %mul3A_433 = arith.constant 2304 : i32
        %mul3A_434 = arith.muli %and3A_224, %mul3A_433 : i32
        %add3A_435 = arith.constant 0 : i32
        %add3A_436 = arith.addi %mul3A_434, %add3A_435 : i32
        %dma_start3A_437 = arith.constant 0 : i32
        %dma_start3A_438 = arith.constant 0 : i32
        %dma_start3A_439 = arith.constant 0 : i32
        %dma_start3A_440 = tpu.memref_slice %arg13[%dma_start3A_437, %dma_start3A_438, %dma_start3A_439] : memref<2x128x256xf32, #tpu.memory_space<vmem>> -> memref<1x128x256xf32, #tpu.memory_space<vmem>>
        %dma_start3A_441 = tpu.memref_squeeze %dma_start3A_440 : memref<1x128x256xf32, #tpu.memory_space<vmem>> -> memref<128x256xf32, #tpu.memory_space<vmem>>
        %dma_start3A_442 = tpu.memref_slice %arg11[%add3A_436] : memref<4608xi32, #tpu.memory_space<vmem>> -> memref<128xi32, #tpu.memory_space<vmem>>
        %dma_start3A_443 = arith.constant 0 : i32
        %dma_start3A_444 = arith.constant 0 : i32
        %dma_start3A_445 = tpu.memref_slice %arg2[%dma_start3A_443, %dma_start3A_444] : memref<4096x256xf32, #tpu.memory_space<hbm>> -> memref<4096x256xf32, #tpu.memory_space<hbm>>
        tpu.enqueue_indirect_dma source(%dma_start3A_445 : memref<4096x256xf32, #tpu.memory_space<hbm>>) target(%dma_start3A_441 : memref<128x256xf32, #tpu.memory_space<vmem>>) offsets(%dma_start3A_442 : memref<128xi32, #tpu.memory_space<vmem>>) semaphore(%arg17 : memref<!tpu.dma_semaphore, #tpu.memory_space<semaphore_mem>>)
      } else {
      }
      %gt3A_425 = arith.constant 1 : i32
      %gt3A_426 = arith.cmpi sgt, %select_n3A, %gt3A_425 : i32
      %convert_element_type3A_427 = arith.extui %gt3A_426 : i1 to i32
      %cond3A_428 = arith.constant 0 : i32
      %cond3A_429 = arith.cmpi ne, %convert_element_type3A_427, %cond3A_428 : i32
      scf.if %cond3A_429 {
        %mul3A_433 = arith.constant 2304 : i32
        %mul3A_434 = arith.muli %and3A_224, %mul3A_433 : i32
        %add3A_435 = arith.constant 128 : i32
        %add3A_436 = arith.addi %mul3A_434, %add3A_435 : i32
        %dma_start3A_437 = arith.constant 1 : i32
        %dma_start3A_438 = arith.constant 0 : i32
        %dma_start3A_439 = arith.constant 0 : i32
        %dma_start3A_440 = tpu.memref_slice %arg13[%dma_start3A_437, %dma_start3A_438, %dma_start3A_439] : memref<2x128x256xf32, #tpu.memory_space<vmem>> -> memref<1x128x256xf32, #tpu.memory_space<vmem>>
        %dma_start3A_441 = tpu.memref_squeeze %dma_start3A_440 : memref<1x128x256xf32, #tpu.memory_space<vmem>> -> memref<128x256xf32, #tpu.memory_space<vmem>>
        %dma_start3A_442 = tpu.memref_slice %arg11[%add3A_436] : memref<4608xi32, #tpu.memory_space<vmem>> -> memref<128xi32, #tpu.memory_space<vmem>>
        %dma_start3A_443 = arith.constant 0 : i32
        %dma_start3A_444 = arith.constant 0 : i32
        %dma_start3A_445 = tpu.memref_slice %arg2[%dma_start3A_443, %dma_start3A_444] : memref<4096x256xf32, #tpu.memory_space<hbm>> -> memref<4096x256xf32, #tpu.memory_space<hbm>>
        tpu.enqueue_indirect_dma source(%dma_start3A_445 : memref<4096x256xf32, #tpu.memory_space<hbm>>) target(%dma_start3A_441 : memref<128x256xf32, #tpu.memory_space<vmem>>) offsets(%dma_start3A_442 : memref<128xi32, #tpu.memory_space<vmem>>) semaphore(%arg18 : memref<!tpu.dma_semaphore, #tpu.memory_space<semaphore_mem>>)
      } else {
      }
      %mul3A_430 = arith.constant 128 : i32
      %mul3A_431 = arith.muli %select_n3A, %mul3A_430 : i32
      %sub3A_432 = arith.subi %parallel_loop3A_392, %mul3A_431 : i32
      scf.yield %sub3A_432, %select_n3A : i32, i32
    }
    %scan3A_56 = arith.constant 82 : i32
    %while3A = arith.constant 0 : i32
    %while3A_57 = arith.constant 0 : i32
    %while3A_58 = arith.subi %scan3A_55#1, %while3A_57 : i32
    %while3A_59 = arith.addi %while3A_57, %while3A_58 : i32
    %while3A_60 = arith.constant 1 : i32
    %while3A_61 = arith.divsi %while3A_58, %while3A_60 : i32
    %while3A_62 = arith.muli %while3A_61, %while3A_60 : i32
    %while3A_63 = arith.addi %while3A_57, %while3A_62 : i32
    %while3A_64 = arith.constant 1 : i32
    scf.for %while3A_220 = %while3A_57 to %while3A_63 step %while3A_64  : i32 {
      %and3A_221 = arith.constant 1 : i32
      %and3A_222 = arith.andi %while3A_220, %and3A_221 : i32
      %ge3A = arith.constant 2 : i32
      %ge3A_223 = arith.cmpi sge, %while3A_220, %ge3A : i32
      %convert_element_type3A_224 = arith.extui %ge3A_223 : i1 to i32
      %cond3A_225 = arith.constant 0 : i32
      %cond3A_226 = arith.cmpi ne, %convert_element_type3A_224, %cond3A_225 : i32
      scf.if %cond3A_226 {
        %mul3A_248 = arith.constant 128 : i32
        %mul3A_249 = arith.muli %while3A_220, %mul3A_248 : i32
        %add3A_250 = arith.constant 2304 : i32
        %add3A_251 = arith.addi %add3A_250, %mul3A_249 : i32
        %eq3A_252 = arith.constant 0 : i32
        %eq3A_253 = arith.cmpi eq, %and3A_222, %eq3A_252 : i32
        %convert_element_type3A_254 = arith.extui %eq3A_253 : i1 to i32
        %cond3A_255 = arith.constant 0 : i32
        %cond3A_256 = arith.cmpi ne, %convert_element_type3A_254, %cond3A_255 : i32
        scf.if %cond3A_256 {
          %dma_start3A_262 = arith.constant 0 : i32
          %dma_start3A_263 = arith.constant 0 : i32
          %dma_start3A_264 = arith.constant 0 : i32
          %dma_start3A_265 = tpu.memref_slice %arg13[%dma_start3A_262, %dma_start3A_263, %dma_start3A_264] : memref<2x128x256xf32, #tpu.memory_space<vmem>> -> memref<1x128x256xf32, #tpu.memory_space<vmem>>
          %dma_start3A_266 = tpu.memref_squeeze %dma_start3A_265 : memref<1x128x256xf32, #tpu.memory_space<vmem>> -> memref<128x256xf32, #tpu.memory_space<vmem>>
          %dma_start3A_267 = tpu.memref_slice %arg11[%add3A_251] : memref<4608xi32, #tpu.memory_space<vmem>> -> memref<128xi32, #tpu.memory_space<vmem>>
          %dma_start3A_268 = arith.constant 0 : i32
          %dma_start3A_269 = arith.constant 0 : i32
          %dma_start3A_270 = tpu.memref_slice %arg2[%dma_start3A_268, %dma_start3A_269] : memref<4096x256xf32, #tpu.memory_space<hbm>> -> memref<4096x256xf32, #tpu.memory_space<hbm>>
          tpu.enqueue_indirect_dma source(%dma_start3A_270 : memref<4096x256xf32, #tpu.memory_space<hbm>>) target(%dma_start3A_266 : memref<128x256xf32, #tpu.memory_space<vmem>>) offsets(%dma_start3A_267 : memref<128xi32, #tpu.memory_space<vmem>>) semaphore(%arg17 : memref<!tpu.dma_semaphore, #tpu.memory_space<semaphore_mem>>)
        } else {
        }
        %eq3A_257 = arith.constant 1 : i32
        %eq3A_258 = arith.cmpi eq, %and3A_222, %eq3A_257 : i32
        %convert_element_type3A_259 = arith.extui %eq3A_258 : i1 to i32
        %cond3A_260 = arith.constant 0 : i32
        %cond3A_261 = arith.cmpi ne, %convert_element_type3A_259, %cond3A_260 : i32
        scf.if %cond3A_261 {
          %dma_start3A_262 = arith.constant 1 : i32
          %dma_start3A_263 = arith.constant 0 : i32
          %dma_start3A_264 = arith.constant 0 : i32
          %dma_start3A_265 = tpu.memref_slice %arg13[%dma_start3A_262, %dma_start3A_263, %dma_start3A_264] : memref<2x128x256xf32, #tpu.memory_space<vmem>> -> memref<1x128x256xf32, #tpu.memory_space<vmem>>
          %dma_start3A_266 = tpu.memref_squeeze %dma_start3A_265 : memref<1x128x256xf32, #tpu.memory_space<vmem>> -> memref<128x256xf32, #tpu.memory_space<vmem>>
          %dma_start3A_267 = tpu.memref_slice %arg11[%add3A_251] : memref<4608xi32, #tpu.memory_space<vmem>> -> memref<128xi32, #tpu.memory_space<vmem>>
          %dma_start3A_268 = arith.constant 0 : i32
          %dma_start3A_269 = arith.constant 0 : i32
          %dma_start3A_270 = tpu.memref_slice %arg2[%dma_start3A_268, %dma_start3A_269] : memref<4096x256xf32, #tpu.memory_space<hbm>> -> memref<4096x256xf32, #tpu.memory_space<hbm>>
          tpu.enqueue_indirect_dma source(%dma_start3A_270 : memref<4096x256xf32, #tpu.memory_space<hbm>>) target(%dma_start3A_266 : memref<128x256xf32, #tpu.memory_space<vmem>>) offsets(%dma_start3A_267 : memref<128xi32, #tpu.memory_space<vmem>>) semaphore(%arg18 : memref<!tpu.dma_semaphore, #tpu.memory_space<semaphore_mem>>)
        } else {
        }
      } else {
      }
      %mul3A_227 = arith.constant 128 : i32
      %mul3A_228 = arith.muli %while3A_220, %mul3A_227 : i32
      %add3A_229 = arith.constant 2304 : i32
      %add3A_230 = arith.addi %add3A_229, %mul3A_228 : i32
      %eq3A_231 = arith.constant 0 : i32
      %eq3A_232 = arith.cmpi eq, %and3A_222, %eq3A_231 : i32
      %convert_element_type3A_233 = arith.extui %eq3A_232 : i1 to i32
      %cond3A_234 = arith.constant 0 : i32
      %cond3A_235 = arith.cmpi ne, %convert_element_type3A_233, %cond3A_234 : i32
      scf.if %cond3A_235 {
        %dma_wait3A = arith.constant 0 : i32
        %dma_wait3A_248 = arith.constant 0 : i32
        %dma_wait3A_249 = arith.constant 0 : i32
        %dma_wait3A_250 = tpu.memref_slice %arg13[%dma_wait3A, %dma_wait3A_248, %dma_wait3A_249] : memref<2x128x256xf32, #tpu.memory_space<vmem>> -> memref<1x128x256xf32, #tpu.memory_space<vmem>>
        %dma_wait3A_251 = tpu.memref_squeeze %dma_wait3A_250 : memref<1x128x256xf32, #tpu.memory_space<vmem>> -> memref<128x256xf32, #tpu.memory_space<vmem>>
        %dma_wait3A_252 = tpu.memref_slice %arg11[%add3A_230] : memref<4608xi32, #tpu.memory_space<vmem>> -> memref<128xi32, #tpu.memory_space<vmem>>
        %dma_wait3A_253 = arith.constant 0 : i32
        %dma_wait3A_254 = arith.constant 0 : i32
        %dma_wait3A_255 = tpu.memref_slice %arg2[%dma_wait3A_253, %dma_wait3A_254] : memref<4096x256xf32, #tpu.memory_space<hbm>> -> memref<4096x256xf32, #tpu.memory_space<hbm>>
        tpu.wait_indirect_dma semaphore(%arg17 : memref<!tpu.dma_semaphore, #tpu.memory_space<semaphore_mem>>) src(%dma_wait3A_255 : memref<4096x256xf32, #tpu.memory_space<hbm>>) dst(%dma_wait3A_251 : memref<128x256xf32, #tpu.memory_space<vmem>>)
      } else {
      }
      %eq3A_236 = arith.constant 1 : i32
      %eq3A_237 = arith.cmpi eq, %and3A_222, %eq3A_236 : i32
      %convert_element_type3A_238 = arith.extui %eq3A_237 : i1 to i32
      %cond3A_239 = arith.constant 0 : i32
      %cond3A_240 = arith.cmpi ne, %convert_element_type3A_238, %cond3A_239 : i32
      scf.if %cond3A_240 {
        %dma_wait3A = arith.constant 1 : i32
        %dma_wait3A_248 = arith.constant 0 : i32
        %dma_wait3A_249 = arith.constant 0 : i32
        %dma_wait3A_250 = tpu.memref_slice %arg13[%dma_wait3A, %dma_wait3A_248, %dma_wait3A_249] : memref<2x128x256xf32, #tpu.memory_space<vmem>> -> memref<1x128x256xf32, #tpu.memory_space<vmem>>
        %dma_wait3A_251 = tpu.memref_squeeze %dma_wait3A_250 : memref<1x128x256xf32, #tpu.memory_space<vmem>> -> memref<128x256xf32, #tpu.memory_space<vmem>>
        %dma_wait3A_252 = tpu.memref_slice %arg11[%add3A_230] : memref<4608xi32, #tpu.memory_space<vmem>> -> memref<128xi32, #tpu.memory_space<vmem>>
        %dma_wait3A_253 = arith.constant 0 : i32
        %dma_wait3A_254 = arith.constant 0 : i32
        %dma_wait3A_255 = tpu.memref_slice %arg2[%dma_wait3A_253, %dma_wait3A_254] : memref<4096x256xf32, #tpu.memory_space<hbm>> -> memref<4096x256xf32, #tpu.memory_space<hbm>>
        tpu.wait_indirect_dma semaphore(%arg18 : memref<!tpu.dma_semaphore, #tpu.memory_space<semaphore_mem>>) src(%dma_wait3A_255 : memref<4096x256xf32, #tpu.memory_space<hbm>>) dst(%dma_wait3A_251 : memref<128x256xf32, #tpu.memory_space<vmem>>)
      } else {
      }
      %mul3A_241 = arith.constant 128 : i32
      %mul3A_242 = arith.muli %while3A_220, %mul3A_241 : i32
      %add3A_243 = arith.constant 2304 : i32
      %add3A_244 = arith.addi %add3A_243, %mul3A_242 : i32
      %parallel_loop3A_245 = arith.constant 0 : i32
      %parallel_loop3A_246 = arith.constant 128 : i32
      %parallel_loop3A_247 = arith.constant 1 : i32
      scf.for %parallel_loop3A_248 = %parallel_loop3A_245 to %parallel_loop3A_246 step %parallel_loop3A_247  : i32 {
        %parallel_loop3A_249 = arith.addi %add3A_244, %parallel_loop3A_248 : i32
        %parallel_loop3A_250 = vector.broadcast %parallel_loop3A_249 : i32 to vector<16xi32>
        %parallel_loop3A_251 = tpu.vector_load_idx %arg12[%parallel_loop3A_250] : memref<4608xf32, #tpu.memory_space<vmem>>[vector<16xi32>], vector<16xf32>,
        %parallel_loop3A_252 = tpu.vector_load_idx %arg10[%parallel_loop3A_250] : memref<4608xi32, #tpu.memory_space<vmem>>[vector<16xi32>], vector<16xi32>,
        %parallel_loop3A_253 = vector.extract_strided_slice %parallel_loop3A_252 {offsets = [0], sizes = [1], strides = [1]} : vector<16xi32> to vector<1xi32>
        %parallel_loop3A_254 = vector.extract %parallel_loop3A_253[0] : i32 from vector<1xi32>
        %parallel_loop3A_255 = arith.index_cast %and3A_222 : i32 to index
        %parallel_loop3A_256 = arith.index_cast %parallel_loop3A_248 : i32 to index
        %parallel_loop3A_257 = arith.constant 0 : index
        %parallel_loop3A_258 = tpu.vector_load %arg13[%parallel_loop3A_255, %parallel_loop3A_256, %parallel_loop3A_257] {strides = array<i32>} : memref<2x128x256xf32, #tpu.memory_space<vmem>>, vector<16xf32>,
        %parallel_loop3A_259 = arith.mulf %parallel_loop3A_258, %parallel_loop3A_251 : vector<16xf32>
        %parallel_loop3A_260 = arith.index_cast %parallel_loop3A_254 : i32 to index
        %parallel_loop3A_261 = arith.constant 0 : index
        %parallel_loop3A_262 = tpu.vector_load %arg14[%parallel_loop3A_260, %parallel_loop3A_261] {strides = array<i32>} : memref<128x256xf32, #tpu.memory_space<vmem>>, vector<16xf32>,
        tpu.vector_store %arg14[%parallel_loop3A_260, %parallel_loop3A_261], %parallel_loop3A_259 {add = true, strides = array<i32>} : memref<128x256xf32, #tpu.memory_space<vmem>>, vector<16xf32>,
        %parallel_loop3A_263 = arith.index_cast %and3A_222 : i32 to index
        %parallel_loop3A_264 = arith.index_cast %parallel_loop3A_248 : i32 to index
        %parallel_loop3A_265 = arith.constant 16 : index
        %parallel_loop3A_266 = tpu.vector_load %arg13[%parallel_loop3A_263, %parallel_loop3A_264, %parallel_loop3A_265] {strides = array<i32>} : memref<2x128x256xf32, #tpu.memory_space<vmem>>, vector<16xf32>,
        %parallel_loop3A_267 = arith.mulf %parallel_loop3A_266, %parallel_loop3A_251 : vector<16xf32>
        %parallel_loop3A_268 = arith.index_cast %parallel_loop3A_254 : i32 to index
        %parallel_loop3A_269 = arith.constant 16 : index
        %parallel_loop3A_270 = tpu.vector_load %arg14[%parallel_loop3A_268, %parallel_loop3A_269] {strides = array<i32>} : memref<128x256xf32, #tpu.memory_space<vmem>>, vector<16xf32>,
        tpu.vector_store %arg14[%parallel_loop3A_268, %parallel_loop3A_269], %parallel_loop3A_267 {add = true, strides = array<i32>} : memref<128x256xf32, #tpu.memory_space<vmem>>, vector<16xf32>,
        %parallel_loop3A_271 = arith.index_cast %and3A_222 : i32 to index
        %parallel_loop3A_272 = arith.index_cast %parallel_loop3A_248 : i32 to index
        %parallel_loop3A_273 = arith.constant 32 : index
        %parallel_loop3A_274 = tpu.vector_load %arg13[%parallel_loop3A_271, %parallel_loop3A_272, %parallel_loop3A_273] {strides = array<i32>} : memref<2x128x256xf32, #tpu.memory_space<vmem>>, vector<16xf32>,
        %parallel_loop3A_275 = arith.mulf %parallel_loop3A_274, %parallel_loop3A_251 : vector<16xf32>
        %parallel_loop3A_276 = arith.index_cast %parallel_loop3A_254 : i32 to index
        %parallel_loop3A_277 = arith.constant 32 : index
        %parallel_loop3A_278 = tpu.vector_load %arg14[%parallel_loop3A_276, %parallel_loop3A_277] {strides = array<i32>} : memref<128x256xf32, #tpu.memory_space<vmem>>, vector<16xf32>,
        tpu.vector_store %arg14[%parallel_loop3A_276, %parallel_loop3A_277], %parallel_loop3A_275 {add = true, strides = array<i32>} : memref<128x256xf32, #tpu.memory_space<vmem>>, vector<16xf32>,
        %parallel_loop3A_279 = arith.index_cast %and3A_222 : i32 to index
        %parallel_loop3A_280 = arith.index_cast %parallel_loop3A_248 : i32 to index
        %parallel_loop3A_281 = arith.constant 48 : index
        %parallel_loop3A_282 = tpu.vector_load %arg13[%parallel_loop3A_279, %parallel_loop3A_280, %parallel_loop3A_281] {strides = array<i32>} : memref<2x128x256xf32, #tpu.memory_space<vmem>>, vector<16xf32>,
        %parallel_loop3A_283 = arith.mulf %parallel_loop3A_282, %parallel_loop3A_251 : vector<16xf32>
        %parallel_loop3A_284 = arith.index_cast %parallel_loop3A_254 : i32 to index
        %parallel_loop3A_285 = arith.constant 48 : index
        %parallel_loop3A_286 = tpu.vector_load %arg14[%parallel_loop3A_284, %parallel_loop3A_285] {strides = array<i32>} : memref<128x256xf32, #tpu.memory_space<vmem>>, vector<16xf32>,
        tpu.vector_store %arg14[%parallel_loop3A_284, %parallel_loop3A_285], %parallel_loop3A_283 {add = true, strides = array<i32>} : memref<128x256xf32, #tpu.memory_space<vmem>>, vector<16xf32>,
        %parallel_loop3A_287 = arith.index_cast %and3A_222 : i32 to index
        %parallel_loop3A_288 = arith.index_cast %parallel_loop3A_248 : i32 to index
        %parallel_loop3A_289 = arith.constant 64 : index
        %parallel_loop3A_290 = tpu.vector_load %arg13[%parallel_loop3A_287, %parallel_loop3A_288, %parallel_loop3A_289] {strides = array<i32>} : memref<2x128x256xf32, #tpu.memory_space<vmem>>, vector<16xf32>,
        %parallel_loop3A_291 = arith.mulf %parallel_loop3A_290, %parallel_loop3A_251 : vector<16xf32>
        %parallel_loop3A_292 = arith.index_cast %parallel_loop3A_254 : i32 to index
        %parallel_loop3A_293 = arith.constant 64 : index
        %parallel_loop3A_294 = tpu.vector_load %arg14[%parallel_loop3A_292, %parallel_loop3A_293] {strides = array<i32>} : memref<128x256xf32, #tpu.memory_space<vmem>>, vector<16xf32>,
        tpu.vector_store %arg14[%parallel_loop3A_292, %parallel_loop3A_293], %parallel_loop3A_291 {add = true, strides = array<i32>} : memref<128x256xf32, #tpu.memory_space<vmem>>, vector<16xf32>,
        %parallel_loop3A_295 = arith.index_cast %and3A_222 : i32 to index
        %parallel_loop3A_296 = arith.index_cast %parallel_loop3A_248 : i32 to index
        %parallel_loop3A_297 = arith.constant 80 : index
        %parallel_loop3A_298 = tpu.vector_load %arg13[%parallel_loop3A_295, %parallel_loop3A_296, %parallel_loop3A_297] {strides = array<i32>} : memref<2x128x256xf32, #tpu.memory_space<vmem>>, vector<16xf32>,
        %parallel_loop3A_299 = arith.mulf %parallel_loop3A_298, %parallel_loop3A_251 : vector<16xf32>
        %parallel_loop3A_300 = arith.index_cast %parallel_loop3A_254 : i32 to index
        %parallel_loop3A_301 = arith.constant 80 : index
        %parallel_loop3A_302 = tpu.vector_load %arg14[%parallel_loop3A_300, %parallel_loop3A_301] {strides = array<i32>} : memref<128x256xf32, #tpu.memory_space<vmem>>, vector<16xf32>,
        tpu.vector_store %arg14[%parallel_loop3A_300, %parallel_loop3A_301], %parallel_loop3A_299 {add = true, strides = array<i32>} : memref<128x256xf32, #tpu.memory_space<vmem>>, vector<16xf32>,
        %parallel_loop3A_303 = arith.index_cast %and3A_222 : i32 to index
        %parallel_loop3A_304 = arith.index_cast %parallel_loop3A_248 : i32 to index
        %parallel_loop3A_305 = arith.constant 96 : index
        %parallel_loop3A_306 = tpu.vector_load %arg13[%parallel_loop3A_303, %parallel_loop3A_304, %parallel_loop3A_305] {strides = array<i32>} : memref<2x128x256xf32, #tpu.memory_space<vmem>>, vector<16xf32>,
        %parallel_loop3A_307 = arith.mulf %parallel_loop3A_306, %parallel_loop3A_251 : vector<16xf32>
        %parallel_loop3A_308 = arith.index_cast %parallel_loop3A_254 : i32 to index
        %parallel_loop3A_309 = arith.constant 96 : index
        %parallel_loop3A_310 = tpu.vector_load %arg14[%parallel_loop3A_308, %parallel_loop3A_309] {strides = array<i32>} : memref<128x256xf32, #tpu.memory_space<vmem>>, vector<16xf32>,
        tpu.vector_store %arg14[%parallel_loop3A_308, %parallel_loop3A_309], %parallel_loop3A_307 {add = true, strides = array<i32>} : memref<128x256xf32, #tpu.memory_space<vmem>>, vector<16xf32>,
        %parallel_loop3A_311 = arith.index_cast %and3A_222 : i32 to index
        %parallel_loop3A_312 = arith.index_cast %parallel_loop3A_248 : i32 to index
        %parallel_loop3A_313 = arith.constant 112 : index
        %parallel_loop3A_314 = tpu.vector_load %arg13[%parallel_loop3A_311, %parallel_loop3A_312, %parallel_loop3A_313] {strides = array<i32>} : memref<2x128x256xf32, #tpu.memory_space<vmem>>, vector<16xf32>,
        %parallel_loop3A_315 = arith.mulf %parallel_loop3A_314, %parallel_loop3A_251 : vector<16xf32>
        %parallel_loop3A_316 = arith.index_cast %parallel_loop3A_254 : i32 to index
        %parallel_loop3A_317 = arith.constant 112 : index
        %parallel_loop3A_318 = tpu.vector_load %arg14[%parallel_loop3A_316, %parallel_loop3A_317] {strides = array<i32>} : memref<128x256xf32, #tpu.memory_space<vmem>>, vector<16xf32>,
        tpu.vector_store %arg14[%parallel_loop3A_316, %parallel_loop3A_317], %parallel_loop3A_315 {add = true, strides = array<i32>} : memref<128x256xf32, #tpu.memory_space<vmem>>, vector<16xf32>,
        %parallel_loop3A_319 = arith.index_cast %and3A_222 : i32 to index
        %parallel_loop3A_320 = arith.index_cast %parallel_loop3A_248 : i32 to index
        %parallel_loop3A_321 = arith.constant 128 : index
        %parallel_loop3A_322 = tpu.vector_load %arg13[%parallel_loop3A_319, %parallel_loop3A_320, %parallel_loop3A_321] {strides = array<i32>} : memref<2x128x256xf32, #tpu.memory_space<vmem>>, vector<16xf32>,
        %parallel_loop3A_323 = arith.mulf %parallel_loop3A_322, %parallel_loop3A_251 : vector<16xf32>
        %parallel_loop3A_324 = arith.index_cast %parallel_loop3A_254 : i32 to index
        %parallel_loop3A_325 = arith.constant 128 : index
        %parallel_loop3A_326 = tpu.vector_load %arg14[%parallel_loop3A_324, %parallel_loop3A_325] {strides = array<i32>} : memref<128x256xf32, #tpu.memory_space<vmem>>, vector<16xf32>,
        tpu.vector_store %arg14[%parallel_loop3A_324, %parallel_loop3A_325], %parallel_loop3A_323 {add = true, strides = array<i32>} : memref<128x256xf32, #tpu.memory_space<vmem>>, vector<16xf32>,
        %parallel_loop3A_327 = arith.index_cast %and3A_222 : i32 to index
        %parallel_loop3A_328 = arith.index_cast %parallel_loop3A_248 : i32 to index
        %parallel_loop3A_329 = arith.constant 144 : index
        %parallel_loop3A_330 = tpu.vector_load %arg13[%parallel_loop3A_327, %parallel_loop3A_328, %parallel_loop3A_329] {strides = array<i32>} : memref<2x128x256xf32, #tpu.memory_space<vmem>>, vector<16xf32>,
        %parallel_loop3A_331 = arith.mulf %parallel_loop3A_330, %parallel_loop3A_251 : vector<16xf32>
        %parallel_loop3A_332 = arith.index_cast %parallel_loop3A_254 : i32 to index
        %parallel_loop3A_333 = arith.constant 144 : index
        %parallel_loop3A_334 = tpu.vector_load %arg14[%parallel_loop3A_332, %parallel_loop3A_333] {strides = array<i32>} : memref<128x256xf32, #tpu.memory_space<vmem>>, vector<16xf32>,
        tpu.vector_store %arg14[%parallel_loop3A_332, %parallel_loop3A_333], %parallel_loop3A_331 {add = true, strides = array<i32>} : memref<128x256xf32, #tpu.memory_space<vmem>>, vector<16xf32>,
        %parallel_loop3A_335 = arith.index_cast %and3A_222 : i32 to index
        %parallel_loop3A_336 = arith.index_cast %parallel_loop3A_248 : i32 to index
        %parallel_loop3A_337 = arith.constant 160 : index
        %parallel_loop3A_338 = tpu.vector_load %arg13[%parallel_loop3A_335, %parallel_loop3A_336, %parallel_loop3A_337] {strides = array<i32>} : memref<2x128x256xf32, #tpu.memory_space<vmem>>, vector<16xf32>,
        %parallel_loop3A_339 = arith.mulf %parallel_loop3A_338, %parallel_loop3A_251 : vector<16xf32>
        %parallel_loop3A_340 = arith.index_cast %parallel_loop3A_254 : i32 to index
        %parallel_loop3A_341 = arith.constant 160 : index
        %parallel_loop3A_342 = tpu.vector_load %arg14[%parallel_loop3A_340, %parallel_loop3A_341] {strides = array<i32>} : memref<128x256xf32, #tpu.memory_space<vmem>>, vector<16xf32>,
        tpu.vector_store %arg14[%parallel_loop3A_340, %parallel_loop3A_341], %parallel_loop3A_339 {add = true, strides = array<i32>} : memref<128x256xf32, #tpu.memory_space<vmem>>, vector<16xf32>,
        %parallel_loop3A_343 = arith.index_cast %and3A_222 : i32 to index
        %parallel_loop3A_344 = arith.index_cast %parallel_loop3A_248 : i32 to index
        %parallel_loop3A_345 = arith.constant 176 : index
        %parallel_loop3A_346 = tpu.vector_load %arg13[%parallel_loop3A_343, %parallel_loop3A_344, %parallel_loop3A_345] {strides = array<i32>} : memref<2x128x256xf32, #tpu.memory_space<vmem>>, vector<16xf32>,
        %parallel_loop3A_347 = arith.mulf %parallel_loop3A_346, %parallel_loop3A_251 : vector<16xf32>
        %parallel_loop3A_348 = arith.index_cast %parallel_loop3A_254 : i32 to index
        %parallel_loop3A_349 = arith.constant 176 : index
        %parallel_loop3A_350 = tpu.vector_load %arg14[%parallel_loop3A_348, %parallel_loop3A_349] {strides = array<i32>} : memref<128x256xf32, #tpu.memory_space<vmem>>, vector<16xf32>,
        tpu.vector_store %arg14[%parallel_loop3A_348, %parallel_loop3A_349], %parallel_loop3A_347 {add = true, strides = array<i32>} : memref<128x256xf32, #tpu.memory_space<vmem>>, vector<16xf32>,
        %parallel_loop3A_351 = arith.index_cast %and3A_222 : i32 to index
        %parallel_loop3A_352 = arith.index_cast %parallel_loop3A_248 : i32 to index
        %parallel_loop3A_353 = arith.constant 192 : index
        %parallel_loop3A_354 = tpu.vector_load %arg13[%parallel_loop3A_351, %parallel_loop3A_352, %parallel_loop3A_353] {strides = array<i32>} : memref<2x128x256xf32, #tpu.memory_space<vmem>>, vector<16xf32>,
        %parallel_loop3A_355 = arith.mulf %parallel_loop3A_354, %parallel_loop3A_251 : vector<16xf32>
        %parallel_loop3A_356 = arith.index_cast %parallel_loop3A_254 : i32 to index
        %parallel_loop3A_357 = arith.constant 192 : index
        %parallel_loop3A_358 = tpu.vector_load %arg14[%parallel_loop3A_356, %parallel_loop3A_357] {strides = array<i32>} : memref<128x256xf32, #tpu.memory_space<vmem>>, vector<16xf32>,
        tpu.vector_store %arg14[%parallel_loop3A_356, %parallel_loop3A_357], %parallel_loop3A_355 {add = true, strides = array<i32>} : memref<128x256xf32, #tpu.memory_space<vmem>>, vector<16xf32>,
        %parallel_loop3A_359 = arith.index_cast %and3A_222 : i32 to index
        %parallel_loop3A_360 = arith.index_cast %parallel_loop3A_248 : i32 to index
        %parallel_loop3A_361 = arith.constant 208 : index
        %parallel_loop3A_362 = tpu.vector_load %arg13[%parallel_loop3A_359, %parallel_loop3A_360, %parallel_loop3A_361] {strides = array<i32>} : memref<2x128x256xf32, #tpu.memory_space<vmem>>, vector<16xf32>,
        %parallel_loop3A_363 = arith.mulf %parallel_loop3A_362, %parallel_loop3A_251 : vector<16xf32>
        %parallel_loop3A_364 = arith.index_cast %parallel_loop3A_254 : i32 to index
        %parallel_loop3A_365 = arith.constant 208 : index
        %parallel_loop3A_366 = tpu.vector_load %arg14[%parallel_loop3A_364, %parallel_loop3A_365] {strides = array<i32>} : memref<128x256xf32, #tpu.memory_space<vmem>>, vector<16xf32>,
        tpu.vector_store %arg14[%parallel_loop3A_364, %parallel_loop3A_365], %parallel_loop3A_363 {add = true, strides = array<i32>} : memref<128x256xf32, #tpu.memory_space<vmem>>, vector<16xf32>,
        %parallel_loop3A_367 = arith.index_cast %and3A_222 : i32 to index
        %parallel_loop3A_368 = arith.index_cast %parallel_loop3A_248 : i32 to index
        %parallel_loop3A_369 = arith.constant 224 : index
        %parallel_loop3A_370 = tpu.vector_load %arg13[%parallel_loop3A_367, %parallel_loop3A_368, %parallel_loop3A_369] {strides = array<i32>} : memref<2x128x256xf32, #tpu.memory_space<vmem>>, vector<16xf32>,
        %parallel_loop3A_371 = arith.mulf %parallel_loop3A_370, %parallel_loop3A_251 : vector<16xf32>
        %parallel_loop3A_372 = arith.index_cast %parallel_loop3A_254 : i32 to index
        %parallel_loop3A_373 = arith.constant 224 : index
        %parallel_loop3A_374 = tpu.vector_load %arg14[%parallel_loop3A_372, %parallel_loop3A_373] {strides = array<i32>} : memref<128x256xf32, #tpu.memory_space<vmem>>, vector<16xf32>,
        tpu.vector_store %arg14[%parallel_loop3A_372, %parallel_loop3A_373], %parallel_loop3A_371 {add = true, strides = array<i32>} : memref<128x256xf32, #tpu.memory_space<vmem>>, vector<16xf32>,
        %parallel_loop3A_375 = arith.index_cast %and3A_222 : i32 to index
        %parallel_loop3A_376 = arith.index_cast %parallel_loop3A_248 : i32 to index
        %parallel_loop3A_377 = arith.constant 240 : index
        %parallel_loop3A_378 = tpu.vector_load %arg13[%parallel_loop3A_375, %parallel_loop3A_376, %parallel_loop3A_377] {strides = array<i32>} : memref<2x128x256xf32, #tpu.memory_space<vmem>>, vector<16xf32>,
        %parallel_loop3A_379 = arith.mulf %parallel_loop3A_378, %parallel_loop3A_251 : vector<16xf32>
        %parallel_loop3A_380 = arith.index_cast %parallel_loop3A_254 : i32 to index
        %parallel_loop3A_381 = arith.constant 240 : index
        %parallel_loop3A_382 = tpu.vector_load %arg14[%parallel_loop3A_380, %parallel_loop3A_381] {strides = array<i32>} : memref<128x256xf32, #tpu.memory_space<vmem>>, vector<16xf32>,
        tpu.vector_store %arg14[%parallel_loop3A_380, %parallel_loop3A_381], %parallel_loop3A_379 {add = true, strides = array<i32>} : memref<128x256xf32, #tpu.memory_space<vmem>>, vector<16xf32>,
      } {sc.loop_unroll_factor = 2 : i64, sc.parallel_access}
    }
    %while3A_65 = arith.constant 1 : i32
    scf.for %while3A_220 = %while3A_63 to %while3A_59 step %while3A_65  : i32 {
      %and3A_221 = arith.constant 1 : i32
      %and3A_222 = arith.andi %while3A_220, %and3A_221 : i32
      %ge3A = arith.constant 2 : i32
      %ge3A_223 = arith.cmpi sge, %while3A_220, %ge3A : i32
      %convert_element_type3A_224 = arith.extui %ge3A_223 : i1 to i32
      %cond3A_225 = arith.constant 0 : i32
      %cond3A_226 = arith.cmpi ne, %convert_element_type3A_224, %cond3A_225 : i32
      scf.if %cond3A_226 {
        %mul3A_248 = arith.constant 128 : i32
        %mul3A_249 = arith.muli %while3A_220, %mul3A_248 : i32
        %add3A_250 = arith.constant 2304 : i32
        %add3A_251 = arith.addi %add3A_250, %mul3A_249 : i32
        %eq3A_252 = arith.constant 0 : i32
        %eq3A_253 = arith.cmpi eq, %and3A_222, %eq3A_252 : i32
        %convert_element_type3A_254 = arith.extui %eq3A_253 : i1 to i32
        %cond3A_255 = arith.constant 0 : i32
        %cond3A_256 = arith.cmpi ne, %convert_element_type3A_254, %cond3A_255 : i32
        scf.if %cond3A_256 {
          %dma_start3A_262 = arith.constant 0 : i32
          %dma_start3A_263 = arith.constant 0 : i32
          %dma_start3A_264 = arith.constant 0 : i32
          %dma_start3A_265 = tpu.memref_slice %arg13[%dma_start3A_262, %dma_start3A_263, %dma_start3A_264] : memref<2x128x256xf32, #tpu.memory_space<vmem>> -> memref<1x128x256xf32, #tpu.memory_space<vmem>>
          %dma_start3A_266 = tpu.memref_squeeze %dma_start3A_265 : memref<1x128x256xf32, #tpu.memory_space<vmem>> -> memref<128x256xf32, #tpu.memory_space<vmem>>
          %dma_start3A_267 = tpu.memref_slice %arg11[%add3A_251] : memref<4608xi32, #tpu.memory_space<vmem>> -> memref<128xi32, #tpu.memory_space<vmem>>
          %dma_start3A_268 = arith.constant 0 : i32
          %dma_start3A_269 = arith.constant 0 : i32
          %dma_start3A_270 = tpu.memref_slice %arg2[%dma_start3A_268, %dma_start3A_269] : memref<4096x256xf32, #tpu.memory_space<hbm>> -> memref<4096x256xf32, #tpu.memory_space<hbm>>
          tpu.enqueue_indirect_dma source(%dma_start3A_270 : memref<4096x256xf32, #tpu.memory_space<hbm>>) target(%dma_start3A_266 : memref<128x256xf32, #tpu.memory_space<vmem>>) offsets(%dma_start3A_267 : memref<128xi32, #tpu.memory_space<vmem>>) semaphore(%arg17 : memref<!tpu.dma_semaphore, #tpu.memory_space<semaphore_mem>>)
        } else {
        }
        %eq3A_257 = arith.constant 1 : i32
        %eq3A_258 = arith.cmpi eq, %and3A_222, %eq3A_257 : i32
        %convert_element_type3A_259 = arith.extui %eq3A_258 : i1 to i32
        %cond3A_260 = arith.constant 0 : i32
        %cond3A_261 = arith.cmpi ne, %convert_element_type3A_259, %cond3A_260 : i32
        scf.if %cond3A_261 {
          %dma_start3A_262 = arith.constant 1 : i32
          %dma_start3A_263 = arith.constant 0 : i32
          %dma_start3A_264 = arith.constant 0 : i32
          %dma_start3A_265 = tpu.memref_slice %arg13[%dma_start3A_262, %dma_start3A_263, %dma_start3A_264] : memref<2x128x256xf32, #tpu.memory_space<vmem>> -> memref<1x128x256xf32, #tpu.memory_space<vmem>>
          %dma_start3A_266 = tpu.memref_squeeze %dma_start3A_265 : memref<1x128x256xf32, #tpu.memory_space<vmem>> -> memref<128x256xf32, #tpu.memory_space<vmem>>
          %dma_start3A_267 = tpu.memref_slice %arg11[%add3A_251] : memref<4608xi32, #tpu.memory_space<vmem>> -> memref<128xi32, #tpu.memory_space<vmem>>
          %dma_start3A_268 = arith.constant 0 : i32
          %dma_start3A_269 = arith.constant 0 : i32
          %dma_start3A_270 = tpu.memref_slice %arg2[%dma_start3A_268, %dma_start3A_269] : memref<4096x256xf32, #tpu.memory_space<hbm>> -> memref<4096x256xf32, #tpu.memory_space<hbm>>
          tpu.enqueue_indirect_dma source(%dma_start3A_270 : memref<4096x256xf32, #tpu.memory_space<hbm>>) target(%dma_start3A_266 : memref<128x256xf32, #tpu.memory_space<vmem>>) offsets(%dma_start3A_267 : memref<128xi32, #tpu.memory_space<vmem>>) semaphore(%arg18 : memref<!tpu.dma_semaphore, #tpu.memory_space<semaphore_mem>>)
        } else {
        }
      } else {
      }
      %mul3A_227 = arith.constant 128 : i32
      %mul3A_228 = arith.muli %while3A_220, %mul3A_227 : i32
      %add3A_229 = arith.constant 2304 : i32
      %add3A_230 = arith.addi %add3A_229, %mul3A_228 : i32
      %eq3A_231 = arith.constant 0 : i32
      %eq3A_232 = arith.cmpi eq, %and3A_222, %eq3A_231 : i32
      %convert_element_type3A_233 = arith.extui %eq3A_232 : i1 to i32
      %cond3A_234 = arith.constant 0 : i32
      %cond3A_235 = arith.cmpi ne, %convert_element_type3A_233, %cond3A_234 : i32
      scf.if %cond3A_235 {
        %dma_wait3A = arith.constant 0 : i32
        %dma_wait3A_248 = arith.constant 0 : i32
        %dma_wait3A_249 = arith.constant 0 : i32
        %dma_wait3A_250 = tpu.memref_slice %arg13[%dma_wait3A, %dma_wait3A_248, %dma_wait3A_249] : memref<2x128x256xf32, #tpu.memory_space<vmem>> -> memref<1x128x256xf32, #tpu.memory_space<vmem>>
        %dma_wait3A_251 = tpu.memref_squeeze %dma_wait3A_250 : memref<1x128x256xf32, #tpu.memory_space<vmem>> -> memref<128x256xf32, #tpu.memory_space<vmem>>
        %dma_wait3A_252 = tpu.memref_slice %arg11[%add3A_230] : memref<4608xi32, #tpu.memory_space<vmem>> -> memref<128xi32, #tpu.memory_space<vmem>>
        %dma_wait3A_253 = arith.constant 0 : i32
        %dma_wait3A_254 = arith.constant 0 : i32
        %dma_wait3A_255 = tpu.memref_slice %arg2[%dma_wait3A_253, %dma_wait3A_254] : memref<4096x256xf32, #tpu.memory_space<hbm>> -> memref<4096x256xf32, #tpu.memory_space<hbm>>
        tpu.wait_indirect_dma semaphore(%arg17 : memref<!tpu.dma_semaphore, #tpu.memory_space<semaphore_mem>>) src(%dma_wait3A_255 : memref<4096x256xf32, #tpu.memory_space<hbm>>) dst(%dma_wait3A_251 : memref<128x256xf32, #tpu.memory_space<vmem>>)
      } else {
      }
      %eq3A_236 = arith.constant 1 : i32
      %eq3A_237 = arith.cmpi eq, %and3A_222, %eq3A_236 : i32
      %convert_element_type3A_238 = arith.extui %eq3A_237 : i1 to i32
      %cond3A_239 = arith.constant 0 : i32
      %cond3A_240 = arith.cmpi ne, %convert_element_type3A_238, %cond3A_239 : i32
      scf.if %cond3A_240 {
        %dma_wait3A = arith.constant 1 : i32
        %dma_wait3A_248 = arith.constant 0 : i32
        %dma_wait3A_249 = arith.constant 0 : i32
        %dma_wait3A_250 = tpu.memref_slice %arg13[%dma_wait3A, %dma_wait3A_248, %dma_wait3A_249] : memref<2x128x256xf32, #tpu.memory_space<vmem>> -> memref<1x128x256xf32, #tpu.memory_space<vmem>>
        %dma_wait3A_251 = tpu.memref_squeeze %dma_wait3A_250 : memref<1x128x256xf32, #tpu.memory_space<vmem>> -> memref<128x256xf32, #tpu.memory_space<vmem>>
        %dma_wait3A_252 = tpu.memref_slice %arg11[%add3A_230] : memref<4608xi32, #tpu.memory_space<vmem>> -> memref<128xi32, #tpu.memory_space<vmem>>
        %dma_wait3A_253 = arith.constant 0 : i32
        %dma_wait3A_254 = arith.constant 0 : i32
        %dma_wait3A_255 = tpu.memref_slice %arg2[%dma_wait3A_253, %dma_wait3A_254] : memref<4096x256xf32, #tpu.memory_space<hbm>> -> memref<4096x256xf32, #tpu.memory_space<hbm>>
        tpu.wait_indirect_dma semaphore(%arg18 : memref<!tpu.dma_semaphore, #tpu.memory_space<semaphore_mem>>) src(%dma_wait3A_255 : memref<4096x256xf32, #tpu.memory_space<hbm>>) dst(%dma_wait3A_251 : memref<128x256xf32, #tpu.memory_space<vmem>>)
      } else {
      }
      %mul3A_241 = arith.constant 128 : i32
      %mul3A_242 = arith.muli %while3A_220, %mul3A_241 : i32
      %add3A_243 = arith.constant 2304 : i32
      %add3A_244 = arith.addi %add3A_243, %mul3A_242 : i32
      %parallel_loop3A_245 = arith.constant 0 : i32
      %parallel_loop3A_246 = arith.constant 128 : i32
      %parallel_loop3A_247 = arith.constant 1 : i32
      scf.for %parallel_loop3A_248 = %parallel_loop3A_245 to %parallel_loop3A_246 step %parallel_loop3A_247  : i32 {
        %parallel_loop3A_249 = arith.addi %add3A_244, %parallel_loop3A_248 : i32
        %parallel_loop3A_250 = vector.broadcast %parallel_loop3A_249 : i32 to vector<16xi32>
        %parallel_loop3A_251 = tpu.vector_load_idx %arg12[%parallel_loop3A_250] : memref<4608xf32, #tpu.memory_space<vmem>>[vector<16xi32>], vector<16xf32>,
        %parallel_loop3A_252 = tpu.vector_load_idx %arg10[%parallel_loop3A_250] : memref<4608xi32, #tpu.memory_space<vmem>>[vector<16xi32>], vector<16xi32>,
        %parallel_loop3A_253 = vector.extract_strided_slice %parallel_loop3A_252 {offsets = [0], sizes = [1], strides = [1]} : vector<16xi32> to vector<1xi32>
        %parallel_loop3A_254 = vector.extract %parallel_loop3A_253[0] : i32 from vector<1xi32>
        %parallel_loop3A_255 = arith.index_cast %and3A_222 : i32 to index
        %parallel_loop3A_256 = arith.index_cast %parallel_loop3A_248 : i32 to index
        %parallel_loop3A_257 = arith.constant 0 : index
        %parallel_loop3A_258 = tpu.vector_load %arg13[%parallel_loop3A_255, %parallel_loop3A_256, %parallel_loop3A_257] {strides = array<i32>} : memref<2x128x256xf32, #tpu.memory_space<vmem>>, vector<16xf32>,
        %parallel_loop3A_259 = arith.mulf %parallel_loop3A_258, %parallel_loop3A_251 : vector<16xf32>
        %parallel_loop3A_260 = arith.index_cast %parallel_loop3A_254 : i32 to index
        %parallel_loop3A_261 = arith.constant 0 : index
        %parallel_loop3A_262 = tpu.vector_load %arg14[%parallel_loop3A_260, %parallel_loop3A_261] {strides = array<i32>} : memref<128x256xf32, #tpu.memory_space<vmem>>, vector<16xf32>,
        tpu.vector_store %arg14[%parallel_loop3A_260, %parallel_loop3A_261], %parallel_loop3A_259 {add = true, strides = array<i32>} : memref<128x256xf32, #tpu.memory_space<vmem>>, vector<16xf32>,
        %parallel_loop3A_263 = arith.index_cast %and3A_222 : i32 to index
        %parallel_loop3A_264 = arith.index_cast %parallel_loop3A_248 : i32 to index
        %parallel_loop3A_265 = arith.constant 16 : index
        %parallel_loop3A_266 = tpu.vector_load %arg13[%parallel_loop3A_263, %parallel_loop3A_264, %parallel_loop3A_265] {strides = array<i32>} : memref<2x128x256xf32, #tpu.memory_space<vmem>>, vector<16xf32>,
        %parallel_loop3A_267 = arith.mulf %parallel_loop3A_266, %parallel_loop3A_251 : vector<16xf32>
        %parallel_loop3A_268 = arith.index_cast %parallel_loop3A_254 : i32 to index
        %parallel_loop3A_269 = arith.constant 16 : index
        %parallel_loop3A_270 = tpu.vector_load %arg14[%parallel_loop3A_268, %parallel_loop3A_269] {strides = array<i32>} : memref<128x256xf32, #tpu.memory_space<vmem>>, vector<16xf32>,
        tpu.vector_store %arg14[%parallel_loop3A_268, %parallel_loop3A_269], %parallel_loop3A_267 {add = true, strides = array<i32>} : memref<128x256xf32, #tpu.memory_space<vmem>>, vector<16xf32>,
        %parallel_loop3A_271 = arith.index_cast %and3A_222 : i32 to index
        %parallel_loop3A_272 = arith.index_cast %parallel_loop3A_248 : i32 to index
        %parallel_loop3A_273 = arith.constant 32 : index
        %parallel_loop3A_274 = tpu.vector_load %arg13[%parallel_loop3A_271, %parallel_loop3A_272, %parallel_loop3A_273] {strides = array<i32>} : memref<2x128x256xf32, #tpu.memory_space<vmem>>, vector<16xf32>,
        %parallel_loop3A_275 = arith.mulf %parallel_loop3A_274, %parallel_loop3A_251 : vector<16xf32>
        %parallel_loop3A_276 = arith.index_cast %parallel_loop3A_254 : i32 to index
        %parallel_loop3A_277 = arith.constant 32 : index
        %parallel_loop3A_278 = tpu.vector_load %arg14[%parallel_loop3A_276, %parallel_loop3A_277] {strides = array<i32>} : memref<128x256xf32, #tpu.memory_space<vmem>>, vector<16xf32>,
        tpu.vector_store %arg14[%parallel_loop3A_276, %parallel_loop3A_277], %parallel_loop3A_275 {add = true, strides = array<i32>} : memref<128x256xf32, #tpu.memory_space<vmem>>, vector<16xf32>,
        %parallel_loop3A_279 = arith.index_cast %and3A_222 : i32 to index
        %parallel_loop3A_280 = arith.index_cast %parallel_loop3A_248 : i32 to index
        %parallel_loop3A_281 = arith.constant 48 : index
        %parallel_loop3A_282 = tpu.vector_load %arg13[%parallel_loop3A_279, %parallel_loop3A_280, %parallel_loop3A_281] {strides = array<i32>} : memref<2x128x256xf32, #tpu.memory_space<vmem>>, vector<16xf32>,
        %parallel_loop3A_283 = arith.mulf %parallel_loop3A_282, %parallel_loop3A_251 : vector<16xf32>
        %parallel_loop3A_284 = arith.index_cast %parallel_loop3A_254 : i32 to index
        %parallel_loop3A_285 = arith.constant 48 : index
        %parallel_loop3A_286 = tpu.vector_load %arg14[%parallel_loop3A_284, %parallel_loop3A_285] {strides = array<i32>} : memref<128x256xf32, #tpu.memory_space<vmem>>, vector<16xf32>,
        tpu.vector_store %arg14[%parallel_loop3A_284, %parallel_loop3A_285], %parallel_loop3A_283 {add = true, strides = array<i32>} : memref<128x256xf32, #tpu.memory_space<vmem>>, vector<16xf32>,
        %parallel_loop3A_287 = arith.index_cast %and3A_222 : i32 to index
        %parallel_loop3A_288 = arith.index_cast %parallel_loop3A_248 : i32 to index
        %parallel_loop3A_289 = arith.constant 64 : index
        %parallel_loop3A_290 = tpu.vector_load %arg13[%parallel_loop3A_287, %parallel_loop3A_288, %parallel_loop3A_289] {strides = array<i32>} : memref<2x128x256xf32, #tpu.memory_space<vmem>>, vector<16xf32>,
        %parallel_loop3A_291 = arith.mulf %parallel_loop3A_290, %parallel_loop3A_251 : vector<16xf32>
        %parallel_loop3A_292 = arith.index_cast %parallel_loop3A_254 : i32 to index
        %parallel_loop3A_293 = arith.constant 64 : index
        %parallel_loop3A_294 = tpu.vector_load %arg14[%parallel_loop3A_292, %parallel_loop3A_293] {strides = array<i32>} : memref<128x256xf32, #tpu.memory_space<vmem>>, vector<16xf32>,
        tpu.vector_store %arg14[%parallel_loop3A_292, %parallel_loop3A_293], %parallel_loop3A_291 {add = true, strides = array<i32>} : memref<128x256xf32, #tpu.memory_space<vmem>>, vector<16xf32>,
        %parallel_loop3A_295 = arith.index_cast %and3A_222 : i32 to index
        %parallel_loop3A_296 = arith.index_cast %parallel_loop3A_248 : i32 to index
        %parallel_loop3A_297 = arith.constant 80 : index
        %parallel_loop3A_298 = tpu.vector_load %arg13[%parallel_loop3A_295, %parallel_loop3A_296, %parallel_loop3A_297] {strides = array<i32>} : memref<2x128x256xf32, #tpu.memory_space<vmem>>, vector<16xf32>,
        %parallel_loop3A_299 = arith.mulf %parallel_loop3A_298, %parallel_loop3A_251 : vector<16xf32>
        %parallel_loop3A_300 = arith.index_cast %parallel_loop3A_254 : i32 to index
        %parallel_loop3A_301 = arith.constant 80 : index
        %parallel_loop3A_302 = tpu.vector_load %arg14[%parallel_loop3A_300, %parallel_loop3A_301] {strides = array<i32>} : memref<128x256xf32, #tpu.memory_space<vmem>>, vector<16xf32>,
        tpu.vector_store %arg14[%parallel_loop3A_300, %parallel_loop3A_301], %parallel_loop3A_299 {add = true, strides = array<i32>} : memref<128x256xf32, #tpu.memory_space<vmem>>, vector<16xf32>,
        %parallel_loop3A_303 = arith.index_cast %and3A_222 : i32 to index
        %parallel_loop3A_304 = arith.index_cast %parallel_loop3A_248 : i32 to index
        %parallel_loop3A_305 = arith.constant 96 : index
        %parallel_loop3A_306 = tpu.vector_load %arg13[%parallel_loop3A_303, %parallel_loop3A_304, %parallel_loop3A_305] {strides = array<i32>} : memref<2x128x256xf32, #tpu.memory_space<vmem>>, vector<16xf32>,
        %parallel_loop3A_307 = arith.mulf %parallel_loop3A_306, %parallel_loop3A_251 : vector<16xf32>
        %parallel_loop3A_308 = arith.index_cast %parallel_loop3A_254 : i32 to index
        %parallel_loop3A_309 = arith.constant 96 : index
        %parallel_loop3A_310 = tpu.vector_load %arg14[%parallel_loop3A_308, %parallel_loop3A_309] {strides = array<i32>} : memref<128x256xf32, #tpu.memory_space<vmem>>, vector<16xf32>,
        tpu.vector_store %arg14[%parallel_loop3A_308, %parallel_loop3A_309], %parallel_loop3A_307 {add = true, strides = array<i32>} : memref<128x256xf32, #tpu.memory_space<vmem>>, vector<16xf32>,
        %parallel_loop3A_311 = arith.index_cast %and3A_222 : i32 to index
        %parallel_loop3A_312 = arith.index_cast %parallel_loop3A_248 : i32 to index
        %parallel_loop3A_313 = arith.constant 112 : index
        %parallel_loop3A_314 = tpu.vector_load %arg13[%parallel_loop3A_311, %parallel_loop3A_312, %parallel_loop3A_313] {strides = array<i32>} : memref<2x128x256xf32, #tpu.memory_space<vmem>>, vector<16xf32>,
        %parallel_loop3A_315 = arith.mulf %parallel_loop3A_314, %parallel_loop3A_251 : vector<16xf32>
        %parallel_loop3A_316 = arith.index_cast %parallel_loop3A_254 : i32 to index
        %parallel_loop3A_317 = arith.constant 112 : index
        %parallel_loop3A_318 = tpu.vector_load %arg14[%parallel_loop3A_316, %parallel_loop3A_317] {strides = array<i32>} : memref<128x256xf32, #tpu.memory_space<vmem>>, vector<16xf32>,
        tpu.vector_store %arg14[%parallel_loop3A_316, %parallel_loop3A_317], %parallel_loop3A_315 {add = true, strides = array<i32>} : memref<128x256xf32, #tpu.memory_space<vmem>>, vector<16xf32>,
        %parallel_loop3A_319 = arith.index_cast %and3A_222 : i32 to index
        %parallel_loop3A_320 = arith.index_cast %parallel_loop3A_248 : i32 to index
        %parallel_loop3A_321 = arith.constant 128 : index
        %parallel_loop3A_322 = tpu.vector_load %arg13[%parallel_loop3A_319, %parallel_loop3A_320, %parallel_loop3A_321] {strides = array<i32>} : memref<2x128x256xf32, #tpu.memory_space<vmem>>, vector<16xf32>,
        %parallel_loop3A_323 = arith.mulf %parallel_loop3A_322, %parallel_loop3A_251 : vector<16xf32>
        %parallel_loop3A_324 = arith.index_cast %parallel_loop3A_254 : i32 to index
        %parallel_loop3A_325 = arith.constant 128 : index
        %parallel_loop3A_326 = tpu.vector_load %arg14[%parallel_loop3A_324, %parallel_loop3A_325] {strides = array<i32>} : memref<128x256xf32, #tpu.memory_space<vmem>>, vector<16xf32>,
        tpu.vector_store %arg14[%parallel_loop3A_324, %parallel_loop3A_325], %parallel_loop3A_323 {add = true, strides = array<i32>} : memref<128x256xf32, #tpu.memory_space<vmem>>, vector<16xf32>,
        %parallel_loop3A_327 = arith.index_cast %and3A_222 : i32 to index
        %parallel_loop3A_328 = arith.index_cast %parallel_loop3A_248 : i32 to index
        %parallel_loop3A_329 = arith.constant 144 : index
        %parallel_loop3A_330 = tpu.vector_load %arg13[%parallel_loop3A_327, %parallel_loop3A_328, %parallel_loop3A_329] {strides = array<i32>} : memref<2x128x256xf32, #tpu.memory_space<vmem>>, vector<16xf32>,
        %parallel_loop3A_331 = arith.mulf %parallel_loop3A_330, %parallel_loop3A_251 : vector<16xf32>
        %parallel_loop3A_332 = arith.index_cast %parallel_loop3A_254 : i32 to index
        %parallel_loop3A_333 = arith.constant 144 : index
        %parallel_loop3A_334 = tpu.vector_load %arg14[%parallel_loop3A_332, %parallel_loop3A_333] {strides = array<i32>} : memref<128x256xf32, #tpu.memory_space<vmem>>, vector<16xf32>,
        tpu.vector_store %arg14[%parallel_loop3A_332, %parallel_loop3A_333], %parallel_loop3A_331 {add = true, strides = array<i32>} : memref<128x256xf32, #tpu.memory_space<vmem>>, vector<16xf32>,
        %parallel_loop3A_335 = arith.index_cast %and3A_222 : i32 to index
        %parallel_loop3A_336 = arith.index_cast %parallel_loop3A_248 : i32 to index
        %parallel_loop3A_337 = arith.constant 160 : index
        %parallel_loop3A_338 = tpu.vector_load %arg13[%parallel_loop3A_335, %parallel_loop3A_336, %parallel_loop3A_337] {strides = array<i32>} : memref<2x128x256xf32, #tpu.memory_space<vmem>>, vector<16xf32>,
        %parallel_loop3A_339 = arith.mulf %parallel_loop3A_338, %parallel_loop3A_251 : vector<16xf32>
        %parallel_loop3A_340 = arith.index_cast %parallel_loop3A_254 : i32 to index
        %parallel_loop3A_341 = arith.constant 160 : index
        %parallel_loop3A_342 = tpu.vector_load %arg14[%parallel_loop3A_340, %parallel_loop3A_341] {strides = array<i32>} : memref<128x256xf32, #tpu.memory_space<vmem>>, vector<16xf32>,
        tpu.vector_store %arg14[%parallel_loop3A_340, %parallel_loop3A_341], %parallel_loop3A_339 {add = true, strides = array<i32>} : memref<128x256xf32, #tpu.memory_space<vmem>>, vector<16xf32>,
        %parallel_loop3A_343 = arith.index_cast %and3A_222 : i32 to index
        %parallel_loop3A_344 = arith.index_cast %parallel_loop3A_248 : i32 to index
        %parallel_loop3A_345 = arith.constant 176 : index
        %parallel_loop3A_346 = tpu.vector_load %arg13[%parallel_loop3A_343, %parallel_loop3A_344, %parallel_loop3A_345] {strides = array<i32>} : memref<2x128x256xf32, #tpu.memory_space<vmem>>, vector<16xf32>,
        %parallel_loop3A_347 = arith.mulf %parallel_loop3A_346, %parallel_loop3A_251 : vector<16xf32>
        %parallel_loop3A_348 = arith.index_cast %parallel_loop3A_254 : i32 to index
        %parallel_loop3A_349 = arith.constant 176 : index
        %parallel_loop3A_350 = tpu.vector_load %arg14[%parallel_loop3A_348, %parallel_loop3A_349] {strides = array<i32>} : memref<128x256xf32, #tpu.memory_space<vmem>>, vector<16xf32>,
        tpu.vector_store %arg14[%parallel_loop3A_348, %parallel_loop3A_349], %parallel_loop3A_347 {add = true, strides = array<i32>} : memref<128x256xf32, #tpu.memory_space<vmem>>, vector<16xf32>,
        %parallel_loop3A_351 = arith.index_cast %and3A_222 : i32 to index
        %parallel_loop3A_352 = arith.index_cast %parallel_loop3A_248 : i32 to index
        %parallel_loop3A_353 = arith.constant 192 : index
        %parallel_loop3A_354 = tpu.vector_load %arg13[%parallel_loop3A_351, %parallel_loop3A_352, %parallel_loop3A_353] {strides = array<i32>} : memref<2x128x256xf32, #tpu.memory_space<vmem>>, vector<16xf32>,
        %parallel_loop3A_355 = arith.mulf %parallel_loop3A_354, %parallel_loop3A_251 : vector<16xf32>
        %parallel_loop3A_356 = arith.index_cast %parallel_loop3A_254 : i32 to index
        %parallel_loop3A_357 = arith.constant 192 : index
        %parallel_loop3A_358 = tpu.vector_load %arg14[%parallel_loop3A_356, %parallel_loop3A_357] {strides = array<i32>} : memref<128x256xf32, #tpu.memory_space<vmem>>, vector<16xf32>,
        tpu.vector_store %arg14[%parallel_loop3A_356, %parallel_loop3A_357], %parallel_loop3A_355 {add = true, strides = array<i32>} : memref<128x256xf32, #tpu.memory_space<vmem>>, vector<16xf32>,
        %parallel_loop3A_359 = arith.index_cast %and3A_222 : i32 to index
        %parallel_loop3A_360 = arith.index_cast %parallel_loop3A_248 : i32 to index
        %parallel_loop3A_361 = arith.constant 208 : index
        %parallel_loop3A_362 = tpu.vector_load %arg13[%parallel_loop3A_359, %parallel_loop3A_360, %parallel_loop3A_361] {strides = array<i32>} : memref<2x128x256xf32, #tpu.memory_space<vmem>>, vector<16xf32>,
        %parallel_loop3A_363 = arith.mulf %parallel_loop3A_362, %parallel_loop3A_251 : vector<16xf32>
        %parallel_loop3A_364 = arith.index_cast %parallel_loop3A_254 : i32 to index
        %parallel_loop3A_365 = arith.constant 208 : index
        %parallel_loop3A_366 = tpu.vector_load %arg14[%parallel_loop3A_364, %parallel_loop3A_365] {strides = array<i32>} : memref<128x256xf32, #tpu.memory_space<vmem>>, vector<16xf32>,
        tpu.vector_store %arg14[%parallel_loop3A_364, %parallel_loop3A_365], %parallel_loop3A_363 {add = true, strides = array<i32>} : memref<128x256xf32, #tpu.memory_space<vmem>>, vector<16xf32>,
        %parallel_loop3A_367 = arith.index_cast %and3A_222 : i32 to index
        %parallel_loop3A_368 = arith.index_cast %parallel_loop3A_248 : i32 to index
        %parallel_loop3A_369 = arith.constant 224 : index
        %parallel_loop3A_370 = tpu.vector_load %arg13[%parallel_loop3A_367, %parallel_loop3A_368, %parallel_loop3A_369] {strides = array<i32>} : memref<2x128x256xf32, #tpu.memory_space<vmem>>, vector<16xf32>,
        %parallel_loop3A_371 = arith.mulf %parallel_loop3A_370, %parallel_loop3A_251 : vector<16xf32>
        %parallel_loop3A_372 = arith.index_cast %parallel_loop3A_254 : i32 to index
        %parallel_loop3A_373 = arith.constant 224 : index
        %parallel_loop3A_374 = tpu.vector_load %arg14[%parallel_loop3A_372, %parallel_loop3A_373] {strides = array<i32>} : memref<128x256xf32, #tpu.memory_space<vmem>>, vector<16xf32>,
        tpu.vector_store %arg14[%parallel_loop3A_372, %parallel_loop3A_373], %parallel_loop3A_371 {add = true, strides = array<i32>} : memref<128x256xf32, #tpu.memory_space<vmem>>, vector<16xf32>,
        %parallel_loop3A_375 = arith.index_cast %and3A_222 : i32 to index
        %parallel_loop3A_376 = arith.index_cast %parallel_loop3A_248 : i32 to index
        %parallel_loop3A_377 = arith.constant 240 : index
        %parallel_loop3A_378 = tpu.vector_load %arg13[%parallel_loop3A_375, %parallel_loop3A_376, %parallel_loop3A_377] {strides = array<i32>} : memref<2x128x256xf32, #tpu.memory_space<vmem>>, vector<16xf32>,
        %parallel_loop3A_379 = arith.mulf %parallel_loop3A_378, %parallel_loop3A_251 : vector<16xf32>
        %parallel_loop3A_380 = arith.index_cast %parallel_loop3A_254 : i32 to index
        %parallel_loop3A_381 = arith.constant 240 : index
        %parallel_loop3A_382 = tpu.vector_load %arg14[%parallel_loop3A_380, %parallel_loop3A_381] {strides = array<i32>} : memref<128x256xf32, #tpu.memory_space<vmem>>, vector<16xf32>,
        tpu.vector_store %arg14[%parallel_loop3A_380, %parallel_loop3A_381], %parallel_loop3A_379 {add = true, strides = array<i32>} : memref<128x256xf32, #tpu.memory_space<vmem>>, vector<16xf32>,
      } {sc.loop_unroll_factor = 2 : i64, sc.parallel_access}
    }
    %mul3A_66 = arith.constant 128 : i32
    %mul3A_67 = arith.muli %scan3A_55#1, %mul3A_66 : i32
    %add3A_68 = arith.constant 2304 : i32
    %add3A_69 = arith.addi %add3A_68, %mul3A_67 : i32
    %add3A_70 = arith.addi %add3A_69, %scan3A_55#0 : i32
    %add3A_71 = arith.constant 0 : i32
    %add3A_72 = arith.addi %add3A_70, %add3A_71 : i32
    %broadcast_in_dim3A = arith.constant 0 : i32
    %broadcast_in_dim3A_73 = vector.broadcast %broadcast_in_dim3A : i32 to vector<16xi32>
    %swap3A = arith.index_cast %add3A_72 : i32 to index
    %swap3A_74 = tpu.vector_load %arg10[%swap3A] {strides = array<i32>} : memref<4608xi32, #tpu.memory_space<vmem>>, vector<16xi32>,
    tpu.vector_store %arg10[%swap3A], %broadcast_in_dim3A_73 {strides = array<i32>} : memref<4608xi32, #tpu.memory_space<vmem>>, vector<16xi32>,
    %broadcast_in_dim3A_75 = arith.constant 0 : i32
    %broadcast_in_dim3A_76 = vector.broadcast %broadcast_in_dim3A_75 : i32 to vector<16xi32>
    %swap3A_77 = arith.index_cast %add3A_72 : i32 to index
    %swap3A_78 = tpu.vector_load %arg11[%swap3A_77] {strides = array<i32>} : memref<4608xi32, #tpu.memory_space<vmem>>, vector<16xi32>,
    tpu.vector_store %arg11[%swap3A_77], %broadcast_in_dim3A_76 {strides = array<i32>} : memref<4608xi32, #tpu.memory_space<vmem>>, vector<16xi32>,
    %broadcast_in_dim3A_79 = arith.constant 0.000000e+00 : f32
    %broadcast_in_dim3A_80 = vector.broadcast %broadcast_in_dim3A_79 : f32 to vector<16xf32>
    %swap3A_81 = arith.index_cast %add3A_72 : i32 to index
    %swap3A_82 = tpu.vector_load %arg12[%swap3A_81] {strides = array<i32>} : memref<4608xf32, #tpu.memory_space<vmem>>, vector<16xf32>,
    tpu.vector_store %arg12[%swap3A_81], %broadcast_in_dim3A_80 {strides = array<i32>} : memref<4608xf32, #tpu.memory_space<vmem>>, vector<16xf32>,
    %add3A_83 = arith.addi %add3A_69, %scan3A_55#0 : i32
    %add3A_84 = arith.constant 16 : i32
    %add3A_85 = arith.addi %add3A_83, %add3A_84 : i32
    %broadcast_in_dim3A_86 = arith.constant 0 : i32
    %broadcast_in_dim3A_87 = vector.broadcast %broadcast_in_dim3A_86 : i32 to vector<16xi32>
    %swap3A_88 = arith.index_cast %add3A_85 : i32 to index
    %swap3A_89 = tpu.vector_load %arg10[%swap3A_88] {strides = array<i32>} : memref<4608xi32, #tpu.memory_space<vmem>>, vector<16xi32>,
    tpu.vector_store %arg10[%swap3A_88], %broadcast_in_dim3A_87 {strides = array<i32>} : memref<4608xi32, #tpu.memory_space<vmem>>, vector<16xi32>,
    %broadcast_in_dim3A_90 = arith.constant 0 : i32
    %broadcast_in_dim3A_91 = vector.broadcast %broadcast_in_dim3A_90 : i32 to vector<16xi32>
    %swap3A_92 = arith.index_cast %add3A_85 : i32 to index
    %swap3A_93 = tpu.vector_load %arg11[%swap3A_92] {strides = array<i32>} : memref<4608xi32, #tpu.memory_space<vmem>>, vector<16xi32>,
    tpu.vector_store %arg11[%swap3A_92], %broadcast_in_dim3A_91 {strides = array<i32>} : memref<4608xi32, #tpu.memory_space<vmem>>, vector<16xi32>,
    %broadcast_in_dim3A_94 = arith.constant 0.000000e+00 : f32
    %broadcast_in_dim3A_95 = vector.broadcast %broadcast_in_dim3A_94 : f32 to vector<16xf32>
    %swap3A_96 = arith.index_cast %add3A_85 : i32 to index
    %swap3A_97 = tpu.vector_load %arg12[%swap3A_96] {strides = array<i32>} : memref<4608xf32, #tpu.memory_space<vmem>>, vector<16xf32>,
    tpu.vector_store %arg12[%swap3A_96], %broadcast_in_dim3A_95 {strides = array<i32>} : memref<4608xf32, #tpu.memory_space<vmem>>, vector<16xf32>,
    %add3A_98 = arith.addi %add3A_69, %scan3A_55#0 : i32
    %add3A_99 = arith.constant 32 : i32
    %add3A_100 = arith.addi %add3A_98, %add3A_99 : i32
    %broadcast_in_dim3A_101 = arith.constant 0 : i32
    %broadcast_in_dim3A_102 = vector.broadcast %broadcast_in_dim3A_101 : i32 to vector<16xi32>
    %swap3A_103 = arith.index_cast %add3A_100 : i32 to index
    %swap3A_104 = tpu.vector_load %arg10[%swap3A_103] {strides = array<i32>} : memref<4608xi32, #tpu.memory_space<vmem>>, vector<16xi32>,
    tpu.vector_store %arg10[%swap3A_103], %broadcast_in_dim3A_102 {strides = array<i32>} : memref<4608xi32, #tpu.memory_space<vmem>>, vector<16xi32>,
    %broadcast_in_dim3A_105 = arith.constant 0 : i32
    %broadcast_in_dim3A_106 = vector.broadcast %broadcast_in_dim3A_105 : i32 to vector<16xi32>
    %swap3A_107 = arith.index_cast %add3A_100 : i32 to index
    %swap3A_108 = tpu.vector_load %arg11[%swap3A_107] {strides = array<i32>} : memref<4608xi32, #tpu.memory_space<vmem>>, vector<16xi32>,
    tpu.vector_store %arg11[%swap3A_107], %broadcast_in_dim3A_106 {strides = array<i32>} : memref<4608xi32, #tpu.memory_space<vmem>>, vector<16xi32>,
    %broadcast_in_dim3A_109 = arith.constant 0.000000e+00 : f32
    %broadcast_in_dim3A_110 = vector.broadcast %broadcast_in_dim3A_109 : f32 to vector<16xf32>
    %swap3A_111 = arith.index_cast %add3A_100 : i32 to index
    %swap3A_112 = tpu.vector_load %arg12[%swap3A_111] {strides = array<i32>} : memref<4608xf32, #tpu.memory_space<vmem>>, vector<16xf32>,
    tpu.vector_store %arg12[%swap3A_111], %broadcast_in_dim3A_110 {strides = array<i32>} : memref<4608xf32, #tpu.memory_space<vmem>>, vector<16xf32>,
    %add3A_113 = arith.addi %add3A_69, %scan3A_55#0 : i32
    %add3A_114 = arith.constant 48 : i32
    %add3A_115 = arith.addi %add3A_113, %add3A_114 : i32
    %broadcast_in_dim3A_116 = arith.constant 0 : i32
    %broadcast_in_dim3A_117 = vector.broadcast %broadcast_in_dim3A_116 : i32 to vector<16xi32>
    %swap3A_118 = arith.index_cast %add3A_115 : i32 to index
    %swap3A_119 = tpu.vector_load %arg10[%swap3A_118] {strides = array<i32>} : memref<4608xi32, #tpu.memory_space<vmem>>, vector<16xi32>,
    tpu.vector_store %arg10[%swap3A_118], %broadcast_in_dim3A_117 {strides = array<i32>} : memref<4608xi32, #tpu.memory_space<vmem>>, vector<16xi32>,
    %broadcast_in_dim3A_120 = arith.constant 0 : i32
    %broadcast_in_dim3A_121 = vector.broadcast %broadcast_in_dim3A_120 : i32 to vector<16xi32>
    %swap3A_122 = arith.index_cast %add3A_115 : i32 to index
    %swap3A_123 = tpu.vector_load %arg11[%swap3A_122] {strides = array<i32>} : memref<4608xi32, #tpu.memory_space<vmem>>, vector<16xi32>,
    tpu.vector_store %arg11[%swap3A_122], %broadcast_in_dim3A_121 {strides = array<i32>} : memref<4608xi32, #tpu.memory_space<vmem>>, vector<16xi32>,
    %broadcast_in_dim3A_124 = arith.constant 0.000000e+00 : f32
    %broadcast_in_dim3A_125 = vector.broadcast %broadcast_in_dim3A_124 : f32 to vector<16xf32>
    %swap3A_126 = arith.index_cast %add3A_115 : i32 to index
    %swap3A_127 = tpu.vector_load %arg12[%swap3A_126] {strides = array<i32>} : memref<4608xf32, #tpu.memory_space<vmem>>, vector<16xf32>,
    tpu.vector_store %arg12[%swap3A_126], %broadcast_in_dim3A_125 {strides = array<i32>} : memref<4608xf32, #tpu.memory_space<vmem>>, vector<16xf32>,
    %add3A_128 = arith.addi %add3A_69, %scan3A_55#0 : i32
    %add3A_129 = arith.constant 64 : i32
    %add3A_130 = arith.addi %add3A_128, %add3A_129 : i32
    %broadcast_in_dim3A_131 = arith.constant 0 : i32
    %broadcast_in_dim3A_132 = vector.broadcast %broadcast_in_dim3A_131 : i32 to vector<16xi32>
    %swap3A_133 = arith.index_cast %add3A_130 : i32 to index
    %swap3A_134 = tpu.vector_load %arg10[%swap3A_133] {strides = array<i32>} : memref<4608xi32, #tpu.memory_space<vmem>>, vector<16xi32>,
    tpu.vector_store %arg10[%swap3A_133], %broadcast_in_dim3A_132 {strides = array<i32>} : memref<4608xi32, #tpu.memory_space<vmem>>, vector<16xi32>,
    %broadcast_in_dim3A_135 = arith.constant 0 : i32
    %broadcast_in_dim3A_136 = vector.broadcast %broadcast_in_dim3A_135 : i32 to vector<16xi32>
    %swap3A_137 = arith.index_cast %add3A_130 : i32 to index
    %swap3A_138 = tpu.vector_load %arg11[%swap3A_137] {strides = array<i32>} : memref<4608xi32, #tpu.memory_space<vmem>>, vector<16xi32>,
    tpu.vector_store %arg11[%swap3A_137], %broadcast_in_dim3A_136 {strides = array<i32>} : memref<4608xi32, #tpu.memory_space<vmem>>, vector<16xi32>,
    %broadcast_in_dim3A_139 = arith.constant 0.000000e+00 : f32
    %broadcast_in_dim3A_140 = vector.broadcast %broadcast_in_dim3A_139 : f32 to vector<16xf32>
    %swap3A_141 = arith.index_cast %add3A_130 : i32 to index
    %swap3A_142 = tpu.vector_load %arg12[%swap3A_141] {strides = array<i32>} : memref<4608xf32, #tpu.memory_space<vmem>>, vector<16xf32>,
    tpu.vector_store %arg12[%swap3A_141], %broadcast_in_dim3A_140 {strides = array<i32>} : memref<4608xf32, #tpu.memory_space<vmem>>, vector<16xf32>,
    %add3A_143 = arith.addi %add3A_69, %scan3A_55#0 : i32
    %add3A_144 = arith.constant 80 : i32
    %add3A_145 = arith.addi %add3A_143, %add3A_144 : i32
    %broadcast_in_dim3A_146 = arith.constant 0 : i32
    %broadcast_in_dim3A_147 = vector.broadcast %broadcast_in_dim3A_146 : i32 to vector<16xi32>
    %swap3A_148 = arith.index_cast %add3A_145 : i32 to index
    %swap3A_149 = tpu.vector_load %arg10[%swap3A_148] {strides = array<i32>} : memref<4608xi32, #tpu.memory_space<vmem>>, vector<16xi32>,
    tpu.vector_store %arg10[%swap3A_148], %broadcast_in_dim3A_147 {strides = array<i32>} : memref<4608xi32, #tpu.memory_space<vmem>>, vector<16xi32>,
    %broadcast_in_dim3A_150 = arith.constant 0 : i32
    %broadcast_in_dim3A_151 = vector.broadcast %broadcast_in_dim3A_150 : i32 to vector<16xi32>
    %swap3A_152 = arith.index_cast %add3A_145 : i32 to index
    %swap3A_153 = tpu.vector_load %arg11[%swap3A_152] {strides = array<i32>} : memref<4608xi32, #tpu.memory_space<vmem>>, vector<16xi32>,
    tpu.vector_store %arg11[%swap3A_152], %broadcast_in_dim3A_151 {strides = array<i32>} : memref<4608xi32, #tpu.memory_space<vmem>>, vector<16xi32>,
    %broadcast_in_dim3A_154 = arith.constant 0.000000e+00 : f32
    %broadcast_in_dim3A_155 = vector.broadcast %broadcast_in_dim3A_154 : f32 to vector<16xf32>
    %swap3A_156 = arith.index_cast %add3A_145 : i32 to index
    %swap3A_157 = tpu.vector_load %arg12[%swap3A_156] {strides = array<i32>} : memref<4608xf32, #tpu.memory_space<vmem>>, vector<16xf32>,
    tpu.vector_store %arg12[%swap3A_156], %broadcast_in_dim3A_155 {strides = array<i32>} : memref<4608xf32, #tpu.memory_space<vmem>>, vector<16xf32>,
    %add3A_158 = arith.addi %add3A_69, %scan3A_55#0 : i32
    %add3A_159 = arith.constant 96 : i32
    %add3A_160 = arith.addi %add3A_158, %add3A_159 : i32
    %broadcast_in_dim3A_161 = arith.constant 0 : i32
    %broadcast_in_dim3A_162 = vector.broadcast %broadcast_in_dim3A_161 : i32 to vector<16xi32>
    %swap3A_163 = arith.index_cast %add3A_160 : i32 to index
    %swap3A_164 = tpu.vector_load %arg10[%swap3A_163] {strides = array<i32>} : memref<4608xi32, #tpu.memory_space<vmem>>, vector<16xi32>,
    tpu.vector_store %arg10[%swap3A_163], %broadcast_in_dim3A_162 {strides = array<i32>} : memref<4608xi32, #tpu.memory_space<vmem>>, vector<16xi32>,
    %broadcast_in_dim3A_165 = arith.constant 0 : i32
    %broadcast_in_dim3A_166 = vector.broadcast %broadcast_in_dim3A_165 : i32 to vector<16xi32>
    %swap3A_167 = arith.index_cast %add3A_160 : i32 to index
    %swap3A_168 = tpu.vector_load %arg11[%swap3A_167] {strides = array<i32>} : memref<4608xi32, #tpu.memory_space<vmem>>, vector<16xi32>,
    tpu.vector_store %arg11[%swap3A_167], %broadcast_in_dim3A_166 {strides = array<i32>} : memref<4608xi32, #tpu.memory_space<vmem>>, vector<16xi32>,
    %broadcast_in_dim3A_169 = arith.constant 0.000000e+00 : f32
    %broadcast_in_dim3A_170 = vector.broadcast %broadcast_in_dim3A_169 : f32 to vector<16xf32>
    %swap3A_171 = arith.index_cast %add3A_160 : i32 to index
    %swap3A_172 = tpu.vector_load %arg12[%swap3A_171] {strides = array<i32>} : memref<4608xf32, #tpu.memory_space<vmem>>, vector<16xf32>,
    tpu.vector_store %arg12[%swap3A_171], %broadcast_in_dim3A_170 {strides = array<i32>} : memref<4608xf32, #tpu.memory_space<vmem>>, vector<16xf32>,
    %add3A_173 = arith.addi %add3A_69, %scan3A_55#0 : i32
    %add3A_174 = arith.constant 112 : i32
    %add3A_175 = arith.addi %add3A_173, %add3A_174 : i32
    %broadcast_in_dim3A_176 = arith.constant 0 : i32
    %broadcast_in_dim3A_177 = vector.broadcast %broadcast_in_dim3A_176 : i32 to vector<16xi32>
    %swap3A_178 = arith.index_cast %add3A_175 : i32 to index
    %swap3A_179 = tpu.vector_load %arg10[%swap3A_178] {strides = array<i32>} : memref<4608xi32, #tpu.memory_space<vmem>>, vector<16xi32>,
    tpu.vector_store %arg10[%swap3A_178], %broadcast_in_dim3A_177 {strides = array<i32>} : memref<4608xi32, #tpu.memory_space<vmem>>, vector<16xi32>,
    %broadcast_in_dim3A_180 = arith.constant 0 : i32
    %broadcast_in_dim3A_181 = vector.broadcast %broadcast_in_dim3A_180 : i32 to vector<16xi32>
    %swap3A_182 = arith.index_cast %add3A_175 : i32 to index
    %swap3A_183 = tpu.vector_load %arg11[%swap3A_182] {strides = array<i32>} : memref<4608xi32, #tpu.memory_space<vmem>>, vector<16xi32>,
    tpu.vector_store %arg11[%swap3A_182], %broadcast_in_dim3A_181 {strides = array<i32>} : memref<4608xi32, #tpu.memory_space<vmem>>, vector<16xi32>,
    %broadcast_in_dim3A_184 = arith.constant 0.000000e+00 : f32
    %broadcast_in_dim3A_185 = vector.broadcast %broadcast_in_dim3A_184 : f32 to vector<16xf32>
    %swap3A_186 = arith.index_cast %add3A_175 : i32 to index
    %swap3A_187 = tpu.vector_load %arg12[%swap3A_186] {strides = array<i32>} : memref<4608xf32, #tpu.memory_space<vmem>>, vector<16xf32>,
    tpu.vector_store %arg12[%swap3A_186], %broadcast_in_dim3A_185 {strides = array<i32>} : memref<4608xf32, #tpu.memory_space<vmem>>, vector<16xf32>,
    %and3A = arith.constant 1 : i32
    %and3A_188 = arith.andi %scan3A_55#1, %and3A : i32
    %mul3A_189 = arith.constant 128 : i32
    %mul3A_190 = arith.muli %scan3A_55#1, %mul3A_189 : i32
    %add3A_191 = arith.constant 2304 : i32
    %add3A_192 = arith.addi %add3A_191, %mul3A_190 : i32
    %eq3A = arith.constant 0 : i32
    %eq3A_193 = arith.cmpi eq, %and3A_188, %eq3A : i32
    %convert_element_type3A = arith.extui %eq3A_193 : i1 to i32
    %cond3A = arith.constant 0 : i32
    %cond3A_194 = arith.cmpi ne, %convert_element_type3A, %cond3A : i32
    scf.if %cond3A_194 {
      %dma_start3A_220 = arith.constant 0 : i32
      %dma_start3A_221 = arith.constant 0 : i32
      %dma_start3A_222 = arith.constant 0 : i32
      %dma_start3A_223 = tpu.memref_slice %arg13[%dma_start3A_220, %dma_start3A_221, %dma_start3A_222] : memref<2x128x256xf32, #tpu.memory_space<vmem>> -> memref<1x128x256xf32, #tpu.memory_space<vmem>>
      %dma_start3A_224 = tpu.memref_squeeze %dma_start3A_223 : memref<1x128x256xf32, #tpu.memory_space<vmem>> -> memref<128x256xf32, #tpu.memory_space<vmem>>
      %dma_start3A_225 = tpu.memref_slice %arg11[%add3A_192] : memref<4608xi32, #tpu.memory_space<vmem>> -> memref<128xi32, #tpu.memory_space<vmem>>
      %dma_start3A_226 = arith.constant 0 : i32
      %dma_start3A_227 = arith.constant 0 : i32
      %dma_start3A_228 = tpu.memref_slice %arg2[%dma_start3A_226, %dma_start3A_227] : memref<4096x256xf32, #tpu.memory_space<hbm>> -> memref<4096x256xf32, #tpu.memory_space<hbm>>
      tpu.enqueue_indirect_dma source(%dma_start3A_228 : memref<4096x256xf32, #tpu.memory_space<hbm>>) target(%dma_start3A_224 : memref<128x256xf32, #tpu.memory_space<vmem>>) offsets(%dma_start3A_225 : memref<128xi32, #tpu.memory_space<vmem>>) semaphore(%arg17 : memref<!tpu.dma_semaphore, #tpu.memory_space<semaphore_mem>>)
    } else {
    }
    %eq3A_195 = arith.constant 1 : i32
    %eq3A_196 = arith.cmpi eq, %and3A_188, %eq3A_195 : i32
    %convert_element_type3A_197 = arith.extui %eq3A_196 : i1 to i32
    %cond3A_198 = arith.constant 0 : i32
    %cond3A_199 = arith.cmpi ne, %convert_element_type3A_197, %cond3A_198 : i32
    scf.if %cond3A_199 {
      %dma_start3A_220 = arith.constant 1 : i32
      %dma_start3A_221 = arith.constant 0 : i32
      %dma_start3A_222 = arith.constant 0 : i32
      %dma_start3A_223 = tpu.memref_slice %arg13[%dma_start3A_220, %dma_start3A_221, %dma_start3A_222] : memref<2x128x256xf32, #tpu.memory_space<vmem>> -> memref<1x128x256xf32, #tpu.memory_space<vmem>>
      %dma_start3A_224 = tpu.memref_squeeze %dma_start3A_223 : memref<1x128x256xf32, #tpu.memory_space<vmem>> -> memref<128x256xf32, #tpu.memory_space<vmem>>
      %dma_start3A_225 = tpu.memref_slice %arg11[%add3A_192] : memref<4608xi32, #tpu.memory_space<vmem>> -> memref<128xi32, #tpu.memory_space<vmem>>
      %dma_start3A_226 = arith.constant 0 : i32
      %dma_start3A_227 = arith.constant 0 : i32
      %dma_start3A_228 = tpu.memref_slice %arg2[%dma_start3A_226, %dma_start3A_227] : memref<4096x256xf32, #tpu.memory_space<hbm>> -> memref<4096x256xf32, #tpu.memory_space<hbm>>
      tpu.enqueue_indirect_dma source(%dma_start3A_228 : memref<4096x256xf32, #tpu.memory_space<hbm>>) target(%dma_start3A_224 : memref<128x256xf32, #tpu.memory_space<vmem>>) offsets(%dma_start3A_225 : memref<128xi32, #tpu.memory_space<vmem>>) semaphore(%arg18 : memref<!tpu.dma_semaphore, #tpu.memory_space<semaphore_mem>>)
    } else {
    }
    %mul3A_200 = arith.constant 128 : i32
    %mul3A_201 = arith.muli %scan3A_55#1, %mul3A_200 : i32
    %add3A_202 = arith.constant 2304 : i32
    %add3A_203 = arith.addi %add3A_202, %mul3A_201 : i32
    %eq3A_204 = arith.constant 0 : i32
    %eq3A_205 = arith.cmpi eq, %and3A_188, %eq3A_204 : i32
    %convert_element_type3A_206 = arith.extui %eq3A_205 : i1 to i32
    %cond3A_207 = arith.constant 0 : i32
    %cond3A_208 = arith.cmpi ne, %convert_element_type3A_206, %cond3A_207 : i32
    scf.if %cond3A_208 {
      %dma_wait3A = arith.constant 0 : i32
      %dma_wait3A_220 = arith.constant 0 : i32
      %dma_wait3A_221 = arith.constant 0 : i32
      %dma_wait3A_222 = tpu.memref_slice %arg13[%dma_wait3A, %dma_wait3A_220, %dma_wait3A_221] : memref<2x128x256xf32, #tpu.memory_space<vmem>> -> memref<1x128x256xf32, #tpu.memory_space<vmem>>
      %dma_wait3A_223 = tpu.memref_squeeze %dma_wait3A_222 : memref<1x128x256xf32, #tpu.memory_space<vmem>> -> memref<128x256xf32, #tpu.memory_space<vmem>>
      %dma_wait3A_224 = tpu.memref_slice %arg11[%add3A_203] : memref<4608xi32, #tpu.memory_space<vmem>> -> memref<128xi32, #tpu.memory_space<vmem>>
      %dma_wait3A_225 = arith.constant 0 : i32
      %dma_wait3A_226 = arith.constant 0 : i32
      %dma_wait3A_227 = tpu.memref_slice %arg2[%dma_wait3A_225, %dma_wait3A_226] : memref<4096x256xf32, #tpu.memory_space<hbm>> -> memref<4096x256xf32, #tpu.memory_space<hbm>>
      tpu.wait_indirect_dma semaphore(%arg17 : memref<!tpu.dma_semaphore, #tpu.memory_space<semaphore_mem>>) src(%dma_wait3A_227 : memref<4096x256xf32, #tpu.memory_space<hbm>>) dst(%dma_wait3A_223 : memref<128x256xf32, #tpu.memory_space<vmem>>)
    } else {
    }
    %eq3A_209 = arith.constant 1 : i32
    %eq3A_210 = arith.cmpi eq, %and3A_188, %eq3A_209 : i32
    %convert_element_type3A_211 = arith.extui %eq3A_210 : i1 to i32
    %cond3A_212 = arith.constant 0 : i32
    %cond3A_213 = arith.cmpi ne, %convert_element_type3A_211, %cond3A_212 : i32
    scf.if %cond3A_213 {
      %dma_wait3A = arith.constant 1 : i32
      %dma_wait3A_220 = arith.constant 0 : i32
      %dma_wait3A_221 = arith.constant 0 : i32
      %dma_wait3A_222 = tpu.memref_slice %arg13[%dma_wait3A, %dma_wait3A_220, %dma_wait3A_221] : memref<2x128x256xf32, #tpu.memory_space<vmem>> -> memref<1x128x256xf32, #tpu.memory_space<vmem>>
      %dma_wait3A_223 = tpu.memref_squeeze %dma_wait3A_222 : memref<1x128x256xf32, #tpu.memory_space<vmem>> -> memref<128x256xf32, #tpu.memory_space<vmem>>
      %dma_wait3A_224 = tpu.memref_slice %arg11[%add3A_203] : memref<4608xi32, #tpu.memory_space<vmem>> -> memref<128xi32, #tpu.memory_space<vmem>>
      %dma_wait3A_225 = arith.constant 0 : i32
      %dma_wait3A_226 = arith.constant 0 : i32
      %dma_wait3A_227 = tpu.memref_slice %arg2[%dma_wait3A_225, %dma_wait3A_226] : memref<4096x256xf32, #tpu.memory_space<hbm>> -> memref<4096x256xf32, #tpu.memory_space<hbm>>
      tpu.wait_indirect_dma semaphore(%arg18 : memref<!tpu.dma_semaphore, #tpu.memory_space<semaphore_mem>>) src(%dma_wait3A_227 : memref<4096x256xf32, #tpu.memory_space<hbm>>) dst(%dma_wait3A_223 : memref<128x256xf32, #tpu.memory_space<vmem>>)
    } else {
    }
    %mul3A_214 = arith.constant 128 : i32
    %mul3A_215 = arith.muli %scan3A_55#1, %mul3A_214 : i32
    %add3A_216 = arith.constant 2304 : i32
    %add3A_217 = arith.addi %add3A_216, %mul3A_215 : i32
    %parallel_loop3A = arith.constant 0 : i32
    %parallel_loop3A_218 = arith.constant 128 : i32
    %parallel_loop3A_219 = arith.constant 1 : i32
    scf.for %parallel_loop3A_220 = %parallel_loop3A to %parallel_loop3A_218 step %parallel_loop3A_219  : i32 {
      %parallel_loop3A_221 = arith.addi %add3A_217, %parallel_loop3A_220 : i32
      %parallel_loop3A_222 = vector.broadcast %parallel_loop3A_221 : i32 to vector<16xi32>
      %parallel_loop3A_223 = tpu.vector_load_idx %arg12[%parallel_loop3A_222] : memref<4608xf32, #tpu.memory_space<vmem>>[vector<16xi32>], vector<16xf32>,
      %parallel_loop3A_224 = tpu.vector_load_idx %arg10[%parallel_loop3A_222] : memref<4608xi32, #tpu.memory_space<vmem>>[vector<16xi32>], vector<16xi32>,
      %parallel_loop3A_225 = vector.extract_strided_slice %parallel_loop3A_224 {offsets = [0], sizes = [1], strides = [1]} : vector<16xi32> to vector<1xi32>
      %parallel_loop3A_226 = vector.extract %parallel_loop3A_225[0] : i32 from vector<1xi32>
      %parallel_loop3A_227 = arith.index_cast %and3A_188 : i32 to index
      %parallel_loop3A_228 = arith.index_cast %parallel_loop3A_220 : i32 to index
      %parallel_loop3A_229 = arith.constant 0 : index
      %parallel_loop3A_230 = tpu.vector_load %arg13[%parallel_loop3A_227, %parallel_loop3A_228, %parallel_loop3A_229] {strides = array<i32>} : memref<2x128x256xf32, #tpu.memory_space<vmem>>, vector<16xf32>,
      %parallel_loop3A_231 = arith.mulf %parallel_loop3A_230, %parallel_loop3A_223 : vector<16xf32>
      %parallel_loop3A_232 = arith.index_cast %parallel_loop3A_226 : i32 to index
      %parallel_loop3A_233 = arith.constant 0 : index
      %parallel_loop3A_234 = tpu.vector_load %arg14[%parallel_loop3A_232, %parallel_loop3A_233] {strides = array<i32>} : memref<128x256xf32, #tpu.memory_space<vmem>>, vector<16xf32>,
      tpu.vector_store %arg14[%parallel_loop3A_232, %parallel_loop3A_233], %parallel_loop3A_231 {add = true, strides = array<i32>} : memref<128x256xf32, #tpu.memory_space<vmem>>, vector<16xf32>,
      %parallel_loop3A_235 = arith.index_cast %and3A_188 : i32 to index
      %parallel_loop3A_236 = arith.index_cast %parallel_loop3A_220 : i32 to index
      %parallel_loop3A_237 = arith.constant 16 : index
      %parallel_loop3A_238 = tpu.vector_load %arg13[%parallel_loop3A_235, %parallel_loop3A_236, %parallel_loop3A_237] {strides = array<i32>} : memref<2x128x256xf32, #tpu.memory_space<vmem>>, vector<16xf32>,
      %parallel_loop3A_239 = arith.mulf %parallel_loop3A_238, %parallel_loop3A_223 : vector<16xf32>
      %parallel_loop3A_240 = arith.index_cast %parallel_loop3A_226 : i32 to index
      %parallel_loop3A_241 = arith.constant 16 : index
      %parallel_loop3A_242 = tpu.vector_load %arg14[%parallel_loop3A_240, %parallel_loop3A_241] {strides = array<i32>} : memref<128x256xf32, #tpu.memory_space<vmem>>, vector<16xf32>,
      tpu.vector_store %arg14[%parallel_loop3A_240, %parallel_loop3A_241], %parallel_loop3A_239 {add = true, strides = array<i32>} : memref<128x256xf32, #tpu.memory_space<vmem>>, vector<16xf32>,
      %parallel_loop3A_243 = arith.index_cast %and3A_188 : i32 to index
      %parallel_loop3A_244 = arith.index_cast %parallel_loop3A_220 : i32 to index
      %parallel_loop3A_245 = arith.constant 32 : index
      %parallel_loop3A_246 = tpu.vector_load %arg13[%parallel_loop3A_243, %parallel_loop3A_244, %parallel_loop3A_245] {strides = array<i32>} : memref<2x128x256xf32, #tpu.memory_space<vmem>>, vector<16xf32>,
      %parallel_loop3A_247 = arith.mulf %parallel_loop3A_246, %parallel_loop3A_223 : vector<16xf32>
      %parallel_loop3A_248 = arith.index_cast %parallel_loop3A_226 : i32 to index
      %parallel_loop3A_249 = arith.constant 32 : index
      %parallel_loop3A_250 = tpu.vector_load %arg14[%parallel_loop3A_248, %parallel_loop3A_249] {strides = array<i32>} : memref<128x256xf32, #tpu.memory_space<vmem>>, vector<16xf32>,
      tpu.vector_store %arg14[%parallel_loop3A_248, %parallel_loop3A_249], %parallel_loop3A_247 {add = true, strides = array<i32>} : memref<128x256xf32, #tpu.memory_space<vmem>>, vector<16xf32>,
      %parallel_loop3A_251 = arith.index_cast %and3A_188 : i32 to index
      %parallel_loop3A_252 = arith.index_cast %parallel_loop3A_220 : i32 to index
      %parallel_loop3A_253 = arith.constant 48 : index
      %parallel_loop3A_254 = tpu.vector_load %arg13[%parallel_loop3A_251, %parallel_loop3A_252, %parallel_loop3A_253] {strides = array<i32>} : memref<2x128x256xf32, #tpu.memory_space<vmem>>, vector<16xf32>,
      %parallel_loop3A_255 = arith.mulf %parallel_loop3A_254, %parallel_loop3A_223 : vector<16xf32>
      %parallel_loop3A_256 = arith.index_cast %parallel_loop3A_226 : i32 to index
      %parallel_loop3A_257 = arith.constant 48 : index
      %parallel_loop3A_258 = tpu.vector_load %arg14[%parallel_loop3A_256, %parallel_loop3A_257] {strides = array<i32>} : memref<128x256xf32, #tpu.memory_space<vmem>>, vector<16xf32>,
      tpu.vector_store %arg14[%parallel_loop3A_256, %parallel_loop3A_257], %parallel_loop3A_255 {add = true, strides = array<i32>} : memref<128x256xf32, #tpu.memory_space<vmem>>, vector<16xf32>,
      %parallel_loop3A_259 = arith.index_cast %and3A_188 : i32 to index
      %parallel_loop3A_260 = arith.index_cast %parallel_loop3A_220 : i32 to index
      %parallel_loop3A_261 = arith.constant 64 : index
      %parallel_loop3A_262 = tpu.vector_load %arg13[%parallel_loop3A_259, %parallel_loop3A_260, %parallel_loop3A_261] {strides = array<i32>} : memref<2x128x256xf32, #tpu.memory_space<vmem>>, vector<16xf32>,
      %parallel_loop3A_263 = arith.mulf %parallel_loop3A_262, %parallel_loop3A_223 : vector<16xf32>
      %parallel_loop3A_264 = arith.index_cast %parallel_loop3A_226 : i32 to index
      %parallel_loop3A_265 = arith.constant 64 : index
      %parallel_loop3A_266 = tpu.vector_load %arg14[%parallel_loop3A_264, %parallel_loop3A_265] {strides = array<i32>} : memref<128x256xf32, #tpu.memory_space<vmem>>, vector<16xf32>,
      tpu.vector_store %arg14[%parallel_loop3A_264, %parallel_loop3A_265], %parallel_loop3A_263 {add = true, strides = array<i32>} : memref<128x256xf32, #tpu.memory_space<vmem>>, vector<16xf32>,
      %parallel_loop3A_267 = arith.index_cast %and3A_188 : i32 to index
      %parallel_loop3A_268 = arith.index_cast %parallel_loop3A_220 : i32 to index
      %parallel_loop3A_269 = arith.constant 80 : index
      %parallel_loop3A_270 = tpu.vector_load %arg13[%parallel_loop3A_267, %parallel_loop3A_268, %parallel_loop3A_269] {strides = array<i32>} : memref<2x128x256xf32, #tpu.memory_space<vmem>>, vector<16xf32>,
      %parallel_loop3A_271 = arith.mulf %parallel_loop3A_270, %parallel_loop3A_223 : vector<16xf32>
      %parallel_loop3A_272 = arith.index_cast %parallel_loop3A_226 : i32 to index
      %parallel_loop3A_273 = arith.constant 80 : index
      %parallel_loop3A_274 = tpu.vector_load %arg14[%parallel_loop3A_272, %parallel_loop3A_273] {strides = array<i32>} : memref<128x256xf32, #tpu.memory_space<vmem>>, vector<16xf32>,
      tpu.vector_store %arg14[%parallel_loop3A_272, %parallel_loop3A_273], %parallel_loop3A_271 {add = true, strides = array<i32>} : memref<128x256xf32, #tpu.memory_space<vmem>>, vector<16xf32>,
      %parallel_loop3A_275 = arith.index_cast %and3A_188 : i32 to index
      %parallel_loop3A_276 = arith.index_cast %parallel_loop3A_220 : i32 to index
      %parallel_loop3A_277 = arith.constant 96 : index
      %parallel_loop3A_278 = tpu.vector_load %arg13[%parallel_loop3A_275, %parallel_loop3A_276, %parallel_loop3A_277] {strides = array<i32>} : memref<2x128x256xf32, #tpu.memory_space<vmem>>, vector<16xf32>,
      %parallel_loop3A_279 = arith.mulf %parallel_loop3A_278, %parallel_loop3A_223 : vector<16xf32>
      %parallel_loop3A_280 = arith.index_cast %parallel_loop3A_226 : i32 to index
      %parallel_loop3A_281 = arith.constant 96 : index
      %parallel_loop3A_282 = tpu.vector_load %arg14[%parallel_loop3A_280, %parallel_loop3A_281] {strides = array<i32>} : memref<128x256xf32, #tpu.memory_space<vmem>>, vector<16xf32>,
      tpu.vector_store %arg14[%parallel_loop3A_280, %parallel_loop3A_281], %parallel_loop3A_279 {add = true, strides = array<i32>} : memref<128x256xf32, #tpu.memory_space<vmem>>, vector<16xf32>,
      %parallel_loop3A_283 = arith.index_cast %and3A_188 : i32 to index
      %parallel_loop3A_284 = arith.index_cast %parallel_loop3A_220 : i32 to index
      %parallel_loop3A_285 = arith.constant 112 : index
      %parallel_loop3A_286 = tpu.vector_load %arg13[%parallel_loop3A_283, %parallel_loop3A_284, %parallel_loop3A_285] {strides = array<i32>} : memref<2x128x256xf32, #tpu.memory_space<vmem>>, vector<16xf32>,
      %parallel_loop3A_287 = arith.mulf %parallel_loop3A_286, %parallel_loop3A_223 : vector<16xf32>
      %parallel_loop3A_288 = arith.index_cast %parallel_loop3A_226 : i32 to index
      %parallel_loop3A_289 = arith.constant 112 : index
      %parallel_loop3A_290 = tpu.vector_load %arg14[%parallel_loop3A_288, %parallel_loop3A_289] {strides = array<i32>} : memref<128x256xf32, #tpu.memory_space<vmem>>, vector<16xf32>,
      tpu.vector_store %arg14[%parallel_loop3A_288, %parallel_loop3A_289], %parallel_loop3A_287 {add = true, strides = array<i32>} : memref<128x256xf32, #tpu.memory_space<vmem>>, vector<16xf32>,
      %parallel_loop3A_291 = arith.index_cast %and3A_188 : i32 to index
      %parallel_loop3A_292 = arith.index_cast %parallel_loop3A_220 : i32 to index
      %parallel_loop3A_293 = arith.constant 128 : index
      %parallel_loop3A_294 = tpu.vector_load %arg13[%parallel_loop3A_291, %parallel_loop3A_292, %parallel_loop3A_293] {strides = array<i32>} : memref<2x128x256xf32, #tpu.memory_space<vmem>>, vector<16xf32>,
      %parallel_loop3A_295 = arith.mulf %parallel_loop3A_294, %parallel_loop3A_223 : vector<16xf32>
      %parallel_loop3A_296 = arith.index_cast %parallel_loop3A_226 : i32 to index
      %parallel_loop3A_297 = arith.constant 128 : index
      %parallel_loop3A_298 = tpu.vector_load %arg14[%parallel_loop3A_296, %parallel_loop3A_297] {strides = array<i32>} : memref<128x256xf32, #tpu.memory_space<vmem>>, vector<16xf32>,
      tpu.vector_store %arg14[%parallel_loop3A_296, %parallel_loop3A_297], %parallel_loop3A_295 {add = true, strides = array<i32>} : memref<128x256xf32, #tpu.memory_space<vmem>>, vector<16xf32>,
      %parallel_loop3A_299 = arith.index_cast %and3A_188 : i32 to index
      %parallel_loop3A_300 = arith.index_cast %parallel_loop3A_220 : i32 to index
      %parallel_loop3A_301 = arith.constant 144 : index
      %parallel_loop3A_302 = tpu.vector_load %arg13[%parallel_loop3A_299, %parallel_loop3A_300, %parallel_loop3A_301] {strides = array<i32>} : memref<2x128x256xf32, #tpu.memory_space<vmem>>, vector<16xf32>,
      %parallel_loop3A_303 = arith.mulf %parallel_loop3A_302, %parallel_loop3A_223 : vector<16xf32>
      %parallel_loop3A_304 = arith.index_cast %parallel_loop3A_226 : i32 to index
      %parallel_loop3A_305 = arith.constant 144 : index
      %parallel_loop3A_306 = tpu.vector_load %arg14[%parallel_loop3A_304, %parallel_loop3A_305] {strides = array<i32>} : memref<128x256xf32, #tpu.memory_space<vmem>>, vector<16xf32>,
      tpu.vector_store %arg14[%parallel_loop3A_304, %parallel_loop3A_305], %parallel_loop3A_303 {add = true, strides = array<i32>} : memref<128x256xf32, #tpu.memory_space<vmem>>, vector<16xf32>,
      %parallel_loop3A_307 = arith.index_cast %and3A_188 : i32 to index
      %parallel_loop3A_308 = arith.index_cast %parallel_loop3A_220 : i32 to index
      %parallel_loop3A_309 = arith.constant 160 : index
      %parallel_loop3A_310 = tpu.vector_load %arg13[%parallel_loop3A_307, %parallel_loop3A_308, %parallel_loop3A_309] {strides = array<i32>} : memref<2x128x256xf32, #tpu.memory_space<vmem>>, vector<16xf32>,
      %parallel_loop3A_311 = arith.mulf %parallel_loop3A_310, %parallel_loop3A_223 : vector<16xf32>
      %parallel_loop3A_312 = arith.index_cast %parallel_loop3A_226 : i32 to index
      %parallel_loop3A_313 = arith.constant 160 : index
      %parallel_loop3A_314 = tpu.vector_load %arg14[%parallel_loop3A_312, %parallel_loop3A_313] {strides = array<i32>} : memref<128x256xf32, #tpu.memory_space<vmem>>, vector<16xf32>,
      tpu.vector_store %arg14[%parallel_loop3A_312, %parallel_loop3A_313], %parallel_loop3A_311 {add = true, strides = array<i32>} : memref<128x256xf32, #tpu.memory_space<vmem>>, vector<16xf32>,
      %parallel_loop3A_315 = arith.index_cast %and3A_188 : i32 to index
      %parallel_loop3A_316 = arith.index_cast %parallel_loop3A_220 : i32 to index
      %parallel_loop3A_317 = arith.constant 176 : index
      %parallel_loop3A_318 = tpu.vector_load %arg13[%parallel_loop3A_315, %parallel_loop3A_316, %parallel_loop3A_317] {strides = array<i32>} : memref<2x128x256xf32, #tpu.memory_space<vmem>>, vector<16xf32>,
      %parallel_loop3A_319 = arith.mulf %parallel_loop3A_318, %parallel_loop3A_223 : vector<16xf32>
      %parallel_loop3A_320 = arith.index_cast %parallel_loop3A_226 : i32 to index
      %parallel_loop3A_321 = arith.constant 176 : index
      %parallel_loop3A_322 = tpu.vector_load %arg14[%parallel_loop3A_320, %parallel_loop3A_321] {strides = array<i32>} : memref<128x256xf32, #tpu.memory_space<vmem>>, vector<16xf32>,
      tpu.vector_store %arg14[%parallel_loop3A_320, %parallel_loop3A_321], %parallel_loop3A_319 {add = true, strides = array<i32>} : memref<128x256xf32, #tpu.memory_space<vmem>>, vector<16xf32>,
      %parallel_loop3A_323 = arith.index_cast %and3A_188 : i32 to index
      %parallel_loop3A_324 = arith.index_cast %parallel_loop3A_220 : i32 to index
      %parallel_loop3A_325 = arith.constant 192 : index
      %parallel_loop3A_326 = tpu.vector_load %arg13[%parallel_loop3A_323, %parallel_loop3A_324, %parallel_loop3A_325] {strides = array<i32>} : memref<2x128x256xf32, #tpu.memory_space<vmem>>, vector<16xf32>,
      %parallel_loop3A_327 = arith.mulf %parallel_loop3A_326, %parallel_loop3A_223 : vector<16xf32>
      %parallel_loop3A_328 = arith.index_cast %parallel_loop3A_226 : i32 to index
      %parallel_loop3A_329 = arith.constant 192 : index
      %parallel_loop3A_330 = tpu.vector_load %arg14[%parallel_loop3A_328, %parallel_loop3A_329] {strides = array<i32>} : memref<128x256xf32, #tpu.memory_space<vmem>>, vector<16xf32>,
      tpu.vector_store %arg14[%parallel_loop3A_328, %parallel_loop3A_329], %parallel_loop3A_327 {add = true, strides = array<i32>} : memref<128x256xf32, #tpu.memory_space<vmem>>, vector<16xf32>,
      %parallel_loop3A_331 = arith.index_cast %and3A_188 : i32 to index
      %parallel_loop3A_332 = arith.index_cast %parallel_loop3A_220 : i32 to index
      %parallel_loop3A_333 = arith.constant 208 : index
      %parallel_loop3A_334 = tpu.vector_load %arg13[%parallel_loop3A_331, %parallel_loop3A_332, %parallel_loop3A_333] {strides = array<i32>} : memref<2x128x256xf32, #tpu.memory_space<vmem>>, vector<16xf32>,
      %parallel_loop3A_335 = arith.mulf %parallel_loop3A_334, %parallel_loop3A_223 : vector<16xf32>
      %parallel_loop3A_336 = arith.index_cast %parallel_loop3A_226 : i32 to index
      %parallel_loop3A_337 = arith.constant 208 : index
      %parallel_loop3A_338 = tpu.vector_load %arg14[%parallel_loop3A_336, %parallel_loop3A_337] {strides = array<i32>} : memref<128x256xf32, #tpu.memory_space<vmem>>, vector<16xf32>,
      tpu.vector_store %arg14[%parallel_loop3A_336, %parallel_loop3A_337], %parallel_loop3A_335 {add = true, strides = array<i32>} : memref<128x256xf32, #tpu.memory_space<vmem>>, vector<16xf32>,
      %parallel_loop3A_339 = arith.index_cast %and3A_188 : i32 to index
      %parallel_loop3A_340 = arith.index_cast %parallel_loop3A_220 : i32 to index
      %parallel_loop3A_341 = arith.constant 224 : index
      %parallel_loop3A_342 = tpu.vector_load %arg13[%parallel_loop3A_339, %parallel_loop3A_340, %parallel_loop3A_341] {strides = array<i32>} : memref<2x128x256xf32, #tpu.memory_space<vmem>>, vector<16xf32>,
      %parallel_loop3A_343 = arith.mulf %parallel_loop3A_342, %parallel_loop3A_223 : vector<16xf32>
      %parallel_loop3A_344 = arith.index_cast %parallel_loop3A_226 : i32 to index
      %parallel_loop3A_345 = arith.constant 224 : index
      %parallel_loop3A_346 = tpu.vector_load %arg14[%parallel_loop3A_344, %parallel_loop3A_345] {strides = array<i32>} : memref<128x256xf32, #tpu.memory_space<vmem>>, vector<16xf32>,
      tpu.vector_store %arg14[%parallel_loop3A_344, %parallel_loop3A_345], %parallel_loop3A_343 {add = true, strides = array<i32>} : memref<128x256xf32, #tpu.memory_space<vmem>>, vector<16xf32>,
      %parallel_loop3A_347 = arith.index_cast %and3A_188 : i32 to index
      %parallel_loop3A_348 = arith.index_cast %parallel_loop3A_220 : i32 to index
      %parallel_loop3A_349 = arith.constant 240 : index
      %parallel_loop3A_350 = tpu.vector_load %arg13[%parallel_loop3A_347, %parallel_loop3A_348, %parallel_loop3A_349] {strides = array<i32>} : memref<2x128x256xf32, #tpu.memory_space<vmem>>, vector<16xf32>,
      %parallel_loop3A_351 = arith.mulf %parallel_loop3A_350, %parallel_loop3A_223 : vector<16xf32>
      %parallel_loop3A_352 = arith.index_cast %parallel_loop3A_226 : i32 to index
      %parallel_loop3A_353 = arith.constant 240 : index
      %parallel_loop3A_354 = tpu.vector_load %arg14[%parallel_loop3A_352, %parallel_loop3A_353] {strides = array<i32>} : memref<128x256xf32, #tpu.memory_space<vmem>>, vector<16xf32>,
      tpu.vector_store %arg14[%parallel_loop3A_352, %parallel_loop3A_353], %parallel_loop3A_351 {add = true, strides = array<i32>} : memref<128x256xf32, #tpu.memory_space<vmem>>, vector<16xf32>,
    } {sc.loop_unroll_factor = 2 : i64, sc.parallel_access}
    "tpu.region"() ({
      %run_scoped3A = tpu.sem_alloc : memref<!tpu.dma_semaphore, #tpu.memory_space<semaphore_mem>>
      %dma_start3A_220 = arith.constant 0 : i32
      %dma_start3A_221 = tpu.memref_slice %arg6[%mul3A_2, %dma_start3A_220] : memref<4096x256xf32, #tpu.memory_space<hbm>> -> memref<128x256xf32, #tpu.memory_space<hbm>>
      %dma_start3A_222 = arith.constant 0 : i32
      %dma_start3A_223 = tpu.memref_slice %arg6[%mul3A_2, %dma_start3A_222] : memref<4096x256xf32, #tpu.memory_space<hbm>> -> memref<128x256xf32, #tpu.memory_space<hbm>>
      tpu.enqueue_dma source(%arg14 : memref<128x256xf32, #tpu.memory_space<vmem>>) target(%dma_start3A_223 : memref<128x256xf32, #tpu.memory_space<hbm>>) target_semaphore(%run_scoped3A : memref<!tpu.dma_semaphore, #tpu.memory_space<semaphore_mem>>)
      %dma_wait3A = arith.constant 0 : i32
      %dma_wait3A_224 = tpu.memref_slice %arg6[%mul3A_2, %dma_wait3A] : memref<4096x256xf32, #tpu.memory_space<hbm>> -> memref<128x256xf32, #tpu.memory_space<hbm>>
      %dma_wait3A_225 = arith.constant 0 : i32
      %dma_wait3A_226 = tpu.memref_slice %arg6[%mul3A_2, %dma_wait3A_225] : memref<4096x256xf32, #tpu.memory_space<hbm>> -> memref<128x256xf32, #tpu.memory_space<hbm>>
      tpu.wait_dma2 semaphore(%run_scoped3A : memref<!tpu.dma_semaphore, #tpu.memory_space<semaphore_mem>>) src(%arg14 : memref<128x256xf32, #tpu.memory_space<vmem>>) dst(%dma_wait3A_226 : memref<128x256xf32, #tpu.memory_space<hbm>>)
      tpu.yield
    }) : () -> ()
    return
  }
}

module attributes {stable_mosaic.version = 14 : i64} {
  func.func @body(%arg0: i32, %arg1: memref<512x256xf32, #tpu.memory_space<vmem>>, %arg2: memref<1x512xf32, #tpu.memory_space<vmem>>, %arg3: memref<256x512xf32, #tpu.memory_space<vmem>>) attributes {dimension_semantics = [#tpu.dimension_semantics<arbitrary>], iteration_bounds = array<i64: 8>, scalar_prefetch = 0 : i64, scratch_operands = 0 : i64, tpu.core_type = #tpu.core_type<tc>, window_params = [{transform_indices = @transform_0, window_bounds = array<i64: 512, 256>}, {transform_indices = @transform_1, window_bounds = array<i64: 1, 512>}, {transform_indices = @transform_2, window_bounds = array<i64: 256, 512>}]} {
    %get3A = arith.constant 0 : index
    %get3A_0 = arith.constant 0 : index
    %get3A_1 = vector.load %arg1[%get3A, %get3A_0] : memref<512x256xf32, #tpu.memory_space<vmem>>, vector<512x256xf32>
    %transpose3A = tpu.transpose %get3A_1, [1, 0] : vector<512x256xf32> -> vector<256x512xf32>
    %get3A_2 = arith.constant 0 : index
    %get3A_3 = arith.constant 0 : index
    %get3A_4 = vector.load %arg2[%get3A_2, %get3A_3] : memref<1x512xf32, #tpu.memory_space<vmem>>, vector<1x512xf32>
    %add3A = vector.broadcast %get3A_4 : vector<1x512xf32> to vector<256x512xf32>
    %add3A_5 = arith.addf %transpose3A, %add3A : vector<256x512xf32>
    %swap3A = arith.constant 0 : index
    %swap3A_6 = arith.constant 0 : index
    %swap3A_7 = vector.load %arg3[%swap3A, %swap3A_6] : memref<256x512xf32, #tpu.memory_space<vmem>>, vector<256x512xf32>
    tpu.vector_store %arg3[%swap3A, %swap3A_6], %add3A_5 {strides = array<i32>} : memref<256x512xf32, #tpu.memory_space<vmem>>, vector<256x512xf32>,
    return
  }
  func.func @transform_0(%arg0: i32) -> (i32, i32) {
    %c0_i32 = arith.constant 0 : i32
    %c0_i32_0 = arith.constant 0 : i32
    return %arg0, %c0_i32 : i32, i32
  }
  func.func @transform_1(%arg0: i32) -> (i32, i32) {
    %c0_i32 = arith.constant 0 : i32
    %c0_i32_0 = arith.constant 0 : i32
    return %c0_i32, %arg0 : i32, i32
  }
  func.func @transform_2(%arg0: i32) -> (i32, i32) {
    %c0_i32 = arith.constant 0 : i32
    %c0_i32_0 = arith.constant 0 : i32
    return %c0_i32, %arg0 : i32, i32
  }
}

</mosaic_0001>

<sc_bundles>
// kernel: kernel.4.cloned.1.call-start
scs
__scs_entry_jumppad:
0x0: {  	(pc) =	sbr.rel $0x88, $3  }
0x1: {  	(tag) =	ssettag $0x0;
	lr =	simm.s32 $0x1  }
0x2: {  	[smem:$0x3F9D] =	sst lr;
	_ =	strace $0xD0000000  }
0x3: {  	_ = 	snop  }
0x4: {  	_ = 	snop  }
0x5: {  	_ = 	snop  }
0x6: {  	_ = 	snop  }
0x7: {  	_ = 	snop  }
__scs_overlays_trampoline_lowered:
0x8: {  	[smem:$0x3FAC] =	sst s0  }
0x9: {  	[smem:$0x3FAD] =	sst s1  }
0xa: {  	[smem:$0x3FAE] =	sst s2  }
0xb: {  	[smem:$0x3FAF] =	sst s3  }
0xc: {  	[smem:$0x3FB0] =	sst s4  }
0xd: {  	[smem:$0x3FB1] =	sst s5  }
0xe: {  	[smem:$0x3FB2] =	sst s6  }
0xf: {  	[smem:$0x3FB3] =	sst s7  }
0x10: {  	[smem:$0x3FB4] =	sst s8  }
0x11: {  	[smem:$0x3FB5] =	sst s9;
	s0 =	simm.s32 @!p0 $0x0  }
0x12: {  	s1 =	sld [smem:$0x3F9B];
	s0 =	simm.s32 @p0 $0x1  }
0x13: {  	[smem:$0x3FB6] =	sst s0;
	s0 =	simm.s32 @!p1 $0x0  }
0x14: {  	s2 =	sld [smem:$0x3F9A];
	s0 =	simm.s32 @p1 $0x1  }
0x15: {  	[smem:$0x3FB7] =	sst s0;
	s0 =	simm.s32 @!p2 $0x0  }
0x16: {  	s3 =	sld [smem:$0x3FDB];
	s0 =	simm.s32 @p2 $0x1  }
0x17: {  	s4 =	simm.s32 $0x1BF5;
	[smem:$0x3FB9] =	sst s0  }
0x18: {  	s0 =	sld [smem:$0x3F9C];
	_ =	swait.ge [sflag:s4], $0x0  }
0x19: {  	s7 =	sld [smem:$0x3F9D]  }
0x1a: {  	s8 =	sadd.s32 $0xFFFFE003, lr  }
0x1b: {  	s9 =	sadd.s32 $0xFFFFFEF7, lr;
	s5 =	simm.s32 $0xFFFFFFFF;
	p2 =	slt.u32 s8, $0xFFFFF086  }
0x1c: {  	p1 =	slt.u32 s9, $0xF7A;
	s5 =	simm.s32 @!p2 $0x0  }
0x1d: {  	s5 =	simm.s32 @p1 $0x1;
	p0 =	seq.s32 s7, s2  }
0x1e: {  	s7 =	smul.u32 @!p0 $0xF7A, s2;
	p2 =	seq.s32 @!p0 s5, $0x0  }
0x1f: {  	s9 =	smul.u32 $0xF7A, s1;
	s8 =	simm.s32 @!p0 $0x1BF5;
	p2 =	por !p2, p0  }
0x20: {  	[sflag:s8] =	ssyncset.s32 @!p0 $0xFFFFF086;
	s6 =	sadd.s32 @!p0 s3, s7;
	s7 =	simm.s32 @!p0 $0x108  }
0x21: {  	s3 =	sadd.s32 s3, s9;
	s6 =	sadd.s32 @!p0 $0x88, s6;
	s7 =	simm.s32 @p2 $0x1082  }
0x22: {  	[simem:s7], [sflag:s8] =	dma.local @!p0 [hbm:s6], $0xF7A  }
0x23: {  	s9 =	sor.u32 $0xD0000000, s2;
	s6 =	simm.s32 $0x108;
	_ =	swait.ge @!p0 [sflag:s8], $0x0  }
0x24: {  	s3 =	sadd.s32 $0x88, s3;
	s6 =	simm.s32 @!p1 $0x1082;
	[sflag:s4] =	ssyncset.s32 $0xFFFFF086  }
0x25: {  	[simem:s6], [sflag:s4] =	dma.local [hbm:s3], $0xF7A  }
0x26: {  	[smem:$0x3F9D] =	sst s1;
	(tag) =	ssettag s2;
	_ =	strace s9  }
0x27: {  	s1 =	sld [smem:$0x3FAD]  }
0x28: {  	s2 =	sld [smem:$0x3FAE]  }
0x29: {  	s4 =	sld [smem:$0x3FB0]  }
0x2a: {  	p0 =	seq.s32 s5, $0x0;
	s5 =	sld [smem:$0x3FB1]  }
0x2b: {  	s6 =	sld [smem:$0x3FB2]  }
0x2c: {  	s7 =	sld [smem:$0x3FB3]  }
0x2d: {  	s3 =	simm.s32 $0x108;
	s8 =	sld [smem:$0x3FB4]  }
0x2e: {  	s3 =	simm.s32 @!p0 $0x1082;
	s9 =	sld [smem:$0x3FB5]  }
0x2f: {  	lr =	sadd.s32 s0, s3;
	s0 =	sld [smem:$0x3FAC]  }
0x30: {  	s3 =	sld [smem:$0x3FAF]  }
0x31: {  	[smem:$0x3FB8] =	sst s10  }
0x32: {  	s10 =	sld [smem:$0x3FB6];
	_ =	sdelay $0x3  }
0x33: {  	p0 =	seq.s32 s10, $0x1;
	s10 =	sld [smem:$0x3FB8];
	_ =	sdelay $0x3  }
0x34: {  	[smem:$0x3FB8] =	sst s10  }
0x35: {  	s10 =	sld [smem:$0x3FB7];
	_ =	sdelay $0x3  }
0x36: {  	p1 =	seq.s32 s10, $0x1;
	s10 =	sld [smem:$0x3FB8];
	_ =	sdelay $0x3  }
0x37: {  	[smem:$0x3FB8] =	sst s10  }
0x38: {  	s10 =	sld [smem:$0x3FB9]  }
0x39: {  	_ = 	snop;
	(pc) =	sbr.ind lr, $3  }
0x3a: {  	_ = 	snop  }
0x3b: {  	_ = 	snop  }
0x3c: {  	p2 =	seq.s32 s10, $0x1;
	s10 =	sld [smem:$0x3FB8]  }
0x3d: {  	_ =	shalt  }
0x3e: {  	_ =	shalt  }
0x3f: {  	_ =	shalt  }
0x40: {  	_ =	shalt  }
0x41: {  	_ =	shalt  }
0x42: {  	_ =	shalt  }
0x43: {  	_ =	shalt  }
0x44: {  	_ =	shalt  }
0x45: {  	_ =	shalt  }
0x46: {  	_ =	shalt  }
0x47: {  	_ =	shalt  }
0x48: {  	_ =	shalt  }
0x49: {  	_ =	shalt  }
0x4a: {  	_ =	shalt  }
0x4b: {  	_ =	shalt  }
0x4c: {  	_ =	shalt  }
0x4d: {  	_ =	shalt  }
0x4e: {  	_ =	shalt  }
0x4f: {  	_ =	shalt  }
0x50: {  	_ =	shalt  }
0x51: {  	_ =	shalt  }
0x52: {  	_ =	shalt  }
0x53: {  	_ =	shalt  }
0x54: {  	_ =	shalt  }
0x55: {  	_ =	shalt  }
0x56: {  	_ =	shalt  }
0x57: {  	_ =	shalt  }
0x58: {  	_ =	shalt  }
0x59: {  	_ =	shalt  }
0x5a: {  	_ =	shalt  }
0x5b: {  	_ =	shalt  }
0x5c: {  	_ =	shalt  }
0x5d: {  	_ =	shalt  }
0x5e: {  	_ =	shalt  }
0x5f: {  	_ =	shalt  }
0x60: {  	_ =	shalt  }
0x61: {  	_ =	shalt  }
0x62: {  	_ =	shalt  }
0x63: {  	_ =	shalt  }
0x64: {  	_ =	shalt  }
0x65: {  	_ =	shalt  }
0x66: {  	_ =	shalt  }
0x67: {  	_ =	shalt  }
0x68: {  	_ =	shalt  }
0x69: {  	_ =	shalt  }
0x6a: {  	_ =	shalt  }
0x6b: {  	_ =	shalt  }
0x6c: {  	_ =	shalt  }
0x6d: {  	_ =	shalt  }
0x6e: {  	_ =	shalt  }
0x6f: {  	_ =	shalt  }
0x70: {  	_ =	shalt  }
0x71: {  	_ =	shalt  }
0x72: {  	_ =	shalt  }
0x73: {  	_ =	shalt  }
0x74: {  	_ =	shalt  }
0x75: {  	_ =	shalt  }
0x76: {  	_ =	shalt  }
0x77: {  	_ =	shalt  }
0x78: {  	_ =	shalt  }
0x79: {  	_ =	shalt  }
0x7a: {  	_ =	shalt  }
0x7b: {  	_ =	shalt  }
0x7c: {  	_ =	shalt  }
0x7d: {  	_ =	shalt  }
0x7e: {  	_ =	shalt  }
0x7f: {  	_ =	shalt  }
0x80: {  	_ =	shalt  }
0x81: {  	_ =	shalt  }
0x82: {  	_ =	shalt  }
0x83: {  	_ =	shalt  }
0x84: {  	_ =	shalt  }
0x85: {  	_ =	shalt  }
0x86: {  	_ =	shalt  }
0x87: {  	_ =	shalt  }
.Lfunc_end0:
.L_simem_size_0:
called_computation_lowered:
.L_overlay_start_0:
0x88: {  	s2 =	sld [smem:$0x3FD9]  }
0x89: {  	s3 =	sld [smem:$0x3FFE];
	_ =	sdelay $0x1  }
0x8a: {  	s1 =	srdreg.scid  }
0x8b: {  	s0 =	sand.u32 $0x1, s1  }
0x8c: {  	s17 =	sshll.u32 s0, $0xA;
	s2 =	sadd.s32 s3, s2  }
0x8d: {  	s2 =	sadd.s32 s2, s17  }
0x8e: {  	[smem:$0x3FC4] =	sst s2  }
0x8f: {  	_ = 	snop  }
0x90: {  	s2 =	sld [smem:$0x3FD0];
	(tm) =	ssettm $0x1  }
0x91: {  	s18 =	sld [smem:$0x3FFB];
	_ =	sdelay $0x3  }
0x92: {  	_ =	strace s18  }
0x93: {  	s3 =	sld [smem:$0x3FFC];
	_ =	sdelay $0x3  }
0x94: {  	_ =	strace s3  }
0x95: {  	s3 =	sld [smem:$0x3FFD];
	_ =	sdelay $0x3  }
0x96: {  	_ =	strace s3  }
0x97: {  	_ =	strace $0x8FFFFFFF  }
0x98: {  	s19 =	sld [smem:$0x3FDB];
	_ =	sdelay $0x1  }
0x99: {  	s4 =	simm.s32 $_scs_section_size  }
0x9a: {  	s5 =	simm.s32 $_size__tile_overlayer_lowered;
	s6 =	simm.s32 $_tile_overlayer_lowered  }
0x9b: {  	s22 =	simm.s32 $0x1BFF;
	s21 =	sshll.u32 s6, $0x1;
	s3 =	sadd.s32 s4, s19  }
0x9c: {  	s7 =	simm.s32 $0x0;
	s20 =	sshll.u32 s5, $0x1;
	s5 =	sadd.s32 s21, s3  }
0x9d: {  	[timem:s7], [sflag:s22] =	dma.local [hbm:s5], s20  }
0x9e: {  	_ =	swait.ge [sflag:s22], s20  }
0x9f: {  	s4 =	ssub.s32 $0x0, s20;
	[sflag:s22] =	ssyncset.done $0x0  }
0xa0: {  	[sflag:s22] =	ssyncadd.s32 s4;
	_ =	sdelay $0x1  }
0xa1: {  	s23 =	simm.s32 $0x1B8B  }
0xa2: {  	_ =	swait.ge [sflag:s23], $0x1  }
0xa3: {  	[sflag:s23] =	ssyncset.done $0x0  }
0xa4: {  	s25 =	simm.s32 $0x1B8E;
	s24 =	sld [smem:$0x3FFE];
	[sflag:s23] =	ssyncadd.s32 $0xFFFFFFFF  }
0xa5: {  	s26 =	simm.s32 $execute0_lowered;
	[smem:$0x3FD2] =	sst s25  }
0xa6: {  	s5 =	sshll.u32 s26, $0x1;
	_ =	strace $0x80000046;
	[dreg:$0x1] =	wrdreg $0xFFFFFFFF  }
0xa7: {  	s28 =	simm.s32 $_size_execute0_lowered;
	s3 =	sadd.s32 s3, s5;
	[dreg:$0x0] =	wrdreg $0x0  }
0xa8: {  	s5 =	sshll.u32 s28, $0x1;
	[dreg:$0x2] =	wrdreg s3  }
0xa9: {  	[dreg:$0x3] =	wrdreg s5  }
0xaa: {  	[dreg:$0x4] =	wrdreg $0xC0  }
0xab: {  	_ =	task [dreg:s7], $0x5FFFF  }
0xac: {  	[dreg:$0x1] =	wrdreg $0xFFFFFFFF  }
0xad: {  	[dreg:$0x0] =	wrdreg $0x60  }
0xae: {  	[dreg:$0x2] =	wrdreg s2  }
0xaf: {  	[dreg:$0x3] =	wrdreg s24  }
0xb0: {  	[dreg:$0x4] =	wrdreg $0x9  }
0xb1: {  	_ =	task.clear_ibuf [dreg:s7], $0x5FFFF;
	_ =	strace $0x90000046  }
0xb2: {  	s29 =	simm.s32 $0x9;
	_ =	strace $0x80000048  }
0xb3: {  	_ =	swait.ge [sflag:s29], $0x1  }
0xb4: {  	[sflag:s29] =	ssyncadd.s32 $0xFFFFFFFF  }
0xb5: {  	_ =	strace $0x90000048  }
0xb6: {  	_ =	sfence  }
0xb7: {  	s30 =	sld [smem:$0x0];
	_ =	sdelay $0x2  }
0xb8: {  	s31 =	sshll.u32 s1, $0xD;
	s1 =	sshrl.u32 s1, $0x2  }
0xb9: {  	s3 =	sand.u32 $0x4000, s31;
	s1 =	sadd.s32 s1, s30  }
0xba: {  	s0 =	sor.u32 s3, s0;
	s1 =	sshll.u32 s1, $0x11  }
0xbb: {  	s0 =	sor.u32 s1, s0  }
0xbc: {  	s0 =	sadd.s32 $0x8F2B, s0  }
0xbd: {  	[sflag:s0] =	ssyncadd.remote.s32 $0x1  }
0xbe: {  	_ =	sfence.sel $0xFFFF  }
0xbf: {  	[dreg:$0x0] =	wrdreg $0xFFFFFFFF;
	(pc) =	sbr.abs _section_cstart, $3  }
0xc0: {  	[dreg:$0x1] =	wrdreg $0xFFFFFFFF  }
0xc1: {  	_ =	task.clear_ibuf [dreg:s7], $0x2FFFF;
	_ =	strace $0x9FFFFFFF  }
0xc2: {  	(tm) =	ssettm $0x7FFFFFFF  }
0xc3: {  	_ =	shalt  }
tec
execute0_lowered:
.L_overlay_start_1:
0x0: {  	(tag) =	ssettag $0x1  }
0x1: {  	s1 =	rddreg [dreg:$0x0]  }
0x2: {  	s2 =	rddreg [dreg:$0x1];
	s3 =	simm.s32 $0x0  }
0x3: {  	[smem:$0x7FF] =	sst s3;
	s6 =	sadd.s32 $0x5A00, s2  }
0x4: {  	s9 =	sadd.s32 $0xB200, s2;
	_ =	strace $0x80000047;
	[dreg:$0x9] =	wrdreg s6  }
0x5: {  	s12 =	sadd.s32 $0x5A80, s2;
	[dreg:$0xa] =	wrdreg s9  }
0x6: {  	s13 =	sadd.s32 $0x5B00, s2;
	[dreg:$0xe] =	wrdreg s12  }
0x7: {  	s14 =	sadd.s32 $0x5B80, s2;
	[dreg:$0xf] =	wrdreg s13  }
0x8: {  	s15 =	sadd.s32 $0x5C00, s2;
	[dreg:$0x10] =	wrdreg s14  }
0x9: {  	s16 =	sadd.s32 $0x5C80, s2;
	[dreg:$0x11] =	wrdreg s15  }
0xa: {  	s17 =	sadd.s32 $0x5D00, s2;
	[dreg:$0x12] =	wrdreg s16  }
0xb: {  	s18 =	sadd.s32 $0x5D80, s2;
	[dreg:$0x13] =	wrdreg s17  }
0xc: {  	s19 =	sadd.s32 $0x5E00, s2;
	[dreg:$0x14] =	wrdreg s18  }
0xd: {  	s20 =	sadd.s32 $0x5E80, s2;
	[dreg:$0x15] =	wrdreg s19  }
0xe: {  	s21 =	sadd.s32 $0x5F00, s2;
	[dreg:$0x16] =	wrdreg s20  }
0xf: {  	s22 =	sadd.s32 $0x5F80, s2;
	[dreg:$0x17] =	wrdreg s21  }
0x10: {  	s23 =	sadd.s32 $0x6000, s2;
	[dreg:$0x18] =	wrdreg s22  }
0x11: {  	s24 =	sadd.s32 $0x6080, s2;
	[dreg:$0x19] =	wrdreg s23  }
0x12: {  	s25 =	sadd.s32 $0x6100, s2;
	[dreg:$0x1a] =	wrdreg s24  }
0x13: {  	s26 =	sadd.s32 $0x6180, s2;
	[dreg:$0x1b] =	wrdreg s25  }
0x14: {  	s28 =	sadd.s32 $0xB280, s2;
	[dreg:$0x1c] =	wrdreg s26  }
0x15: {  	s29 =	sadd.s32 $0xB300, s2;
	[dreg:$0x1d] =	wrdreg s28  }
0x16: {  	s30 =	sadd.s32 $0xB380, s2;
	[dreg:$0x1e] =	wrdreg s29  }
0x17: {  	s31 =	sadd.s32 $0xB400, s2;
	[dreg:$0x1f] =	wrdreg s30  }
0x18: {  	[smem:$0x7E3] =	sst s31;
	s6 =	sadd.s32 $0xB500, s2  }
0x19: {  	s9 =	sadd.s32 $0xB680, s2;
	[smem:$0x7E5] =	sst s6  }
0x1a: {  	s12 =	sadd.s32 $0xB800, s2;
	[smem:$0x7E8] =	sst s9  }
0x1b: {  	s13 =	sadd.s32 $0xB880, s2;
	[smem:$0x7EB] =	sst s12  }
0x1c: {  	s14 =	sadd.s32 $0xB900, s2;
	[smem:$0x7EC] =	sst s13  }
0x1d: {  	s15 =	sadd.s32 $0xB980, s2;
	[smem:$0x7ED] =	sst s14  }
0x1e: {  	s16 =	sadd.s32 $0x280, s2;
	[smem:$0x7EE] =	sst s15  }
0x1f: {  	s17 =	sadd.s32 $0x300, s2;
	[smem:$0x7EF] =	sst s16  }
0x20: {  	s18 =	sadd.s32 $0x380, s2;
	[smem:$0x7F0] =	sst s17  }
0x21: {  	s19 =	sadd.s32 $0x400, s2;
	[smem:$0x7F1] =	sst s18  }
0x22: {  	s20 =	sadd.s32 $0x480, s2;
	[smem:$0x7F2] =	sst s19  }
0x23: {  	s21 =	sadd.s32 $0x500, s2;
	[smem:$0x7F3] =	sst s20  }
0x24: {  	s22 =	sadd.s32 $0x580, s2;
	[smem:$0x7F4] =	sst s21  }
0x25: {  	s23 =	sadd.s32 $0x600, s2;
	[smem:$0x7F5] =	sst s22  }
0x26: {  	s24 =	sadd.s32 $0x680, s2;
	[smem:$0x7F6] =	sst s23  }
0x27: {  	s0 =	srdreg.scid;
	s25 =	sadd.s32 $0x700, s2;
	[smem:$0x7F7] =	sst s24  }
0x28: {  	s5 =	stileid.u32;
	s26 =	sadd.s32 $0x780, s2;
	[smem:$0x7F8] =	sst s25  }
0x29: {  	s4 =	sand.u32 $0x1, s0;
	s28 =	sadd.s32 $0x800, s2;
	[smem:$0x7F9] =	sst s26  }
0x2a: {  	s7 =	sshll.u32 s5, $0x8;
	s29 =	sadd.s32 $0x880, s2;
	[smem:$0x7FA] =	sst s28  }
0x2b: {  	s8 =	sshll.u32 s4, $0x7;
	s30 =	sadd.s32 $0x900, s2;
	[smem:$0x7FB] =	sst s29  }
0x2c: {  	s0 =	sor.u32 s8, s7;
	s7 =	sadd.s32 $0x200, s2;
	[smem:$0x7FC] =	sst s30  }
0x2d: {  	s4 =	ssub.s32 $0x2, s4;
	s8 =	sadd.s32 $0xB600, s2;
	[dreg:$0xb] =	wrdreg s7  }
0x2e: {  	s11 =	sshrl.u32 s4, $0x1;
	s7 =	sadd.s32 $0xB580, s2;
	[smem:$0x7E7] =	sst s8  }
0x2f: {  	s4 =	ssub.s32 s4, s11;
	s11 =	sadd.s32 $0xB780, s2;
	[smem:$0x7E6] =	sst s7  }
0x30: {  	s10 =	sshll.u32 s0, $0x5;
	s4 =	smax.u32 s4, $0x1;
	[smem:$0x7EA] =	sst s11  }
0x31: {  	s5 =	sadd.s32 s10, s2;
	s10 =	sadd.s32 $0xB700, s2;
	[dreg:$0xd] =	wrdreg s4  }
0x32: {  	v7 =	vlaneseq.u32;
	v2 =	vimm.f32 $0.0e+00;
	s23 =	simm.s32 $0x3000;
	s5 =	sadd.s32 $0x10A00, s5;
	[smem:$0x7E9] =	sst s10  }
0x33: {  	v3 =	vimm.s32 $0x0;
	vm0 =	vmmov $0xffff;
	v5 =	vshrl.u32 v7, $0x3;
	s24 =	simm.s32 $0x4200;
	[dreg:$0xc] =	wrdreg s5;
	s5 =	sadd.s32 $0xB480, s2  }
0x34: {  	v4 =	vand.u32 $0x7, v7;
	v7 =	vor.u32 $0x8, v7;
	v5 =	vmul.u32 $0x8, v5;
	s31 =	sadd.s32 $0x80, s0;
	s2 =	sadd.s32 $0x980, s2;
	[smem:$0x7E4] =	sst s5  }
0x35: {  	v6 =	vor.u32 $0x8, v4;
	s25 =	simm.s32 $0x5400;
	v0 =	vmov s0;
	v1 =	vmov s31;
	s4 =	simm.s32 $0x0;
	[smem:$0x7FD] =	sst s2  }
.LBB2_1:
0x36: {  	s0 =	sand.u32 $0x7800, s3;
	s31 =	sand.u32 $0x380, s3  }
0x37: {  	[smem:$0x7E2] =	sst s4;
	s4 =	sor.u32 s31, s0  }
0x38: {  	s0 =	sadd.s32 $0x16600, s4;
	[tilespmem:s4+$0x16600] =	vst v2  }
0x39: {  	[tilespmem:s0+$0x10] =	vst v2  }
0x3a: {  	[tilespmem:s0+$0x20] =	vst v2  }
0x3b: {  	[tilespmem:s0+$0x30] =	vst v2  }
0x3c: {  	[tilespmem:s0+$0x40] =	vst v2  }
0x3d: {  	[tilespmem:s0+$0x50] =	vst v2  }
0x3e: {  	[tilespmem:s0+$0x60] =	vst v2  }
0x3f: {  	[tilespmem:s0+$0x70] =	vst v2  }
0x40: {  	[tilespmem:s0+$0x400] =	vst v2  }
0x41: {  	[tilespmem:s0+$0x410] =	vst v2  }
0x42: {  	[tilespmem:s0+$0x420] =	vst v2  }
0x43: {  	[tilespmem:s0+$0x430] =	vst v2  }
0x44: {  	[tilespmem:s0+$0x440] =	vst v2  }
0x45: {  	s5 =	simm.s32 $0x100;
	s4 =	simm.s32 $0x80;
	[tilespmem:s0+$0x450] =	vst v2  }
0x46: {  	s6 =	sand.u32 $0x7800, s5;
	s5 =	simm.s32 $0x200;
	s8 =	sand.u32 $0x380, s4;
	[tilespmem:s0+$0x460] =	vst v2  }
.LBB2_2:
0x47: {  	p0 =	sne.s32 s5, $0x7F00;
	s6 =	sor.u32 s8, s6;
	[tilespmem:s0+$0x470] =	vst v2  }
0x48: {  	s0 =	sadd.s32 $0x16600, s6;
	[tilespmem:s6+$0x16600] =	vst v2  }
0x49: {  	[tilespmem:s0+$0x10] =	vst v2  }
0x4a: {  	[tilespmem:s0+$0x20] =	vst v2  }
0x4b: {  	[tilespmem:s0+$0x30] =	vst v2  }
0x4c: {  	[tilespmem:s0+$0x40] =	vst v2  }
0x4d: {  	[tilespmem:s0+$0x50] =	vst v2  }
0x4e: {  	[tilespmem:s0+$0x60] =	vst v2  }
0x4f: {  	[tilespmem:s0+$0x70] =	vst v2  }
0x50: {  	[tilespmem:s0+$0x400] =	vst v2  }
0x51: {  	[tilespmem:s0+$0x410] =	vst v2  }
.Ltmp0:
0x52: {  	[tilespmem:s0+$0x420] =	vst v2;
	(pc) =	sbr.rel @p0 .LBB2_2-.Ltmp0, $4  }
0x53: {  	[tilespmem:s0+$0x430] =	vst v2  }
0x54: {  	[tilespmem:s0+$0x440] =	vst v2  }
0x55: {  	s4 =	sadd.s32 $0x80, s4;
	[tilespmem:s0+$0x450] =	vst v2  }
0x56: {  	s6 =	sand.u32 $0x7800, s5;
	s8 =	sand.u32 $0x380, s4;
	s5 =	sadd.s32 $0x100, s5;
	[tilespmem:s0+$0x460] =	vst v2  }
0x57: {  	s4 =	sor.u32 s8, s6;
	[tilespmem:s0+$0x470] =	vst v2  }
0x58: {  	s5 =	sadd.s32 $0x16600, s4;
	[tilespmem:s4+$0x16600] =	vst v2  }
0x59: {  	[tilespmem:s5+$0x10] =	vst v2  }
0x5a: {  	[tilespmem:s5+$0x20] =	vst v2  }
0x5b: {  	[tilespmem:s5+$0x30] =	vst v2  }
0x5c: {  	[tilespmem:s5+$0x40] =	vst v2  }
0x5d: {  	[tilespmem:s5+$0x50] =	vst v2  }
0x5e: {  	[tilespmem:s5+$0x60] =	vst v2  }
0x5f: {  	[tilespmem:s5+$0x70] =	vst v2  }
0x60: {  	[tilespmem:s5+$0x400] =	vst v2  }
0x61: {  	[tilespmem:s5+$0x410] =	vst v2  }
0x62: {  	[tilespmem:s5+$0x420] =	vst v2  }
0x63: {  	[tilespmem:s5+$0x430] =	vst v2  }
0x64: {  	[tilespmem:s5+$0x440] =	vst v2  }
0x65: {  	[tilespmem:s5+$0x450] =	vst v2  }
0x66: {  	s6 =	rddreg [dreg:$0x9];
	[tilespmem:s5+$0x460] =	vst v2  }
0x67: {  	s7 =	rddreg [dreg:$0xe];
	[tilespmem:s5+$0x470] =	vst v2;
	s5 =	simm.s32 $0x0  }
0x68: {  	[tilespmem:s5], [sflag:$0x1] =	stream.linear.gather [hbm4b:s6+s5], $0x80, $0x38;
	[tilespmem:$0x1E600] =	vst v63  }
0x69: {  	s2 =	simm.s32 $0x100;
	s8 =	rddreg [dreg:$0xf]  }
0x6a: {  	[tilespmem:s2], [sflag:$0x1] =	stream.linear.gather [hbm4b:s7+s5], $0x80, $0x38;
	[tilespmem:$0x1E600] =	vst v63  }
0x6b: {  	s9 =	simm.s32 $0x200;
	s10 =	rddreg [dreg:$0x10]  }
0x6c: {  	[tilespmem:s9], [sflag:$0x1] =	stream.linear.gather [hbm4b:s8+s5], $0x80, $0x38;
	[tilespmem:$0x1E600] =	vst v63  }
0x6d: {  	s11 =	simm.s32 $0x300;
	s12 =	rddreg [dreg:$0x11]  }
0x6e: {  	[tilespmem:s11], [sflag:$0x1] =	stream.linear.gather [hbm4b:s10+s5], $0x80, $0x38;
	[tilespmem:$0x1E600] =	vst v63  }
0x6f: {  	s13 =	simm.s32 $0x400;
	s14 =	rddreg [dreg:$0x12]  }
0x70: {  	[tilespmem:s13], [sflag:$0x1] =	stream.linear.gather [hbm4b:s12+s5], $0x80, $0x38;
	[tilespmem:$0x1E600] =	vst v63  }
0x71: {  	s15 =	simm.s32 $0x500;
	s16 =	rddreg [dreg:$0x13]  }
0x72: {  	[tilespmem:s15], [sflag:$0x1] =	stream.linear.gather [hbm4b:s14+s5], $0x80, $0x38;
	[tilespmem:$0x1E600] =	vst v63  }
0x73: {  	s17 =	simm.s32 $0x600;
	s18 =	rddreg [dreg:$0x14]  }
0x74: {  	[tilespmem:s17], [sflag:$0x1] =	stream.linear.gather [hbm4b:s16+s5], $0x80, $0x38;
	[tilespmem:$0x1E600] =	vst v63  }
0x75: {  	s19 =	simm.s32 $0x700;
	s20 =	rddreg [dreg:$0x15]  }
0x76: {  	[tilespmem:s19], [sflag:$0x1] =	stream.linear.gather [hbm4b:s18+s5], $0x80, $0x38;
	[tilespmem:$0x1E600] =	vst v63  }
0x77: {  	s21 =	simm.s32 $0x800;
	s22 =	rddreg [dreg:$0x16]  }
0x78: {  	[tilespmem:s21], [sflag:$0x1] =	stream.linear.gather [hbm4b:s20+s5], $0x80, $0x38;
	[tilespmem:$0x1E600] =	vst v63  }
0x79: {  	s26 =	simm.s32 $0x900;
	s28 =	rddreg [dreg:$0x17]  }
0x7a: {  	[tilespmem:s26], [sflag:$0x1] =	stream.linear.gather [hbm4b:s22+s5], $0x80, $0x38;
	[tilespmem:$0x1E600] =	vst v63  }
0x7b: {  	s29 =	simm.s32 $0xA00;
	s30 =	rddreg [dreg:$0x18]  }
0x7c: {  	[tilespmem:s29], [sflag:$0x1] =	stream.linear.gather [hbm4b:s28+s5], $0x80, $0x38;
	[tilespmem:$0x1E600] =	vst v63  }
0x7d: {  	s31 =	simm.s32 $0xB00;
	s6 =	rddreg [dreg:$0x1a]  }
0x7e: {  	[tilespmem:s31], [sflag:$0x1] =	stream.linear.gather [hbm4b:s30+s5], $0x80, $0x38;
	[tilespmem:$0x1E600] =	vst v63  }
0x7f: {  	s4 =	simm.s32 $0xC00;
	s2 =	rddreg [dreg:$0x19]  }
0x80: {  	[tilespmem:s4], [sflag:$0x1] =	stream.linear.gather [hbm4b:s2+s5], $0x80, $0x38;
	[tilespmem:$0x1E600] =	vst v63  }
0x81: {  	s7 =	simm.s32 $0xD00;
	s8 =	rddreg [dreg:$0x1b]  }
0x82: {  	[tilespmem:s7], [sflag:$0x1] =	stream.linear.gather [hbm4b:s6+s5], $0x80, $0x38;
	[tilespmem:$0x1E600] =	vst v63  }
0x83: {  	s9 =	simm.s32 $0xE00;
	s10 =	rddreg [dreg:$0x1c]  }
0x84: {  	[tilespmem:s9], [sflag:$0x1] =	stream.linear.gather [hbm4b:s8+s5], $0x80, $0x38;
	[tilespmem:$0x1E600] =	vst v63  }
0x85: {  	s11 =	simm.s32 $0xF00;
	s12 =	rddreg [dreg:$0xa]  }
0x86: {  	[tilespmem:s11], [sflag:$0x1] =	stream.linear.gather [hbm4b:s10+s5], $0x80, $0x38;
	[tilespmem:$0x1E600] =	vst v63  }
0x87: {  	s13 =	simm.s32 $0x1000;
	s14 =	rddreg [dreg:$0x1d]  }
0x88: {  	[tilespmem:s13], [sflag:$0x1] =	stream.linear.gather [hbm4b:s12+s5], $0x80, $0x38;
	[tilespmem:$0x1E600] =	vst v63  }
0x89: {  	s15 =	simm.s32 $0x1100;
	s16 =	rddreg [dreg:$0x1e]  }
0x8a: {  	[tilespmem:s15], [sflag:$0x1] =	stream.linear.gather [hbm4b:s14+s5], $0x80, $0x38;
	[tilespmem:$0x1E600] =	vst v63  }
0x8b: {  	s17 =	simm.s32 $0x1200;
	s18 =	rddreg [dreg:$0x1f]  }
0x8c: {  	[tilespmem:s17], [sflag:$0x1] =	stream.linear.gather [hbm4b:s16+s5], $0x80, $0x38;
	[tilespmem:$0x1E600] =	vst v63  }
0x8d: {  	s19 =	simm.s32 $0x1300;
	s20 =	sld [smem:$0x7E3]  }
0x8e: {  	[tilespmem:s19], [sflag:$0x1] =	stream.linear.gather [hbm4b:s18+s5], $0x80, $0x38;
	[tilespmem:$0x1E600] =	vst v63  }
0x8f: {  	s21 =	simm.s32 $0x1400;
	s22 =	sld [smem:$0x7E4]  }
0x90: {  	[tilespmem:s21], [sflag:$0x1] =	stream.linear.gather [hbm4b:s20+s5], $0x80, $0x38;
	[tilespmem:$0x1E600] =	vst v63  }
0x91: {  	s26 =	simm.s32 $0x1500;
	s28 =	sld [smem:$0x7E5]  }
0x92: {  	[tilespmem:s26], [sflag:$0x1] =	stream.linear.gather [hbm4b:s22+s5], $0x80, $0x38;
	[tilespmem:$0x1E600] =	vst v63  }
0x93: {  	s29 =	simm.s32 $0x1600;
	s30 =	sld [smem:$0x7E6]  }
0x94: {  	[tilespmem:s29], [sflag:$0x1] =	stream.linear.gather [hbm4b:s28+s5], $0x80, $0x38;
	[tilespmem:$0x1E600] =	vst v63  }
0x95: {  	s31 =	simm.s32 $0x1700;
	s2 =	sld [smem:$0x7E7]  }
0x96: {  	[tilespmem:s31], [sflag:$0x1] =	stream.linear.gather [hbm4b:s30+s5], $0x80, $0x38;
	[tilespmem:$0x1E600] =	vst v63  }
0x97: {  	s4 =	simm.s32 $0x1800;
	s6 =	sld [smem:$0x7E8]  }
0x98: {  	[tilespmem:s4], [sflag:$0x1] =	stream.linear.gather [hbm4b:s2+s5], $0x80, $0x38;
	[tilespmem:$0x1E600] =	vst v63  }
0x99: {  	s7 =	simm.s32 $0x1900;
	s8 =	sld [smem:$0x7E9]  }
0x9a: {  	[tilespmem:s7], [sflag:$0x1] =	stream.linear.gather [hbm4b:s6+s5], $0x80, $0x38;
	[tilespmem:$0x1E600] =	vst v63  }
0x9b: {  	s9 =	simm.s32 $0x1A00;
	s10 =	sld [smem:$0x7EA]  }
0x9c: {  	[tilespmem:s9], [sflag:$0x1] =	stream.linear.gather [hbm4b:s8+s5], $0x80, $0x38;
	[tilespmem:$0x1E600] =	vst v63  }
0x9d: {  	s11 =	simm.s32 $0x1B00;
	s12 =	sld [smem:$0x7EB]  }
0x9e: {  	[tilespmem:s11], [sflag:$0x1] =	stream.linear.gather [hbm4b:s10+s5], $0x80, $0x38;
	[tilespmem:$0x1E600] =	vst v63  }
0x9f: {  	s13 =	simm.s32 $0x1C00;
	s14 =	sld [smem:$0x7EC]  }
0xa0: {  	[tilespmem:s13], [sflag:$0x1] =	stream.linear.gather [hbm4b:s12+s5], $0x80, $0x38;
	[tilespmem:$0x1E600] =	vst v63  }
0xa1: {  	s15 =	simm.s32 $0x1D00;
	s16 =	sld [smem:$0x7ED]  }
0xa2: {  	[tilespmem:s15], [sflag:$0x1] =	stream.linear.gather [hbm4b:s14+s5], $0x80, $0x38;
	[tilespmem:$0x1E600] =	vst v63  }
0xa3: {  	s17 =	simm.s32 $0x1E00;
	s18 =	sld [smem:$0x7EE]  }
0xa4: {  	[tilespmem:s17], [sflag:$0x1] =	stream.linear.gather [hbm4b:s16+s5], $0x80, $0x38;
	[tilespmem:$0x1E600] =	vst v63  }
0xa5: {  	s19 =	simm.s32 $0x1F00;
	s20 =	rddreg [dreg:$0xb]  }
0xa6: {  	[tilespmem:s19], [sflag:$0x1] =	stream.linear.gather [hbm4b:s18+s5], $0x80, $0x38;
	[tilespmem:$0x1E600] =	vst v63  }
0xa7: {  	s21 =	simm.s32 $0x2000;
	s22 =	sld [smem:$0x7EF]  }
0xa8: {  	[tilespmem:s21], [sflag:$0x1] =	stream.linear.gather [hbm4b:s20+s5], $0x80, $0x38;
	[tilespmem:$0x1E600] =	vst v63  }
0xa9: {  	s26 =	simm.s32 $0x2100;
	s28 =	sld [smem:$0x7F0]  }
0xaa: {  	[tilespmem:s26], [sflag:$0x1] =	stream.linear.gather [hbm4b:s22+s5], $0x80, $0x38;
	[tilespmem:$0x1E600] =	vst v63  }
0xab: {  	s29 =	simm.s32 $0x2200;
	s30 =	sld [smem:$0x7F1]  }
0xac: {  	[tilespmem:s29], [sflag:$0x1] =	stream.linear.gather [hbm4b:s28+s5], $0x80, $0x38;
	[tilespmem:$0x1E600] =	vst v63  }
0xad: {  	s31 =	simm.s32 $0x2300;
	s2 =	sld [smem:$0x7F2]  }
0xae: {  	[tilespmem:s31], [sflag:$0x1] =	stream.linear.gather [hbm4b:s30+s5], $0x80, $0x38;
	[tilespmem:$0x1E600] =	vst v63  }
0xaf: {  	s4 =	simm.s32 $0x2400;
	s6 =	sld [smem:$0x7F3]  }
0xb0: {  	[tilespmem:s4], [sflag:$0x1] =	stream.linear.gather [hbm4b:s2+s5], $0x80, $0x38;
	[tilespmem:$0x1E600] =	vst v63  }
0xb1: {  	s7 =	simm.s32 $0x2500;
	s8 =	sld [smem:$0x7F4]  }
0xb2: {  	[tilespmem:s7], [sflag:$0x1] =	stream.linear.gather [hbm4b:s6+s5], $0x80, $0x38;
	[tilespmem:$0x1E600] =	vst v63  }
0xb3: {  	s9 =	simm.s32 $0x2600;
	s10 =	sld [smem:$0x7F5]  }
0xb4: {  	[tilespmem:s9], [sflag:$0x1] =	stream.linear.gather [hbm4b:s8+s5], $0x80, $0x38;
	[tilespmem:$0x1E600] =	vst v63  }
0xb5: {  	s11 =	simm.s32 $0x2700;
	s12 =	sld [smem:$0x7F6]  }
0xb6: {  	[tilespmem:s11], [sflag:$0x1] =	stream.linear.gather [hbm4b:s10+s5], $0x80, $0x38;
	[tilespmem:$0x1E600] =	vst v63  }
0xb7: {  	s13 =	simm.s32 $0x2800;
	s14 =	sld [smem:$0x7F7]  }
0xb8: {  	[tilespmem:s13], [sflag:$0x1] =	stream.linear.gather [hbm4b:s12+s5], $0x80, $0x38;
	[tilespmem:$0x1E600] =	vst v63  }
0xb9: {  	s15 =	simm.s32 $0x2900;
	s16 =	sld [smem:$0x7F8]  }
0xba: {  	[tilespmem:s15], [sflag:$0x1] =	stream.linear.gather [hbm4b:s14+s5], $0x80, $0x38;
	[tilespmem:$0x1E600] =	vst v63  }
0xbb: {  	s17 =	simm.s32 $0x2A00;
	s18 =	sld [smem:$0x7F9]  }
0xbc: {  	[tilespmem:s17], [sflag:$0x1] =	stream.linear.gather [hbm4b:s16+s5], $0x80, $0x38;
	[tilespmem:$0x1E600] =	vst v63  }
0xbd: {  	s19 =	simm.s32 $0x2B00;
	s20 =	sld [smem:$0x7FA]  }
0xbe: {  	[tilespmem:s19], [sflag:$0x1] =	stream.linear.gather [hbm4b:s18+s5], $0x80, $0x38;
	[tilespmem:$0x1E600] =	vst v63  }
0xbf: {  	s21 =	simm.s32 $0x2C00;
	s22 =	sld [smem:$0x7FB]  }
0xc0: {  	[tilespmem:s21], [sflag:$0x1] =	stream.linear.gather [hbm4b:s20+s5], $0x80, $0x38;
	[tilespmem:$0x1E600] =	vst v63  }
0xc1: {  	s26 =	simm.s32 $0x2D00;
	s28 =	sld [smem:$0x7FC]  }
0xc2: {  	[tilespmem:s26], [sflag:$0x1] =	stream.linear.gather [hbm4b:s22+s5], $0x80, $0x38;
	[tilespmem:$0x1E600] =	vst v63  }
.Ltmp1:
0xc3: {  	_ = 	snop;
	(pc) =	sbr.rel .LBB2_4-.Ltmp1, $4  }
0xc4: {  	p0 =	por $0x1, $0x1;
	s29 =	simm.s32 $0x2E00;
	s30 =	sld [smem:$0x7FD]  }
0xc5: {  	[tilespmem:s29], [sflag:$0x1] =	stream.linear.gather [hbm4b:s28+s5], $0x80, $0x38;
	[tilespmem:$0x1E600] =	vst v63  }
0xc6: {  	s31 =	simm.s32 $0x2F00;
	s8 =	simm.s32 $0x0;
	s16 =	simm.s32 $0x0  }
0xc7: {  	[tilespmem:s31], [sflag:$0x1] =	stream.linear.gather [hbm4b:s30+s5], $0x80, $0x38;
	[tilespmem:$0x1E600] =	vst v63  }
.LBB2_25:
0xc8: {  	s5 =	sld [smem:$0x7E1];
	_ =	sdelay $0x2  }
0xc9: {  	p3 =	seq.s32 s5, $0x52  }
.Ltmp2:
0xca: {  	_ = 	snop;
	(pc) =	sbr.rel @p3 .LBB2_26-.Ltmp2, $2  }
0xcb: {  	_ =	sdelay $0x2  }
0xcc: {  	s10 =	sshll.u32 s8, $0x7  }
.LBB2_31:
0xcd: {  	s16 =	ssub.s32 s4, s10;
	p0 =	por !p0, !p0  }
.LBB2_4:
0xce: {  	s4 =	sand.u32 $0x1, s5  }
0xcf: {  	s0 =	sxor.u32 $0x1, s4  }
0xd0: {  	s2 =	smul.u32 $0x900, s0  }
0xd1: {  	s30 =	sshll.u32 s8, $0x7  }
0xd2: {  	s0 =	sadd.s32 s30, s2  }
0xd3: {  	v8 =	vld [tilespmem:s0+$0x3000];
	_ =	sdelay $0x2  }
0xd4: {  	s10 =	smul.u32 $0x900, s4;
	_ =	sdelay $0x1  }
0xd5: {  	[tilespmem:s10+$0x3000] =	vst v8  }
0xd6: {  	v8 =	vld [tilespmem:s0+$0x4200];
	_ =	sdelay $0x4  }
0xd7: {  	[tilespmem:s10+$0x4200] =	vst v8  }
0xd8: {  	v8 =	vld [tilespmem:s0+$0x5400];
	_ =	sdelay $0x4  }
0xd9: {  	[tilespmem:s10+$0x5400] =	vst v8  }
0xda: {  	v8 =	vld [tilespmem:s0+$0x3010];
	_ =	sdelay $0x4  }
0xdb: {  	[tilespmem:s10+$0x3010] =	vst v8  }
0xdc: {  	v8 =	vld [tilespmem:s0+$0x4210];
	_ =	sdelay $0x4  }
0xdd: {  	[tilespmem:s10+$0x4210] =	vst v8  }
0xde: {  	v8 =	vld [tilespmem:s0+$0x5410];
	_ =	sdelay $0x4  }
0xdf: {  	[tilespmem:s10+$0x5410] =	vst v8  }
0xe0: {  	v8 =	vld [tilespmem:s0+$0x3020];
	_ =	sdelay $0x4  }
0xe1: {  	[tilespmem:s10+$0x3020] =	vst v8  }
0xe2: {  	v8 =	vld [tilespmem:s0+$0x4220];
	_ =	sdelay $0x4  }
0xe3: {  	[tilespmem:s10+$0x4220] =	vst v8  }
0xe4: {  	v8 =	vld [tilespmem:s0+$0x5420];
	_ =	sdelay $0x4  }
0xe5: {  	[tilespmem:s10+$0x5420] =	vst v8  }
0xe6: {  	v8 =	vld [tilespmem:s0+$0x3030];
	_ =	sdelay $0x4  }
0xe7: {  	[tilespmem:s10+$0x3030] =	vst v8  }
0xe8: {  	v8 =	vld [tilespmem:s0+$0x4230];
	_ =	sdelay $0x4  }
0xe9: {  	[tilespmem:s10+$0x4230] =	vst v8  }
0xea: {  	v8 =	vld [tilespmem:s0+$0x5430];
	_ =	sdelay $0x4  }
0xeb: {  	[tilespmem:s10+$0x5430] =	vst v8  }
0xec: {  	v8 =	vld [tilespmem:s0+$0x3040];
	_ =	sdelay $0x4  }
0xed: {  	[tilespmem:s10+$0x3040] =	vst v8  }
0xee: {  	v8 =	vld [tilespmem:s0+$0x4240];
	_ =	sdelay $0x4  }
0xef: {  	[tilespmem:s10+$0x4240] =	vst v8  }
0xf0: {  	v8 =	vld [tilespmem:s0+$0x5440];
	_ =	sdelay $0x4  }
0xf1: {  	[tilespmem:s10+$0x5440] =	vst v8  }
0xf2: {  	v8 =	vld [tilespmem:s0+$0x3050];
	_ =	sdelay $0x4  }
0xf3: {  	[tilespmem:s10+$0x3050] =	vst v8  }
0xf4: {  	v8 =	vld [tilespmem:s0+$0x4250];
	_ =	sdelay $0x4  }
0xf5: {  	[tilespmem:s10+$0x4250] =	vst v8  }
0xf6: {  	v8 =	vld [tilespmem:s0+$0x5450];
	_ =	sdelay $0x4  }
0xf7: {  	[tilespmem:s10+$0x5450] =	vst v8  }
0xf8: {  	v8 =	vld [tilespmem:s0+$0x3060];
	_ =	sdelay $0x4  }
0xf9: {  	[tilespmem:s10+$0x3060] =	vst v8  }
0xfa: {  	v8 =	vld [tilespmem:s0+$0x4260];
	_ =	sdelay $0x4  }
0xfb: {  	[tilespmem:s10+$0x4260] =	vst v8  }
0xfc: {  	v8 =	vld [tilespmem:s0+$0x5460];
	_ =	sdelay $0x4  }
0xfd: {  	[tilespmem:s10+$0x5460] =	vst v8  }
0xfe: {  	v8 =	vld [tilespmem:s0+$0x3070];
	_ =	sdelay $0x4  }
0xff: {  	[tilespmem:s10+$0x3070] =	vst v8  }
0x100: {  	v8 =	vld [tilespmem:s0+$0x4270];
	_ =	sdelay $0x4  }
0x101: {  	[tilespmem:s10+$0x4270] =	vst v8  }
0x102: {  	p1 =	seq.s32 s4, $0x1;
	v8 =	vld [tilespmem:s0+$0x5470]  }
.Ltmp3:
0x103: {  	_ = 	snop;
	(pc) =	sbr.rel @p1 .LBB2_6-.Ltmp3, $4  }
0x104: {  	_ = 	snop  }
0x105: {  	s31 =	sadd.s32 $0x1, s5  }
0x106: {  	[smem:$0x7E1] =	sst s31  }
0x107: {  	s6 =	sshll.u32 s31, $0x4;
	[smem:$0x7E0] =	sst s2;
	s0 =	sshll.u32 s31, $0x8;
	[tilespmem:s10+$0x5470] =	vst v8  }
0x108: {  	s9 =	sand.u32 $0x7800, s0;
	s11 =	sand.u32 $0x70, s6  }
0x109: {  	s2 =	rddreg [dreg:$0x9];
	s9 =	sor.u32 s11, s9  }
0x10a: {  	s18 =	simm.s32 $0x80;
	s11 =	sadd.s32 s2, s9  }
0x10b: {  	[tilespmem:s18], [sflag:$0x2] =	stream.linear.gather [hbm4b:s11+s3], $0x80, $0x38;
	[tilespmem:$0x1E600] =	vst v63  }
0x10c: {  	s19 =	simm.s32 $0x180;
	s12 =	sadd.s32 $0x80, s11  }
0x10d: {  	[tilespmem:s19], [sflag:$0x2] =	stream.linear.gather [hbm4b:s12+s3], $0x80, $0x38;
	[tilespmem:$0x1E600] =	vst v63  }
0x10e: {  	s21 =	simm.s32 $0x280;
	s20 =	sadd.s32 $0x100, s11  }
0x10f: {  	[tilespmem:s21], [sflag:$0x2] =	stream.linear.gather [hbm4b:s20+s3], $0x80, $0x38;
	[tilespmem:$0x1E600] =	vst v63  }
0x110: {  	s26 =	simm.s32 $0x380;
	s22 =	sadd.s32 $0x180, s11  }
0x111: {  	[tilespmem:s26], [sflag:$0x2] =	stream.linear.gather [hbm4b:s22+s3], $0x80, $0x38;
	[tilespmem:$0x1E600] =	vst v63  }
0x112: {  	s29 =	simm.s32 $0x480;
	s28 =	sadd.s32 $0x200, s11  }
0x113: {  	[tilespmem:s29], [sflag:$0x2] =	stream.linear.gather [hbm4b:s28+s3], $0x80, $0x38;
	[tilespmem:$0x1E600] =	vst v63  }
0x114: {  	s31 =	simm.s32 $0x580;
	s30 =	sadd.s32 $0x280, s11  }
0x115: {  	[tilespmem:s31], [sflag:$0x2] =	stream.linear.gather [hbm4b:s30+s3], $0x80, $0x38;
	[tilespmem:$0x1E600] =	vst v63  }
0x116: {  	s7 =	simm.s32 $0x680;
	s2 =	sadd.s32 $0x300, s11  }
0x117: {  	[tilespmem:s7], [sflag:$0x2] =	stream.linear.gather [hbm4b:s2+s3], $0x80, $0x38;
	[tilespmem:$0x1E600] =	vst v63  }
0x118: {  	s14 =	simm.s32 $0x780;
	s13 =	sadd.s32 $0x380, s11  }
0x119: {  	[tilespmem:s14], [sflag:$0x2] =	stream.linear.gather [hbm4b:s13+s3], $0x80, $0x38;
	[tilespmem:$0x1E600] =	vst v63  }
0x11a: {  	s17 =	simm.s32 $0x880;
	s15 =	sadd.s32 $0x400, s11  }
0x11b: {  	[tilespmem:s17], [sflag:$0x2] =	stream.linear.gather [hbm4b:s15+s3], $0x80, $0x38;
	[tilespmem:$0x1E600] =	vst v63  }
0x11c: {  	s18 =	sadd.s32 $0x480, s11;
	s19 =	simm.s32 $0x980  }
0x11d: {  	[tilespmem:s19], [sflag:$0x2] =	stream.linear.gather [hbm4b:s18+s3], $0x80, $0x38;
	[tilespmem:$0x1E600] =	vst v63  }
0x11e: {  	s20 =	sadd.s32 $0x500, s11;
	s21 =	simm.s32 $0xA80  }
0x11f: {  	[tilespmem:s21], [sflag:$0x2] =	stream.linear.gather [hbm4b:s20+s3], $0x80, $0x38;
	[tilespmem:$0x1E600] =	vst v63  }
0x120: {  	s22 =	sadd.s32 $0x580, s11;
	s26 =	simm.s32 $0xB80  }
0x121: {  	[tilespmem:s26], [sflag:$0x2] =	stream.linear.gather [hbm4b:s22+s3], $0x80, $0x38;
	[tilespmem:$0x1E600] =	vst v63  }
0x122: {  	s28 =	sadd.s32 $0x600, s11;
	s29 =	simm.s32 $0xC80  }
0x123: {  	[tilespmem:s29], [sflag:$0x2] =	stream.linear.gather [hbm4b:s28+s3], $0x80, $0x38;
	[tilespmem:$0x1E600] =	vst v63  }
0x124: {  	s30 =	sadd.s32 $0x680, s11;
	s31 =	simm.s32 $0xD80  }
0x125: {  	[tilespmem:s31], [sflag:$0x2] =	stream.linear.gather [hbm4b:s30+s3], $0x80, $0x38;
	[tilespmem:$0x1E600] =	vst v63  }
0x126: {  	s7 =	sadd.s32 $0x700, s11;
	s13 =	simm.s32 $0xE80  }
0x127: {  	[tilespmem:s13], [sflag:$0x2] =	stream.linear.gather [hbm4b:s7+s3], $0x80, $0x38;
	[tilespmem:$0x1E600] =	vst v63  }
0x128: {  	s11 =	sadd.s32 $0x780, s11;
	s14 =	simm.s32 $0xF80;
	s15 =	rddreg [dreg:$0xa]  }
0x129: {  	[tilespmem:s14], [sflag:$0x2] =	stream.linear.gather [hbm4b:s11+s3], $0x80, $0x38;
	[tilespmem:$0x1E600] =	vst v63  }
0x12a: {  	s17 =	simm.s32 $0x1080;
	s11 =	sadd.s32 s15, s9  }
0x12b: {  	[tilespmem:s17], [sflag:$0x2] =	stream.linear.gather [hbm4b:s11+s3], $0x80, $0x38;
	[tilespmem:$0x1E600] =	vst v63  }
0x12c: {  	s19 =	simm.s32 $0x1180;
	s18 =	sadd.s32 $0x80, s11  }
0x12d: {  	[tilespmem:s19], [sflag:$0x2] =	stream.linear.gather [hbm4b:s18+s3], $0x80, $0x38;
	[tilespmem:$0x1E600] =	vst v63  }
0x12e: {  	s21 =	simm.s32 $0x1280;
	s20 =	sadd.s32 $0x100, s11  }
0x12f: {  	[tilespmem:s21], [sflag:$0x2] =	stream.linear.gather [hbm4b:s20+s3], $0x80, $0x38;
	[tilespmem:$0x1E600] =	vst v63  }
0x130: {  	s26 =	simm.s32 $0x1380;
	s22 =	sadd.s32 $0x180, s11  }
0x131: {  	[tilespmem:s26], [sflag:$0x2] =	stream.linear.gather [hbm4b:s22+s3], $0x80, $0x38;
	[tilespmem:$0x1E600] =	vst v63  }
0x132: {  	s29 =	simm.s32 $0x1480;
	s28 =	sadd.s32 $0x200, s11  }
0x133: {  	[tilespmem:s29], [sflag:$0x2] =	stream.linear.gather [hbm4b:s28+s3], $0x80, $0x38;
	[tilespmem:$0x1E600] =	vst v63  }
0x134: {  	s31 =	simm.s32 $0x1580;
	s30 =	sadd.s32 $0x280, s11  }
0x135: {  	[tilespmem:s31], [sflag:$0x2] =	stream.linear.gather [hbm4b:s30+s3], $0x80, $0x38;
	[tilespmem:$0x1E600] =	vst v63  }
0x136: {  	s7 =	simm.s32 $0x1680;
	s2 =	sadd.s32 $0x300, s11  }
0x137: {  	[tilespmem:s7], [sflag:$0x2] =	stream.linear.gather [hbm4b:s2+s3], $0x80, $0x38;
	[tilespmem:$0x1E600] =	vst v63  }
0x138: {  	s14 =	simm.s32 $0x1780;
	s13 =	sadd.s32 $0x380, s11  }
0x139: {  	[tilespmem:s14], [sflag:$0x2] =	stream.linear.gather [hbm4b:s13+s3], $0x80, $0x38;
	[tilespmem:$0x1E600] =	vst v63  }
0x13a: {  	s15 =	sadd.s32 $0x400, s11;
	s17 =	simm.s32 $0x1880  }
0x13b: {  	[tilespmem:s17], [sflag:$0x2] =	stream.linear.gather [hbm4b:s15+s3], $0x80, $0x38;
	[tilespmem:$0x1E600] =	vst v63  }
0x13c: {  	s18 =	sadd.s32 $0x480, s11;
	s19 =	simm.s32 $0x1980  }
0x13d: {  	[tilespmem:s19], [sflag:$0x2] =	stream.linear.gather [hbm4b:s18+s3], $0x80, $0x38;
	[tilespmem:$0x1E600] =	vst v63  }
0x13e: {  	s20 =	sadd.s32 $0x500, s11;
	s21 =	simm.s32 $0x1A80  }
0x13f: {  	[tilespmem:s21], [sflag:$0x2] =	stream.linear.gather [hbm4b:s20+s3], $0x80, $0x38;
	[tilespmem:$0x1E600] =	vst v63  }
0x140: {  	s22 =	sadd.s32 $0x580, s11;
	s26 =	simm.s32 $0x1B80  }
0x141: {  	[tilespmem:s26], [sflag:$0x2] =	stream.linear.gather [hbm4b:s22+s3], $0x80, $0x38;
	[tilespmem:$0x1E600] =	vst v63  }
0x142: {  	s28 =	sadd.s32 $0x600, s11;
	s29 =	simm.s32 $0x1C80  }
0x143: {  	[tilespmem:s29], [sflag:$0x2] =	stream.linear.gather [hbm4b:s28+s3], $0x80, $0x38;
	[tilespmem:$0x1E600] =	vst v63  }
0x144: {  	s30 =	sadd.s32 $0x680, s11;
	s31 =	simm.s32 $0x1D80  }
0x145: {  	[tilespmem:s31], [sflag:$0x2] =	stream.linear.gather [hbm4b:s30+s3], $0x80, $0x38;
	[tilespmem:$0x1E600] =	vst v63  }
0x146: {  	s2 =	sadd.s32 $0x700, s11;
	s7 =	simm.s32 $0x1E80  }
0x147: {  	[tilespmem:s7], [sflag:$0x2] =	stream.linear.gather [hbm4b:s2+s3], $0x80, $0x38;
	[tilespmem:$0x1E600] =	vst v63  }
0x148: {  	s12 =	simm.s32 $0x1F80;
	s11 =	sadd.s32 $0x780, s11;
	s13 =	rddreg [dreg:$0xb]  }
0x149: {  	[tilespmem:s12], [sflag:$0x2] =	stream.linear.gather [hbm4b:s11+s3], $0x80, $0x38;
	[tilespmem:$0x1E600] =	vst v63  }
0x14a: {  	s14 =	simm.s32 $0x2080;
	s9 =	sadd.s32 s13, s9  }
0x14b: {  	[tilespmem:s14], [sflag:$0x2] =	stream.linear.gather [hbm4b:s9+s3], $0x80, $0x38;
	[tilespmem:$0x1E600] =	vst v63  }
0x14c: {  	s15 =	sadd.s32 $0x80, s9;
	s17 =	simm.s32 $0x2180  }
0x14d: {  	[tilespmem:s17], [sflag:$0x2] =	stream.linear.gather [hbm4b:s15+s3], $0x80, $0x38;
	[tilespmem:$0x1E600] =	vst v63  }
0x14e: {  	s18 =	sadd.s32 $0x100, s9;
	s19 =	simm.s32 $0x2280  }
0x14f: {  	[tilespmem:s19], [sflag:$0x2] =	stream.linear.gather [hbm4b:s18+s3], $0x80, $0x38;
	[tilespmem:$0x1E600] =	vst v63  }
0x150: {  	s20 =	sadd.s32 $0x180, s9;
	s21 =	simm.s32 $0x2380  }
0x151: {  	[tilespmem:s21], [sflag:$0x2] =	stream.linear.gather [hbm4b:s20+s3], $0x80, $0x38;
	[tilespmem:$0x1E600] =	vst v63  }
0x152: {  	s22 =	sadd.s32 $0x200, s9;
	s26 =	simm.s32 $0x2480  }
0x153: {  	[tilespmem:s26], [sflag:$0x2] =	stream.linear.gather [hbm4b:s22+s3], $0x80, $0x38;
	[tilespmem:$0x1E600] =	vst v63  }
0x154: {  	s28 =	sadd.s32 $0x280, s9;
	s29 =	simm.s32 $0x2580  }
0x155: {  	[tilespmem:s29], [sflag:$0x2] =	stream.linear.gather [hbm4b:s28+s3], $0x80, $0x38;
	[tilespmem:$0x1E600] =	vst v63  }
0x156: {  	s30 =	sadd.s32 $0x300, s9;
	s31 =	simm.s32 $0x2680  }
0x157: {  	[tilespmem:s31], [sflag:$0x2] =	stream.linear.gather [hbm4b:s30+s3], $0x80, $0x38;
	[tilespmem:$0x1E600] =	vst v63  }
0x158: {  	s2 =	sadd.s32 $0x380, s9;
	s7 =	simm.s32 $0x2780  }
0x159: {  	[tilespmem:s7], [sflag:$0x2] =	stream.linear.gather [hbm4b:s2+s3], $0x80, $0x38;
	[tilespmem:$0x1E600] =	vst v63  }
0x15a: {  	s13 =	simm.s32 $0x2880;
	s12 =	sadd.s32 $0x400, s9  }
0x15b: {  	[tilespmem:s13], [sflag:$0x2] =	stream.linear.gather [hbm4b:s12+s3], $0x80, $0x38;
	[tilespmem:$0x1E600] =	vst v63  }
0x15c: {  	s14 =	sadd.s32 $0x480, s9;
	s15 =	simm.s32 $0x2980  }
0x15d: {  	[tilespmem:s15], [sflag:$0x2] =	stream.linear.gather [hbm4b:s14+s3], $0x80, $0x38;
	[tilespmem:$0x1E600] =	vst v63  }
0x15e: {  	s17 =	sadd.s32 $0x500, s9;
	s18 =	simm.s32 $0x2A80  }
0x15f: {  	[tilespmem:s18], [sflag:$0x2] =	stream.linear.gather [hbm4b:s17+s3], $0x80, $0x38;
	[tilespmem:$0x1E600] =	vst v63  }
0x160: {  	s19 =	sadd.s32 $0x580, s9;
	s20 =	simm.s32 $0x2B80  }
0x161: {  	[tilespmem:s20], [sflag:$0x2] =	stream.linear.gather [hbm4b:s19+s3], $0x80, $0x38;
	[tilespmem:$0x1E600] =	vst v63  }
0x162: {  	s21 =	sadd.s32 $0x600, s9;
	s22 =	simm.s32 $0x2C80  }
0x163: {  	[tilespmem:s22], [sflag:$0x2] =	stream.linear.gather [hbm4b:s21+s3], $0x80, $0x38;
	[tilespmem:$0x1E600] =	vst v63  }
0x164: {  	s26 =	sadd.s32 $0x680, s9;
	s28 =	simm.s32 $0x2D80  }
0x165: {  	[tilespmem:s28], [sflag:$0x2] =	stream.linear.gather [hbm4b:s26+s3], $0x80, $0x38;
	[tilespmem:$0x1E600] =	vst v63  }
0x166: {  	s29 =	sadd.s32 $0x700, s9;
	s30 =	simm.s32 $0x2E80  }
0x167: {  	[tilespmem:s30], [sflag:$0x2] =	stream.linear.gather [hbm4b:s29+s3], $0x80, $0x38;
	[tilespmem:$0x1E600] =	vst v63  }
0x168: {  	s9 =	sadd.s32 $0x780, s9;
	s31 =	simm.s32 $0x2F80  }
0x169: {  	[tilespmem:s31], [sflag:$0x2] =	stream.linear.gather [hbm4b:s9+s3], $0x80, $0x38;
	[tilespmem:$0x1E600] =	vst v63  }
.LBB2_6:
0x16a: {  	p2 =	seq.s32 s5, $0x51  }
0x16b: {  	p2 =	por p2, !p1  }
.Ltmp4:
0x16c: {  	_ = 	snop;
	(pc) =	sbr.rel @p2 .LBB2_8-.Ltmp4, $1  }
0x16d: {  	_ =	sdelay $0x3  }
0x16e: {  	s0 =	sand.u32 $0xF800, s0;
	s5 =	sand.u32 $0x60, s6  }
0x16f: {  	s2 =	rddreg [dreg:$0x9];
	s0 =	sor.u32 s5, s0  }
0x170: {  	s5 =	sadd.s32 s2, s0  }
0x171: {  	[tilespmem:s3], [sflag:$0x1] =	stream.linear.gather [hbm4b:s5+s3], $0x80, $0x38;
	[tilespmem:$0x1E600] =	vst v63  }
0x172: {  	s12 =	simm.s32 $0x100;
	s11 =	sadd.s32 $0x80, s5  }
0x173: {  	[tilespmem:s12], [sflag:$0x1] =	stream.linear.gather [hbm4b:s11+s3], $0x80, $0x38;
	[tilespmem:$0x1E600] =	vst v63  }
0x174: {  	s14 =	simm.s32 $0x200;
	s13 =	sadd.s32 $0x100, s5  }
0x175: {  	[tilespmem:s14], [sflag:$0x1] =	stream.linear.gather [hbm4b:s13+s3], $0x80, $0x38;
	[tilespmem:$0x1E600] =	vst v63  }
0x176: {  	s17 =	simm.s32 $0x300;
	s15 =	sadd.s32 $0x180, s5  }
0x177: {  	[tilespmem:s17], [sflag:$0x1] =	stream.linear.gather [hbm4b:s15+s3], $0x80, $0x38;
	[tilespmem:$0x1E600] =	vst v63  }
0x178: {  	s19 =	simm.s32 $0x400;
	s18 =	sadd.s32 $0x200, s5  }
0x179: {  	[tilespmem:s19], [sflag:$0x1] =	stream.linear.gather [hbm4b:s18+s3], $0x80, $0x38;
	[tilespmem:$0x1E600] =	vst v63  }
0x17a: {  	s21 =	simm.s32 $0x500;
	s20 =	sadd.s32 $0x280, s5  }
0x17b: {  	[tilespmem:s21], [sflag:$0x1] =	stream.linear.gather [hbm4b:s20+s3], $0x80, $0x38;
	[tilespmem:$0x1E600] =	vst v63  }
0x17c: {  	s26 =	simm.s32 $0x600;
	s22 =	sadd.s32 $0x300, s5  }
0x17d: {  	[tilespmem:s26], [sflag:$0x1] =	stream.linear.gather [hbm4b:s22+s3], $0x80, $0x38;
	[tilespmem:$0x1E600] =	vst v63  }
0x17e: {  	s29 =	simm.s32 $0x700;
	s28 =	sadd.s32 $0x380, s5  }
0x17f: {  	[tilespmem:s29], [sflag:$0x1] =	stream.linear.gather [hbm4b:s28+s3], $0x80, $0x38;
	[tilespmem:$0x1E600] =	vst v63  }
0x180: {  	s31 =	simm.s32 $0x800;
	s30 =	sadd.s32 $0x400, s5  }
0x181: {  	[tilespmem:s31], [sflag:$0x1] =	stream.linear.gather [hbm4b:s30+s3], $0x80, $0x38;
	[tilespmem:$0x1E600] =	vst v63  }
0x182: {  	s7 =	simm.s32 $0x900;
	s2 =	sadd.s32 $0x480, s5  }
0x183: {  	[tilespmem:s7], [sflag:$0x1] =	stream.linear.gather [hbm4b:s2+s3], $0x80, $0x38;
	[tilespmem:$0x1E600] =	vst v63  }
0x184: {  	s9 =	sadd.s32 $0x500, s5;
	s11 =	simm.s32 $0xA00  }
0x185: {  	[tilespmem:s11], [sflag:$0x1] =	stream.linear.gather [hbm4b:s9+s3], $0x80, $0x38;
	[tilespmem:$0x1E600] =	vst v63  }
0x186: {  	s12 =	sadd.s32 $0x580, s5;
	s13 =	simm.s32 $0xB00  }
0x187: {  	[tilespmem:s13], [sflag:$0x1] =	stream.linear.gather [hbm4b:s12+s3], $0x80, $0x38;
	[tilespmem:$0x1E600] =	vst v63  }
0x188: {  	s14 =	sadd.s32 $0x600, s5;
	s15 =	simm.s32 $0xC00  }
0x189: {  	[tilespmem:s15], [sflag:$0x1] =	stream.linear.gather [hbm4b:s14+s3], $0x80, $0x38;
	[tilespmem:$0x1E600] =	vst v63  }
0x18a: {  	s17 =	sadd.s32 $0x680, s5;
	s18 =	simm.s32 $0xD00  }
0x18b: {  	[tilespmem:s18], [sflag:$0x1] =	stream.linear.gather [hbm4b:s17+s3], $0x80, $0x38;
	[tilespmem:$0x1E600] =	vst v63  }
0x18c: {  	s19 =	sadd.s32 $0x700, s5;
	s20 =	simm.s32 $0xE00  }
0x18d: {  	[tilespmem:s20], [sflag:$0x1] =	stream.linear.gather [hbm4b:s19+s3], $0x80, $0x38;
	[tilespmem:$0x1E600] =	vst v63  }
0x18e: {  	s5 =	sadd.s32 $0x780, s5;
	s21 =	simm.s32 $0xF00;
	s22 =	rddreg [dreg:$0xa]  }
0x18f: {  	[tilespmem:s21], [sflag:$0x1] =	stream.linear.gather [hbm4b:s5+s3], $0x80, $0x38;
	[tilespmem:$0x1E600] =	vst v63  }
0x190: {  	s26 =	simm.s32 $0x1000;
	s5 =	sadd.s32 s22, s0  }
0x191: {  	[tilespmem:s26], [sflag:$0x1] =	stream.linear.gather [hbm4b:s5+s3], $0x80, $0x38;
	[tilespmem:$0x1E600] =	vst v63  }
0x192: {  	s29 =	simm.s32 $0x1100;
	s28 =	sadd.s32 $0x80, s5  }
0x193: {  	[tilespmem:s29], [sflag:$0x1] =	stream.linear.gather [hbm4b:s28+s3], $0x80, $0x38;
	[tilespmem:$0x1E600] =	vst v63  }
0x194: {  	s31 =	simm.s32 $0x1200;
	s30 =	sadd.s32 $0x100, s5  }
0x195: {  	[tilespmem:s31], [sflag:$0x1] =	stream.linear.gather [hbm4b:s30+s3], $0x80, $0x38;
	[tilespmem:$0x1E600] =	vst v63  }
0x196: {  	s9 =	simm.s32 $0x1300;
	s7 =	sadd.s32 $0x180, s5  }
0x197: {  	[tilespmem:s9], [sflag:$0x1] =	stream.linear.gather [hbm4b:s7+s3], $0x80, $0x38;
	[tilespmem:$0x1E600] =	vst v63  }
0x198: {  	s12 =	simm.s32 $0x1400;
	s11 =	sadd.s32 $0x200, s5  }
0x199: {  	[tilespmem:s12], [sflag:$0x1] =	stream.linear.gather [hbm4b:s11+s3], $0x80, $0x38;
	[tilespmem:$0x1E600] =	vst v63  }
0x19a: {  	s14 =	simm.s32 $0x1500;
	s13 =	sadd.s32 $0x280, s5  }
0x19b: {  	[tilespmem:s14], [sflag:$0x1] =	stream.linear.gather [hbm4b:s13+s3], $0x80, $0x38;
	[tilespmem:$0x1E600] =	vst v63  }
0x19c: {  	s17 =	simm.s32 $0x1600;
	s15 =	sadd.s32 $0x300, s5  }
0x19d: {  	[tilespmem:s17], [sflag:$0x1] =	stream.linear.gather [hbm4b:s15+s3], $0x80, $0x38;
	[tilespmem:$0x1E600] =	vst v63  }
0x19e: {  	s19 =	simm.s32 $0x1700;
	s18 =	sadd.s32 $0x380, s5  }
0x19f: {  	[tilespmem:s19], [sflag:$0x1] =	stream.linear.gather [hbm4b:s18+s3], $0x80, $0x38;
	[tilespmem:$0x1E600] =	vst v63  }
0x1a0: {  	s21 =	simm.s32 $0x1800;
	s20 =	sadd.s32 $0x400, s5  }
0x1a1: {  	[tilespmem:s21], [sflag:$0x1] =	stream.linear.gather [hbm4b:s20+s3], $0x80, $0x38;
	[tilespmem:$0x1E600] =	vst v63  }
0x1a2: {  	s22 =	sadd.s32 $0x480, s5;
	s26 =	simm.s32 $0x1900  }
0x1a3: {  	[tilespmem:s26], [sflag:$0x1] =	stream.linear.gather [hbm4b:s22+s3], $0x80, $0x38;
	[tilespmem:$0x1E600] =	vst v63  }
0x1a4: {  	s28 =	sadd.s32 $0x500, s5;
	s29 =	simm.s32 $0x1A00  }
0x1a5: {  	[tilespmem:s29], [sflag:$0x1] =	stream.linear.gather [hbm4b:s28+s3], $0x80, $0x38;
	[tilespmem:$0x1E600] =	vst v63  }
0x1a6: {  	s30 =	sadd.s32 $0x580, s5;
	s31 =	simm.s32 $0x1B00  }
0x1a7: {  	[tilespmem:s31], [sflag:$0x1] =	stream.linear.gather [hbm4b:s30+s3], $0x80, $0x38;
	[tilespmem:$0x1E600] =	vst v63  }
0x1a8: {  	s2 =	sadd.s32 $0x600, s5;
	s7 =	simm.s32 $0x1C00  }
0x1a9: {  	[tilespmem:s7], [sflag:$0x1] =	stream.linear.gather [hbm4b:s2+s3], $0x80, $0x38;
	[tilespmem:$0x1E600] =	vst v63  }
0x1aa: {  	s9 =	sadd.s32 $0x680, s5;
	s11 =	simm.s32 $0x1D00  }
0x1ab: {  	[tilespmem:s11], [sflag:$0x1] =	stream.linear.gather [hbm4b:s9+s3], $0x80, $0x38;
	[tilespmem:$0x1E600] =	vst v63  }
0x1ac: {  	s12 =	sadd.s32 $0x700, s5;
	s13 =	simm.s32 $0x1E00  }
0x1ad: {  	[tilespmem:s13], [sflag:$0x1] =	stream.linear.gather [hbm4b:s12+s3], $0x80, $0x38;
	[tilespmem:$0x1E600] =	vst v63  }
0x1ae: {  	s5 =	sadd.s32 $0x780, s5;
	s14 =	simm.s32 $0x1F00;
	s15 =	rddreg [dreg:$0xb]  }
0x1af: {  	[tilespmem:s14], [sflag:$0x1] =	stream.linear.gather [hbm4b:s5+s3], $0x80, $0x38;
	[tilespmem:$0x1E600] =	vst v63  }
0x1b0: {  	s17 =	simm.s32 $0x2000;
	s0 =	sadd.s32 s15, s0  }
0x1b1: {  	[tilespmem:s17], [sflag:$0x1] =	stream.linear.gather [hbm4b:s0+s3], $0x80, $0x38;
	[tilespmem:$0x1E600] =	vst v63  }
0x1b2: {  	s18 =	sadd.s32 $0x80, s0;
	s19 =	simm.s32 $0x2100  }
0x1b3: {  	[tilespmem:s19], [sflag:$0x1] =	stream.linear.gather [hbm4b:s18+s3], $0x80, $0x38;
	[tilespmem:$0x1E600] =	vst v63  }
0x1b4: {  	s20 =	sadd.s32 $0x100, s0;
	s21 =	simm.s32 $0x2200  }
0x1b5: {  	[tilespmem:s21], [sflag:$0x1] =	stream.linear.gather [hbm4b:s20+s3], $0x80, $0x38;
	[tilespmem:$0x1E600] =	vst v63  }
0x1b6: {  	s22 =	sadd.s32 $0x180, s0;
	s26 =	simm.s32 $0x2300  }
0x1b7: {  	[tilespmem:s26], [sflag:$0x1] =	stream.linear.gather [hbm4b:s22+s3], $0x80, $0x38;
	[tilespmem:$0x1E600] =	vst v63  }
0x1b8: {  	s28 =	sadd.s32 $0x200, s0;
	s29 =	simm.s32 $0x2400  }
0x1b9: {  	[tilespmem:s29], [sflag:$0x1] =	stream.linear.gather [hbm4b:s28+s3], $0x80, $0x38;
	[tilespmem:$0x1E600] =	vst v63  }
0x1ba: {  	s30 =	sadd.s32 $0x280, s0;
	s31 =	simm.s32 $0x2500  }
0x1bb: {  	[tilespmem:s31], [sflag:$0x1] =	stream.linear.gather [hbm4b:s30+s3], $0x80, $0x38;
	[tilespmem:$0x1E600] =	vst v63  }
0x1bc: {  	s6 =	sadd.s32 $0x300, s0;
	s7 =	simm.s32 $0x2600  }
0x1bd: {  	[tilespmem:s7], [sflag:$0x1] =	stream.linear.gather [hbm4b:s6+s3], $0x80, $0x38;
	[tilespmem:$0x1E600] =	vst v63  }
0x1be: {  	s9 =	sadd.s32 $0x380, s0;
	s11 =	simm.s32 $0x2700  }
0x1bf: {  	[tilespmem:s11], [sflag:$0x1] =	stream.linear.gather [hbm4b:s9+s3], $0x80, $0x38;
	[tilespmem:$0x1E600] =	vst v63  }
0x1c0: {  	s12 =	sadd.s32 $0x400, s0;
	s13 =	simm.s32 $0x2800  }
0x1c1: {  	[tilespmem:s13], [sflag:$0x1] =	stream.linear.gather [hbm4b:s12+s3], $0x80, $0x38;
	[tilespmem:$0x1E600] =	vst v63  }
0x1c2: {  	s15 =	simm.s32 $0x2900;
	s14 =	sadd.s32 $0x480, s0  }
0x1c3: {  	[tilespmem:s15], [sflag:$0x1] =	stream.linear.gather [hbm4b:s14+s3], $0x80, $0x38;
	[tilespmem:$0x1E600] =	vst v63  }
0x1c4: {  	s17 =	sadd.s32 $0x500, s0;
	s18 =	simm.s32 $0x2A00  }
0x1c5: {  	[tilespmem:s18], [sflag:$0x1] =	stream.linear.gather [hbm4b:s17+s3], $0x80, $0x38;
	[tilespmem:$0x1E600] =	vst v63  }
0x1c6: {  	s19 =	sadd.s32 $0x580, s0;
	s20 =	simm.s32 $0x2B00  }
0x1c7: {  	[tilespmem:s20], [sflag:$0x1] =	stream.linear.gather [hbm4b:s19+s3], $0x80, $0x38;
	[tilespmem:$0x1E600] =	vst v63  }
0x1c8: {  	s21 =	sadd.s32 $0x600, s0;
	s22 =	simm.s32 $0x2C00  }
0x1c9: {  	[tilespmem:s22], [sflag:$0x1] =	stream.linear.gather [hbm4b:s21+s3], $0x80, $0x38;
	[tilespmem:$0x1E600] =	vst v63  }
0x1ca: {  	s26 =	sadd.s32 $0x680, s0;
	s28 =	simm.s32 $0x2D00  }
0x1cb: {  	[tilespmem:s28], [sflag:$0x1] =	stream.linear.gather [hbm4b:s26+s3], $0x80, $0x38;
	[tilespmem:$0x1E600] =	vst v63  }
0x1cc: {  	s29 =	sadd.s32 $0x700, s0;
	s30 =	simm.s32 $0x2E00  }
0x1cd: {  	[tilespmem:s30], [sflag:$0x1] =	stream.linear.gather [hbm4b:s29+s3], $0x80, $0x38;
	[tilespmem:$0x1E600] =	vst v63  }
0x1ce: {  	s0 =	sadd.s32 $0x780, s0;
	s31 =	simm.s32 $0x2F00  }
0x1cf: {  	[tilespmem:s31], [sflag:$0x1] =	stream.linear.gather [hbm4b:s0+s3], $0x80, $0x38;
	[tilespmem:$0x1E600] =	vst v63  }
.LBB2_8:
0x1d0: {  	p2 =	sne.s32 s4, $0x0  }
0x1d1: {  	s0 =	simm.s32 @!p2 $0x1  }
0x1d2: {  	_ =	swait.ge @!p2 [sflag:s0], $0x800  }
0x1d3: {  	[sflag:s0] =	ssyncset.done @!p2 $0x0  }
0x1d4: {  	[sflag:s0] =	ssyncadd.s32 @!p2 $0xFFFFF800  }
0x1d5: {  	_ =	swait.ge @!p2 [sflag:s0], $0x800  }
0x1d6: {  	[sflag:s0] =	ssyncset.done @!p2 $0x0  }
0x1d7: {  	[sflag:s0] =	ssyncadd.s32 @!p2 $0xFFFFF800  }
0x1d8: {  	_ =	swait.ge @!p2 [sflag:s0], $0x800  }
0x1d9: {  	[sflag:s0] =	ssyncset.done @!p2 $0x0  }
0x1da: {  	[sflag:s0] =	ssyncadd.s32 @!p2 $0xFFFFF800;
	s0 =	simm.s32 @p1 $0x2  }
0x1db: {  	_ =	swait.ge @p1 [sflag:s0], $0x800  }
0x1dc: {  	[sflag:s0] =	ssyncset.done @p1 $0x0  }
0x1dd: {  	s5 =	simm.s32 $0x1;
	[sflag:s0] =	ssyncadd.s32 @p1 $0xFFFFF800  }
0x1de: {  	s19 =	sshll.u32 s4, $0x7;
	s22 =	simm.s32 $0x0;
	_ =	swait.ge @p1 [sflag:s0], $0x800  }
0x1df: {  	s5 =	simm.s32 @!p0 $0x0;
	s4 =	sor.u32 $0x10, s19;
	[sflag:s0] =	ssyncset.done @p1 $0x0  }
0x1e0: {  	s21 =	sor.u32 $0x20, s19;
	s6 =	sand.u32 $0x40, s22;
	[sflag:s0] =	ssyncadd.s32 @p1 $0xFFFFF800  }
0x1e1: {  	s12 =	smul.u32 $0x900, s5;
	_ =	swait.ge @p1 [sflag:s0], $0x800;
	[dreg:$0x3] =	wrdreg s4  }
0x1e2: {  	s11 =	sor.u32 s19, s6;
	[dreg:$0x4] =	wrdreg s21;
	[sflag:s0] =	ssyncset.done @p1 $0x0  }
0x1e3: {  	s26 =	rddreg [dreg:$0x4];
	[sflag:s0] =	ssyncadd.s32 @p1 $0xFFFFF800;
	s0 =	sand.u32 $0xF00, s22  }
0x1e4: {  	s9 =	rddreg [dreg:$0x3];
	s5 =	sor.u32 s26, s6;
	s29 =	sor.u32 s0, s11  }
0x1e5: {  	s9 =	sor.u32 s9, s6;
	s18 =	sor.u32 s0, s5;
	v18 =	vld [tilespmem:s29+$0x0]  }
0x1e6: {  	s17 =	sor.u32 s0, s9;
	v20 =	vld [tilespmem:s18+$0x0]  }
0x1e7: {  	v21 =	vld [tilespmem:s17+$0x0];
	_ =	sdelay $0x3  }
0x1e8: {  	vm1 =	vge.s32 v18, v0;
	vm2 =	vlt.s32 v18, v1;
	vm3 =	vlt.s32 v20, v1  }
0x1e9: {  	vm4 =	vge.s32 v21, v0;
	vm2 =	vmand vm1, vm2;
	vm1 =	vge.s32 v20, v0  }
0x1ea: {  	vm6 =	vlt.s32 v21, v1;
	v8 =	vmpcnt.ones.xlane vm2;
	vm5 =	vmand vm1, vm3  }
0x1eb: {  	vm1 =	vmand vm4, vm6;
	v9 =	vmpcnt.ones.xlane vm5  }
0x1ec: {  	(v2sf) =	vpush v8, $0x0;
	v8 =	vmpcnt.ones.xlane vm1  }
0x1ed: {  	(v2sf) =	vpush v9, $0x0  }
0x1ee: {  	s2 =	simm.s32 $0x40;
	(v2sf) =	vpush v8, $0x0  }
0x1ef: {  	s15 =	simm.s32 $0x80;
	s5 =	sand.u32 $0x40, s2  }
0x1f0: {  	s4 =	sor.u32 $0x30, s19;
	s11 =	sand.u32 $0xF00, s15;
	s14 =	sor.u32 s19, s5  }
0x1f1: {  	s6 =	sor.u32 s4, s6;
	s14 =	sor.u32 s11, s14  }
0x1f2: {  	s7 =	rddreg [dreg:$0x3];
	s6 =	sor.u32 s0, s6;
	v9 =	vld [tilespmem:s14+$0x0]  }
0x1f3: {  	s13 =	rddreg [dreg:$0x4];
	s20 =	sor.u32 s7, s5;
	v22 =	vld [tilespmem:s6+$0x0]  }
0x1f4: {  	s21 =	sor.u32 s13, s5;
	s15 =	sor.u32 s11, s20  }
0x1f5: {  	s9 =	sor.u32 s11, s21;
	v10 =	vld [tilespmem:s15+$0x0]  }
0x1f6: {  	v8 =	vld [tilespmem:s9+$0x0]  }
0x1f7: {  	vm8 =	vmmov vm1;
	vm3 =	vge.s32 v9, v0;
	vm4 =	vlt.s32 v9, v1  }
0x1f8: {  	vm1 =	vmand vm3, vm4;
	vm3 =	vge.s32 v22, v0;
	vm4 =	vlt.s32 v22, v1  }
0x1f9: {  	v12 =	vsel vm5, $0x1, v3;
	v13 =	vmpcnt.ones.xlane vm1;
	vm11 =	vmand vm3, vm4  }
0x1fa: {  	v11 =	vsel vm2, $0x1, v3;
	vm6 =	vge.s32 v10, v0;
	(xrf0) =	vadd.scan.msk.s32 $0xffff, v12;
	v12 =	vmpcnt.ones.xlane vm11  }
0x1fb: {  	vm7 =	vge.s32 v8, v0;
	vm3 =	vlt.s32 v8, v1;
	(v2sf) =	vpush v13, $0x0;
	s22 =	spop (v2sf)  }
0x1fc: {  	vm9 =	vlt.s32 v10, v1;
	vm4 =	vmand vm7, vm3;
	(v2sf) =	vpush v12, $0x0;
	s26 =	spop (v2sf)  }
0x1fd: {  	(xrf0) =	vadd.scan.msk.s32 $0xffff, v11;
	vm3 =	vmand vm6, vm9;
	v13 =	vmpcnt.ones.xlane vm4;
	s0 =	sadd.s32 s16, s22;
	s20 =	spop (v2sf)  }
0x1fe: {  	s2 =	sadd.s32 s10, s16;
	v14 =	vmpcnt.ones.xlane vm3;
	s20 =	sadd.s32 s0, s20  }
0x1ff: {  	v11 =	vsel vm11, $0x1, v3;
	(v2sf) =	vpush v13, $0x0;
	s7 =	sadd.s32 s10, s0;
	s0 =	sadd.s32 s20, s26;
	s20 =	sadd.s32 s10, s20  }
0x200: {  	(xrf0) =	vadd.scan.msk.s32 $0xffff, v11;
	v11 =	vmov s2;
	(v2sf) =	vpush v14, $0x0;
	v14 =	vmov s20  }
0x201: {  	v11 =	vadd.s32 $0xFFFFFFFF, v11;
	v12 =	vsel vm8, $0x1, v3;
	s22 =	simm.s32 $0x80  }
0x202: {  	s28 =	simm.s32 $0x100;
	v11 =	vbroadcast v11, $0x0;
	(xrf0) =	vadd.scan.msk.s32 $0xffff, v12;
	v13, _, _ =	vpop (xrf0);
	v12 =	vmov s7;
	s26 =	sand.u32 $0x40, s22  }
0x203: {  	s30 =	sand.u32 $0xF00, s28;
	vm12 =	vmmov vm2;
	v16 =	vadd.s32 $0xFFFFFFFF, v12;
	s21 =	sadd.s32 s10, s0;
	s7 =	sor.u32 s19, s26;
	v12 =	vadd.s32 $0xFFFFFFFF, v14;
	v14, _, _ =	vpop (xrf0)  }
0x204: {  	v15 =	vmov s21;
	s21 =	sor.u32 s4, s5;
	s5 =	sor.u32 s30, s7;
	v17 =	vadd.s32 v14, v11;
	v11 =	vbroadcast v12, $0x0  }
0x205: {  	v18 =	vsub.s32 v18, v0;
	v21 =	vsub.s32 v21, v0;
	v15 =	vadd.s32 $0xFFFFFFFF, v15;
	v12 =	vld [tilespmem:s5+$0x0]  }
0x206: {  	vm2 =	vmmov vm5;
	vm10 =	vmmov vm12;
	s2 =	rddreg [dreg:$0x4];
	v15 =	vbroadcast v15, $0x0  }
0x207: {  	s13 =	rddreg [dreg:$0x3];
	vm2 =	vmmov vm2;
	vm5 =	vmmov vm8;
	s2 =	sor.u32 s2, s26;
	v25 =	vbroadcast v16, $0x0;
	s21 =	sor.u32 s11, s21;
	v19, _, _ =	vpop (xrf0)  }
0x208: {  	v23 =	vsel vm1, $0x1, v3;
	s13 =	sor.u32 s13, s26;
	s16 =	sor.u32 s30, s2;
	v16 =	vld [tilespmem:s21+$0x0];
	v19 =	vadd.s32 v19, v15;
	v14 =	vadd.s32 v13, v11;
	v11, _, _ =	vpop (xrf0)  }
0x209: {  	vm6 =	vmmov vm1;
	vm9 =	vmmov vm11;
	s20 =	sor.u32 s30, s13;
	v13 =	vld [tilespmem:s16+$0x0];
	v15 =	vadd.s32 v11, v25  }
0x20a: {  	v24 =	vsel vm4, $0x1, v3;
	s7 =	spop (v2sf);
	v11 =	vld [tilespmem:s20+$0x0];
	[tilespmem:v17+s23+$0x0] =	vst.idx.msk vm12, v18;
	vm12 =	vge.s32 v12, v0;
	vm13 =	vlt.s32 v12, v1  }
0x20b: {  	vm7 =	vmmov vm4;
	vm4 =	vmmov vm3;
	v27 =	vld [tilespmem:s29+$0x1000];
	vm12 =	vmand vm12, vm13;
	s31 =	spop (v2sf)  }
0x20c: {  	(xrf0) =	vadd.scan.msk.s32 $0xffff, v24;
	v25 =	vsub.s32 v20, v0;
	v18 =	vsub.s32 v22, v0;
	v24 =	vmpcnt.ones.xlane vm12;
	s0 =	sadd.s32 s0, s31  }
0x20d: {  	vm13 =	vge.s32 v16, v0;
	[tilespmem:v19+s23+$0x0] =	vst.idx.msk vm11, v18;
	vm11 =	vlt.s32 v16, v1;
	v18 =	vsel vm12, $0x1, v3;
	s31 =	sadd.s32 s10, s0  }
0x20e: {  	v22 =	vld [tilespmem:s6+$0x1000];
	vm15 =	vge.s32 v13, v0;
	[tilespmem:v14+s23+$0x0] =	vst.idx.msk vm2, v25;
	(v2sf) =	vpush v24, $0x0;
	v25 =	vmov s31  }
0x20f: {  	s26 =	sor.u32 s4, s26;
	s11 =	spop (v2sf);
	[tilespmem:v15+s23+$0x0] =	vst.idx.msk vm8, v21;
	vm14 =	vge.s32 v11, v0;
	vm8 =	vmand vm13, vm11;
	vm11 =	vlt.s32 v13, v1;
	v21 =	vld [tilespmem:s18+$0x1000]  }
0x210: {  	s26 =	sor.u32 s30, s26;
	s0 =	sadd.s32 s0, s7;
	s7 =	spop (v2sf);
	vm13 =	vlt.s32 v11, v1;
	v20 =	vld [tilespmem:s17+$0x1000];
	v24 =	vsel vm8, $0x1, v3;
	vm11 =	vmand vm15, vm11;
	[tilespmem:v17+s24+$0x0] =	vst.idx.msk vm10, v27  }
0x211: {  	s30 =	simm.s32 $0x8;
	(xrf0) =	vadd.scan.msk.s32 $0xffff, v23;
	s13 =	sadd.s32 s10, s0;
	s31 =	sadd.s32 s0, s7;
	v26 =	vmpcnt.ones.xlane vm8;
	vm13 =	vmand vm14, vm13;
	v27 =	vmpcnt.ones.xlane vm11;
	v23 =	vld [tilespmem:s29+$0x2000]  }
.LBB2_9:
0x212: {  	_ =	sdelay $0x1  }
0x213: {  	vm15 =	vmmov vm1;
	vm1 =	vmmov vm12;
	v28 =	vmpcnt.ones.xlane vm13;
	[tilespmem:v19+s24+$0x0] =	vst.idx.msk vm9, v22  }
0x214: {  	s29 =	sadd.s32 s31, s11;
	(v2sf) =	vpush v26, $0x0;
	v30, _, _ =	vpop (xrf0);
	v22 =	vsel vm4, $0x1, v3;
	(xrf0) =	vadd.scan.msk.s32 $0xffff, v24;
	[tilespmem:v15+s24+$0x0] =	vst.idx.msk vm5, v20;
	v20 =	vld [tilespmem:s6+$0x2000]  }
0x215: {  	vm12 =	vmmov vm15;
	s11 =	sadd.s32 s10, s29;
	(v2sf) =	vpush v27, $0x0;
	[tilespmem:v14+s24+$0x0] =	vst.idx.msk vm2, v21;
	(xrf0) =	vadd.scan.msk.s32 $0xffff, v22;
	v22 =	vld [tilespmem:s17+$0x2000]  }
0x216: {  	v27 =	vmov s11;
	(v2sf) =	vpush v28, $0x0;
	v21 =	vadd.s32 $0xFFFFFFFF, v25;
	s17 =	smov.u32 s15;
	s15 =	sadd.s32 s10, s31;
	v25 =	vld [tilespmem:s18+$0x2000]  }
0x217: {  	s22 =	sadd.s32 $0x40, s22;
	s28 =	sadd.s32 $0x80, s28;
	v24 =	vmov s13;
	v21 =	vbroadcast v21, $0x0;
	v26 =	vmov s15  }
0x218: {  	s7 =	rddreg [dreg:$0x3];
	s11 =	sand.u32 $0xF00, s28;
	s13 =	sand.u32 $0x40, s22;
	[tilespmem:v17+s25+$0x0] =	vst.idx.msk vm10, v23;
	v23 =	vadd.s32 $0xFFFFFFFF, v24;
	v17, _, _ =	vpop (xrf0);
	v24 =	vadd.s32 $0xFFFFFFFF, v26;
	v26 =	vadd.s32 $0xFFFFFFFF, v27  }
0x219: {  	s6 =	smov.u32 s21;
	s21 =	smov.u32 s26;
	s26 =	sor.u32 s19, s13;
	v17 =	vadd.s32 v17, v21;
	v21 =	vbroadcast v24, $0x0;
	v24 =	vbroadcast v26, $0x0  }
0x21a: {  	vm14 =	vmmov vm3;
	vm3 =	vmmov vm13;
	v29 =	vsel vm11, $0x1, v3;
	s0 =	smov.u32 s5;
	s18 =	rddreg [dreg:$0x4];
	s5 =	sor.u32 s11, s26;
	[tilespmem:v19+s25+$0x0] =	vst.idx.msk vm9, v20;
	v19, _, _ =	vpop (xrf0)  }
0x21b: {  	s2 =	sor.u32 s4, s13;
	s7 =	sor.u32 s7, s13;
	s13 =	sor.u32 s18, s13;
	v23 =	vbroadcast v23, $0x0;
	v20 =	vld [tilespmem:s5+$0x0];
	[tilespmem:v14+s25+$0x0] =	vst.idx.msk vm2, v25;
	vm2 =	vmmov vm7;
	v19 =	vadd.s32 v19, v24  }
0x21c: {  	v10 =	vsub.s32 v10, v0;
	vm13 =	vmmov vm14;
	s18 =	smov.u32 s9;
	s9 =	smov.u32 s16;
	s16 =	sor.u32 s11, s13;
	[tilespmem:v15+s25+$0x0] =	vst.idx.msk vm5, v22;
	v14 =	vadd.s32 v30, v21;
	v22 =	vld [tilespmem:s21+$0x0];
	v15, _, _ =	vpop (xrf0)  }
0x21d: {  	vm10 =	vmmov vm6;
	vm6 =	vmmov vm1;
	s15 =	smov.u32 s20;
	s20 =	sor.u32 s11, s7;
	v21 =	vld [tilespmem:s16+$0x0];
	v15 =	vadd.s32 v15, v23  }
0x21e: {  	v27 =	vsub.s32 v16, v0;
	vm9 =	vmmov vm8;
	v24 =	vsub.s32 v9, v0;
	v23 =	vld [tilespmem:s20+$0x0]  }
0x21f: {  	vm7 =	vmmov vm11;
	vm5 =	vmmov vm4;
	[tilespmem:v17+s23+$0x0] =	vst.idx.msk vm12, v24;
	v24 =	vsub.s32 v8, v0  }
0x220: {  	s30 =	sadd.s32 $0x4, s30;
	vm4 =	vmmov vm3;
	v25 =	vld [tilespmem:s14+$0x1000];
	vm11 =	vge.s32 v20, v0;
	vm12 =	vlt.s32 v20, v1;
	[tilespmem:v19+s23+$0x0] =	vst.idx.msk vm8, v27  }
0x221: {  	p1 =	slt.u32 s30, $0x7C;
	v8 =	vmovc v13;
	vm12 =	vmand vm11, vm12;
	vm11 =	vge.s32 v22, v0;
	v16 =	vmov v22;
	[tilespmem:v14+s23+$0x0] =	vst.idx.msk vm2, v24  }
.Ltmp5:
0x222: {  	s7 =	spop (v2sf);
	v13 =	vmovc v21;
	v26 =	vmpcnt.ones.xlane vm12;
	v28 =	vsel vm12, $0x1, v3;
	vm8 =	vlt.s32 v16, v1;
	[tilespmem:v15+s23+$0x0] =	vst.idx.msk vm13, v10;
	(pc) =	sbr.rel @p1 .LBB2_9-.Ltmp5, $4  }
0x223: {  	s26 =	sor.u32 s11, s2;
	s2 =	spop (v2sf);
	v22 =	vld [tilespmem:s6+$0x1000];
	vm13 =	vge.s32 v23, v0;
	vm14 =	vge.s32 v13, v0;
	v10 =	vmovc v11;
	v11 =	vmovc v23;
	vm8 =	vmand vm11, vm8  }
0x224: {  	(xrf0) =	vadd.scan.msk.s32 $0xffff, v29;
	s11 =	spop (v2sf);
	v21 =	vld [tilespmem:s18+$0x1000];
	s13 =	sadd.s32 s29, s2;
	vm11 =	vlt.s32 v13, v1;
	vm15 =	vlt.s32 v11, v1;
	(v2sf) =	vpush v26, $0x0  }
0x225: {  	v9 =	vmovc v12;
	v12 =	vmovc v20;
	v20 =	vld [tilespmem:s17+$0x1000];
	s29 =	sadd.s32 s10, s13;
	s7 =	sadd.s32 s13, s7;
	s31 =	spop (v2sf);
	[tilespmem:v17+s24+$0x0] =	vst.idx.msk vm10, v25;
	v24 =	vsel vm8, $0x1, v3;
	vm11 =	vmand vm14, vm11;
	v26 =	vmpcnt.ones.xlane vm8  }
0x226: {  	(xrf0) =	vadd.scan.msk.s32 $0xffff, v18;
	v18 =	vmovc v28;
	vm13 =	vmand vm13, vm15;
	v25 =	vmov s29;
	s13 =	sadd.s32 s10, s7;
	s31 =	sadd.s32 s7, s31;
	v23 =	vld [tilespmem:s14+$0x2000];
	s14 =	smov.u32 s0;
	v27 =	vmpcnt.ones.xlane vm11  }
0x227: {  	v28 =	vmpcnt.ones.xlane vm13;
	(v2sf) =	vpush v26, $0x0  }
0x228: {  	(v2sf) =	vpush v27, $0x0  }
0x229: {  	(v2sf) =	vpush v28, $0x0;
	_ =	sdelay $0x4  }
0x22a: {  	v54 =	vsel vm4, $0x1, v3;
	(xrf0) =	vadd.scan.msk.s32 $0xffff, v24;
	v55 =	vsel vm11, $0x1, v3;
	v59 =	vld [tilespmem:s26+$0x0];
	[tilespmem:v19+s24+$0x0] =	vst.idx.msk vm9, v22  }
0x22b: {  	vm15 =	vmmov vm1;
	v57 =	vadd.s32 $0xFFFFFFFF, v25;
	v58 =	vmov s13;
	(xrf0) =	vadd.scan.msk.s32 $0xffff, v54;
	v56 =	vld [tilespmem:s6+$0x2000]  }
0x22c: {  	s0 =	sadd.s32 s31, s11;
	s11 =	sadd.s32 s10, s31;
	vm14 =	vmmov vm3;
	vm3 =	vmmov vm6;
	vm1 =	vmmov vm7  }
0x22d: {  	vm7 =	vmmov vm13;
	s4 =	sadd.s32 s10, s0;
	v61 =	vbroadcast v57, $0x0;
	v63 =	vmov s11  }
0x22e: {  	v25 =	vadd.s32 $0xFFFFFFFF, v58;
	v62 =	vmov s4;
	v31 =	vadd.s32 $0xFFFFFFFF, v63;
	v60, _, _ =	vpop (xrf0);
	[tilespmem:v15+s24+$0x0] =	vst.idx.msk vm5, v20  }
0x22f: {  	v22 =	vadd.s32 $0xFFFFFFFF, v62;
	[tilespmem:v17+s25+$0x0] =	vst.idx.msk vm10, v23;
	v17 =	vbroadcast v31, $0x0;
	v29, _, _ =	vpop (xrf0);
	vm6 =	vge.s32 v59, v0  }
0x230: {  	v32 =	vbroadcast v22, $0x0;
	v20 =	vadd.s32 v29, v61;
	v34, _, _ =	vpop (xrf0);
	[tilespmem:v19+s25+$0x0] =	vst.idx.msk vm9, v56;
	vm9 =	vlt.s32 v59, v1  }
0x231: {  	v33 =	vbroadcast v25, $0x0;
	v17 =	vadd.s32 v60, v17;
	v35, _, _ =	vpop (xrf0);
	(xrf0) =	vadd.scan.msk.s32 $0xffff, v55;
	vm6 =	vmand vm6, vm9;
	s13 =	spop (v2sf)  }
0x232: {  	[tilespmem:v14+s24+$0x0] =	vst.idx.msk vm2, v21;
	v21 =	vadd.s32 v34, v32;
	(xrf0) =	vadd.scan.msk.s32 $0xffff, v18;
	v36 =	vsel vm6, $0x1, v3;
	s19 =	spop (v2sf)  }
0x233: {  	v38 =	vsel vm7, $0x1, v3;
	v19 =	vadd.s32 v35, v33;
	(xrf0) =	vadd.scan.msk.s32 $0xffff, v36;
	s7 =	spop (v2sf);
	s0 =	sadd.s32 s0, s19  }
0x234: {  	v9 =	vsub.s32 v9, v0;
	v39 =	vld [tilespmem:s18+$0x2000];
	(xrf0) =	vadd.scan.msk.s32 $0xffff, v38;
	s4 =	sadd.s32 s0, s13;
	s22 =	spop (v2sf)  }
0x235: {  	v40 =	vsub.s32 v16, v0;
	v8 =	vsub.s32 v8, v0;
	v37 =	vld [tilespmem:s17+$0x2000];
	[tilespmem:v20+s23+$0x0] =	vst.idx.msk vm15, v9;
	s28 =	sadd.s32 s10, s0;
	s6 =	sadd.s32 s4, s22  }
0x236: {  	v10 =	vsub.s32 v10, v0;
	vm10 =	vmmov vm12;
	[tilespmem:v17+s23+$0x0] =	vst.idx.msk vm1, v8;
	v41 =	vld [tilespmem:s14+$0x1000];
	v42 =	vmov s28;
	s4 =	sadd.s32 s10, s4;
	s29 =	sadd.s32 s6, s7  }
0x237: {  	vm12 =	vmmov vm4;
	[tilespmem:v21+s23+$0x0] =	vst.idx.msk vm8, v40;
	v46 =	vld [tilespmem:s9+$0x1000];
	v24, _, _ =	vpop (xrf0);
	v9 =	vadd.s32 $0xFFFFFFFF, v42;
	v8 =	vmov s4;
	s7 =	sadd.s32 s10, s29  }
0x238: {  	[tilespmem:v19+s23+$0x0] =	vst.idx.msk vm14, v10;
	v43 =	vld [tilespmem:s21+$0x1000];
	v48, _, _ =	vpop (xrf0);
	v9 =	vbroadcast v9, $0x0;
	v8 =	vadd.s32 $0xFFFFFFFF, v8;
	v44 =	vmov s7  }
0x239: {  	[tilespmem:v14+s25+$0x0] =	vst.idx.msk vm2, v39;
	v45 =	vld [tilespmem:s15+$0x1000];
	v50, _, _ =	vpop (xrf0);
	s30 =	sadd.s32 s10, s6;
	v8 =	vbroadcast v8, $0x0;
	v23 =	vadd.s32 $0xFFFFFFFF, v44  }
0x23a: {  	[tilespmem:v15+s25+$0x0] =	vst.idx.msk vm5, v37;
	v52, _, _ =	vpop (xrf0);
	v47 =	vmov s30;
	v9 =	vadd.s32 v48, v9;
	v23 =	vbroadcast v23, $0x0  }
0x23b: {  	v53 =	vmpcnt.ones.xlane vm6;
	[tilespmem:v20+s24+$0x0] =	vst.idx.msk vm3, v41;
	v49 =	vadd.s32 $0xFFFFFFFF, v47;
	v8 =	vadd.s32 v52, v8  }
0x23c: {  	vm2 =	vmmov vm11;
	[tilespmem:v17+s24+$0x0] =	vst.idx.msk vm1, v46;
	v14 =	vbroadcast v49, $0x0;
	v51 =	vadd.s32 v50, v23  }
0x23d: {  	vm2 =	vmmov vm2;
	(v2sf) =	vpush v53, $0x0;
	[tilespmem:v21+s24+$0x0] =	vst.idx.msk vm8, v43;
	v55 =	vld [tilespmem:s14+$0x2000]  }
0x23e: {  	v12 =	vsub.s32 v12, v0;
	[tilespmem:v19+s24+$0x0] =	vst.idx.msk vm12, v45;
	v54 =	vadd.s32 v24, v14  }
0x23f: {  	v11 =	vsub.s32 v11, v0;
	v63 =	vld [tilespmem:s9+$0x2000];
	[tilespmem:v9+s23+$0x0] =	vst.idx.msk vm10, v12  }
0x240: {  	v57 =	vsub.s32 v59, v0;
	v58 =	vld [tilespmem:s5+$0x1000];
	[tilespmem:v8+s23+$0x0] =	vst.idx.msk vm7, v11  }
0x241: {  	vm14 =	vmmov vm6;
	v61 =	vld [tilespmem:s20+$0x1000];
	[tilespmem:v51+s23+$0x0] =	vst.idx.msk vm6, v57  }
0x242: {  	v59 =	vsub.s32 v13, v0;
	vm9 =	vmmov vm8;
	[tilespmem:v20+s25+$0x0] =	vst.idx.msk vm3, v55;
	v60 =	vld [tilespmem:s26+$0x1000]  }
0x243: {  	v56 =	vld [tilespmem:s21+$0x2000];
	[tilespmem:v54+s23+$0x0] =	vst.idx.msk vm2, v59  }
0x244: {  	[tilespmem:v17+s25+$0x0] =	vst.idx.msk vm1, v63;
	v12 =	vld [tilespmem:s16+$0x1000]  }
0x245: {  	v62 =	vld [tilespmem:s15+$0x2000];
	[tilespmem:v9+s24+$0x0] =	vst.idx.msk vm10, v58  }
0x246: {  	v18 =	vld [tilespmem:s5+$0x2000];
	[tilespmem:v8+s24+$0x0] =	vst.idx.msk vm7, v61  }
0x247: {  	v13 =	vld [tilespmem:s20+$0x2000];
	[tilespmem:v51+s24+$0x0] =	vst.idx.msk vm14, v60  }
0x248: {  	[tilespmem:v21+s25+$0x0] =	vst.idx.msk vm9, v56;
	v11 =	vld [tilespmem:s26+$0x2000]  }
0x249: {  	[tilespmem:v54+s24+$0x0] =	vst.idx.msk vm2, v12  }
0x24a: {  	p1 =	slt.s32 s8, $0x1;
	[tilespmem:v19+s25+$0x0] =	vst.idx.msk vm12, v62;
	v12 =	vld [tilespmem:s16+$0x2000]  }
.Ltmp6:
0x24b: {  	[tilespmem:v9+s25+$0x0] =	vst.idx.msk vm10, v18;
	(pc) =	sbr.rel @p1 .LBB2_22-.Ltmp6, $4  }
0x24c: {  	s31 =	spop (v2sf);
	[tilespmem:v8+s25+$0x0] =	vst.idx.msk vm7, v13  }
0x24d: {  	s0 =	sadd.s32 s29, s31;
	[tilespmem:v51+s25+$0x0] =	vst.idx.msk vm14, v11  }
0x24e: {  	[smem:$0x7DE] =	sst s0  }
0x24f: {  	vm13 =	vmmov vm10;
	vm15 =	vmmov vm7;
	[tilespmem:v54+s25+$0x0] =	vst.idx.msk vm2, v12  }
0x250: {  	s0 =	sld [smem:$0x7E0];
	_ =	sdelay $0x2  }
0x251: {  	s0 =	sadd.s32 $0x4200, s0  }
0x252: {  	s14 =	simm.s32 $0x0;
	s13 =	smov.u32 s8;
	[smem:$0x7DF] =	sst s0;
	v8 =	vmov s0  }
.LBB2_12:
0x253: {  	p2 =	slt.u32 s14, $0x2  }
.Ltmp7:
0x254: {  	_ = 	snop;
	(pc) =	sbr.rel @p2 .LBB2_16-.Ltmp7, $3  }
0x255: {  	_ =	sdelay $0x1  }
0x256: {  	s4 =	sand.u32 $0x1, s14  }
0x257: {  	p1 =	seq.s32 s4, $0x1  }
0x258: {  	_ =	sdelay $0x1  }
0x259: {  	s0 =	sshll.u32 s14, $0x9  }
0x25a: {  	s0 =	sshra.s32 s0, $0x2  }
0x25b: {  	v9 =	vld.idx.msk [tilespmem:v8+s0+$0x0 ss:$0x1], $0xffff;
	_ =	sdelay $0x4  }
0x25c: {  	v10 =	vshll.u32 v9, $0x1  }
.Ltmp8:
0x25d: {  	v9 =	vand.u32 $0x7, v9;
	v10 =	vand.u32 $0xFFFFFFF0, v10;
	(pc) =	sbr.rel @!p1 .LBB2_14-.Ltmp8, $3  }
0x25e: {  	s2 =	sld [smem:$0x7DF];
	v9 =	vor.u32 v9, v10  }
0x25f: {  	v10 =	vperm.xlane v9, v4;
	v9 =	vperm.xlane v9, v6;
	_ =	sdelay $0x1  }
0x260: {  	s0 =	sadd.s32 s0, s2;
	v10 =	vadd.s32 v5, v10;
	v9 =	vadd.s32 v5, v9  }
0x261: {  	_ =	sdelay $0x2  }
0x262: {  	s2 =	simm.s32 $0xE600  }
0x263: {  	[tilespmem:s2], [sflag:$0x4] =	stream.indirect_vreg.gather [hbm4b:s1+s3], $0x80, v10, vm0, $0xb8;
	[tilespmem:$0x1E600] =	vst v63  }
0x264: {  	s9 =	simm.s32 $0xEE00  }
0x265: {  	[tilespmem:s9], [sflag:$0x4] =	stream.indirect_vreg.gather [hbm4b:s1+s3], $0x80, v9, vm0, $0xb8;
	[tilespmem:$0x1E600] =	vst v63  }
0x266: {  	v9 =	vld [tilespmem:s0+$0x10];
	_ =	sdelay $0x4  }
0x267: {  	v10 =	vshll.u32 v9, $0x1  }
0x268: {  	v9 =	vand.u32 $0x7, v9;
	v10 =	vand.u32 $0xFFFFFFF0, v10  }
0x269: {  	v9 =	vor.u32 v9, v10  }
0x26a: {  	v10 =	vperm.xlane v9, v4;
	_ =	sdelay $0x1  }
0x26b: {  	v9 =	vperm.xlane v9, v6;
	v10 =	vadd.s32 v5, v10;
	_ =	sdelay $0x1  }
0x26c: {  	v9 =	vadd.s32 v5, v9;
	_ =	sdelay $0x1  }
0x26d: {  	s11 =	simm.s32 $0xF600  }
0x26e: {  	[tilespmem:s11], [sflag:$0x4] =	stream.indirect_vreg.gather [hbm4b:s1+s3], $0x80, v10, vm0, $0xb8;
	[tilespmem:$0x1E600] =	vst v63  }
0x26f: {  	s15 =	simm.s32 $0xFE00  }
0x270: {  	[tilespmem:s15], [sflag:$0x4] =	stream.indirect_vreg.gather [hbm4b:s1+s3], $0x80, v9, vm0, $0xb8;
	[tilespmem:$0x1E600] =	vst v63  }
0x271: {  	v9 =	vld [tilespmem:s0+$0x20];
	_ =	sdelay $0x4  }
0x272: {  	v10 =	vshll.u32 v9, $0x1  }
0x273: {  	v9 =	vand.u32 $0x7, v9;
	v10 =	vand.u32 $0xFFFFFFF0, v10  }
0x274: {  	v9 =	vor.u32 v9, v10  }
0x275: {  	v10 =	vperm.xlane v9, v4;
	_ =	sdelay $0x1  }
0x276: {  	v9 =	vperm.xlane v9, v6;
	v10 =	vadd.s32 v5, v10;
	_ =	sdelay $0x1  }
0x277: {  	v9 =	vadd.s32 v5, v9;
	_ =	sdelay $0x1  }
0x278: {  	s16 =	simm.s32 $0x10600  }
0x279: {  	[tilespmem:s16], [sflag:$0x4] =	stream.indirect_vreg.gather [hbm4b:s1+s3], $0x80, v10, vm0, $0xb8;
	[tilespmem:$0x1E600] =	vst v63  }
0x27a: {  	s17 =	simm.s32 $0x10E00  }
0x27b: {  	[tilespmem:s17], [sflag:$0x4] =	stream.indirect_vreg.gather [hbm4b:s1+s3], $0x80, v9, vm0, $0xb8;
	[tilespmem:$0x1E600] =	vst v63  }
0x27c: {  	v9 =	vld [tilespmem:s0+$0x30];
	_ =	sdelay $0x4  }
0x27d: {  	v10 =	vshll.u32 v9, $0x1  }
0x27e: {  	v9 =	vand.u32 $0x7, v9;
	v10 =	vand.u32 $0xFFFFFFF0, v10  }
0x27f: {  	v9 =	vor.u32 v9, v10  }
0x280: {  	v10 =	vperm.xlane v9, v4;
	_ =	sdelay $0x1  }
0x281: {  	v9 =	vperm.xlane v9, v6;
	v10 =	vadd.s32 v5, v10;
	_ =	sdelay $0x1  }
0x282: {  	v9 =	vadd.s32 v5, v9;
	_ =	sdelay $0x1  }
0x283: {  	s18 =	simm.s32 $0x11600  }
0x284: {  	[tilespmem:s18], [sflag:$0x4] =	stream.indirect_vreg.gather [hbm4b:s1+s3], $0x80, v10, vm0, $0xb8;
	[tilespmem:$0x1E600] =	vst v63  }
0x285: {  	s19 =	simm.s32 $0x11E00  }
0x286: {  	[tilespmem:s19], [sflag:$0x4] =	stream.indirect_vreg.gather [hbm4b:s1+s3], $0x80, v9, vm0, $0xb8;
	[tilespmem:$0x1E600] =	vst v63  }
0x287: {  	v9 =	vld [tilespmem:s0+$0x40];
	_ =	sdelay $0x4  }
0x288: {  	v10 =	vshll.u32 v9, $0x1  }
0x289: {  	v9 =	vand.u32 $0x7, v9;
	v10 =	vand.u32 $0xFFFFFFF0, v10  }
0x28a: {  	v9 =	vor.u32 v9, v10  }
0x28b: {  	v10 =	vperm.xlane v9, v4;
	_ =	sdelay $0x1  }
0x28c: {  	v9 =	vperm.xlane v9, v6;
	v10 =	vadd.s32 v5, v10;
	_ =	sdelay $0x1  }
0x28d: {  	v9 =	vadd.s32 v5, v9;
	_ =	sdelay $0x1  }
0x28e: {  	s20 =	simm.s32 $0x12600  }
0x28f: {  	[tilespmem:s20], [sflag:$0x4] =	stream.indirect_vreg.gather [hbm4b:s1+s3], $0x80, v10, vm0, $0xb8;
	[tilespmem:$0x1E600] =	vst v63  }
0x290: {  	s21 =	simm.s32 $0x12E00  }
0x291: {  	[tilespmem:s21], [sflag:$0x4] =	stream.indirect_vreg.gather [hbm4b:s1+s3], $0x80, v9, vm0, $0xb8;
	[tilespmem:$0x1E600] =	vst v63  }
0x292: {  	v9 =	vld [tilespmem:s0+$0x50];
	_ =	sdelay $0x4  }
0x293: {  	v10 =	vshll.u32 v9, $0x1  }
0x294: {  	v9 =	vand.u32 $0x7, v9;
	v10 =	vand.u32 $0xFFFFFFF0, v10  }
0x295: {  	v9 =	vor.u32 v9, v10  }
0x296: {  	v10 =	vperm.xlane v9, v4;
	_ =	sdelay $0x1  }
0x297: {  	v9 =	vperm.xlane v9, v6;
	v10 =	vadd.s32 v5, v10;
	_ =	sdelay $0x1  }
0x298: {  	v9 =	vadd.s32 v5, v9;
	_ =	sdelay $0x1  }
0x299: {  	s22 =	simm.s32 $0x13600  }
0x29a: {  	[tilespmem:s22], [sflag:$0x4] =	stream.indirect_vreg.gather [hbm4b:s1+s3], $0x80, v10, vm0, $0xb8;
	[tilespmem:$0x1E600] =	vst v63  }
0x29b: {  	s26 =	simm.s32 $0x13E00  }
0x29c: {  	[tilespmem:s26], [sflag:$0x4] =	stream.indirect_vreg.gather [hbm4b:s1+s3], $0x80, v9, vm0, $0xb8;
	[tilespmem:$0x1E600] =	vst v63  }
0x29d: {  	v9 =	vld [tilespmem:s0+$0x60];
	_ =	sdelay $0x4  }
0x29e: {  	v10 =	vshll.u32 v9, $0x1  }
0x29f: {  	v9 =	vand.u32 $0x7, v9;
	v10 =	vand.u32 $0xFFFFFFF0, v10  }
0x2a0: {  	v9 =	vor.u32 v9, v10  }
0x2a1: {  	v10 =	vperm.xlane v9, v4;
	_ =	sdelay $0x1  }
0x2a2: {  	v9 =	vperm.xlane v9, v6;
	v10 =	vadd.s32 v5, v10;
	_ =	sdelay $0x1  }
0x2a3: {  	v9 =	vadd.s32 v5, v9;
	_ =	sdelay $0x1  }
0x2a4: {  	s28 =	simm.s32 $0x14600  }
0x2a5: {  	[tilespmem:s28], [sflag:$0x4] =	stream.indirect_vreg.gather [hbm4b:s1+s3], $0x80, v10, vm0, $0xb8;
	[tilespmem:$0x1E600] =	vst v63  }
0x2a6: {  	s29 =	simm.s32 $0x14E00  }
0x2a7: {  	[tilespmem:s29], [sflag:$0x4] =	stream.indirect_vreg.gather [hbm4b:s1+s3], $0x80, v9, vm0, $0xb8;
	[tilespmem:$0x1E600] =	vst v63  }
0x2a8: {  	v9 =	vld [tilespmem:s0+$0x70];
	_ =	sdelay $0x4  }
0x2a9: {  	v10 =	vshll.u32 v9, $0x1  }
0x2aa: {  	v9 =	vand.u32 $0x7, v9;
	v10 =	vand.u32 $0xFFFFFFF0, v10  }
0x2ab: {  	v9 =	vor.u32 v9, v10  }
0x2ac: {  	v10 =	vperm.xlane v9, v4;
	_ =	sdelay $0x1  }
0x2ad: {  	v9 =	vperm.xlane v9, v6;
	v10 =	vadd.s32 v5, v10;
	_ =	sdelay $0x1  }
0x2ae: {  	v9 =	vadd.s32 v5, v9  }
.Ltmp9:
0x2af: {  	_ = 	snop;
	(pc) =	sbr.rel .LBB2_18-.Ltmp9, $4  }
0x2b0: {  	s30 =	simm.s32 $0x15600  }
0x2b1: {  	[tilespmem:s30], [sflag:$0x4] =	stream.indirect_vreg.gather [hbm4b:s1+s3], $0x80, v10, vm0, $0xb8;
	[tilespmem:$0x1E600] =	vst v63  }
0x2b2: {  	s31 =	simm.s32 $0x15E00  }
0x2b3: {  	[tilespmem:s31], [sflag:$0x4] =	stream.indirect_vreg.gather [hbm4b:s1+s3], $0x80, v9, vm0, $0xb8;
	[tilespmem:$0x1E600] =	vst v63  }
.LBB2_16:
.Ltmp10:
0x2b4: {  	(pc) =	sbr.rel @p1 .LBB2_18-.Ltmp10, $4  }
.Ltmp11:
0x2b5: {  	(pc) =	sbr.rel @!p1 .LBB2_17-.Ltmp11, $4  }
0x2b6: {  	_ = 	snop  }
0x2b7: {  	_ = 	snop  }
0x2b8: {  	_ = 	snop  }
0x2b9: {  	_ = 	snop  }
.LBB2_14:
0x2ba: {  	_ =	sdelay $0x2  }
0x2bb: {  	s2 =	simm.s32 $0x6600  }
0x2bc: {  	[tilespmem:s2], [sflag:$0x3] =	stream.indirect_vreg.gather [hbm4b:s1+s3], $0x80, v10, vm0, $0xb8;
	[tilespmem:$0x1E600] =	vst v63  }
0x2bd: {  	s9 =	simm.s32 $0x6E00  }
0x2be: {  	[tilespmem:s9], [sflag:$0x3] =	stream.indirect_vreg.gather [hbm4b:s1+s3], $0x80, v9, vm0, $0xb8;
	[tilespmem:$0x1E600] =	vst v63  }
0x2bf: {  	v9 =	vld [tilespmem:s0+$0x10];
	_ =	sdelay $0x4  }
0x2c0: {  	v10 =	vshll.u32 v9, $0x1  }
0x2c1: {  	v9 =	vand.u32 $0x7, v9;
	v10 =	vand.u32 $0xFFFFFFF0, v10  }
0x2c2: {  	v9 =	vor.u32 v9, v10  }
0x2c3: {  	v10 =	vperm.xlane v9, v4;
	_ =	sdelay $0x1  }
0x2c4: {  	v9 =	vperm.xlane v9, v6;
	v10 =	vadd.s32 v5, v10;
	_ =	sdelay $0x1  }
0x2c5: {  	v9 =	vadd.s32 v5, v9;
	_ =	sdelay $0x1  }
0x2c6: {  	s11 =	simm.s32 $0x7600  }
0x2c7: {  	[tilespmem:s11], [sflag:$0x3] =	stream.indirect_vreg.gather [hbm4b:s1+s3], $0x80, v10, vm0, $0xb8;
	[tilespmem:$0x1E600] =	vst v63  }
0x2c8: {  	s15 =	simm.s32 $0x7E00  }
0x2c9: {  	[tilespmem:s15], [sflag:$0x3] =	stream.indirect_vreg.gather [hbm4b:s1+s3], $0x80, v9, vm0, $0xb8;
	[tilespmem:$0x1E600] =	vst v63  }
0x2ca: {  	v9 =	vld [tilespmem:s0+$0x20];
	_ =	sdelay $0x4  }
0x2cb: {  	v10 =	vshll.u32 v9, $0x1  }
0x2cc: {  	v9 =	vand.u32 $0x7, v9;
	v10 =	vand.u32 $0xFFFFFFF0, v10  }
0x2cd: {  	v9 =	vor.u32 v9, v10  }
0x2ce: {  	v10 =	vperm.xlane v9, v4;
	_ =	sdelay $0x1  }
0x2cf: {  	v9 =	vperm.xlane v9, v6;
	v10 =	vadd.s32 v5, v10;
	_ =	sdelay $0x1  }
0x2d0: {  	v9 =	vadd.s32 v5, v9;
	_ =	sdelay $0x1  }
0x2d1: {  	s16 =	simm.s32 $0x8600  }
0x2d2: {  	[tilespmem:s16], [sflag:$0x3] =	stream.indirect_vreg.gather [hbm4b:s1+s3], $0x80, v10, vm0, $0xb8;
	[tilespmem:$0x1E600] =	vst v63  }
0x2d3: {  	s17 =	simm.s32 $0x8E00  }
0x2d4: {  	[tilespmem:s17], [sflag:$0x3] =	stream.indirect_vreg.gather [hbm4b:s1+s3], $0x80, v9, vm0, $0xb8;
	[tilespmem:$0x1E600] =	vst v63  }
0x2d5: {  	v9 =	vld [tilespmem:s0+$0x30];
	_ =	sdelay $0x4  }
0x2d6: {  	v10 =	vshll.u32 v9, $0x1  }
0x2d7: {  	v9 =	vand.u32 $0x7, v9;
	v10 =	vand.u32 $0xFFFFFFF0, v10  }
0x2d8: {  	v9 =	vor.u32 v9, v10  }
0x2d9: {  	v10 =	vperm.xlane v9, v4;
	_ =	sdelay $0x1  }
0x2da: {  	v9 =	vperm.xlane v9, v6;
	v10 =	vadd.s32 v5, v10;
	_ =	sdelay $0x1  }
0x2db: {  	v9 =	vadd.s32 v5, v9;
	_ =	sdelay $0x1  }
0x2dc: {  	s18 =	simm.s32 $0x9600  }
0x2dd: {  	[tilespmem:s18], [sflag:$0x3] =	stream.indirect_vreg.gather [hbm4b:s1+s3], $0x80, v10, vm0, $0xb8;
	[tilespmem:$0x1E600] =	vst v63  }
0x2de: {  	s19 =	simm.s32 $0x9E00  }
0x2df: {  	[tilespmem:s19], [sflag:$0x3] =	stream.indirect_vreg.gather [hbm4b:s1+s3], $0x80, v9, vm0, $0xb8;
	[tilespmem:$0x1E600] =	vst v63  }
0x2e0: {  	v9 =	vld [tilespmem:s0+$0x40];
	_ =	sdelay $0x4  }
0x2e1: {  	v10 =	vshll.u32 v9, $0x1  }
0x2e2: {  	v9 =	vand.u32 $0x7, v9;
	v10 =	vand.u32 $0xFFFFFFF0, v10  }
0x2e3: {  	v9 =	vor.u32 v9, v10  }
0x2e4: {  	v10 =	vperm.xlane v9, v4;
	_ =	sdelay $0x1  }
0x2e5: {  	v9 =	vperm.xlane v9, v6;
	v10 =	vadd.s32 v5, v10;
	_ =	sdelay $0x1  }
0x2e6: {  	v9 =	vadd.s32 v5, v9;
	_ =	sdelay $0x1  }
0x2e7: {  	s20 =	simm.s32 $0xA600  }
0x2e8: {  	[tilespmem:s20], [sflag:$0x3] =	stream.indirect_vreg.gather [hbm4b:s1+s3], $0x80, v10, vm0, $0xb8;
	[tilespmem:$0x1E600] =	vst v63  }
0x2e9: {  	s21 =	simm.s32 $0xAE00  }
0x2ea: {  	[tilespmem:s21], [sflag:$0x3] =	stream.indirect_vreg.gather [hbm4b:s1+s3], $0x80, v9, vm0, $0xb8;
	[tilespmem:$0x1E600] =	vst v63  }
0x2eb: {  	v9 =	vld [tilespmem:s0+$0x50];
	_ =	sdelay $0x4  }
0x2ec: {  	v10 =	vshll.u32 v9, $0x1  }
0x2ed: {  	v9 =	vand.u32 $0x7, v9;
	v10 =	vand.u32 $0xFFFFFFF0, v10  }
0x2ee: {  	v9 =	vor.u32 v9, v10  }
0x2ef: {  	v10 =	vperm.xlane v9, v4;
	_ =	sdelay $0x1  }
0x2f0: {  	v9 =	vperm.xlane v9, v6;
	v10 =	vadd.s32 v5, v10;
	_ =	sdelay $0x1  }
0x2f1: {  	v9 =	vadd.s32 v5, v9;
	_ =	sdelay $0x1  }
0x2f2: {  	s22 =	simm.s32 $0xB600  }
0x2f3: {  	[tilespmem:s22], [sflag:$0x3] =	stream.indirect_vreg.gather [hbm4b:s1+s3], $0x80, v10, vm0, $0xb8;
	[tilespmem:$0x1E600] =	vst v63  }
0x2f4: {  	s26 =	simm.s32 $0xBE00  }
0x2f5: {  	[tilespmem:s26], [sflag:$0x3] =	stream.indirect_vreg.gather [hbm4b:s1+s3], $0x80, v9, vm0, $0xb8;
	[tilespmem:$0x1E600] =	vst v63  }
0x2f6: {  	v9 =	vld [tilespmem:s0+$0x60];
	_ =	sdelay $0x4  }
0x2f7: {  	v10 =	vshll.u32 v9, $0x1  }
0x2f8: {  	v9 =	vand.u32 $0x7, v9;
	v10 =	vand.u32 $0xFFFFFFF0, v10  }
0x2f9: {  	v9 =	vor.u32 v9, v10  }
0x2fa: {  	v10 =	vperm.xlane v9, v4;
	_ =	sdelay $0x1  }
0x2fb: {  	v9 =	vperm.xlane v9, v6;
	v10 =	vadd.s32 v5, v10;
	_ =	sdelay $0x1  }
0x2fc: {  	v9 =	vadd.s32 v5, v9;
	_ =	sdelay $0x1  }
0x2fd: {  	s28 =	simm.s32 $0xC600  }
0x2fe: {  	[tilespmem:s28], [sflag:$0x3] =	stream.indirect_vreg.gather [hbm4b:s1+s3], $0x80, v10, vm0, $0xb8;
	[tilespmem:$0x1E600] =	vst v63  }
0x2ff: {  	s29 =	simm.s32 $0xCE00  }
0x300: {  	[tilespmem:s29], [sflag:$0x3] =	stream.indirect_vreg.gather [hbm4b:s1+s3], $0x80, v9, vm0, $0xb8;
	[tilespmem:$0x1E600] =	vst v63  }
0x301: {  	v9 =	vld [tilespmem:s0+$0x70];
	_ =	sdelay $0x4  }
0x302: {  	v10 =	vshll.u32 v9, $0x1  }
0x303: {  	v9 =	vand.u32 $0x7, v9;
	v10 =	vand.u32 $0xFFFFFFF0, v10  }
0x304: {  	v9 =	vor.u32 v9, v10  }
0x305: {  	v10 =	vperm.xlane v9, v4;
	_ =	sdelay $0x1  }
0x306: {  	v9 =	vperm.xlane v9, v6;
	v10 =	vadd.s32 v5, v10;
	_ =	sdelay $0x1  }
0x307: {  	v9 =	vadd.s32 v5, v9;
	_ =	sdelay $0x1  }
0x308: {  	s30 =	simm.s32 $0xD600  }
0x309: {  	[tilespmem:s30], [sflag:$0x3] =	stream.indirect_vreg.gather [hbm4b:s1+s3], $0x80, v10, vm0, $0xb8;
	[tilespmem:$0x1E600] =	vst v63  }
0x30a: {  	s31 =	simm.s32 $0xDE00  }
0x30b: {  	[tilespmem:s31], [sflag:$0x3] =	stream.indirect_vreg.gather [hbm4b:s1+s3], $0x80, v9, vm0, $0xb8;
	[tilespmem:$0x1E600] =	vst v63  }
.LBB2_17:
0x30c: {  	p1 =	seq.s32 s4, $0x0  }
.Ltmp12:
0x30d: {  	_ = 	snop;
	(pc) =	sbr.rel @p1 .LBB2_19-.Ltmp12, $4  }
0x30e: {  	s0 =	simm.s32 $0x3  }
0x30f: {  	_ =	swait.ge [sflag:s0], $0x8000  }
0x310: {  	[sflag:s0] =	ssyncset.done $0x0  }
0x311: {  	[sflag:s0] =	ssyncadd.s32 $0xFFFF8000  }
.LBB2_18:
0x312: {  	s0 =	simm.s32 $0x4  }
0x313: {  	_ =	swait.ge [sflag:s0], $0x8000  }
0x314: {  	[sflag:s0] =	ssyncset.done $0x0  }
0x315: {  	[sflag:s0] =	ssyncadd.s32 $0xFFFF8000  }
.LBB2_19:
0x316: {  	s0 =	sadd.s32 $0xFFFFFFFE, s12  }
0x317: {  	s5 =	sadd.s32 $0x2, s0  }
0x318: {  	v9 =	vmov s5  }
0x319: {  	s0 =	sadd.s32 $0x3, s0;
	v9 =	vand.u32 $0xFFFFFFFE, v9  }
0x31a: {  	v10 =	vmov s0;
	v9 =	vbroadcast v9, $0x0;
	_ =	sdelay $0x1  }
0x31b: {  	s17 =	sshll.u32 s4, $0xF  }
0x31c: {  	s0 =	sor.u32 $0x6600, s17  }
0x31d: {  	[dreg:$0x5] =	wrdreg s0  }
0x31e: {  	v11 =	vld.idx.msk [tilespmem:v10+s23+$0x0], $0xffff  }
0x31f: {  	v12 =	vld.idx.msk [tilespmem:v9+s23+$0x0], $0xffff;
	_ =	sdelay $0x3  }
0x320: {  	(v2sf) =	vpush v11, $0x0  }
0x321: {  	(v2sf) =	vpush v12, $0x0;
	_ =	sdelay $0x7  }
0x322: {  	s18 =	simm.s32 $0x0  }
0x323: {  	s19 =	simm.s32 $0x0;
	s4 =	sand.u32 $0x7800, s18;
	s0 =	rddreg [dreg:$0x5]  }
0x324: {  	s5 =	sand.u32 $0x300, s19;
	s0 =	sadd.s32 s4, s0  }
0x325: {  	s6 =	sadd.s32 s5, s0;
	v11 =	vld.idx.msk [tilespmem:v9+s25+$0x0], $0xffff  }
0x326: {  	v9 =	vld [tilespmem:s6+$0x0];
	_ =	sdelay $0x1  }
0x327: {  	s20 =	spop (v2sf)  }
0x328: {  	s21 =	spop (v2sf)  }
0x329: {  	s7 =	sshll.u32 s21, $0x8;
	s5 =	sshll.u32 s21, $0x7  }
0x32a: {  	v9 =	vmul.f32 v9, v11;
	s7 =	sand.u32 $0xFFFFF800, s7;
	s5 =	sand.u32 $0x380, s5  }
0x32b: {  	s5 =	sor.u32 s5, s7  }
0x32c: {  	s22 =	simm.s32 $0x80;
	[tilespmem:s5+$0x16600] =	vst.add.f32.msk $0xffff, v9  }
0x32d: {  	s7 =	sand.u32 $0x380, s22;
	v9 =	vld [tilespmem:s6+$0x10]  }
0x32e: {  	v12 =	vld.idx.msk [tilespmem:v10+s25+$0x0], $0xffff;
	s22 =	sadd.s32 s7, s0  }
0x32f: {  	v10 =	vld [tilespmem:s22+$0x0];
	_ =	sdelay $0x2  }
0x330: {  	s18 =	sadd.s32 $0x16600, s5;
	v9 =	vmul.f32 v9, v11  }
0x331: {  	s2 =	sshll.u32 s20, $0x8;
	s4 =	sshll.u32 s20, $0x7;
	s26 =	sor.u32 $0x10, s18  }
0x332: {  	s4 =	sand.u32 $0x380, s4;
	s0 =	sand.u32 $0xFFFFF800, s2;
	v10 =	vmul.f32 v10, v12;
	[tilespmem:s26+$0x0] =	vst.add.f32.msk $0xffff, v9  }
0x333: {  	s0 =	sor.u32 s4, s0;
	v9 =	vld [tilespmem:s6+$0x20]  }
0x334: {  	[tilespmem:s0+$0x16600] =	vst.add.f32.msk $0xffff, v10  }
0x335: {  	v10 =	vld [tilespmem:s22+$0x10];
	_ =	sdelay $0x2  }
0x336: {  	v9 =	vmul.f32 v9, v11  }
0x337: {  	s5 =	sor.u32 $0x20, s18  }
0x338: {  	s15 =	sadd.s32 $0x16600, s0;
	v10 =	vmul.f32 v10, v12;
	[tilespmem:s5+$0x0] =	vst.add.f32.msk $0xffff, v9  }
0x339: {  	s0 =	sor.u32 $0x10, s15;
	v9 =	vld [tilespmem:s6+$0x30]  }
0x33a: {  	[tilespmem:s0+$0x0] =	vst.add.f32.msk $0xffff, v10  }
0x33b: {  	v10 =	vld [tilespmem:s22+$0x20];
	_ =	sdelay $0x2  }
0x33c: {  	v9 =	vmul.f32 v9, v11  }
0x33d: {  	s7 =	sor.u32 $0x30, s18  }
0x33e: {  	v10 =	vmul.f32 v10, v12;
	[tilespmem:s7+$0x0] =	vst.add.f32.msk $0xffff, v9  }
0x33f: {  	s8 =	sor.u32 $0x20, s15;
	v9 =	vld [tilespmem:s6+$0x40]  }
0x340: {  	[tilespmem:s8+$0x0] =	vst.add.f32.msk $0xffff, v10  }
0x341: {  	v10 =	vld [tilespmem:s22+$0x30];
	_ =	sdelay $0x2  }
0x342: {  	v9 =	vmul.f32 v9, v11  }
0x343: {  	s9 =	sor.u32 $0x40, s18  }
0x344: {  	s11 =	sadd.s32 $0x0, s12;
	v10 =	vmul.f32 v10, v12;
	[tilespmem:s9+$0x0] =	vst.add.f32.msk $0xffff, v9  }
0x345: {  	s16 =	sadd.s32 $0x2, s11;
	s17 =	sor.u32 $0x30, s15;
	s0 =	sadd.s32 $0x3, s11;
	v9 =	vld [tilespmem:s6+$0x50]  }
0x346: {  	v13 =	vmov s16;
	[tilespmem:s17+$0x0] =	vst.add.f32.msk $0xffff, v10;
	v10 =	vmov s0  }
0x347: {  	v13 =	vand.u32 $0xFFFFFFFE, v13  }
0x348: {  	v13 =	vbroadcast v13, $0x0  }
0x349: {  	v14 =	vld [tilespmem:s22+$0x40]  }
0x34a: {  	v9 =	vmul.f32 v9, v11  }
0x34b: {  	s19 =	sor.u32 $0x50, s18;
	v15 =	vld.idx.msk [tilespmem:v10+s23+$0x0], $0xffff  }
0x34c: {  	[tilespmem:s19+$0x0] =	vst.add.f32.msk $0xffff, v9  }
0x34d: {  	v9 =	vld [tilespmem:s6+$0x60]  }
0x34e: {  	v16 =	vld.idx.msk [tilespmem:v13+s23+$0x0], $0xffff;
	v14 =	vmul.f32 v14, v12  }
0x34f: {  	s20 =	sor.u32 $0x40, s15  }
0x350: {  	[tilespmem:s20+$0x0] =	vst.add.f32.msk $0xffff, v14  }
0x351: {  	v14 =	vld [tilespmem:s22+$0x50]  }
0x352: {  	(v2sf) =	vpush v15, $0x0;
	v9 =	vmul.f32 v9, v11  }
0x353: {  	s21 =	sor.u32 $0x60, s18;
	(v2sf) =	vpush v16, $0x0  }
0x354: {  	[tilespmem:s21+$0x0] =	vst.add.f32.msk $0xffff, v9  }
0x355: {  	v9 =	vld [tilespmem:s6+$0x70]  }
0x356: {  	v14 =	vmul.f32 v14, v12  }
0x357: {  	s26 =	sor.u32 $0x50, s15  }
0x358: {  	[tilespmem:s26+$0x0] =	vst.add.f32.msk $0xffff, v14  }
0x359: {  	v14 =	vld [tilespmem:s22+$0x60]  }
0x35a: {  	v9 =	vmul.f32 v9, v11  }
0x35b: {  	s7 =	sor.u32 $0x70, s18;
	s8 =	simm.s32 $0x200  }
0x35c: {  	s2 =	rddreg [dreg:$0x5];
	s11 =	simm.s32 $0x100;
	s9 =	sand.u32 $0x7800, s8;
	[tilespmem:s7+$0x0] =	vst.add.f32.msk $0xffff, v9  }
0x35d: {  	s5 =	sand.u32 $0x300, s11;
	s0 =	sadd.s32 s9, s2;
	v15 =	vld [tilespmem:s6+$0x400]  }
0x35e: {  	s4 =	sadd.s32 s5, s0;
	v9 =	vmul.f32 v14, v12;
	v14 =	vld.idx.msk [tilespmem:v13+s25+$0x0], $0xffff  }
0x35f: {  	s16 =	sor.u32 $0x60, s15;
	v13 =	vld [tilespmem:s4+$0x0]  }
0x360: {  	s17 =	simm.s32 $0x180;
	[tilespmem:s16+$0x0] =	vst.add.f32.msk $0xffff, v9  }
0x361: {  	s19 =	sand.u32 $0x380, s17;
	s20 =	spop (v2sf);
	v16 =	vld [tilespmem:s22+$0x70]  }
0x362: {  	v9 =	vld.idx.msk [tilespmem:v10+s25+$0x0], $0xffff;
	s16 =	sadd.s32 s19, s0;
	s21 =	spop (v2sf);
	v10 =	vmul.f32 v15, v11  }
0x363: {  	s26 =	sshll.u32 s21, $0x8;
	s0 =	sshll.u32 s21, $0x7;
	v15 =	vld [tilespmem:s16+$0x0]  }
0x364: {  	s5 =	sand.u32 $0xFFFFF800, s26;
	s0 =	sand.u32 $0x380, s0;
	[tilespmem:s18+$0x400] =	vst.add.f32.msk $0xffff, v10;
	v10 =	vmul.f32 v13, v14  }
0x365: {  	s0 =	sor.u32 s0, s5;
	v13 =	vld [tilespmem:s6+$0x410]  }
0x366: {  	v16 =	vmul.f32 v16, v12;
	[tilespmem:s0+$0x16600] =	vst.add.f32.msk $0xffff, v10  }
0x367: {  	s2 =	sor.u32 $0x70, s15;
	s9 =	sshll.u32 s20, $0x8;
	s7 =	sshll.u32 s20, $0x7;
	v10 =	vld [tilespmem:s4+$0x10]  }
0x368: {  	s9 =	sand.u32 $0xFFFFF800, s9;
	s7 =	sand.u32 $0x380, s7;
	[tilespmem:s2+$0x0] =	vst.add.f32.msk $0xffff, v16;
	v15 =	vmul.f32 v15, v9  }
0x369: {  	s7 =	sor.u32 s7, s9;
	v16 =	vld [tilespmem:s22+$0x400]  }
0x36a: {  	[tilespmem:s7+$0x16600] =	vst.add.f32.msk $0xffff, v15;
	v13 =	vmul.f32 v13, v11  }
0x36b: {  	v15 =	vld [tilespmem:s16+$0x10]  }
0x36c: {  	s5 =	sadd.s32 $0x16600, s0;
	[tilespmem:s18+$0x410] =	vst.add.f32.msk $0xffff, v13;
	v10 =	vmul.f32 v10, v14  }
0x36d: {  	s0 =	sor.u32 $0x10, s5;
	v13 =	vld [tilespmem:s6+$0x420]  }
0x36e: {  	v16 =	vmul.f32 v16, v12;
	[tilespmem:s0+$0x0] =	vst.add.f32.msk $0xffff, v10  }
0x36f: {  	v10 =	vld [tilespmem:s4+$0x20]  }
0x370: {  	s17 =	sadd.s32 $0x16600, s7;
	[tilespmem:s15+$0x400] =	vst.add.f32.msk $0xffff, v16;
	v15 =	vmul.f32 v15, v9  }
0x371: {  	s8 =	sor.u32 $0x10, s17;
	v16 =	vld [tilespmem:s22+$0x410]  }
0x372: {  	[tilespmem:s8+$0x0] =	vst.add.f32.msk $0xffff, v15;
	v13 =	vmul.f32 v13, v11  }
0x373: {  	v15 =	vld [tilespmem:s16+$0x20]  }
0x374: {  	[tilespmem:s18+$0x420] =	vst.add.f32.msk $0xffff, v13;
	v10 =	vmul.f32 v10, v14  }
0x375: {  	s9 =	sor.u32 $0x20, s5;
	v13 =	vld [tilespmem:s6+$0x430]  }
0x376: {  	v16 =	vmul.f32 v16, v12;
	[tilespmem:s9+$0x0] =	vst.add.f32.msk $0xffff, v10  }
0x377: {  	v10 =	vld [tilespmem:s4+$0x30]  }
0x378: {  	[tilespmem:s15+$0x410] =	vst.add.f32.msk $0xffff, v16;
	v15 =	vmul.f32 v15, v9  }
0x379: {  	s11 =	sor.u32 $0x20, s17;
	v16 =	vld [tilespmem:s22+$0x420]  }
0x37a: {  	[tilespmem:s11+$0x0] =	vst.add.f32.msk $0xffff, v15;
	v13 =	vmul.f32 v13, v11  }
0x37b: {  	v15 =	vld [tilespmem:s16+$0x30]  }
0x37c: {  	[tilespmem:s18+$0x430] =	vst.add.f32.msk $0xffff, v13;
	v10 =	vmul.f32 v10, v14  }
0x37d: {  	s19 =	sor.u32 $0x30, s5;
	v13 =	vld [tilespmem:s6+$0x440]  }
0x37e: {  	v16 =	vmul.f32 v16, v12;
	[tilespmem:s19+$0x0] =	vst.add.f32.msk $0xffff, v10  }
0x37f: {  	v10 =	vld [tilespmem:s4+$0x40]  }
0x380: {  	[tilespmem:s15+$0x420] =	vst.add.f32.msk $0xffff, v16;
	v15 =	vmul.f32 v15, v9  }
0x381: {  	s20 =	sor.u32 $0x30, s17;
	v16 =	vld [tilespmem:s22+$0x430]  }
0x382: {  	[tilespmem:s20+$0x0] =	vst.add.f32.msk $0xffff, v15;
	v13 =	vmul.f32 v13, v11  }
0x383: {  	v15 =	vld [tilespmem:s16+$0x40]  }
0x384: {  	[tilespmem:s18+$0x440] =	vst.add.f32.msk $0xffff, v13;
	v10 =	vmul.f32 v10, v14  }
0x385: {  	s21 =	sor.u32 $0x40, s5;
	v13 =	vld [tilespmem:s6+$0x450]  }
0x386: {  	v16 =	vmul.f32 v16, v12;
	[tilespmem:s21+$0x0] =	vst.add.f32.msk $0xffff, v10  }
0x387: {  	v10 =	vld [tilespmem:s4+$0x50]  }
0x388: {  	s26 =	sadd.s32 $0x2, s12;
	[tilespmem:s15+$0x430] =	vst.add.f32.msk $0xffff, v16;
	v15 =	vmul.f32 v15, v9  }
0x389: {  	s2 =	sadd.s32 $0x2, s26;
	s7 =	sor.u32 $0x40, s17;
	v16 =	vld [tilespmem:s22+$0x440]  }
0x38a: {  	[tilespmem:s7+$0x0] =	vst.add.f32.msk $0xffff, v15;
	v15 =	vmov s2;
	v13 =	vmul.f32 v13, v11  }
0x38b: {  	s0 =	sadd.s32 $0x3, s26;
	v17 =	vld [tilespmem:s16+$0x50];
	v15 =	vand.u32 $0xFFFFFFFE, v15  }
0x38c: {  	v18 =	vmov s0;
	[tilespmem:s18+$0x450] =	vst.add.f32.msk $0xffff, v13;
	v13 =	vbroadcast v15, $0x0;
	v10 =	vmul.f32 v10, v14  }
0x38d: {  	s7 =	sor.u32 $0x50, s5;
	v15 =	vld [tilespmem:s6+$0x460]  }
0x38e: {  	v16 =	vmul.f32 v16, v12;
	[tilespmem:s7+$0x0] =	vst.add.f32.msk $0xffff, v10  }
0x38f: {  	v10 =	vld [tilespmem:s4+$0x60]  }
0x390: {  	[tilespmem:s15+$0x440] =	vst.add.f32.msk $0xffff, v16  }
0x391: {  	v16 =	vld.idx.msk [tilespmem:v18+s23+$0x0], $0xffff  }
0x392: {  	v15 =	vmul.f32 v15, v11;
	v19 =	vld.idx.msk [tilespmem:v13+s23+$0x0], $0xffff  }
0x393: {  	v20 =	vld [tilespmem:s22+$0x450]  }
0x394: {  	[tilespmem:s18+$0x460] =	vst.add.f32.msk $0xffff, v15;
	v10 =	vmul.f32 v10, v14  }
0x395: {  	s8 =	sor.u32 $0x60, s5;
	v15 =	vld [tilespmem:s6+$0x470]  }
0x396: {  	v17 =	vmul.f32 v17, v9;
	(v2sf) =	vpush v16, $0x0;
	[tilespmem:s8+$0x0] =	vst.add.f32.msk $0xffff, v10  }
0x397: {  	s9 =	sor.u32 $0x50, s17;
	(v2sf) =	vpush v19, $0x0;
	v16 =	vld [tilespmem:s4+$0x70]  }
0x398: {  	[tilespmem:s9+$0x0] =	vst.add.f32.msk $0xffff, v17  }
0x399: {  	v17 =	vld [tilespmem:s16+$0x60]  }
0x39a: {  	v19 =	vmul.f32 v20, v12  }
0x39b: {  	v10 =	vld.idx.msk [tilespmem:v18+s25+$0x0], $0xffff;
	v11 =	vmul.f32 v15, v11  }
0x39c: {  	[tilespmem:s15+$0x450] =	vst.add.f32.msk $0xffff, v19;
	v15 =	vmul.f32 v16, v14  }
0x39d: {  	s11 =	sor.u32 $0x70, s5;
	[tilespmem:s18+$0x470] =	vst.add.f32.msk $0xffff, v11  }
0x39e: {  	v11 =	vmul.f32 v17, v9;
	[tilespmem:s11+$0x0] =	vst.add.f32.msk $0xffff, v15  }
0x39f: {  	s19 =	sor.u32 $0x60, s17;
	s20 =	simm.s32 $0x400;
	v15 =	vld [tilespmem:s4+$0x400]  }
0x3a0: {  	s21 =	simm.s32 $0x200;
	s7 =	sand.u32 $0x7800, s20;
	s18 =	rddreg [dreg:$0x5];
	[tilespmem:s19+$0x0] =	vst.add.f32.msk $0xffff, v11  }
0x3a1: {  	s26 =	sand.u32 $0x300, s21;
	s6 =	sadd.s32 s7, s18;
	v16 =	vld [tilespmem:s16+$0x70]  }
0x3a2: {  	s2 =	simm.s32 $0x280;
	v11 =	vld.idx.msk [tilespmem:v13+s25+$0x0], $0xffff;
	s19 =	sadd.s32 s26, s6  }
0x3a3: {  	s7 =	sand.u32 $0x380, s2;
	v13 =	vld [tilespmem:s19+$0x0]  }
0x3a4: {  	v17 =	vld [tilespmem:s22+$0x460];
	s18 =	sadd.s32 s7, s6;
	v15 =	vmul.f32 v15, v14  }
0x3a5: {  	v18 =	vld [tilespmem:s18+$0x0];
	s8 =	spop (v2sf)  }
0x3a6: {  	s11 =	spop (v2sf);
	[tilespmem:s5+$0x400] =	vst.add.f32.msk $0xffff, v15;
	v15 =	vmul.f32 v16, v9  }
0x3a7: {  	s20 =	sor.u32 $0x70, s17;
	s21 =	sshll.u32 s11, $0x8;
	s6 =	sshll.u32 s11, $0x7;
	v16 =	vld [tilespmem:s4+$0x410]  }
0x3a8: {  	v13 =	vmul.f32 v13, v11;
	s9 =	sand.u32 $0xFFFFF800, s21;
	s6 =	sand.u32 $0x380, s6;
	[tilespmem:s20+$0x0] =	vst.add.f32.msk $0xffff, v15  }
0x3a9: {  	s26 =	sshll.u32 s8, $0x8;
	s0 =	sshll.u32 s8, $0x7;
	s6 =	sor.u32 s6, s9;
	v15 =	vld [tilespmem:s16+$0x400]  }
0x3aa: {  	s7 =	sand.u32 $0xFFFFF800, s26;
	s0 =	sand.u32 $0x380, s0;
	v18 =	vmul.f32 v18, v10;
	[tilespmem:s6+$0x16600] =	vst.add.f32.msk $0xffff, v13  }
0x3ab: {  	s0 =	sor.u32 s0, s7;
	v13 =	vld [tilespmem:s19+$0x10]  }
0x3ac: {  	[tilespmem:s0+$0x16600] =	vst.add.f32.msk $0xffff, v18;
	v16 =	vmul.f32 v16, v14  }
0x3ad: {  	v18 =	vld [tilespmem:s18+$0x10]  }
0x3ae: {  	[tilespmem:s5+$0x410] =	vst.add.f32.msk $0xffff, v16;
	v15 =	vmul.f32 v15, v9  }
0x3af: {  	v16 =	vld [tilespmem:s4+$0x420]  }
0x3b0: {  	s21 =	sadd.s32 $0x16600, s6;
	v13 =	vmul.f32 v13, v11;
	[tilespmem:s17+$0x400] =	vst.add.f32.msk $0xffff, v15  }
0x3b1: {  	s6 =	sor.u32 $0x10, s21;
	v15 =	vld [tilespmem:s16+$0x410]  }
0x3b2: {  	s20 =	sadd.s32 $0x16600, s0;
	[tilespmem:s6+$0x0] =	vst.add.f32.msk $0xffff, v13;
	v13 =	vmul.f32 v18, v10  }
0x3b3: {  	s0 =	sor.u32 $0x10, s20;
	v18 =	vld [tilespmem:s19+$0x20]  }
0x3b4: {  	[tilespmem:s0+$0x0] =	vst.add.f32.msk $0xffff, v13;
	v13 =	vmul.f32 v16, v14  }
0x3b5: {  	v16 =	vld [tilespmem:s18+$0x20]  }
0x3b6: {  	[tilespmem:s5+$0x420] =	vst.add.f32.msk $0xffff, v13;
	v13 =	vmul.f32 v15, v9  }
0x3b7: {  	v15 =	vld [tilespmem:s4+$0x430]  }
0x3b8: {  	v18 =	vmul.f32 v18, v11;
	[tilespmem:s17+$0x410] =	vst.add.f32.msk $0xffff, v13  }
0x3b9: {  	s2 =	sor.u32 $0x20, s21;
	v13 =	vld [tilespmem:s16+$0x420]  }
0x3ba: {  	[tilespmem:s2+$0x0] =	vst.add.f32.msk $0xffff, v18;
	v16 =	vmul.f32 v16, v10  }
0x3bb: {  	s6 =	sor.u32 $0x20, s20;
	v18 =	vld [tilespmem:s19+$0x30]  }
0x3bc: {  	[tilespmem:s6+$0x0] =	vst.add.f32.msk $0xffff, v16;
	v15 =	vmul.f32 v15, v14  }
0x3bd: {  	v16 =	vld [tilespmem:s18+$0x30]  }
0x3be: {  	[tilespmem:s5+$0x430] =	vst.add.f32.msk $0xffff, v15;
	v13 =	vmul.f32 v13, v9  }
0x3bf: {  	v15 =	vld [tilespmem:s4+$0x440]  }
0x3c0: {  	v18 =	vmul.f32 v18, v11;
	[tilespmem:s17+$0x420] =	vst.add.f32.msk $0xffff, v13  }
0x3c1: {  	s7 =	sor.u32 $0x30, s21;
	v13 =	vld [tilespmem:s16+$0x430]  }
0x3c2: {  	[tilespmem:s7+$0x0] =	vst.add.f32.msk $0xffff, v18;
	v16 =	vmul.f32 v16, v10  }
0x3c3: {  	s8 =	sor.u32 $0x30, s20;
	v18 =	vld [tilespmem:s19+$0x40]  }
0x3c4: {  	[tilespmem:s8+$0x0] =	vst.add.f32.msk $0xffff, v16;
	v15 =	vmul.f32 v15, v14  }
0x3c5: {  	v16 =	vld [tilespmem:s18+$0x40]  }
0x3c6: {  	[tilespmem:s5+$0x440] =	vst.add.f32.msk $0xffff, v15;
	v13 =	vmul.f32 v13, v9  }
0x3c7: {  	v15 =	vld [tilespmem:s4+$0x450]  }
0x3c8: {  	v18 =	vmul.f32 v18, v11;
	[tilespmem:s17+$0x430] =	vst.add.f32.msk $0xffff, v13  }
0x3c9: {  	s9 =	sor.u32 $0x40, s21;
	v13 =	vld [tilespmem:s16+$0x440]  }
0x3ca: {  	v17 =	vmul.f32 v17, v12;
	[tilespmem:s9+$0x0] =	vst.add.f32.msk $0xffff, v18  }
0x3cb: {  	v16 =	vmul.f32 v16, v10;
	v18 =	vld [tilespmem:s19+$0x50]  }
0x3cc: {  	[tilespmem:s15+$0x460] =	vst.add.f32.msk $0xffff, v17;
	s26 =	sadd.s32 $0x4, s12;
	s11 =	sor.u32 $0x40, s20  }
0x3cd: {  	s2 =	sadd.s32 $0x2, s26;
	[tilespmem:s11+$0x0] =	vst.add.f32.msk $0xffff, v16;
	v15 =	vmul.f32 v15, v14  }
0x3ce: {  	v16 =	vmov s2;
	v17 =	vld [tilespmem:s18+$0x50]  }
0x3cf: {  	s6 =	sadd.s32 $0x3, s26;
	v16 =	vand.u32 $0xFFFFFFFE, v16;
	[tilespmem:s5+$0x450] =	vst.add.f32.msk $0xffff, v15;
	v13 =	vmul.f32 v13, v9  }
0x3d0: {  	v15 =	vmov s6;
	v16 =	vbroadcast v16, $0x0;
	v19 =	vld [tilespmem:s4+$0x460];
	v18 =	vmul.f32 v18, v11  }
0x3d1: {  	s7 =	sor.u32 $0x50, s21;
	[tilespmem:s17+$0x440] =	vst.add.f32.msk $0xffff, v13  }
0x3d2: {  	[tilespmem:s7+$0x0] =	vst.add.f32.msk $0xffff, v18  }
0x3d3: {  	v13 =	vld [tilespmem:s19+$0x60]  }
0x3d4: {  	v18 =	vld [tilespmem:s16+$0x450]  }
0x3d5: {  	v62 =	vld.idx.msk [tilespmem:v15+s23+$0x0], $0xffff;
	v19 =	vmul.f32 v19, v14  }
0x3d6: {  	v21 =	vld.idx.msk [tilespmem:v16+s23+$0x0], $0xffff  }
0x3d7: {  	[tilespmem:s5+$0x460] =	vst.add.f32.msk $0xffff, v19  }
0x3d8: {  	v19 =	vld [tilespmem:s4+$0x470];
	v22 =	vmul.f32 v13, v11  }
0x3d9: {  	s8 =	sor.u32 $0x60, s21;
	v13 =	vld.idx.msk [tilespmem:v15+s25+$0x0], $0xffff;
	v15 =	vmul.f32 v17, v10  }
0x3da: {  	s9 =	sor.u32 $0x50, s20;
	[tilespmem:s8+$0x0] =	vst.add.f32.msk $0xffff, v22  }
0x3db: {  	[tilespmem:s9+$0x0] =	vst.add.f32.msk $0xffff, v15  }
0x3dc: {  	v17 =	vld [tilespmem:s19+$0x70]  }
0x3dd: {  	v18 =	vmul.f32 v18, v9;
	(v2sf) =	vpush v62, $0x0;
	v15 =	vld [tilespmem:s18+$0x60]  }
0x3de: {  	(v2sf) =	vpush v21, $0x0  }
0x3df: {  	[tilespmem:s17+$0x450] =	vst.add.f32.msk $0xffff, v18;
	v14 =	vmul.f32 v19, v14  }
0x3e0: {  	v18 =	vld [tilespmem:s16+$0x460]  }
0x3e1: {  	[tilespmem:s5+$0x470] =	vst.add.f32.msk $0xffff, v14;
	v14 =	vmul.f32 v17, v11  }
0x3e2: {  	s11 =	sor.u32 $0x70, s21;
	v17 =	vld [tilespmem:s22+$0x470];
	v15 =	vmul.f32 v15, v10  }
0x3e3: {  	s26 =	sor.u32 $0x60, s20;
	[tilespmem:s11+$0x0] =	vst.add.f32.msk $0xffff, v14  }
0x3e4: {  	[tilespmem:s26+$0x0] =	vst.add.f32.msk $0xffff, v15  }
0x3e5: {  	s5 =	simm.s32 $0x600;
	v19 =	vld [tilespmem:s19+$0x400]  }
0x3e6: {  	s6 =	simm.s32 $0x380;
	s2 =	sand.u32 $0x7800, s5;
	s22 =	rddreg [dreg:$0x5];
	v15 =	vld [tilespmem:s18+$0x70]  }
0x3e7: {  	s8 =	simm.s32 $0x300;
	s7 =	sadd.s32 s2, s22;
	s22 =	sand.u32 $0x380, s6  }
0x3e8: {  	s11 =	sand.u32 $0x300, s8;
	v14 =	vld.idx.msk [tilespmem:v16+s25+$0x0], $0xffff;
	s22 =	sadd.s32 s22, s7  }
0x3e9: {  	v16 =	vmul.f32 v18, v9;
	s4 =	sadd.s32 s11, s7;
	v63 =	vld [tilespmem:s22+$0x0]  }
0x3ea: {  	v18 =	vld [tilespmem:s4+$0x0];
	v19 =	vmul.f32 v19, v11  }
0x3eb: {  	[tilespmem:s17+$0x460] =	vst.add.f32.msk $0xffff, v16;
	v15 =	vmul.f32 v15, v10  }
0x3ec: {  	s2 =	sor.u32 $0x70, s20;
	s0 =	spop (v2sf);
	[tilespmem:s21+$0x400] =	vst.add.f32.msk $0xffff, v19  }
0x3ed: {  	s26 =	spop (v2sf);
	[tilespmem:s2+$0x0] =	vst.add.f32.msk $0xffff, v15  }
0x3ee: {  	s8 =	sshll.u32 s0, $0x8;
	s11 =	sshll.u32 s26, $0x8;
	s7 =	sshll.u32 s26, $0x7;
	v16 =	vld [tilespmem:s19+$0x410]  }
0x3ef: {  	s0 =	sshll.u32 s0, $0x7;
	v18 =	vmul.f32 v18, v14;
	s11 =	sand.u32 $0xFFFFF800, s11;
	s7 =	sand.u32 $0x380, s7;
	v15 =	vld [tilespmem:s18+$0x400]  }
0x3f0: {  	s9 =	sand.u32 $0xFFFFF800, s8;
	s0 =	sand.u32 $0x380, s0;
	v19 =	vmul.f32 v63, v13;
	s7 =	sor.u32 s7, s11  }
0x3f1: {  	s0 =	sor.u32 s0, s9;
	[tilespmem:s7+$0x16600] =	vst.add.f32.msk $0xffff, v18  }
0x3f2: {  	[tilespmem:s0+$0x16600] =	vst.add.f32.msk $0xffff, v19  }
0x3f3: {  	v18 =	vld [tilespmem:s4+$0x10];
	v16 =	vmul.f32 v16, v11  }
0x3f4: {  	v19 =	vld [tilespmem:s22+$0x10];
	v15 =	vmul.f32 v15, v10  }
0x3f5: {  	[tilespmem:s21+$0x410] =	vst.add.f32.msk $0xffff, v16  }
0x3f6: {  	[tilespmem:s20+$0x400] =	vst.add.f32.msk $0xffff, v15  }
0x3f7: {  	v16 =	vld [tilespmem:s19+$0x420]  }
0x3f8: {  	s28 =	sadd.s32 $0x16600, s7;
	v18 =	vmul.f32 v18, v14;
	v15 =	vld [tilespmem:s18+$0x410]  }
0x3f9: {  	s7 =	sor.u32 $0x10, s28  }
0x3fa: {  	s26 =	sadd.s32 $0x16600, s0;
	[tilespmem:s7+$0x0] =	vst.add.f32.msk $0xffff, v18;
	v18 =	vmul.f32 v19, v13  }
0x3fb: {  	s0 =	sor.u32 $0x10, s26;
	v19 =	vld [tilespmem:s4+$0x20]  }
0x3fc: {  	[tilespmem:s0+$0x0] =	vst.add.f32.msk $0xffff, v18;
	v16 =	vmul.f32 v16, v11  }
0x3fd: {  	v18 =	vld [tilespmem:s22+$0x20];
	v15 =	vmul.f32 v15, v10  }
0x3fe: {  	[tilespmem:s21+$0x420] =	vst.add.f32.msk $0xffff, v16  }
0x3ff: {  	[tilespmem:s20+$0x410] =	vst.add.f32.msk $0xffff, v15  }
0x400: {  	v16 =	vld [tilespmem:s19+$0x430]  }
0x401: {  	v19 =	vmul.f32 v19, v14;
	v15 =	vld [tilespmem:s18+$0x420]  }
0x402: {  	s11 =	sor.u32 $0x20, s28  }
0x403: {  	[tilespmem:s11+$0x0] =	vst.add.f32.msk $0xffff, v19;
	v18 =	vmul.f32 v18, v13  }
0x404: {  	s2 =	sor.u32 $0x20, s26;
	v19 =	vld [tilespmem:s4+$0x30]  }
0x405: {  	[tilespmem:s2+$0x0] =	vst.add.f32.msk $0xffff, v18;
	v16 =	vmul.f32 v16, v11  }
0x406: {  	v18 =	vld [tilespmem:s22+$0x30];
	v15 =	vmul.f32 v15, v10  }
0x407: {  	[tilespmem:s21+$0x430] =	vst.add.f32.msk $0xffff, v16  }
0x408: {  	[tilespmem:s20+$0x420] =	vst.add.f32.msk $0xffff, v15  }
0x409: {  	v19 =	vmul.f32 v19, v14;
	v16 =	vld [tilespmem:s19+$0x440]  }
0x40a: {  	s7 =	sor.u32 $0x30, s28;
	v15 =	vld [tilespmem:s18+$0x430]  }
0x40b: {  	[tilespmem:s7+$0x0] =	vst.add.f32.msk $0xffff, v19  }
0x40c: {  	v18 =	vmul.f32 v18, v13;
	v19 =	vld [tilespmem:s4+$0x40]  }
0x40d: {  	s8 =	sor.u32 $0x30, s26  }
0x40e: {  	[tilespmem:s8+$0x0] =	vst.add.f32.msk $0xffff, v18;
	v16 =	vmul.f32 v16, v11  }
0x40f: {  	v18 =	vld [tilespmem:s22+$0x40]  }
0x410: {  	[tilespmem:s21+$0x440] =	vst.add.f32.msk $0xffff, v16;
	v16 =	vmul.f32 v15, v10  }
0x411: {  	v19 =	vmul.f32 v19, v14;
	v15 =	vld [tilespmem:s19+$0x450]  }
0x412: {  	s9 =	sor.u32 $0x40, s28;
	[tilespmem:s20+$0x430] =	vst.add.f32.msk $0xffff, v16  }
0x413: {  	s29 =	simm.s32 $0x6;
	s31 =	sor.u32 $0x60, s26;
	[tilespmem:s9+$0x0] =	vst.add.f32.msk $0xffff, v19  }
0x414: {  	v12 =	vmul.f32 v17, v12;
	s30 =	sor.u32 $0x70, s26;
	s0 =	sor.u32 $0x50, s26;
	s11 =	sor.u32 $0x40, s26;
	v17 =	vmul.f32 v18, v13;
	v16 =	vld [tilespmem:s18+$0x440]  }
.LBB2_20:
0x415: {  	v18 =	vld [tilespmem:s4+$0x50];
	_ =	sdelay $0x1  }
0x416: {  	s7 =	sadd.s32 s29, s12  }
0x417: {  	s9 =	sadd.s32 $0x2, s7;
	[tilespmem:s11+$0x0] =	vst.add.f32.msk $0xffff, v17;
	v15 =	vmul.f32 v15, v11  }
0x418: {  	v17 =	vmov s9;
	v20 =	vld [tilespmem:s22+$0x50]  }
0x419: {  	s7 =	sadd.s32 $0x3, s7;
	v17 =	vand.u32 $0xFFFFFFFE, v17;
	v18 =	vmul.f32 v18, v14;
	[tilespmem:s21+$0x450] =	vst.add.f32.msk $0xffff, v15  }
0x41a: {  	s8 =	sor.u32 $0x50, s28;
	v19 =	vmov s7;
	v15 =	vmul.f32 v16, v10;
	v16 =	vbroadcast v17, $0x0;
	v17 =	vld [tilespmem:s19+$0x460]  }
0x41b: {  	[tilespmem:s8+$0x0] =	vst.add.f32.msk $0xffff, v18  }
0x41c: {  	[tilespmem:s20+$0x440] =	vst.add.f32.msk $0xffff, v15  }
0x41d: {  	v61 =	vld [tilespmem:s4+$0x60]  }
0x41e: {  	v15 =	vld [tilespmem:s18+$0x450]  }
0x41f: {  	v21 =	vld.idx.msk [tilespmem:v19+s23+$0x0], $0xffff  }
0x420: {  	v19 =	vld.idx.msk [tilespmem:v19+s25+$0x0], $0xffff;
	v17 =	vmul.f32 v17, v11  }
0x421: {  	v22 =	vld.idx.msk [tilespmem:v16+s23+$0x0], $0xffff  }
0x422: {  	v18 =	vmul.f32 v20, v13;
	[tilespmem:s21+$0x460] =	vst.add.f32.msk $0xffff, v17  }
0x423: {  	v20 =	vmul.f32 v61, v14;
	v17 =	vld [tilespmem:s19+$0x470]  }
0x424: {  	s9 =	sor.u32 $0x60, s28;
	[tilespmem:s0+$0x0] =	vst.add.f32.msk $0xffff, v18  }
0x425: {  	(v2sf) =	vpush v21, $0x0;
	s19 =	smov.u32 s4;
	[tilespmem:s9+$0x0] =	vst.add.f32.msk $0xffff, v20  }
0x426: {  	v15 =	vmul.f32 v15, v10;
	v18 =	vld [tilespmem:s19+$0x70];
	(v2sf) =	vpush v22, $0x0  }
0x427: {  	v62 =	vld [tilespmem:s22+$0x60]  }
0x428: {  	[tilespmem:s20+$0x450] =	vst.add.f32.msk $0xffff, v15;
	v17 =	vmul.f32 v17, v11  }
0x429: {  	v11 =	vmov v14;
	v14 =	vld [tilespmem:s18+$0x460]  }
0x42a: {  	[tilespmem:s21+$0x470] =	vst.add.f32.msk $0xffff, v17  }
0x42b: {  	v15 =	vmul.f32 v18, v11;
	s21 =	smov.u32 s28;
	v17 =	vld [tilespmem:s16+$0x470]  }
0x42c: {  	s6 =	sadd.s32 $0x100, s6;
	[tilespmem:s15+$0x470] =	vst.add.f32.msk $0xffff, v12;
	s11 =	sor.u32 $0x70, s21  }
0x42d: {  	s5 =	sadd.s32 $0x200, s5;
	s2 =	sadd.s32 $0xFFFFFF80, s6;
	v18 =	vmul.f32 v62, v13;
	s16 =	smov.u32 s18;
	[tilespmem:s11+$0x0] =	vst.add.f32.msk $0xffff, v15  }
0x42e: {  	s18 =	smov.u32 s22;
	s15 =	smov.u32 s17;
	s17 =	smov.u32 s20;
	v15 =	vld [tilespmem:s19+$0x400]  }
0x42f: {  	s22 =	rddreg [dreg:$0x5];
	s20 =	smov.u32 s26;
	s26 =	sand.u32 $0x7800, s5;
	[tilespmem:s31+$0x0] =	vst.add.f32.msk $0xffff, v18  }
0x430: {  	s7 =	sand.u32 $0x300, s2;
	s0 =	sadd.s32 s26, s22;
	v63 =	vld [tilespmem:s18+$0x70]  }
0x431: {  	s8 =	sand.u32 $0x380, s6;
	s4 =	sadd.s32 s7, s0;
	v18 =	vmul.f32 v14, v10;
	v14 =	vld.idx.msk [tilespmem:v16+s25+$0x0], $0xffff  }
0x432: {  	s22 =	sadd.s32 s8, s0;
	v16 =	vld [tilespmem:s4+$0x0]  }
0x433: {  	v12 =	vmul.f32 v17, v9;
	v17 =	vld [tilespmem:s22+$0x0];
	v15 =	vmul.f32 v15, v11  }
0x434: {  	v9 =	vmov v10;
	v10 =	vmov v13;
	[tilespmem:s17+$0x460] =	vst.add.f32.msk $0xffff, v18;
	s9 =	spop (v2sf)  }
0x435: {  	s11 =	sshll.u32 s9, $0x8;
	s26 =	spop (v2sf);
	[tilespmem:s21+$0x400] =	vst.add.f32.msk $0xffff, v15;
	v15 =	vmul.f32 v63, v10  }
0x436: {  	s0 =	sshll.u32 s9, $0x7;
	s2 =	sshll.u32 s26, $0x8;
	s9 =	sshll.u32 s26, $0x7;
	v18 =	vld [tilespmem:s19+$0x410]  }
0x437: {  	v13 =	vmov v19;
	v16 =	vmul.f32 v16, v14;
	s7 =	sand.u32 $0xFFFFF800, s11;
	s11 =	sand.u32 $0xFFFFF800, s2;
	s9 =	sand.u32 $0x380, s9;
	[tilespmem:s30+$0x0] =	vst.add.f32.msk $0xffff, v15  }
0x438: {  	v15 =	vmul.f32 v17, v13;
	s28 =	sor.u32 s9, s11;
	v17 =	vld [tilespmem:s18+$0x400]  }
0x439: {  	s0 =	sand.u32 $0x380, s0;
	[tilespmem:s28+$0x16600] =	vst.add.f32.msk $0xffff, v16  }
0x43a: {  	s0 =	sor.u32 s0, s7;
	v16 =	vld [tilespmem:s4+$0x10]  }
0x43b: {  	[tilespmem:s0+$0x16600] =	vst.add.f32.msk $0xffff, v15;
	v15 =	vmul.f32 v18, v11  }
0x43c: {  	v18 =	vld [tilespmem:s22+$0x10]  }
0x43d: {  	[tilespmem:s21+$0x410] =	vst.add.f32.msk $0xffff, v15;
	v15 =	vmul.f32 v17, v10  }
0x43e: {  	v17 =	vld [tilespmem:s19+$0x420]  }
0x43f: {  	s28 =	sadd.s32 $0x16600, s28;
	v16 =	vmul.f32 v16, v14;
	[tilespmem:s20+$0x400] =	vst.add.f32.msk $0xffff, v15  }
0x440: {  	s8 =	sor.u32 $0x10, s28;
	v15 =	vld [tilespmem:s18+$0x410]  }
0x441: {  	s26 =	sadd.s32 $0x16600, s0;
	[tilespmem:s8+$0x0] =	vst.add.f32.msk $0xffff, v16;
	v16 =	vmul.f32 v18, v13  }
0x442: {  	s7 =	sor.u32 $0x10, s26;
	v18 =	vld [tilespmem:s4+$0x20]  }
0x443: {  	[tilespmem:s7+$0x0] =	vst.add.f32.msk $0xffff, v16;
	v16 =	vmul.f32 v17, v11  }
0x444: {  	v17 =	vld [tilespmem:s22+$0x20]  }
0x445: {  	[tilespmem:s21+$0x420] =	vst.add.f32.msk $0xffff, v16;
	v15 =	vmul.f32 v15, v10  }
0x446: {  	v16 =	vld [tilespmem:s19+$0x430]  }
0x447: {  	v18 =	vmul.f32 v18, v14;
	[tilespmem:s20+$0x410] =	vst.add.f32.msk $0xffff, v15  }
0x448: {  	s8 =	sor.u32 $0x20, s28;
	v15 =	vld [tilespmem:s18+$0x420]  }
0x449: {  	[tilespmem:s8+$0x0] =	vst.add.f32.msk $0xffff, v18;
	v17 =	vmul.f32 v17, v13  }
0x44a: {  	s2 =	sor.u32 $0x20, s26;
	v18 =	vld [tilespmem:s4+$0x30]  }
0x44b: {  	[tilespmem:s2+$0x0] =	vst.add.f32.msk $0xffff, v17;
	v16 =	vmul.f32 v16, v11  }
0x44c: {  	v17 =	vld [tilespmem:s22+$0x30]  }
0x44d: {  	[tilespmem:s21+$0x430] =	vst.add.f32.msk $0xffff, v16;
	v15 =	vmul.f32 v15, v10  }
0x44e: {  	v16 =	vld [tilespmem:s19+$0x440]  }
0x44f: {  	v18 =	vmul.f32 v18, v14;
	[tilespmem:s20+$0x420] =	vst.add.f32.msk $0xffff, v15  }
0x450: {  	s8 =	sor.u32 $0x30, s28;
	v15 =	vld [tilespmem:s18+$0x430]  }
0x451: {  	[tilespmem:s8+$0x0] =	vst.add.f32.msk $0xffff, v18;
	v17 =	vmul.f32 v17, v13  }
0x452: {  	s9 =	sor.u32 $0x30, s26;
	v18 =	vld [tilespmem:s4+$0x40]  }
0x453: {  	s29 =	sadd.s32 $0x2, s29;
	[tilespmem:s9+$0x0] =	vst.add.f32.msk $0xffff, v17;
	v16 =	vmul.f32 v16, v11  }
0x454: {  	p1 =	slt.u32 s29, $0x7E;
	v17 =	vld [tilespmem:s22+$0x40]  }
.Ltmp13:
0x455: {  	[tilespmem:s21+$0x440] =	vst.add.f32.msk $0xffff, v16;
	v16 =	vmul.f32 v15, v10;
	(pc) =	sbr.rel @p1 .LBB2_20-.Ltmp13, $4  }
0x456: {  	v15 =	vld [tilespmem:s19+$0x450]  }
0x457: {  	v18 =	vmul.f32 v18, v14;
	[tilespmem:s20+$0x430] =	vst.add.f32.msk $0xffff, v16  }
0x458: {  	s31 =	sor.u32 $0x60, s26;
	s9 =	sor.u32 $0x40, s28;
	v16 =	vld [tilespmem:s18+$0x440]  }
0x459: {  	s30 =	sor.u32 $0x70, s26;
	s11 =	sor.u32 $0x40, s26;
	s0 =	sor.u32 $0x50, s26;
	[tilespmem:s9+$0x0] =	vst.add.f32.msk $0xffff, v18;
	v17 =	vmul.f32 v17, v13  }
0x45a: {  	v18 =	vld [tilespmem:s4+$0x50]  }
0x45b: {  	[tilespmem:s11+$0x0] =	vst.add.f32.msk $0xffff, v17  }
0x45c: {  	v17 =	vld [tilespmem:s22+$0x50];
	_ =	sdelay $0x2  }
0x45d: {  	v18 =	vmul.f32 v18, v14  }
0x45e: {  	s2 =	sor.u32 $0x50, s28  }
0x45f: {  	[tilespmem:s2+$0x0] =	vst.add.f32.msk $0xffff, v18;
	v17 =	vmul.f32 v17, v13  }
0x460: {  	v18 =	vld [tilespmem:s4+$0x60]  }
0x461: {  	[tilespmem:s0+$0x0] =	vst.add.f32.msk $0xffff, v17  }
0x462: {  	v17 =	vld [tilespmem:s22+$0x60];
	_ =	sdelay $0x2  }
0x463: {  	v18 =	vmul.f32 v18, v14  }
0x464: {  	s29 =	sor.u32 $0x60, s28  }
0x465: {  	[tilespmem:s29+$0x0] =	vst.add.f32.msk $0xffff, v18;
	v17 =	vmul.f32 v17, v13  }
0x466: {  	v18 =	vld [tilespmem:s4+$0x70]  }
0x467: {  	[tilespmem:s31+$0x0] =	vst.add.f32.msk $0xffff, v17  }
0x468: {  	v17 =	vld [tilespmem:s22+$0x70];
	_ =	sdelay $0x2  }
0x469: {  	v18 =	vmul.f32 v18, v14  }
0x46a: {  	s31 =	sor.u32 $0x70, s28  }
0x46b: {  	[tilespmem:s31+$0x0] =	vst.add.f32.msk $0xffff, v18;
	v17 =	vmul.f32 v17, v13  }
0x46c: {  	v18 =	vld [tilespmem:s4+$0x400]  }
0x46d: {  	[tilespmem:s30+$0x0] =	vst.add.f32.msk $0xffff, v17  }
0x46e: {  	v17 =	vld [tilespmem:s22+$0x400];
	_ =	sdelay $0x2  }
0x46f: {  	v18 =	vmul.f32 v18, v14;
	_ =	sdelay $0x1  }
0x470: {  	[tilespmem:s28+$0x400] =	vst.add.f32.msk $0xffff, v18;
	v17 =	vmul.f32 v17, v13  }
0x471: {  	v18 =	vld [tilespmem:s4+$0x410]  }
0x472: {  	[tilespmem:s26+$0x400] =	vst.add.f32.msk $0xffff, v17  }
0x473: {  	v17 =	vld [tilespmem:s22+$0x410];
	_ =	sdelay $0x2  }
0x474: {  	v18 =	vmul.f32 v18, v14;
	_ =	sdelay $0x1  }
0x475: {  	[tilespmem:s28+$0x410] =	vst.add.f32.msk $0xffff, v18;
	v17 =	vmul.f32 v17, v13  }
0x476: {  	v18 =	vld [tilespmem:s4+$0x420]  }
0x477: {  	[tilespmem:s26+$0x410] =	vst.add.f32.msk $0xffff, v17  }
0x478: {  	v17 =	vld [tilespmem:s22+$0x420];
	_ =	sdelay $0x2  }
0x479: {  	v18 =	vmul.f32 v18, v14;
	_ =	sdelay $0x1  }
0x47a: {  	[tilespmem:s28+$0x420] =	vst.add.f32.msk $0xffff, v18;
	v17 =	vmul.f32 v17, v13  }
0x47b: {  	v18 =	vld [tilespmem:s4+$0x430]  }
0x47c: {  	[tilespmem:s26+$0x420] =	vst.add.f32.msk $0xffff, v17  }
0x47d: {  	v17 =	vld [tilespmem:s22+$0x430];
	_ =	sdelay $0x2  }
0x47e: {  	v18 =	vmul.f32 v18, v14;
	_ =	sdelay $0x1  }
0x47f: {  	[tilespmem:s28+$0x430] =	vst.add.f32.msk $0xffff, v18;
	v17 =	vmul.f32 v17, v13  }
0x480: {  	v18 =	vld [tilespmem:s4+$0x440]  }
0x481: {  	[tilespmem:s26+$0x430] =	vst.add.f32.msk $0xffff, v17  }
0x482: {  	v17 =	vld [tilespmem:s22+$0x440]  }
0x483: {  	v16 =	vmul.f32 v16, v10  }
0x484: {  	v61 =	vld [tilespmem:s16+$0x470]  }
0x485: {  	[tilespmem:s20+$0x440] =	vst.add.f32.msk $0xffff, v16;
	v51 =	vmul.f32 v18, v14  }
0x486: {  	v52 =	vld [tilespmem:s18+$0x450]  }
0x487: {  	[tilespmem:s28+$0x440] =	vst.add.f32.msk $0xffff, v51;
	v53 =	vmul.f32 v17, v13  }
0x488: {  	v54 =	vld [tilespmem:s4+$0x450]  }
0x489: {  	v15 =	vmul.f32 v15, v11;
	[tilespmem:s26+$0x440] =	vst.add.f32.msk $0xffff, v53  }
0x48a: {  	v16 =	vld [tilespmem:s22+$0x450]  }
0x48b: {  	[tilespmem:s21+$0x450] =	vst.add.f32.msk $0xffff, v15;
	v55 =	vmul.f32 v52, v10  }
0x48c: {  	v56 =	vld [tilespmem:s19+$0x460]  }
0x48d: {  	[tilespmem:s20+$0x450] =	vst.add.f32.msk $0xffff, v55;
	v57 =	vmul.f32 v54, v14  }
0x48e: {  	v58 =	vld [tilespmem:s18+$0x460]  }
0x48f: {  	[tilespmem:s28+$0x450] =	vst.add.f32.msk $0xffff, v57;
	v59 =	vmul.f32 v16, v13  }
0x490: {  	v60 =	vld [tilespmem:s4+$0x460]  }
0x491: {  	v18 =	vmul.f32 v56, v11;
	[tilespmem:s26+$0x450] =	vst.add.f32.msk $0xffff, v59  }
0x492: {  	v15 =	vld [tilespmem:s22+$0x460]  }
0x493: {  	[tilespmem:s21+$0x460] =	vst.add.f32.msk $0xffff, v18;
	v17 =	vmul.f32 v58, v10  }
0x494: {  	v18 =	vld [tilespmem:s19+$0x470]  }
0x495: {  	[tilespmem:s20+$0x460] =	vst.add.f32.msk $0xffff, v17;
	v16 =	vmul.f32 v60, v14  }
0x496: {  	v62 =	vld [tilespmem:s18+$0x470]  }
0x497: {  	[tilespmem:s28+$0x460] =	vst.add.f32.msk $0xffff, v16;
	v15 =	vmul.f32 v15, v13  }
0x498: {  	v16 =	vld [tilespmem:s4+$0x470]  }
0x499: {  	[tilespmem:s26+$0x460] =	vst.add.f32.msk $0xffff, v15  }
0x49a: {  	v63 =	vld [tilespmem:s22+$0x470]  }
0x49b: {  	s14 =	sadd.s32 $0x1, s14;
	v9 =	vmul.f32 v61, v9  }
0x49c: {  	[tilespmem:s15+$0x470] =	vst.add.f32.msk $0xffff, v12;
	p1 =	sne.s32 s14, s13;
	v11 =	vmul.f32 v18, v11  }
.Ltmp14:
0x49d: {  	[tilespmem:s17+$0x470] =	vst.add.f32.msk $0xffff, v9;
	v10 =	vmul.f32 v62, v10;
	(pc) =	sbr.rel @p1 .LBB2_12-.Ltmp14, $4  }
0x49e: {  	[tilespmem:s21+$0x470] =	vst.add.f32.msk $0xffff, v11;
	v11 =	vmul.f32 v16, v14  }
0x49f: {  	[tilespmem:s20+$0x470] =	vst.add.f32.msk $0xffff, v10;
	v9 =	vmul.f32 v63, v13  }
0x4a0: {  	[tilespmem:s28+$0x470] =	vst.add.f32.msk $0xffff, v11  }
0x4a1: {  	s12 =	sadd.s32 $0x80, s12;
	[tilespmem:s26+$0x470] =	vst.add.f32.msk $0xffff, v9  }
.LBB2_22:
0x4a2: {  	s4 =	sld [smem:$0x7DE];
	_ =	sdelay $0x2  }
0x4a3: {  	s0 =	sand.u32 $0x7F, s4  }
0x4a4: {  	s2 =	sshra.s32 s4, $0x1F;
	p1 =	slt.s32 s4, $0x1;
	p2 =	sne.s32 s0, $0x0  }
0x4a5: {  	s31 =	sshrl.u32 s2, $0x19;
	p3 =	por !p1, !p2  }
0x4a6: {  	s2 =	simm.s32 $0x1;
	s0 =	sadd.s32 s31, s4;
	p3 =	por !p3, !p3  }
0x4a7: {  	s12 =	sshra.s32 s0, $0x7;
	s2 =	simm.s32 @!p3 $0x0  }
0x4a8: {  	s8 =	ssub.s32 s12, s2  }
0x4a9: {  	p3 =	slt.s32 s8, $0x1  }
.Ltmp15:
0x4aa: {  	_ = 	snop;
	(pc) =	sbr.rel @p3 .LBB2_30-.Ltmp15, $1  }
0x4ab: {  	_ =	sdelay $0x3  }
0x4ac: {  	v8 =	vld [tilespmem:s10+$0x4200];
	_ =	sdelay $0x4  }
0x4ad: {  	v9 =	vshll.u32 v8, $0x1  }
0x4ae: {  	v8 =	vand.u32 $0x7, v8;
	v9 =	vand.u32 $0xFFFFFFF0, v9  }
0x4af: {  	v8 =	vor.u32 v8, v9  }
0x4b0: {  	v9 =	vperm.xlane v8, v4;
	_ =	sdelay $0x1  }
0x4b1: {  	v8 =	vperm.xlane v8, v7;
	v9 =	vadd.s32 v5, v9;
	_ =	sdelay $0x1  }
0x4b2: {  	v8 =	vadd.s32 v5, v8;
	_ =	sdelay $0x1  }
0x4b3: {  	s0 =	simm.s32 $0x6600  }
0x4b4: {  	[tilespmem:s0], [sflag:$0x3] =	stream.indirect_vreg.gather [hbm4b:s1+s3], $0x80, v9, vm0, $0xb8;
	[tilespmem:$0x1E600] =	vst v63  }
0x4b5: {  	s13 =	simm.s32 $0x6E00  }
0x4b6: {  	[tilespmem:s13], [sflag:$0x3] =	stream.indirect_vreg.gather [hbm4b:s1+s3], $0x80, v8, vm0, $0xb8;
	[tilespmem:$0x1E600] =	vst v63  }
0x4b7: {  	v8 =	vld [tilespmem:s10+$0x4210];
	_ =	sdelay $0x4  }
0x4b8: {  	v57 =	vshll.u32 v8, $0x1  }
0x4b9: {  	v8 =	vand.u32 $0x7, v8;
	v9 =	vand.u32 $0xFFFFFFF0, v57  }
0x4ba: {  	v8 =	vor.u32 v8, v9  }
0x4bb: {  	v9 =	vperm.xlane v8, v4;
	_ =	sdelay $0x1  }
0x4bc: {  	v8 =	vperm.xlane v8, v7;
	v9 =	vadd.s32 v5, v9;
	_ =	sdelay $0x1  }
0x4bd: {  	v8 =	vadd.s32 v5, v8;
	_ =	sdelay $0x1  }
0x4be: {  	s14 =	simm.s32 $0x7600  }
0x4bf: {  	[tilespmem:s14], [sflag:$0x3] =	stream.indirect_vreg.gather [hbm4b:s1+s3], $0x80, v9, vm0, $0xb8;
	[tilespmem:$0x1E600] =	vst v63  }
0x4c0: {  	s15 =	simm.s32 $0x7E00  }
0x4c1: {  	[tilespmem:s15], [sflag:$0x3] =	stream.indirect_vreg.gather [hbm4b:s1+s3], $0x80, v8, vm0, $0xb8;
	[tilespmem:$0x1E600] =	vst v63  }
0x4c2: {  	v8 =	vld [tilespmem:s10+$0x4220];
	_ =	sdelay $0x4  }
0x4c3: {  	v58 =	vshll.u32 v8, $0x1  }
0x4c4: {  	v8 =	vand.u32 $0x7, v8;
	v9 =	vand.u32 $0xFFFFFFF0, v58  }
0x4c5: {  	v8 =	vor.u32 v8, v9  }
0x4c6: {  	v9 =	vperm.xlane v8, v4;
	_ =	sdelay $0x1  }
0x4c7: {  	v8 =	vperm.xlane v8, v7;
	v9 =	vadd.s32 v5, v9;
	_ =	sdelay $0x1  }
0x4c8: {  	v8 =	vadd.s32 v5, v8;
	_ =	sdelay $0x1  }
0x4c9: {  	s16 =	simm.s32 $0x8600  }
0x4ca: {  	[tilespmem:s16], [sflag:$0x3] =	stream.indirect_vreg.gather [hbm4b:s1+s3], $0x80, v9, vm0, $0xb8;
	[tilespmem:$0x1E600] =	vst v63  }
0x4cb: {  	s17 =	simm.s32 $0x8E00  }
0x4cc: {  	[tilespmem:s17], [sflag:$0x3] =	stream.indirect_vreg.gather [hbm4b:s1+s3], $0x80, v8, vm0, $0xb8;
	[tilespmem:$0x1E600] =	vst v63  }
0x4cd: {  	v8 =	vld [tilespmem:s10+$0x4230];
	_ =	sdelay $0x4  }
0x4ce: {  	v59 =	vshll.u32 v8, $0x1  }
0x4cf: {  	v8 =	vand.u32 $0x7, v8;
	v9 =	vand.u32 $0xFFFFFFF0, v59  }
0x4d0: {  	v8 =	vor.u32 v8, v9  }
0x4d1: {  	v9 =	vperm.xlane v8, v4;
	_ =	sdelay $0x1  }
0x4d2: {  	v8 =	vperm.xlane v8, v7;
	v9 =	vadd.s32 v5, v9;
	_ =	sdelay $0x1  }
0x4d3: {  	v8 =	vadd.s32 v5, v8;
	_ =	sdelay $0x1  }
0x4d4: {  	s18 =	simm.s32 $0x9600  }
0x4d5: {  	[tilespmem:s18], [sflag:$0x3] =	stream.indirect_vreg.gather [hbm4b:s1+s3], $0x80, v9, vm0, $0xb8;
	[tilespmem:$0x1E600] =	vst v63  }
0x4d6: {  	s19 =	simm.s32 $0x9E00  }
0x4d7: {  	[tilespmem:s19], [sflag:$0x3] =	stream.indirect_vreg.gather [hbm4b:s1+s3], $0x80, v8, vm0, $0xb8;
	[tilespmem:$0x1E600] =	vst v63  }
0x4d8: {  	v8 =	vld [tilespmem:s10+$0x4240];
	_ =	sdelay $0x4  }
0x4d9: {  	v60 =	vshll.u32 v8, $0x1  }
0x4da: {  	v8 =	vand.u32 $0x7, v8;
	v9 =	vand.u32 $0xFFFFFFF0, v60  }
0x4db: {  	v8 =	vor.u32 v8, v9  }
0x4dc: {  	v9 =	vperm.xlane v8, v4;
	_ =	sdelay $0x1  }
0x4dd: {  	v8 =	vperm.xlane v8, v7;
	v9 =	vadd.s32 v5, v9;
	_ =	sdelay $0x1  }
0x4de: {  	v8 =	vadd.s32 v5, v8;
	_ =	sdelay $0x1  }
0x4df: {  	s20 =	simm.s32 $0xA600  }
0x4e0: {  	[tilespmem:s20], [sflag:$0x3] =	stream.indirect_vreg.gather [hbm4b:s1+s3], $0x80, v9, vm0, $0xb8;
	[tilespmem:$0x1E600] =	vst v63  }
0x4e1: {  	s21 =	simm.s32 $0xAE00  }
0x4e2: {  	[tilespmem:s21], [sflag:$0x3] =	stream.indirect_vreg.gather [hbm4b:s1+s3], $0x80, v8, vm0, $0xb8;
	[tilespmem:$0x1E600] =	vst v63  }
0x4e3: {  	v8 =	vld [tilespmem:s10+$0x4250];
	_ =	sdelay $0x4  }
0x4e4: {  	v61 =	vshll.u32 v8, $0x1  }
0x4e5: {  	v8 =	vand.u32 $0x7, v8;
	v9 =	vand.u32 $0xFFFFFFF0, v61  }
0x4e6: {  	v8 =	vor.u32 v8, v9  }
0x4e7: {  	v9 =	vperm.xlane v8, v4;
	_ =	sdelay $0x1  }
0x4e8: {  	v8 =	vperm.xlane v8, v7;
	v9 =	vadd.s32 v5, v9;
	_ =	sdelay $0x1  }
0x4e9: {  	v8 =	vadd.s32 v5, v8;
	_ =	sdelay $0x1  }
0x4ea: {  	s22 =	simm.s32 $0xB600  }
0x4eb: {  	[tilespmem:s22], [sflag:$0x3] =	stream.indirect_vreg.gather [hbm4b:s1+s3], $0x80, v9, vm0, $0xb8;
	[tilespmem:$0x1E600] =	vst v63  }
0x4ec: {  	s26 =	simm.s32 $0xBE00  }
0x4ed: {  	[tilespmem:s26], [sflag:$0x3] =	stream.indirect_vreg.gather [hbm4b:s1+s3], $0x80, v8, vm0, $0xb8;
	[tilespmem:$0x1E600] =	vst v63  }
0x4ee: {  	v8 =	vld [tilespmem:s10+$0x4260];
	_ =	sdelay $0x4  }
0x4ef: {  	v62 =	vshll.u32 v8, $0x1  }
0x4f0: {  	v8 =	vand.u32 $0x7, v8;
	v9 =	vand.u32 $0xFFFFFFF0, v62  }
0x4f1: {  	v8 =	vor.u32 v8, v9  }
0x4f2: {  	v9 =	vperm.xlane v8, v4;
	_ =	sdelay $0x1  }
0x4f3: {  	v8 =	vperm.xlane v8, v7;
	v9 =	vadd.s32 v5, v9;
	_ =	sdelay $0x1  }
0x4f4: {  	v8 =	vadd.s32 v5, v8;
	_ =	sdelay $0x1  }
0x4f5: {  	s28 =	simm.s32 $0xC600  }
0x4f6: {  	[tilespmem:s28], [sflag:$0x3] =	stream.indirect_vreg.gather [hbm4b:s1+s3], $0x80, v9, vm0, $0xb8;
	[tilespmem:$0x1E600] =	vst v63  }
0x4f7: {  	s29 =	simm.s32 $0xCE00  }
0x4f8: {  	[tilespmem:s29], [sflag:$0x3] =	stream.indirect_vreg.gather [hbm4b:s1+s3], $0x80, v8, vm0, $0xb8;
	[tilespmem:$0x1E600] =	vst v63  }
0x4f9: {  	v8 =	vld [tilespmem:s10+$0x4270];
	_ =	sdelay $0x4  }
0x4fa: {  	v63 =	vshll.u32 v8, $0x1  }
0x4fb: {  	v8 =	vand.u32 $0x7, v8;
	v9 =	vand.u32 $0xFFFFFFF0, v63  }
0x4fc: {  	v8 =	vor.u32 v8, v9  }
0x4fd: {  	v9 =	vperm.xlane v8, v4;
	_ =	sdelay $0x1  }
0x4fe: {  	v8 =	vperm.xlane v8, v7;
	v9 =	vadd.s32 v5, v9;
	_ =	sdelay $0x1  }
0x4ff: {  	p3 =	seq.s32 s8, $0x1;
	v8 =	vadd.s32 v5, v8  }
.Ltmp16:
0x500: {  	_ = 	snop;
	(pc) =	sbr.rel @p3 .LBB2_25-.Ltmp16, $4  }
0x501: {  	s30 =	simm.s32 $0xD600  }
0x502: {  	[tilespmem:s30], [sflag:$0x3] =	stream.indirect_vreg.gather [hbm4b:s1+s3], $0x80, v9, vm0, $0xb8;
	[tilespmem:$0x1E600] =	vst v63  }
0x503: {  	s31 =	simm.s32 $0xDE00  }
0x504: {  	[tilespmem:s31], [sflag:$0x3] =	stream.indirect_vreg.gather [hbm4b:s1+s3], $0x80, v8, vm0, $0xb8;
	[tilespmem:$0x1E600] =	vst v63  }
0x505: {  	v8 =	vld [tilespmem:s10+$0x4280];
	_ =	sdelay $0x4  }
0x506: {  	v9 =	vshll.u32 v8, $0x1  }
0x507: {  	v8 =	vand.u32 $0x7, v8;
	v9 =	vand.u32 $0xFFFFFFF0, v9  }
0x508: {  	v8 =	vor.u32 v8, v9  }
0x509: {  	v9 =	vperm.xlane v8, v4;
	_ =	sdelay $0x1  }
0x50a: {  	v8 =	vperm.xlane v8, v7;
	v9 =	vadd.s32 v5, v9;
	_ =	sdelay $0x1  }
0x50b: {  	v8 =	vadd.s32 v5, v8;
	_ =	sdelay $0x1  }
0x50c: {  	s0 =	simm.s32 $0xE600  }
0x50d: {  	[tilespmem:s0], [sflag:$0x4] =	stream.indirect_vreg.gather [hbm4b:s1+s3], $0x80, v9, vm0, $0xb8;
	[tilespmem:$0x1E600] =	vst v63  }
0x50e: {  	s13 =	simm.s32 $0xEE00  }
0x50f: {  	[tilespmem:s13], [sflag:$0x4] =	stream.indirect_vreg.gather [hbm4b:s1+s3], $0x80, v8, vm0, $0xb8;
	[tilespmem:$0x1E600] =	vst v63  }
0x510: {  	v8 =	vld [tilespmem:s10+$0x4290];
	_ =	sdelay $0x4  }
0x511: {  	v57 =	vshll.u32 v8, $0x1  }
0x512: {  	v8 =	vand.u32 $0x7, v8;
	v9 =	vand.u32 $0xFFFFFFF0, v57  }
0x513: {  	v8 =	vor.u32 v8, v9  }
0x514: {  	v9 =	vperm.xlane v8, v4;
	_ =	sdelay $0x1  }
0x515: {  	v8 =	vperm.xlane v8, v7;
	v9 =	vadd.s32 v5, v9;
	_ =	sdelay $0x1  }
0x516: {  	v8 =	vadd.s32 v5, v8;
	_ =	sdelay $0x1  }
0x517: {  	s14 =	simm.s32 $0xF600  }
0x518: {  	[tilespmem:s14], [sflag:$0x4] =	stream.indirect_vreg.gather [hbm4b:s1+s3], $0x80, v9, vm0, $0xb8;
	[tilespmem:$0x1E600] =	vst v63  }
0x519: {  	s15 =	simm.s32 $0xFE00  }
0x51a: {  	[tilespmem:s15], [sflag:$0x4] =	stream.indirect_vreg.gather [hbm4b:s1+s3], $0x80, v8, vm0, $0xb8;
	[tilespmem:$0x1E600] =	vst v63  }
0x51b: {  	v8 =	vld [tilespmem:s10+$0x42A0];
	_ =	sdelay $0x4  }
0x51c: {  	v58 =	vshll.u32 v8, $0x1  }
0x51d: {  	v8 =	vand.u32 $0x7, v8;
	v9 =	vand.u32 $0xFFFFFFF0, v58  }
0x51e: {  	v8 =	vor.u32 v8, v9  }
0x51f: {  	v9 =	vperm.xlane v8, v4;
	_ =	sdelay $0x1  }
0x520: {  	v8 =	vperm.xlane v8, v7;
	v9 =	vadd.s32 v5, v9;
	_ =	sdelay $0x1  }
0x521: {  	v8 =	vadd.s32 v5, v8;
	_ =	sdelay $0x1  }
0x522: {  	s16 =	simm.s32 $0x10600  }
0x523: {  	[tilespmem:s16], [sflag:$0x4] =	stream.indirect_vreg.gather [hbm4b:s1+s3], $0x80, v9, vm0, $0xb8;
	[tilespmem:$0x1E600] =	vst v63  }
0x524: {  	s17 =	simm.s32 $0x10E00  }
0x525: {  	[tilespmem:s17], [sflag:$0x4] =	stream.indirect_vreg.gather [hbm4b:s1+s3], $0x80, v8, vm0, $0xb8;
	[tilespmem:$0x1E600] =	vst v63  }
0x526: {  	v8 =	vld [tilespmem:s10+$0x42B0];
	_ =	sdelay $0x4  }
0x527: {  	v59 =	vshll.u32 v8, $0x1  }
0x528: {  	v8 =	vand.u32 $0x7, v8;
	v9 =	vand.u32 $0xFFFFFFF0, v59  }
0x529: {  	v8 =	vor.u32 v8, v9  }
0x52a: {  	v9 =	vperm.xlane v8, v4;
	_ =	sdelay $0x1  }
0x52b: {  	v8 =	vperm.xlane v8, v7;
	v9 =	vadd.s32 v5, v9;
	_ =	sdelay $0x1  }
0x52c: {  	v8 =	vadd.s32 v5, v8;
	_ =	sdelay $0x1  }
0x52d: {  	s18 =	simm.s32 $0x11600  }
0x52e: {  	[tilespmem:s18], [sflag:$0x4] =	stream.indirect_vreg.gather [hbm4b:s1+s3], $0x80, v9, vm0, $0xb8;
	[tilespmem:$0x1E600] =	vst v63  }
0x52f: {  	s19 =	simm.s32 $0x11E00  }
0x530: {  	[tilespmem:s19], [sflag:$0x4] =	stream.indirect_vreg.gather [hbm4b:s1+s3], $0x80, v8, vm0, $0xb8;
	[tilespmem:$0x1E600] =	vst v63  }
0x531: {  	v8 =	vld [tilespmem:s10+$0x42C0];
	_ =	sdelay $0x4  }
0x532: {  	v60 =	vshll.u32 v8, $0x1  }
0x533: {  	v8 =	vand.u32 $0x7, v8;
	v9 =	vand.u32 $0xFFFFFFF0, v60  }
0x534: {  	v8 =	vor.u32 v8, v9  }
0x535: {  	v9 =	vperm.xlane v8, v4;
	_ =	sdelay $0x1  }
0x536: {  	v8 =	vperm.xlane v8, v7;
	v9 =	vadd.s32 v5, v9;
	_ =	sdelay $0x1  }
0x537: {  	v8 =	vadd.s32 v5, v8;
	_ =	sdelay $0x1  }
0x538: {  	s20 =	simm.s32 $0x12600  }
0x539: {  	[tilespmem:s20], [sflag:$0x4] =	stream.indirect_vreg.gather [hbm4b:s1+s3], $0x80, v9, vm0, $0xb8;
	[tilespmem:$0x1E600] =	vst v63  }
0x53a: {  	s21 =	simm.s32 $0x12E00  }
0x53b: {  	[tilespmem:s21], [sflag:$0x4] =	stream.indirect_vreg.gather [hbm4b:s1+s3], $0x80, v8, vm0, $0xb8;
	[tilespmem:$0x1E600] =	vst v63  }
0x53c: {  	v8 =	vld [tilespmem:s10+$0x42D0];
	_ =	sdelay $0x4  }
0x53d: {  	v61 =	vshll.u32 v8, $0x1  }
0x53e: {  	v8 =	vand.u32 $0x7, v8;
	v9 =	vand.u32 $0xFFFFFFF0, v61  }
0x53f: {  	v8 =	vor.u32 v8, v9  }
0x540: {  	v9 =	vperm.xlane v8, v4;
	_ =	sdelay $0x1  }
0x541: {  	v8 =	vperm.xlane v8, v7;
	v9 =	vadd.s32 v5, v9;
	_ =	sdelay $0x1  }
0x542: {  	v8 =	vadd.s32 v5, v8;
	_ =	sdelay $0x1  }
0x543: {  	s22 =	simm.s32 $0x13600  }
0x544: {  	[tilespmem:s22], [sflag:$0x4] =	stream.indirect_vreg.gather [hbm4b:s1+s3], $0x80, v9, vm0, $0xb8;
	[tilespmem:$0x1E600] =	vst v63  }
0x545: {  	s26 =	simm.s32 $0x13E00  }
0x546: {  	[tilespmem:s26], [sflag:$0x4] =	stream.indirect_vreg.gather [hbm4b:s1+s3], $0x80, v8, vm0, $0xb8;
	[tilespmem:$0x1E600] =	vst v63  }
0x547: {  	v8 =	vld [tilespmem:s10+$0x42E0];
	_ =	sdelay $0x4  }
0x548: {  	v62 =	vshll.u32 v8, $0x1  }
0x549: {  	v8 =	vand.u32 $0x7, v8;
	v9 =	vand.u32 $0xFFFFFFF0, v62  }
0x54a: {  	v8 =	vor.u32 v8, v9  }
0x54b: {  	v9 =	vperm.xlane v8, v4;
	_ =	sdelay $0x1  }
0x54c: {  	v8 =	vperm.xlane v8, v7;
	v9 =	vadd.s32 v5, v9;
	_ =	sdelay $0x1  }
0x54d: {  	v8 =	vadd.s32 v5, v8;
	_ =	sdelay $0x1  }
0x54e: {  	s28 =	simm.s32 $0x14600  }
0x54f: {  	[tilespmem:s28], [sflag:$0x4] =	stream.indirect_vreg.gather [hbm4b:s1+s3], $0x80, v9, vm0, $0xb8;
	[tilespmem:$0x1E600] =	vst v63  }
0x550: {  	s29 =	simm.s32 $0x14E00  }
0x551: {  	[tilespmem:s29], [sflag:$0x4] =	stream.indirect_vreg.gather [hbm4b:s1+s3], $0x80, v8, vm0, $0xb8;
	[tilespmem:$0x1E600] =	vst v63  }
0x552: {  	v8 =	vld [tilespmem:s10+$0x42F0];
	_ =	sdelay $0x4  }
0x553: {  	v63 =	vshll.u32 v8, $0x1  }
0x554: {  	v8 =	vand.u32 $0x7, v8;
	v9 =	vand.u32 $0xFFFFFFF0, v63  }
0x555: {  	v8 =	vor.u32 v8, v9  }
0x556: {  	v9 =	vperm.xlane v8, v4;
	_ =	sdelay $0x1  }
0x557: {  	v8 =	vperm.xlane v8, v7;
	v9 =	vadd.s32 v5, v9;
	_ =	sdelay $0x1  }
0x558: {  	v8 =	vadd.s32 v5, v8  }
.Ltmp17:
0x559: {  	_ = 	snop;
	(pc) =	sbr.rel .LBB2_25-.Ltmp17, $4  }
0x55a: {  	s30 =	simm.s32 $0x15600  }
0x55b: {  	[tilespmem:s30], [sflag:$0x4] =	stream.indirect_vreg.gather [hbm4b:s1+s3], $0x80, v9, vm0, $0xb8;
	[tilespmem:$0x1E600] =	vst v63  }
0x55c: {  	s31 =	simm.s32 $0x15E00  }
0x55d: {  	[tilespmem:s31], [sflag:$0x4] =	stream.indirect_vreg.gather [hbm4b:s1+s3], $0x80, v8, vm0, $0xb8;
	[tilespmem:$0x1E600] =	vst v63  }
.LBB2_30:
0x55e: {  	s5 =	sld [smem:$0x7E1];
	_ =	sdelay $0x2  }
0x55f: {  	p3 =	seq.s32 s5, $0x52  }
.Ltmp18:
0x560: {  	_ = 	snop;
	(pc) =	sbr.rel @!p3 .LBB2_31-.Ltmp18, $4  }
.Ltmp19:
0x561: {  	_ = 	snop;
	(pc) =	sbr.rel @p3 .LBB2_40-.Ltmp19, $4  }
0x562: {  	_ = 	snop  }
0x563: {  	_ = 	snop  }
0x564: {  	s10 =	sshll.u32 s8, $0x7  }
0x565: {  	_ = 	snop  }
.LBB2_26:
0x566: {  	s11 =	simm.s32 $0x0;
	s13 =	simm.s32 $0x0;
	[smem:$0x7DD] =	sst s8  }
.LBB2_27:
0x567: {  	p3 =	slt.u32 s13, $0x2  }
.Ltmp20:
0x568: {  	_ = 	snop;
	(pc) =	sbr.rel @p3 .LBB2_33-.Ltmp20, $3  }
0x569: {  	_ =	sdelay $0x1  }
0x56a: {  	s4 =	sand.u32 $0x1, s13  }
0x56b: {  	p0 =	seq.s32 s4, $0x1  }
0x56c: {  	s0 =	sshll.u32 s13, $0x9  }
0x56d: {  	s5 =	sshra.s32 s0, $0x2  }
0x56e: {  	v8 =	vld [tilespmem:s5+$0x4B00];
	_ =	sdelay $0x4  }
0x56f: {  	v9 =	vshll.u32 v8, $0x1  }
.Ltmp21:
0x570: {  	v8 =	vand.u32 $0x7, v8;
	v9 =	vand.u32 $0xFFFFFFF0, v9;
	(pc) =	sbr.rel @!p0 .LBB2_29-.Ltmp21, $3  }
0x571: {  	v9 =	vor.u32 v8, v9  }
0x572: {  	v8 =	vperm.xlane v9, v4;
	v9 =	vperm.xlane v9, v6;
	_ =	sdelay $0x1  }
0x573: {  	v8 =	vadd.s32 v5, v8;
	v9 =	vadd.s32 v5, v9  }
0x574: {  	_ =	sdelay $0x2  }
0x575: {  	s0 =	simm.s32 $0xE600  }
0x576: {  	[tilespmem:s0], [sflag:$0x4] =	stream.indirect_vreg.gather [hbm4b:s1+s3], $0x80, v8, vm0, $0xb8;
	[tilespmem:$0x1E600] =	vst v63  }
0x577: {  	s9 =	simm.s32 $0xEE00  }
0x578: {  	[tilespmem:s9], [sflag:$0x4] =	stream.indirect_vreg.gather [hbm4b:s1+s3], $0x80, v9, vm0, $0xb8;
	[tilespmem:$0x1E600] =	vst v63  }
0x579: {  	v8 =	vld [tilespmem:s5+$0x4B10];
	_ =	sdelay $0x4  }
0x57a: {  	v57 =	vshll.u32 v8, $0x1  }
0x57b: {  	v8 =	vand.u32 $0x7, v8;
	v9 =	vand.u32 $0xFFFFFFF0, v57  }
0x57c: {  	v8 =	vor.u32 v8, v9  }
0x57d: {  	v9 =	vperm.xlane v8, v4;
	_ =	sdelay $0x1  }
0x57e: {  	v8 =	vperm.xlane v8, v6;
	v9 =	vadd.s32 v5, v9;
	_ =	sdelay $0x1  }
0x57f: {  	v8 =	vadd.s32 v5, v8;
	_ =	sdelay $0x1  }
0x580: {  	s14 =	simm.s32 $0xF600  }
0x581: {  	[tilespmem:s14], [sflag:$0x4] =	stream.indirect_vreg.gather [hbm4b:s1+s3], $0x80, v9, vm0, $0xb8;
	[tilespmem:$0x1E600] =	vst v63  }
0x582: {  	s15 =	simm.s32 $0xFE00  }
0x583: {  	[tilespmem:s15], [sflag:$0x4] =	stream.indirect_vreg.gather [hbm4b:s1+s3], $0x80, v8, vm0, $0xb8;
	[tilespmem:$0x1E600] =	vst v63  }
0x584: {  	v8 =	vld [tilespmem:s5+$0x4B20];
	_ =	sdelay $0x4  }
0x585: {  	v58 =	vshll.u32 v8, $0x1  }
0x586: {  	v8 =	vand.u32 $0x7, v8;
	v9 =	vand.u32 $0xFFFFFFF0, v58  }
0x587: {  	v8 =	vor.u32 v8, v9  }
0x588: {  	v9 =	vperm.xlane v8, v4;
	_ =	sdelay $0x1  }
0x589: {  	v8 =	vperm.xlane v8, v6;
	v9 =	vadd.s32 v5, v9;
	_ =	sdelay $0x1  }
0x58a: {  	v8 =	vadd.s32 v5, v8;
	_ =	sdelay $0x1  }
0x58b: {  	s16 =	simm.s32 $0x10600  }
0x58c: {  	[tilespmem:s16], [sflag:$0x4] =	stream.indirect_vreg.gather [hbm4b:s1+s3], $0x80, v9, vm0, $0xb8;
	[tilespmem:$0x1E600] =	vst v63  }
0x58d: {  	s17 =	simm.s32 $0x10E00  }
0x58e: {  	[tilespmem:s17], [sflag:$0x4] =	stream.indirect_vreg.gather [hbm4b:s1+s3], $0x80, v8, vm0, $0xb8;
	[tilespmem:$0x1E600] =	vst v63  }
0x58f: {  	v8 =	vld [tilespmem:s5+$0x4B30];
	_ =	sdelay $0x4  }
0x590: {  	v59 =	vshll.u32 v8, $0x1  }
0x591: {  	v8 =	vand.u32 $0x7, v8;
	v9 =	vand.u32 $0xFFFFFFF0, v59  }
0x592: {  	v8 =	vor.u32 v8, v9  }
0x593: {  	v9 =	vperm.xlane v8, v4;
	_ =	sdelay $0x1  }
0x594: {  	v8 =	vperm.xlane v8, v6;
	v9 =	vadd.s32 v5, v9;
	_ =	sdelay $0x1  }
0x595: {  	v8 =	vadd.s32 v5, v8;
	_ =	sdelay $0x1  }
0x596: {  	s18 =	simm.s32 $0x11600  }
0x597: {  	[tilespmem:s18], [sflag:$0x4] =	stream.indirect_vreg.gather [hbm4b:s1+s3], $0x80, v9, vm0, $0xb8;
	[tilespmem:$0x1E600] =	vst v63  }
0x598: {  	s19 =	simm.s32 $0x11E00  }
0x599: {  	[tilespmem:s19], [sflag:$0x4] =	stream.indirect_vreg.gather [hbm4b:s1+s3], $0x80, v8, vm0, $0xb8;
	[tilespmem:$0x1E600] =	vst v63  }
0x59a: {  	v8 =	vld [tilespmem:s5+$0x4B40];
	_ =	sdelay $0x4  }
0x59b: {  	v60 =	vshll.u32 v8, $0x1  }
0x59c: {  	v8 =	vand.u32 $0x7, v8;
	v9 =	vand.u32 $0xFFFFFFF0, v60  }
0x59d: {  	v8 =	vor.u32 v8, v9  }
0x59e: {  	v9 =	vperm.xlane v8, v4;
	_ =	sdelay $0x1  }
0x59f: {  	v8 =	vperm.xlane v8, v6;
	v9 =	vadd.s32 v5, v9;
	_ =	sdelay $0x1  }
0x5a0: {  	v8 =	vadd.s32 v5, v8;
	_ =	sdelay $0x1  }
0x5a1: {  	s20 =	simm.s32 $0x12600  }
0x5a2: {  	[tilespmem:s20], [sflag:$0x4] =	stream.indirect_vreg.gather [hbm4b:s1+s3], $0x80, v9, vm0, $0xb8;
	[tilespmem:$0x1E600] =	vst v63  }
0x5a3: {  	s21 =	simm.s32 $0x12E00  }
0x5a4: {  	[tilespmem:s21], [sflag:$0x4] =	stream.indirect_vreg.gather [hbm4b:s1+s3], $0x80, v8, vm0, $0xb8;
	[tilespmem:$0x1E600] =	vst v63  }
0x5a5: {  	v8 =	vld [tilespmem:s5+$0x4B50];
	_ =	sdelay $0x4  }
0x5a6: {  	v61 =	vshll.u32 v8, $0x1  }
0x5a7: {  	v8 =	vand.u32 $0x7, v8;
	v9 =	vand.u32 $0xFFFFFFF0, v61  }
0x5a8: {  	v8 =	vor.u32 v8, v9  }
0x5a9: {  	v9 =	vperm.xlane v8, v4;
	_ =	sdelay $0x1  }
0x5aa: {  	v8 =	vperm.xlane v8, v6;
	v9 =	vadd.s32 v5, v9;
	_ =	sdelay $0x1  }
0x5ab: {  	v8 =	vadd.s32 v5, v8;
	_ =	sdelay $0x1  }
0x5ac: {  	s22 =	simm.s32 $0x13600  }
0x5ad: {  	[tilespmem:s22], [sflag:$0x4] =	stream.indirect_vreg.gather [hbm4b:s1+s3], $0x80, v9, vm0, $0xb8;
	[tilespmem:$0x1E600] =	vst v63  }
0x5ae: {  	s26 =	simm.s32 $0x13E00  }
0x5af: {  	[tilespmem:s26], [sflag:$0x4] =	stream.indirect_vreg.gather [hbm4b:s1+s3], $0x80, v8, vm0, $0xb8;
	[tilespmem:$0x1E600] =	vst v63  }
0x5b0: {  	v8 =	vld [tilespmem:s5+$0x4B60];
	_ =	sdelay $0x4  }
0x5b1: {  	v62 =	vshll.u32 v8, $0x1  }
0x5b2: {  	v8 =	vand.u32 $0x7, v8;
	v9 =	vand.u32 $0xFFFFFFF0, v62  }
0x5b3: {  	v8 =	vor.u32 v8, v9  }
0x5b4: {  	v9 =	vperm.xlane v8, v4;
	_ =	sdelay $0x1  }
0x5b5: {  	v8 =	vperm.xlane v8, v6;
	v9 =	vadd.s32 v5, v9;
	_ =	sdelay $0x1  }
0x5b6: {  	v8 =	vadd.s32 v5, v8;
	_ =	sdelay $0x1  }
0x5b7: {  	s28 =	simm.s32 $0x14600  }
0x5b8: {  	[tilespmem:s28], [sflag:$0x4] =	stream.indirect_vreg.gather [hbm4b:s1+s3], $0x80, v9, vm0, $0xb8;
	[tilespmem:$0x1E600] =	vst v63  }
0x5b9: {  	s29 =	simm.s32 $0x14E00  }
0x5ba: {  	[tilespmem:s29], [sflag:$0x4] =	stream.indirect_vreg.gather [hbm4b:s1+s3], $0x80, v8, vm0, $0xb8;
	[tilespmem:$0x1E600] =	vst v63  }
0x5bb: {  	v8 =	vld [tilespmem:s5+$0x4B70];
	_ =	sdelay $0x4  }
0x5bc: {  	v63 =	vshll.u32 v8, $0x1  }
0x5bd: {  	v8 =	vand.u32 $0x7, v8;
	v9 =	vand.u32 $0xFFFFFFF0, v63  }
0x5be: {  	v8 =	vor.u32 v8, v9  }
0x5bf: {  	v9 =	vperm.xlane v8, v4;
	_ =	sdelay $0x1  }
0x5c0: {  	v8 =	vperm.xlane v8, v6;
	v9 =	vadd.s32 v5, v9;
	_ =	sdelay $0x1  }
0x5c1: {  	v8 =	vadd.s32 v5, v8  }
.Ltmp22:
0x5c2: {  	_ = 	snop;
	(pc) =	sbr.rel .LBB2_35-.Ltmp22, $4  }
0x5c3: {  	s30 =	simm.s32 $0x15600  }
0x5c4: {  	[tilespmem:s30], [sflag:$0x4] =	stream.indirect_vreg.gather [hbm4b:s1+s3], $0x80, v9, vm0, $0xb8;
	[tilespmem:$0x1E600] =	vst v63  }
0x5c5: {  	s31 =	simm.s32 $0x15E00  }
0x5c6: {  	[tilespmem:s31], [sflag:$0x4] =	stream.indirect_vreg.gather [hbm4b:s1+s3], $0x80, v8, vm0, $0xb8;
	[tilespmem:$0x1E600] =	vst v63  }
.LBB2_33:
.Ltmp23:
0x5c7: {  	(pc) =	sbr.rel @p0 .LBB2_35-.Ltmp23, $4  }
.Ltmp24:
0x5c8: {  	(pc) =	sbr.rel @!p0 .LBB2_34-.Ltmp24, $4  }
0x5c9: {  	_ = 	snop  }
0x5ca: {  	_ = 	snop  }
0x5cb: {  	_ = 	snop  }
0x5cc: {  	_ = 	snop  }
.LBB2_29:
0x5cd: {  	_ =	sdelay $0x2  }
0x5ce: {  	s0 =	simm.s32 $0x6600  }
0x5cf: {  	[tilespmem:s0], [sflag:$0x3] =	stream.indirect_vreg.gather [hbm4b:s1+s3], $0x80, v8, vm0, $0xb8;
	[tilespmem:$0x1E600] =	vst v63  }
0x5d0: {  	s9 =	simm.s32 $0x6E00  }
0x5d1: {  	[tilespmem:s9], [sflag:$0x3] =	stream.indirect_vreg.gather [hbm4b:s1+s3], $0x80, v9, vm0, $0xb8;
	[tilespmem:$0x1E600] =	vst v63  }
0x5d2: {  	v8 =	vld [tilespmem:s5+$0x4B10];
	_ =	sdelay $0x4  }
0x5d3: {  	v57 =	vshll.u32 v8, $0x1  }
0x5d4: {  	v8 =	vand.u32 $0x7, v8;
	v9 =	vand.u32 $0xFFFFFFF0, v57  }
0x5d5: {  	v8 =	vor.u32 v8, v9  }
0x5d6: {  	v9 =	vperm.xlane v8, v4;
	_ =	sdelay $0x1  }
0x5d7: {  	v8 =	vperm.xlane v8, v6;
	v9 =	vadd.s32 v5, v9;
	_ =	sdelay $0x1  }
0x5d8: {  	v8 =	vadd.s32 v5, v8;
	_ =	sdelay $0x1  }
0x5d9: {  	s14 =	simm.s32 $0x7600  }
0x5da: {  	[tilespmem:s14], [sflag:$0x3] =	stream.indirect_vreg.gather [hbm4b:s1+s3], $0x80, v9, vm0, $0xb8;
	[tilespmem:$0x1E600] =	vst v63  }
0x5db: {  	s15 =	simm.s32 $0x7E00  }
0x5dc: {  	[tilespmem:s15], [sflag:$0x3] =	stream.indirect_vreg.gather [hbm4b:s1+s3], $0x80, v8, vm0, $0xb8;
	[tilespmem:$0x1E600] =	vst v63  }
0x5dd: {  	v8 =	vld [tilespmem:s5+$0x4B20];
	_ =	sdelay $0x4  }
0x5de: {  	v58 =	vshll.u32 v8, $0x1  }
0x5df: {  	v8 =	vand.u32 $0x7, v8;
	v9 =	vand.u32 $0xFFFFFFF0, v58  }
0x5e0: {  	v8 =	vor.u32 v8, v9  }
0x5e1: {  	v9 =	vperm.xlane v8, v4;
	_ =	sdelay $0x1  }
0x5e2: {  	v8 =	vperm.xlane v8, v6;
	v9 =	vadd.s32 v5, v9;
	_ =	sdelay $0x1  }
0x5e3: {  	v8 =	vadd.s32 v5, v8;
	_ =	sdelay $0x1  }
0x5e4: {  	s16 =	simm.s32 $0x8600  }
0x5e5: {  	[tilespmem:s16], [sflag:$0x3] =	stream.indirect_vreg.gather [hbm4b:s1+s3], $0x80, v9, vm0, $0xb8;
	[tilespmem:$0x1E600] =	vst v63  }
0x5e6: {  	s17 =	simm.s32 $0x8E00  }
0x5e7: {  	[tilespmem:s17], [sflag:$0x3] =	stream.indirect_vreg.gather [hbm4b:s1+s3], $0x80, v8, vm0, $0xb8;
	[tilespmem:$0x1E600] =	vst v63  }
0x5e8: {  	v8 =	vld [tilespmem:s5+$0x4B30];
	_ =	sdelay $0x4  }
0x5e9: {  	v59 =	vshll.u32 v8, $0x1  }
0x5ea: {  	v8 =	vand.u32 $0x7, v8;
	v9 =	vand.u32 $0xFFFFFFF0, v59  }
0x5eb: {  	v8 =	vor.u32 v8, v9  }
0x5ec: {  	v9 =	vperm.xlane v8, v4;
	_ =	sdelay $0x1  }
0x5ed: {  	v8 =	vperm.xlane v8, v6;
	v9 =	vadd.s32 v5, v9;
	_ =	sdelay $0x1  }
0x5ee: {  	v8 =	vadd.s32 v5, v8;
	_ =	sdelay $0x1  }
0x5ef: {  	s18 =	simm.s32 $0x9600  }
0x5f0: {  	[tilespmem:s18], [sflag:$0x3] =	stream.indirect_vreg.gather [hbm4b:s1+s3], $0x80, v9, vm0, $0xb8;
	[tilespmem:$0x1E600] =	vst v63  }
0x5f1: {  	s19 =	simm.s32 $0x9E00  }
0x5f2: {  	[tilespmem:s19], [sflag:$0x3] =	stream.indirect_vreg.gather [hbm4b:s1+s3], $0x80, v8, vm0, $0xb8;
	[tilespmem:$0x1E600] =	vst v63  }
0x5f3: {  	v8 =	vld [tilespmem:s5+$0x4B40];
	_ =	sdelay $0x4  }
0x5f4: {  	v60 =	vshll.u32 v8, $0x1  }
0x5f5: {  	v8 =	vand.u32 $0x7, v8;
	v9 =	vand.u32 $0xFFFFFFF0, v60  }
0x5f6: {  	v8 =	vor.u32 v8, v9  }
0x5f7: {  	v9 =	vperm.xlane v8, v4;
	_ =	sdelay $0x1  }
0x5f8: {  	v8 =	vperm.xlane v8, v6;
	v9 =	vadd.s32 v5, v9;
	_ =	sdelay $0x1  }
0x5f9: {  	v8 =	vadd.s32 v5, v8;
	_ =	sdelay $0x1  }
0x5fa: {  	s20 =	simm.s32 $0xA600  }
0x5fb: {  	[tilespmem:s20], [sflag:$0x3] =	stream.indirect_vreg.gather [hbm4b:s1+s3], $0x80, v9, vm0, $0xb8;
	[tilespmem:$0x1E600] =	vst v63  }
0x5fc: {  	s21 =	simm.s32 $0xAE00  }
0x5fd: {  	[tilespmem:s21], [sflag:$0x3] =	stream.indirect_vreg.gather [hbm4b:s1+s3], $0x80, v8, vm0, $0xb8;
	[tilespmem:$0x1E600] =	vst v63  }
0x5fe: {  	v8 =	vld [tilespmem:s5+$0x4B50];
	_ =	sdelay $0x4  }
0x5ff: {  	v61 =	vshll.u32 v8, $0x1  }
0x600: {  	v8 =	vand.u32 $0x7, v8;
	v9 =	vand.u32 $0xFFFFFFF0, v61  }
0x601: {  	v8 =	vor.u32 v8, v9  }
0x602: {  	v9 =	vperm.xlane v8, v4;
	_ =	sdelay $0x1  }
0x603: {  	v8 =	vperm.xlane v8, v6;
	v9 =	vadd.s32 v5, v9;
	_ =	sdelay $0x1  }
0x604: {  	v8 =	vadd.s32 v5, v8;
	_ =	sdelay $0x1  }
0x605: {  	s22 =	simm.s32 $0xB600  }
0x606: {  	[tilespmem:s22], [sflag:$0x3] =	stream.indirect_vreg.gather [hbm4b:s1+s3], $0x80, v9, vm0, $0xb8;
	[tilespmem:$0x1E600] =	vst v63  }
0x607: {  	s26 =	simm.s32 $0xBE00  }
0x608: {  	[tilespmem:s26], [sflag:$0x3] =	stream.indirect_vreg.gather [hbm4b:s1+s3], $0x80, v8, vm0, $0xb8;
	[tilespmem:$0x1E600] =	vst v63  }
0x609: {  	v8 =	vld [tilespmem:s5+$0x4B60];
	_ =	sdelay $0x4  }
0x60a: {  	v62 =	vshll.u32 v8, $0x1  }
0x60b: {  	v8 =	vand.u32 $0x7, v8;
	v9 =	vand.u32 $0xFFFFFFF0, v62  }
0x60c: {  	v8 =	vor.u32 v8, v9  }
0x60d: {  	v9 =	vperm.xlane v8, v4;
	_ =	sdelay $0x1  }
0x60e: {  	v8 =	vperm.xlane v8, v6;
	v9 =	vadd.s32 v5, v9;
	_ =	sdelay $0x1  }
0x60f: {  	v8 =	vadd.s32 v5, v8;
	_ =	sdelay $0x1  }
0x610: {  	s28 =	simm.s32 $0xC600  }
0x611: {  	[tilespmem:s28], [sflag:$0x3] =	stream.indirect_vreg.gather [hbm4b:s1+s3], $0x80, v9, vm0, $0xb8;
	[tilespmem:$0x1E600] =	vst v63  }
0x612: {  	s29 =	simm.s32 $0xCE00  }
0x613: {  	[tilespmem:s29], [sflag:$0x3] =	stream.indirect_vreg.gather [hbm4b:s1+s3], $0x80, v8, vm0, $0xb8;
	[tilespmem:$0x1E600] =	vst v63  }
0x614: {  	v8 =	vld [tilespmem:s5+$0x4B70];
	_ =	sdelay $0x4  }
0x615: {  	v63 =	vshll.u32 v8, $0x1  }
0x616: {  	v8 =	vand.u32 $0x7, v8;
	v9 =	vand.u32 $0xFFFFFFF0, v63  }
0x617: {  	v8 =	vor.u32 v8, v9  }
0x618: {  	v9 =	vperm.xlane v8, v4;
	_ =	sdelay $0x1  }
0x619: {  	v8 =	vperm.xlane v8, v6;
	v9 =	vadd.s32 v5, v9;
	_ =	sdelay $0x1  }
0x61a: {  	v8 =	vadd.s32 v5, v8;
	_ =	sdelay $0x1  }
0x61b: {  	s30 =	simm.s32 $0xD600  }
0x61c: {  	[tilespmem:s30], [sflag:$0x3] =	stream.indirect_vreg.gather [hbm4b:s1+s3], $0x80, v9, vm0, $0xb8;
	[tilespmem:$0x1E600] =	vst v63  }
0x61d: {  	s31 =	simm.s32 $0xDE00  }
0x61e: {  	[tilespmem:s31], [sflag:$0x3] =	stream.indirect_vreg.gather [hbm4b:s1+s3], $0x80, v8, vm0, $0xb8;
	[tilespmem:$0x1E600] =	vst v63  }
.LBB2_34:
0x61f: {  	p0 =	seq.s32 s4, $0x0  }
.Ltmp25:
0x620: {  	_ = 	snop;
	(pc) =	sbr.rel @p0 .LBB2_36-.Ltmp25, $4  }
0x621: {  	s0 =	simm.s32 $0x3  }
0x622: {  	_ =	swait.ge [sflag:s0], $0x8000  }
0x623: {  	[sflag:s0] =	ssyncset.done $0x0  }
0x624: {  	[sflag:s0] =	ssyncadd.s32 $0xFFFF8000  }
.LBB2_35:
0x625: {  	s0 =	simm.s32 $0x4  }
0x626: {  	_ =	swait.ge [sflag:s0], $0x8000  }
0x627: {  	[sflag:s0] =	ssyncset.done $0x0  }
0x628: {  	[sflag:s0] =	ssyncadd.s32 $0xFFFF8000  }
.LBB2_36:
0x629: {  	s0 =	sadd.s32 $0xFFFFFFFE, s11  }
0x62a: {  	s2 =	sadd.s32 $0x902, s0  }
0x62b: {  	v8 =	vmov s2  }
0x62c: {  	s0 =	sadd.s32 $0x903, s0;
	v8 =	vand.u32 $0xFFFFFFFE, v8  }
0x62d: {  	v9 =	vmov s0;
	v8 =	vbroadcast v8, $0x0;
	_ =	sdelay $0x1  }
0x62e: {  	s16 =	sshll.u32 s4, $0xF  }
0x62f: {  	s0 =	sor.u32 $0x6600, s16  }
0x630: {  	[dreg:$0x6] =	wrdreg s0  }
0x631: {  	v10 =	vld.idx.msk [tilespmem:v9+s23+$0x0], $0xffff  }
0x632: {  	v11 =	vld.idx.msk [tilespmem:v8+s23+$0x0], $0xffff;
	_ =	sdelay $0x3  }
0x633: {  	(v2sf) =	vpush v10, $0x0  }
0x634: {  	(v2sf) =	vpush v11, $0x0;
	_ =	sdelay $0x7  }
0x635: {  	s17 =	simm.s32 $0x0  }
0x636: {  	s18 =	simm.s32 $0x0;
	s2 =	sand.u32 $0x7800, s17;
	s0 =	rddreg [dreg:$0x6]  }
0x637: {  	s4 =	sand.u32 $0x300, s18;
	s0 =	sadd.s32 s2, s0  }
0x638: {  	s6 =	sadd.s32 s4, s0;
	v10 =	vld.idx.msk [tilespmem:v8+s25+$0x0], $0xffff  }
0x639: {  	v8 =	vld [tilespmem:s6+$0x0];
	_ =	sdelay $0x1  }
0x63a: {  	s19 =	spop (v2sf)  }
0x63b: {  	s20 =	spop (v2sf)  }
0x63c: {  	s5 =	sshll.u32 s20, $0x8;
	s4 =	sshll.u32 s20, $0x7  }
0x63d: {  	v8 =	vmul.f32 v8, v10;
	s5 =	sand.u32 $0xFFFFF800, s5;
	s4 =	sand.u32 $0x380, s4  }
0x63e: {  	s4 =	sor.u32 s4, s5  }
0x63f: {  	s21 =	simm.s32 $0x80;
	[tilespmem:s4+$0x16600] =	vst.add.f32.msk $0xffff, v8  }
0x640: {  	s5 =	sand.u32 $0x380, s21;
	v8 =	vld [tilespmem:s6+$0x10]  }
0x641: {  	v11 =	vld.idx.msk [tilespmem:v9+s25+$0x0], $0xffff;
	s21 =	sadd.s32 s5, s0  }
0x642: {  	v9 =	vld [tilespmem:s21+$0x0];
	_ =	sdelay $0x2  }
0x643: {  	s17 =	sadd.s32 $0x16600, s4;
	v8 =	vmul.f32 v8, v10  }
0x644: {  	s26 =	sshll.u32 s19, $0x8;
	s2 =	sshll.u32 s19, $0x7;
	s22 =	sor.u32 $0x10, s17  }
0x645: {  	s2 =	sand.u32 $0x380, s2;
	s0 =	sand.u32 $0xFFFFF800, s26;
	v9 =	vmul.f32 v9, v11;
	[tilespmem:s22+$0x0] =	vst.add.f32.msk $0xffff, v8  }
0x646: {  	s0 =	sor.u32 s2, s0;
	v8 =	vld [tilespmem:s6+$0x20]  }
0x647: {  	[tilespmem:s0+$0x16600] =	vst.add.f32.msk $0xffff, v9  }
0x648: {  	v9 =	vld [tilespmem:s21+$0x10];
	_ =	sdelay $0x2  }
0x649: {  	v8 =	vmul.f32 v8, v10  }
0x64a: {  	s4 =	sor.u32 $0x20, s17  }
0x64b: {  	s14 =	sadd.s32 $0x16600, s0;
	v9 =	vmul.f32 v9, v11;
	[tilespmem:s4+$0x0] =	vst.add.f32.msk $0xffff, v8  }
0x64c: {  	s0 =	sor.u32 $0x10, s14;
	v8 =	vld [tilespmem:s6+$0x30]  }
0x64d: {  	[tilespmem:s0+$0x0] =	vst.add.f32.msk $0xffff, v9  }
0x64e: {  	v9 =	vld [tilespmem:s21+$0x20];
	_ =	sdelay $0x2  }
0x64f: {  	v8 =	vmul.f32 v8, v10  }
0x650: {  	s5 =	sor.u32 $0x30, s17  }
0x651: {  	v9 =	vmul.f32 v9, v11;
	[tilespmem:s5+$0x0] =	vst.add.f32.msk $0xffff, v8  }
0x652: {  	s7 =	sor.u32 $0x20, s14;
	v8 =	vld [tilespmem:s6+$0x40]  }
0x653: {  	[tilespmem:s7+$0x0] =	vst.add.f32.msk $0xffff, v9  }
0x654: {  	v9 =	vld [tilespmem:s21+$0x30];
	_ =	sdelay $0x2  }
0x655: {  	v8 =	vmul.f32 v8, v10  }
0x656: {  	s8 =	sor.u32 $0x40, s17  }
0x657: {  	s9 =	sadd.s32 $0x0, s11;
	v9 =	vmul.f32 v9, v11;
	[tilespmem:s8+$0x0] =	vst.add.f32.msk $0xffff, v8  }
0x658: {  	s15 =	sadd.s32 $0x902, s9;
	s16 =	sor.u32 $0x30, s14;
	s0 =	sadd.s32 $0x903, s9;
	v8 =	vld [tilespmem:s6+$0x50]  }
0x659: {  	v12 =	vmov s15;
	[tilespmem:s16+$0x0] =	vst.add.f32.msk $0xffff, v9;
	v9 =	vmov s0  }
0x65a: {  	v12 =	vand.u32 $0xFFFFFFFE, v12  }
0x65b: {  	v12 =	vbroadcast v12, $0x0  }
0x65c: {  	v13 =	vld [tilespmem:s21+$0x40]  }
0x65d: {  	v8 =	vmul.f32 v8, v10  }
0x65e: {  	s18 =	sor.u32 $0x50, s17;
	v14 =	vld.idx.msk [tilespmem:v9+s23+$0x0], $0xffff  }
0x65f: {  	[tilespmem:s18+$0x0] =	vst.add.f32.msk $0xffff, v8  }
0x660: {  	v8 =	vld [tilespmem:s6+$0x60]  }
0x661: {  	v15 =	vld.idx.msk [tilespmem:v12+s23+$0x0], $0xffff;
	v13 =	vmul.f32 v13, v11  }
0x662: {  	s19 =	sor.u32 $0x40, s14  }
0x663: {  	[tilespmem:s19+$0x0] =	vst.add.f32.msk $0xffff, v13  }
0x664: {  	v13 =	vld [tilespmem:s21+$0x50]  }
0x665: {  	(v2sf) =	vpush v14, $0x0;
	v8 =	vmul.f32 v8, v10  }
0x666: {  	s20 =	sor.u32 $0x60, s17;
	(v2sf) =	vpush v15, $0x0  }
0x667: {  	[tilespmem:s20+$0x0] =	vst.add.f32.msk $0xffff, v8  }
0x668: {  	v8 =	vld [tilespmem:s6+$0x70]  }
0x669: {  	v13 =	vmul.f32 v13, v11  }
0x66a: {  	s22 =	sor.u32 $0x50, s14  }
0x66b: {  	[tilespmem:s22+$0x0] =	vst.add.f32.msk $0xffff, v13  }
0x66c: {  	v13 =	vld [tilespmem:s21+$0x60]  }
0x66d: {  	v8 =	vmul.f32 v8, v10  }
0x66e: {  	s4 =	sor.u32 $0x70, s17;
	s5 =	simm.s32 $0x200  }
0x66f: {  	s26 =	rddreg [dreg:$0x6];
	s7 =	sand.u32 $0x7800, s5;
	s8 =	simm.s32 $0x100;
	[tilespmem:s4+$0x0] =	vst.add.f32.msk $0xffff, v8  }
0x670: {  	s0 =	sadd.s32 s7, s26;
	s4 =	sand.u32 $0x300, s8;
	v14 =	vld [tilespmem:s6+$0x400]  }
0x671: {  	v8 =	vmul.f32 v13, v11;
	v13 =	vld.idx.msk [tilespmem:v12+s25+$0x0], $0xffff;
	s4 =	sadd.s32 s4, s0  }
0x672: {  	s9 =	sor.u32 $0x60, s14;
	v12 =	vld [tilespmem:s4+$0x0]  }
0x673: {  	s15 =	simm.s32 $0x180;
	[tilespmem:s9+$0x0] =	vst.add.f32.msk $0xffff, v8  }
0x674: {  	s16 =	sand.u32 $0x380, s15;
	s18 =	spop (v2sf);
	v15 =	vld [tilespmem:s21+$0x70]  }
0x675: {  	s15 =	sadd.s32 s16, s0;
	v8 =	vld.idx.msk [tilespmem:v9+s25+$0x0], $0xffff;
	s19 =	spop (v2sf);
	v9 =	vmul.f32 v14, v10  }
0x676: {  	s20 =	sshll.u32 s19, $0x8;
	s0 =	sshll.u32 s19, $0x7;
	v14 =	vld [tilespmem:s15+$0x0]  }
0x677: {  	s2 =	sand.u32 $0xFFFFF800, s20;
	s0 =	sand.u32 $0x380, s0;
	[tilespmem:s17+$0x400] =	vst.add.f32.msk $0xffff, v9;
	v9 =	vmul.f32 v12, v13  }
0x678: {  	s0 =	sor.u32 s0, s2;
	v12 =	vld [tilespmem:s6+$0x410]  }
0x679: {  	v15 =	vmul.f32 v15, v11;
	[tilespmem:s0+$0x16600] =	vst.add.f32.msk $0xffff, v9  }
0x67a: {  	s22 =	sor.u32 $0x70, s14;
	s7 =	sshll.u32 s18, $0x8;
	s5 =	sshll.u32 s18, $0x7;
	v9 =	vld [tilespmem:s4+$0x10]  }
0x67b: {  	s7 =	sand.u32 $0xFFFFF800, s7;
	s5 =	sand.u32 $0x380, s5;
	[tilespmem:s22+$0x0] =	vst.add.f32.msk $0xffff, v15;
	v14 =	vmul.f32 v14, v8  }
0x67c: {  	s26 =	sor.u32 s5, s7;
	v15 =	vld [tilespmem:s21+$0x400]  }
0x67d: {  	[tilespmem:s26+$0x16600] =	vst.add.f32.msk $0xffff, v14;
	v12 =	vmul.f32 v12, v10  }
0x67e: {  	v14 =	vld [tilespmem:s15+$0x10]  }
0x67f: {  	s5 =	sadd.s32 $0x16600, s0;
	[tilespmem:s17+$0x410] =	vst.add.f32.msk $0xffff, v12;
	v9 =	vmul.f32 v9, v13  }
0x680: {  	s0 =	sor.u32 $0x10, s5;
	v12 =	vld [tilespmem:s6+$0x420]  }
0x681: {  	v15 =	vmul.f32 v15, v11;
	[tilespmem:s0+$0x0] =	vst.add.f32.msk $0xffff, v9  }
0x682: {  	v9 =	vld [tilespmem:s4+$0x20]  }
0x683: {  	s16 =	sadd.s32 $0x16600, s26;
	[tilespmem:s14+$0x400] =	vst.add.f32.msk $0xffff, v15;
	v14 =	vmul.f32 v14, v8  }
0x684: {  	s2 =	sor.u32 $0x10, s16;
	v15 =	vld [tilespmem:s21+$0x410]  }
0x685: {  	[tilespmem:s2+$0x0] =	vst.add.f32.msk $0xffff, v14;
	v12 =	vmul.f32 v12, v10  }
0x686: {  	v14 =	vld [tilespmem:s15+$0x20]  }
0x687: {  	[tilespmem:s17+$0x420] =	vst.add.f32.msk $0xffff, v12;
	v9 =	vmul.f32 v9, v13  }
0x688: {  	s7 =	sor.u32 $0x20, s5;
	v12 =	vld [tilespmem:s6+$0x430]  }
0x689: {  	v15 =	vmul.f32 v15, v11;
	[tilespmem:s7+$0x0] =	vst.add.f32.msk $0xffff, v9  }
0x68a: {  	v9 =	vld [tilespmem:s4+$0x30]  }
0x68b: {  	[tilespmem:s14+$0x410] =	vst.add.f32.msk $0xffff, v15;
	v14 =	vmul.f32 v14, v8  }
0x68c: {  	s8 =	sor.u32 $0x20, s16;
	v15 =	vld [tilespmem:s21+$0x420]  }
0x68d: {  	[tilespmem:s8+$0x0] =	vst.add.f32.msk $0xffff, v14;
	v12 =	vmul.f32 v12, v10  }
0x68e: {  	v14 =	vld [tilespmem:s15+$0x30]  }
0x68f: {  	[tilespmem:s17+$0x430] =	vst.add.f32.msk $0xffff, v12;
	v9 =	vmul.f32 v9, v13  }
0x690: {  	s9 =	sor.u32 $0x30, s5;
	v12 =	vld [tilespmem:s6+$0x440]  }
0x691: {  	v15 =	vmul.f32 v15, v11;
	[tilespmem:s9+$0x0] =	vst.add.f32.msk $0xffff, v9  }
0x692: {  	v9 =	vld [tilespmem:s4+$0x40]  }
0x693: {  	[tilespmem:s14+$0x420] =	vst.add.f32.msk $0xffff, v15;
	v14 =	vmul.f32 v14, v8  }
0x694: {  	s18 =	sor.u32 $0x30, s16;
	v15 =	vld [tilespmem:s21+$0x430]  }
0x695: {  	[tilespmem:s18+$0x0] =	vst.add.f32.msk $0xffff, v14;
	v12 =	vmul.f32 v12, v10  }
0x696: {  	v14 =	vld [tilespmem:s15+$0x40]  }
0x697: {  	[tilespmem:s17+$0x440] =	vst.add.f32.msk $0xffff, v12;
	v9 =	vmul.f32 v9, v13  }
0x698: {  	s19 =	sor.u32 $0x40, s5;
	v12 =	vld [tilespmem:s6+$0x450]  }
0x699: {  	v15 =	vmul.f32 v15, v11;
	[tilespmem:s19+$0x0] =	vst.add.f32.msk $0xffff, v9  }
0x69a: {  	v9 =	vld [tilespmem:s4+$0x50]  }
0x69b: {  	s20 =	sadd.s32 $0x2, s11;
	[tilespmem:s14+$0x430] =	vst.add.f32.msk $0xffff, v15;
	v14 =	vmul.f32 v14, v8  }
0x69c: {  	s22 =	sadd.s32 $0x902, s20;
	s2 =	sor.u32 $0x40, s16;
	v15 =	vld [tilespmem:s21+$0x440]  }
0x69d: {  	[tilespmem:s2+$0x0] =	vst.add.f32.msk $0xffff, v14;
	v14 =	vmov s22;
	v12 =	vmul.f32 v12, v10  }
0x69e: {  	s0 =	sadd.s32 $0x903, s20;
	v16 =	vld [tilespmem:s15+$0x50];
	v14 =	vand.u32 $0xFFFFFFFE, v14  }
0x69f: {  	v17 =	vmov s0;
	[tilespmem:s17+$0x450] =	vst.add.f32.msk $0xffff, v12;
	v12 =	vbroadcast v14, $0x0;
	v9 =	vmul.f32 v9, v13  }
0x6a0: {  	s26 =	sor.u32 $0x50, s5;
	v14 =	vld [tilespmem:s6+$0x460]  }
0x6a1: {  	v15 =	vmul.f32 v15, v11;
	[tilespmem:s26+$0x0] =	vst.add.f32.msk $0xffff, v9  }
0x6a2: {  	v9 =	vld [tilespmem:s4+$0x60]  }
0x6a3: {  	[tilespmem:s14+$0x440] =	vst.add.f32.msk $0xffff, v15  }
0x6a4: {  	v15 =	vld.idx.msk [tilespmem:v17+s23+$0x0], $0xffff  }
0x6a5: {  	v14 =	vmul.f32 v14, v10;
	v18 =	vld.idx.msk [tilespmem:v12+s23+$0x0], $0xffff  }
0x6a6: {  	v19 =	vld [tilespmem:s21+$0x450]  }
0x6a7: {  	[tilespmem:s17+$0x460] =	vst.add.f32.msk $0xffff, v14;
	v9 =	vmul.f32 v9, v13  }
0x6a8: {  	s2 =	sor.u32 $0x60, s5;
	v14 =	vld [tilespmem:s6+$0x470]  }
0x6a9: {  	v16 =	vmul.f32 v16, v8;
	(v2sf) =	vpush v15, $0x0;
	[tilespmem:s2+$0x0] =	vst.add.f32.msk $0xffff, v9  }
0x6aa: {  	s6 =	sor.u32 $0x50, s16;
	(v2sf) =	vpush v18, $0x0;
	v15 =	vld [tilespmem:s4+$0x70]  }
0x6ab: {  	[tilespmem:s6+$0x0] =	vst.add.f32.msk $0xffff, v16  }
0x6ac: {  	v16 =	vld [tilespmem:s15+$0x60]  }
0x6ad: {  	v18 =	vmul.f32 v19, v11  }
0x6ae: {  	v9 =	vld.idx.msk [tilespmem:v17+s25+$0x0], $0xffff;
	v10 =	vmul.f32 v14, v10  }
0x6af: {  	[tilespmem:s14+$0x450] =	vst.add.f32.msk $0xffff, v18;
	v14 =	vmul.f32 v15, v13  }
0x6b0: {  	s7 =	sor.u32 $0x70, s5;
	[tilespmem:s17+$0x470] =	vst.add.f32.msk $0xffff, v10  }
0x6b1: {  	v10 =	vmul.f32 v16, v8;
	[tilespmem:s7+$0x0] =	vst.add.f32.msk $0xffff, v14  }
0x6b2: {  	s9 =	sor.u32 $0x60, s16;
	s17 =	simm.s32 $0x400;
	v14 =	vld [tilespmem:s4+$0x400]  }
0x6b3: {  	s8 =	rddreg [dreg:$0x6];
	s18 =	simm.s32 $0x200;
	s6 =	sand.u32 $0x7800, s17;
	[tilespmem:s9+$0x0] =	vst.add.f32.msk $0xffff, v10  }
0x6b4: {  	s19 =	sand.u32 $0x300, s18;
	s2 =	sadd.s32 s6, s8;
	v15 =	vld [tilespmem:s15+$0x70]  }
0x6b5: {  	s20 =	simm.s32 $0x280;
	v10 =	vld.idx.msk [tilespmem:v12+s25+$0x0], $0xffff;
	s18 =	sadd.s32 s19, s2  }
0x6b6: {  	s22 =	sand.u32 $0x380, s20;
	v12 =	vld [tilespmem:s18+$0x0]  }
0x6b7: {  	v16 =	vld [tilespmem:s21+$0x460];
	s17 =	sadd.s32 s22, s2;
	v14 =	vmul.f32 v14, v13  }
0x6b8: {  	v17 =	vld [tilespmem:s17+$0x0];
	s26 =	spop (v2sf)  }
0x6b9: {  	s8 =	spop (v2sf);
	[tilespmem:s5+$0x400] =	vst.add.f32.msk $0xffff, v14;
	v14 =	vmul.f32 v15, v8  }
0x6ba: {  	s9 =	sor.u32 $0x70, s16;
	s19 =	sshll.u32 s8, $0x8;
	s2 =	sshll.u32 s8, $0x7;
	v15 =	vld [tilespmem:s4+$0x410]  }
0x6bb: {  	v12 =	vmul.f32 v12, v10;
	s7 =	sand.u32 $0xFFFFF800, s19;
	s2 =	sand.u32 $0x380, s2;
	[tilespmem:s9+$0x0] =	vst.add.f32.msk $0xffff, v14  }
0x6bc: {  	s20 =	sshll.u32 s26, $0x8;
	s0 =	sshll.u32 s26, $0x7;
	s2 =	sor.u32 s2, s7;
	v14 =	vld [tilespmem:s15+$0x400]  }
0x6bd: {  	s6 =	sand.u32 $0xFFFFF800, s20;
	s0 =	sand.u32 $0x380, s0;
	v17 =	vmul.f32 v17, v9;
	[tilespmem:s2+$0x16600] =	vst.add.f32.msk $0xffff, v12  }
0x6be: {  	s0 =	sor.u32 s0, s6;
	v12 =	vld [tilespmem:s18+$0x10]  }
0x6bf: {  	[tilespmem:s0+$0x16600] =	vst.add.f32.msk $0xffff, v17;
	v15 =	vmul.f32 v15, v13  }
0x6c0: {  	v17 =	vld [tilespmem:s17+$0x10]  }
0x6c1: {  	[tilespmem:s5+$0x410] =	vst.add.f32.msk $0xffff, v15;
	v14 =	vmul.f32 v14, v8  }
0x6c2: {  	v15 =	vld [tilespmem:s4+$0x420]  }
0x6c3: {  	s20 =	sadd.s32 $0x16600, s2;
	v12 =	vmul.f32 v12, v10;
	[tilespmem:s16+$0x400] =	vst.add.f32.msk $0xffff, v14  }
0x6c4: {  	s2 =	sor.u32 $0x10, s20;
	v14 =	vld [tilespmem:s15+$0x410]  }
0x6c5: {  	s19 =	sadd.s32 $0x16600, s0;
	[tilespmem:s2+$0x0] =	vst.add.f32.msk $0xffff, v12;
	v12 =	vmul.f32 v17, v9  }
0x6c6: {  	s0 =	sor.u32 $0x10, s19;
	v17 =	vld [tilespmem:s18+$0x20]  }
0x6c7: {  	[tilespmem:s0+$0x0] =	vst.add.f32.msk $0xffff, v12;
	v12 =	vmul.f32 v15, v13  }
0x6c8: {  	v15 =	vld [tilespmem:s17+$0x20]  }
0x6c9: {  	[tilespmem:s5+$0x420] =	vst.add.f32.msk $0xffff, v12;
	v12 =	vmul.f32 v14, v8  }
0x6ca: {  	v14 =	vld [tilespmem:s4+$0x430]  }
0x6cb: {  	v17 =	vmul.f32 v17, v10;
	[tilespmem:s16+$0x410] =	vst.add.f32.msk $0xffff, v12  }
0x6cc: {  	s22 =	sor.u32 $0x20, s20;
	v12 =	vld [tilespmem:s15+$0x420]  }
0x6cd: {  	[tilespmem:s22+$0x0] =	vst.add.f32.msk $0xffff, v17;
	v15 =	vmul.f32 v15, v9  }
0x6ce: {  	s26 =	sor.u32 $0x20, s19;
	v17 =	vld [tilespmem:s18+$0x30]  }
0x6cf: {  	[tilespmem:s26+$0x0] =	vst.add.f32.msk $0xffff, v15;
	v14 =	vmul.f32 v14, v13  }
0x6d0: {  	v15 =	vld [tilespmem:s17+$0x30]  }
0x6d1: {  	[tilespmem:s5+$0x430] =	vst.add.f32.msk $0xffff, v14;
	v12 =	vmul.f32 v12, v8  }
0x6d2: {  	v14 =	vld [tilespmem:s4+$0x440]  }
0x6d3: {  	v17 =	vmul.f32 v17, v10;
	[tilespmem:s16+$0x420] =	vst.add.f32.msk $0xffff, v12  }
0x6d4: {  	s2 =	sor.u32 $0x30, s20;
	v12 =	vld [tilespmem:s15+$0x430]  }
0x6d5: {  	[tilespmem:s2+$0x0] =	vst.add.f32.msk $0xffff, v17;
	v15 =	vmul.f32 v15, v9  }
0x6d6: {  	s6 =	sor.u32 $0x30, s19;
	v17 =	vld [tilespmem:s18+$0x40]  }
0x6d7: {  	[tilespmem:s6+$0x0] =	vst.add.f32.msk $0xffff, v15;
	v14 =	vmul.f32 v14, v13  }
0x6d8: {  	v15 =	vld [tilespmem:s17+$0x40]  }
0x6d9: {  	[tilespmem:s5+$0x440] =	vst.add.f32.msk $0xffff, v14;
	v12 =	vmul.f32 v12, v8  }
0x6da: {  	v14 =	vld [tilespmem:s4+$0x450]  }
0x6db: {  	v17 =	vmul.f32 v17, v10;
	[tilespmem:s16+$0x430] =	vst.add.f32.msk $0xffff, v12  }
0x6dc: {  	s7 =	sor.u32 $0x40, s20;
	v12 =	vld [tilespmem:s15+$0x440]  }
0x6dd: {  	v16 =	vmul.f32 v16, v11;
	[tilespmem:s7+$0x0] =	vst.add.f32.msk $0xffff, v17  }
0x6de: {  	v15 =	vmul.f32 v15, v9;
	v17 =	vld [tilespmem:s18+$0x50]  }
0x6df: {  	[tilespmem:s14+$0x460] =	vst.add.f32.msk $0xffff, v16;
	s9 =	sadd.s32 $0x4, s11;
	s8 =	sor.u32 $0x40, s19  }
0x6e0: {  	s22 =	sadd.s32 $0x902, s9;
	[tilespmem:s8+$0x0] =	vst.add.f32.msk $0xffff, v15;
	v14 =	vmul.f32 v14, v13  }
0x6e1: {  	v15 =	vmov s22;
	v16 =	vld [tilespmem:s17+$0x50]  }
0x6e2: {  	s26 =	sadd.s32 $0x903, s9;
	v15 =	vand.u32 $0xFFFFFFFE, v15;
	[tilespmem:s5+$0x450] =	vst.add.f32.msk $0xffff, v14;
	v12 =	vmul.f32 v12, v8  }
0x6e3: {  	v14 =	vmov s26;
	v15 =	vbroadcast v15, $0x0;
	v18 =	vld [tilespmem:s4+$0x460];
	v17 =	vmul.f32 v17, v10  }
0x6e4: {  	s2 =	sor.u32 $0x50, s20;
	[tilespmem:s16+$0x440] =	vst.add.f32.msk $0xffff, v12  }
0x6e5: {  	[tilespmem:s2+$0x0] =	vst.add.f32.msk $0xffff, v17  }
0x6e6: {  	v12 =	vld [tilespmem:s18+$0x60]  }
0x6e7: {  	v17 =	vld [tilespmem:s15+$0x450]  }
0x6e8: {  	v19 =	vld.idx.msk [tilespmem:v14+s23+$0x0], $0xffff;
	v18 =	vmul.f32 v18, v13  }
0x6e9: {  	v20 =	vld.idx.msk [tilespmem:v15+s23+$0x0], $0xffff  }
0x6ea: {  	[tilespmem:s5+$0x460] =	vst.add.f32.msk $0xffff, v18  }
0x6eb: {  	v18 =	vld [tilespmem:s4+$0x470];
	v21 =	vmul.f32 v12, v10  }
0x6ec: {  	s6 =	sor.u32 $0x60, s20;
	v12 =	vld.idx.msk [tilespmem:v14+s25+$0x0], $0xffff;
	v14 =	vmul.f32 v16, v9  }
0x6ed: {  	s7 =	sor.u32 $0x50, s19;
	[tilespmem:s6+$0x0] =	vst.add.f32.msk $0xffff, v21  }
0x6ee: {  	[tilespmem:s7+$0x0] =	vst.add.f32.msk $0xffff, v14  }
0x6ef: {  	v16 =	vld [tilespmem:s18+$0x70]  }
0x6f0: {  	v17 =	vmul.f32 v17, v8;
	(v2sf) =	vpush v19, $0x0;
	v14 =	vld [tilespmem:s17+$0x60]  }
0x6f1: {  	(v2sf) =	vpush v20, $0x0  }
0x6f2: {  	[tilespmem:s16+$0x450] =	vst.add.f32.msk $0xffff, v17;
	v13 =	vmul.f32 v18, v13  }
0x6f3: {  	v17 =	vld [tilespmem:s15+$0x460]  }
0x6f4: {  	[tilespmem:s5+$0x470] =	vst.add.f32.msk $0xffff, v13;
	v13 =	vmul.f32 v16, v10  }
0x6f5: {  	s8 =	sor.u32 $0x70, s20;
	v16 =	vld [tilespmem:s21+$0x470];
	v14 =	vmul.f32 v14, v9  }
0x6f6: {  	s21 =	sor.u32 $0x60, s19;
	[tilespmem:s8+$0x0] =	vst.add.f32.msk $0xffff, v13  }
0x6f7: {  	[tilespmem:s21+$0x0] =	vst.add.f32.msk $0xffff, v14  }
0x6f8: {  	s5 =	simm.s32 $0x600;
	v18 =	vld [tilespmem:s18+$0x400]  }
0x6f9: {  	s9 =	rddreg [dreg:$0x6];
	s26 =	simm.s32 $0x300;
	s22 =	sand.u32 $0x7800, s5;
	v14 =	vld [tilespmem:s17+$0x70]  }
0x6fa: {  	s6 =	simm.s32 $0x380;
	s7 =	sand.u32 $0x300, s26;
	s2 =	sadd.s32 s22, s9  }
0x6fb: {  	s4 =	sadd.s32 s7, s2;
	s8 =	sand.u32 $0x380, s6;
	v13 =	vld.idx.msk [tilespmem:v15+s25+$0x0], $0xffff  }
0x6fc: {  	v15 =	vmul.f32 v17, v8;
	v17 =	vld [tilespmem:s4+$0x0];
	s21 =	sadd.s32 s8, s2  }
0x6fd: {  	v19 =	vld [tilespmem:s21+$0x0];
	v18 =	vmul.f32 v18, v10  }
0x6fe: {  	[tilespmem:s16+$0x460] =	vst.add.f32.msk $0xffff, v15;
	v14 =	vmul.f32 v14, v9  }
0x6ff: {  	s22 =	sor.u32 $0x70, s19;
	s0 =	spop (v2sf);
	[tilespmem:s20+$0x400] =	vst.add.f32.msk $0xffff, v18  }
0x700: {  	s9 =	spop (v2sf);
	[tilespmem:s22+$0x0] =	vst.add.f32.msk $0xffff, v14  }
0x701: {  	s26 =	sshll.u32 s0, $0x8;
	s8 =	sshll.u32 s9, $0x8;
	s2 =	sshll.u32 s9, $0x7;
	v15 =	vld [tilespmem:s18+$0x410]  }
0x702: {  	v17 =	vmul.f32 v17, v13;
	s0 =	sshll.u32 s0, $0x7;
	s8 =	sand.u32 $0xFFFFF800, s8;
	s2 =	sand.u32 $0x380, s2;
	v14 =	vld [tilespmem:s17+$0x400]  }
0x703: {  	s7 =	sand.u32 $0xFFFFF800, s26;
	s0 =	sand.u32 $0x380, s0;
	v18 =	vmul.f32 v19, v12;
	s2 =	sor.u32 s2, s8  }
0x704: {  	s0 =	sor.u32 s0, s7;
	[tilespmem:s2+$0x16600] =	vst.add.f32.msk $0xffff, v17  }
0x705: {  	[tilespmem:s0+$0x16600] =	vst.add.f32.msk $0xffff, v18  }
0x706: {  	v17 =	vld [tilespmem:s4+$0x10];
	v15 =	vmul.f32 v15, v10  }
0x707: {  	v18 =	vld [tilespmem:s21+$0x10];
	v14 =	vmul.f32 v14, v9  }
0x708: {  	[tilespmem:s20+$0x410] =	vst.add.f32.msk $0xffff, v15  }
0x709: {  	[tilespmem:s19+$0x400] =	vst.add.f32.msk $0xffff, v14  }
0x70a: {  	v15 =	vld [tilespmem:s18+$0x420]  }
0x70b: {  	s26 =	sadd.s32 $0x16600, s2;
	v17 =	vmul.f32 v17, v13;
	v14 =	vld [tilespmem:s17+$0x410]  }
0x70c: {  	s2 =	sor.u32 $0x10, s26  }
0x70d: {  	s22 =	sadd.s32 $0x16600, s0;
	[tilespmem:s2+$0x0] =	vst.add.f32.msk $0xffff, v17;
	v17 =	vmul.f32 v18, v12  }
0x70e: {  	s0 =	sor.u32 $0x10, s22;
	v18 =	vld [tilespmem:s4+$0x20]  }
0x70f: {  	[tilespmem:s0+$0x0] =	vst.add.f32.msk $0xffff, v17;
	v15 =	vmul.f32 v15, v10  }
0x710: {  	v17 =	vld [tilespmem:s21+$0x20];
	v14 =	vmul.f32 v14, v9  }
0x711: {  	[tilespmem:s20+$0x420] =	vst.add.f32.msk $0xffff, v15  }
0x712: {  	[tilespmem:s19+$0x410] =	vst.add.f32.msk $0xffff, v14  }
0x713: {  	v15 =	vld [tilespmem:s18+$0x430]  }
0x714: {  	v18 =	vmul.f32 v18, v13;
	v14 =	vld [tilespmem:s17+$0x420]  }
0x715: {  	s9 =	sor.u32 $0x20, s26  }
0x716: {  	[tilespmem:s9+$0x0] =	vst.add.f32.msk $0xffff, v18;
	v17 =	vmul.f32 v17, v12  }
0x717: {  	s2 =	sor.u32 $0x20, s22;
	v18 =	vld [tilespmem:s4+$0x30]  }
0x718: {  	[tilespmem:s2+$0x0] =	vst.add.f32.msk $0xffff, v17;
	v15 =	vmul.f32 v15, v10  }
0x719: {  	v17 =	vld [tilespmem:s21+$0x30];
	v14 =	vmul.f32 v14, v9  }
0x71a: {  	[tilespmem:s20+$0x430] =	vst.add.f32.msk $0xffff, v15  }
0x71b: {  	[tilespmem:s19+$0x420] =	vst.add.f32.msk $0xffff, v14  }
0x71c: {  	v18 =	vmul.f32 v18, v13;
	v15 =	vld [tilespmem:s18+$0x440]  }
0x71d: {  	s7 =	sor.u32 $0x30, s26;
	v14 =	vld [tilespmem:s17+$0x430]  }
0x71e: {  	[tilespmem:s7+$0x0] =	vst.add.f32.msk $0xffff, v18  }
0x71f: {  	v17 =	vmul.f32 v17, v12;
	v18 =	vld [tilespmem:s4+$0x40]  }
0x720: {  	s8 =	sor.u32 $0x30, s22  }
0x721: {  	[tilespmem:s8+$0x0] =	vst.add.f32.msk $0xffff, v17;
	v15 =	vmul.f32 v15, v10  }
0x722: {  	v17 =	vld [tilespmem:s21+$0x40]  }
0x723: {  	[tilespmem:s20+$0x440] =	vst.add.f32.msk $0xffff, v15;
	v15 =	vmul.f32 v14, v9  }
0x724: {  	v18 =	vmul.f32 v18, v13;
	v14 =	vld [tilespmem:s18+$0x450]  }
0x725: {  	s9 =	sor.u32 $0x40, s26;
	[tilespmem:s19+$0x430] =	vst.add.f32.msk $0xffff, v15  }
0x726: {  	s28 =	simm.s32 $0x6;
	s31 =	sor.u32 $0x40, s22;
	[tilespmem:s9+$0x0] =	vst.add.f32.msk $0xffff, v18  }
0x727: {  	v11 =	vmul.f32 v16, v11;
	s30 =	sor.u32 $0x60, s22;
	s29 =	sor.u32 $0x70, s22;
	s0 =	sor.u32 $0x50, s22;
	v16 =	vmul.f32 v17, v12;
	v15 =	vld [tilespmem:s17+$0x440]  }
.LBB2_37:
0x728: {  	v17 =	vld [tilespmem:s4+$0x50];
	_ =	sdelay $0x1  }
0x729: {  	s2 =	sadd.s32 s28, s11  }
0x72a: {  	s7 =	sadd.s32 $0x902, s2;
	[tilespmem:s31+$0x0] =	vst.add.f32.msk $0xffff, v16;
	v14 =	vmul.f32 v14, v10  }
0x72b: {  	v16 =	vmov s7;
	v19 =	vld [tilespmem:s21+$0x50]  }
0x72c: {  	s2 =	sadd.s32 $0x903, s2;
	v16 =	vand.u32 $0xFFFFFFFE, v16;
	v17 =	vmul.f32 v17, v13;
	[tilespmem:s20+$0x450] =	vst.add.f32.msk $0xffff, v14  }
0x72d: {  	v18 =	vmov s2;
	s7 =	sor.u32 $0x50, s26;
	v14 =	vmul.f32 v15, v9;
	v15 =	vbroadcast v16, $0x0;
	v16 =	vld [tilespmem:s18+$0x460]  }
0x72e: {  	[tilespmem:s7+$0x0] =	vst.add.f32.msk $0xffff, v17  }
0x72f: {  	[tilespmem:s19+$0x440] =	vst.add.f32.msk $0xffff, v14  }
0x730: {  	v17 =	vmul.f32 v19, v12;
	v19 =	vld [tilespmem:s4+$0x60]  }
0x731: {  	v14 =	vld [tilespmem:s17+$0x450]  }
0x732: {  	v20 =	vld.idx.msk [tilespmem:v18+s23+$0x0], $0xffff  }
0x733: {  	v18 =	vld.idx.msk [tilespmem:v18+s25+$0x0], $0xffff;
	v16 =	vmul.f32 v16, v10  }
0x734: {  	v21 =	vld.idx.msk [tilespmem:v15+s23+$0x0], $0xffff  }
0x735: {  	[tilespmem:s20+$0x460] =	vst.add.f32.msk $0xffff, v16  }
0x736: {  	v19 =	vmul.f32 v19, v13;
	v16 =	vld [tilespmem:s18+$0x470]  }
0x737: {  	s8 =	sor.u32 $0x60, s26;
	[tilespmem:s0+$0x0] =	vst.add.f32.msk $0xffff, v17  }
0x738: {  	(v2sf) =	vpush v20, $0x0;
	s18 =	smov.u32 s4;
	[tilespmem:s8+$0x0] =	vst.add.f32.msk $0xffff, v19  }
0x739: {  	v14 =	vmul.f32 v14, v9;
	v17 =	vld [tilespmem:s18+$0x70];
	(v2sf) =	vpush v21, $0x0  }
0x73a: {  	v19 =	vld [tilespmem:s21+$0x60]  }
0x73b: {  	[tilespmem:s19+$0x450] =	vst.add.f32.msk $0xffff, v14;
	v16 =	vmul.f32 v16, v10  }
0x73c: {  	v10 =	vmov v13;
	v13 =	vld [tilespmem:s17+$0x460]  }
0x73d: {  	[tilespmem:s20+$0x470] =	vst.add.f32.msk $0xffff, v16  }
0x73e: {  	v14 =	vmul.f32 v17, v10;
	s20 =	smov.u32 s26;
	v16 =	vld [tilespmem:s15+$0x470]  }
0x73f: {  	[tilespmem:s14+$0x470] =	vst.add.f32.msk $0xffff, v11;
	s9 =	sor.u32 $0x70, s20  }
0x740: {  	s6 =	sadd.s32 $0x100, s6;
	v17 =	vmul.f32 v19, v12;
	[tilespmem:s9+$0x0] =	vst.add.f32.msk $0xffff, v14  }
0x741: {  	s5 =	sadd.s32 $0x200, s5;
	s7 =	sadd.s32 $0xFFFFFF80, s6;
	s15 =	smov.u32 s17;
	v14 =	vld [tilespmem:s18+$0x400]  }
0x742: {  	s17 =	smov.u32 s21;
	s21 =	rddreg [dreg:$0x6];
	s26 =	sand.u32 $0x7800, s5;
	[tilespmem:s30+$0x0] =	vst.add.f32.msk $0xffff, v17  }
0x743: {  	s4 =	sand.u32 $0x300, s7;
	s0 =	sadd.s32 s26, s21;
	v19 =	vld [tilespmem:s17+$0x70]  }
0x744: {  	s8 =	sand.u32 $0x380, s6;
	s4 =	sadd.s32 s4, s0;
	v17 =	vmul.f32 v13, v9;
	v13 =	vld.idx.msk [tilespmem:v15+s25+$0x0], $0xffff  }
0x745: {  	s21 =	sadd.s32 s8, s0;
	v15 =	vld [tilespmem:s4+$0x0]  }
0x746: {  	s14 =	smov.u32 s16;
	s16 =	smov.u32 s19;
	v11 =	vmul.f32 v16, v8;
	v16 =	vld [tilespmem:s21+$0x0];
	v14 =	vmul.f32 v14, v10  }
0x747: {  	v8 =	vmov v9;
	v9 =	vmov v12;
	[tilespmem:s16+$0x460] =	vst.add.f32.msk $0xffff, v17;
	s9 =	spop (v2sf)  }
0x748: {  	s26 =	spop (v2sf);
	[tilespmem:s20+$0x400] =	vst.add.f32.msk $0xffff, v14;
	v14 =	vmul.f32 v19, v9  }
0x749: {  	s8 =	sshll.u32 s26, $0x8;
	s7 =	sshll.u32 s26, $0x7;
	v17 =	vld [tilespmem:s18+$0x410]  }
0x74a: {  	s19 =	smov.u32 s22;
	v12 =	vmov v18;
	v15 =	vmul.f32 v15, v13;
	s8 =	sand.u32 $0xFFFFF800, s8;
	s7 =	sand.u32 $0x380, s7;
	[tilespmem:s29+$0x0] =	vst.add.f32.msk $0xffff, v14  }
0x74b: {  	s22 =	sshll.u32 s9, $0x8;
	s0 =	sshll.u32 s9, $0x7;
	v14 =	vmul.f32 v16, v12;
	s7 =	sor.u32 s7, s8;
	v16 =	vld [tilespmem:s17+$0x400]  }
0x74c: {  	s2 =	sand.u32 $0xFFFFF800, s22;
	s0 =	sand.u32 $0x380, s0;
	[tilespmem:s7+$0x16600] =	vst.add.f32.msk $0xffff, v15  }
0x74d: {  	s0 =	sor.u32 s0, s2;
	v15 =	vld [tilespmem:s4+$0x10]  }
0x74e: {  	[tilespmem:s0+$0x16600] =	vst.add.f32.msk $0xffff, v14;
	v14 =	vmul.f32 v17, v10  }
0x74f: {  	v17 =	vld [tilespmem:s21+$0x10]  }
0x750: {  	[tilespmem:s20+$0x410] =	vst.add.f32.msk $0xffff, v14;
	v14 =	vmul.f32 v16, v9  }
0x751: {  	v16 =	vld [tilespmem:s18+$0x420]  }
0x752: {  	s26 =	sadd.s32 $0x16600, s7;
	v15 =	vmul.f32 v15, v13;
	[tilespmem:s19+$0x400] =	vst.add.f32.msk $0xffff, v14  }
0x753: {  	s7 =	sor.u32 $0x10, s26;
	v14 =	vld [tilespmem:s17+$0x410]  }
0x754: {  	s22 =	sadd.s32 $0x16600, s0;
	[tilespmem:s7+$0x0] =	vst.add.f32.msk $0xffff, v15;
	v15 =	vmul.f32 v17, v12  }
0x755: {  	s2 =	sor.u32 $0x10, s22;
	v17 =	vld [tilespmem:s4+$0x20]  }
0x756: {  	[tilespmem:s2+$0x0] =	vst.add.f32.msk $0xffff, v15;
	v15 =	vmul.f32 v16, v10  }
0x757: {  	v16 =	vld [tilespmem:s21+$0x20]  }
0x758: {  	[tilespmem:s20+$0x420] =	vst.add.f32.msk $0xffff, v15;
	v14 =	vmul.f32 v14, v9  }
0x759: {  	v15 =	vld [tilespmem:s18+$0x430]  }
0x75a: {  	v17 =	vmul.f32 v17, v13;
	[tilespmem:s19+$0x410] =	vst.add.f32.msk $0xffff, v14  }
0x75b: {  	s7 =	sor.u32 $0x20, s26;
	v14 =	vld [tilespmem:s17+$0x420]  }
0x75c: {  	[tilespmem:s7+$0x0] =	vst.add.f32.msk $0xffff, v17;
	v16 =	vmul.f32 v16, v12  }
0x75d: {  	s8 =	sor.u32 $0x20, s22;
	v17 =	vld [tilespmem:s4+$0x30]  }
0x75e: {  	[tilespmem:s8+$0x0] =	vst.add.f32.msk $0xffff, v16;
	v15 =	vmul.f32 v15, v10  }
0x75f: {  	v16 =	vld [tilespmem:s21+$0x30]  }
0x760: {  	[tilespmem:s20+$0x430] =	vst.add.f32.msk $0xffff, v15;
	v14 =	vmul.f32 v14, v9  }
0x761: {  	v15 =	vld [tilespmem:s18+$0x440]  }
0x762: {  	v17 =	vmul.f32 v17, v13;
	[tilespmem:s19+$0x420] =	vst.add.f32.msk $0xffff, v14  }
0x763: {  	s8 =	sor.u32 $0x30, s26;
	v14 =	vld [tilespmem:s17+$0x430]  }
0x764: {  	[tilespmem:s8+$0x0] =	vst.add.f32.msk $0xffff, v17;
	v16 =	vmul.f32 v16, v12  }
0x765: {  	s9 =	sor.u32 $0x30, s22;
	v17 =	vld [tilespmem:s4+$0x40]  }
0x766: {  	s28 =	sadd.s32 $0x2, s28;
	[tilespmem:s9+$0x0] =	vst.add.f32.msk $0xffff, v16;
	v15 =	vmul.f32 v15, v10  }
0x767: {  	p0 =	slt.u32 s28, $0x7E;
	v16 =	vld [tilespmem:s21+$0x40]  }
.Ltmp26:
0x768: {  	[tilespmem:s20+$0x440] =	vst.add.f32.msk $0xffff, v15;
	v15 =	vmul.f32 v14, v9;
	(pc) =	sbr.rel @p0 .LBB2_37-.Ltmp26, $4  }
0x769: {  	v14 =	vld [tilespmem:s18+$0x450]  }
0x76a: {  	v17 =	vmul.f32 v17, v13;
	[tilespmem:s19+$0x430] =	vst.add.f32.msk $0xffff, v15  }
0x76b: {  	s31 =	sor.u32 $0x40, s22;
	s9 =	sor.u32 $0x40, s26;
	v15 =	vld [tilespmem:s17+$0x440]  }
0x76c: {  	s30 =	sor.u32 $0x60, s22;
	s29 =	sor.u32 $0x70, s22;
	s0 =	sor.u32 $0x50, s22;
	[tilespmem:s9+$0x0] =	vst.add.f32.msk $0xffff, v17;
	v16 =	vmul.f32 v16, v12  }
0x76d: {  	v17 =	vld [tilespmem:s4+$0x50];
	_ =	sdelay $0x4  }
0x76e: {  	[tilespmem:s31+$0x0] =	vst.add.f32.msk $0xffff, v16;
	v17 =	vmul.f32 v17, v13  }
0x76f: {  	s2 =	sor.u32 $0x50, s26;
	v16 =	vld [tilespmem:s21+$0x50]  }
0x770: {  	[tilespmem:s2+$0x0] =	vst.add.f32.msk $0xffff, v17  }
0x771: {  	v17 =	vld [tilespmem:s4+$0x60];
	_ =	sdelay $0x2  }
0x772: {  	v16 =	vmul.f32 v16, v12;
	_ =	sdelay $0x1  }
0x773: {  	[tilespmem:s0+$0x0] =	vst.add.f32.msk $0xffff, v16;
	v17 =	vmul.f32 v17, v13  }
0x774: {  	s28 =	sor.u32 $0x60, s26;
	v16 =	vld [tilespmem:s21+$0x60]  }
0x775: {  	[tilespmem:s28+$0x0] =	vst.add.f32.msk $0xffff, v17  }
0x776: {  	v17 =	vld [tilespmem:s4+$0x70];
	_ =	sdelay $0x2  }
0x777: {  	v16 =	vmul.f32 v16, v12;
	_ =	sdelay $0x1  }
0x778: {  	[tilespmem:s30+$0x0] =	vst.add.f32.msk $0xffff, v16;
	v17 =	vmul.f32 v17, v13  }
0x779: {  	s31 =	sor.u32 $0x70, s26;
	v16 =	vld [tilespmem:s21+$0x70]  }
0x77a: {  	[tilespmem:s31+$0x0] =	vst.add.f32.msk $0xffff, v17  }
0x77b: {  	v17 =	vld [tilespmem:s4+$0x400];
	_ =	sdelay $0x2  }
0x77c: {  	v16 =	vmul.f32 v16, v12;
	_ =	sdelay $0x1  }
0x77d: {  	[tilespmem:s29+$0x0] =	vst.add.f32.msk $0xffff, v16;
	v17 =	vmul.f32 v17, v13  }
0x77e: {  	v16 =	vld [tilespmem:s21+$0x400]  }
0x77f: {  	[tilespmem:s26+$0x400] =	vst.add.f32.msk $0xffff, v17  }
0x780: {  	v17 =	vld [tilespmem:s4+$0x410];
	_ =	sdelay $0x2  }
0x781: {  	v16 =	vmul.f32 v16, v12;
	_ =	sdelay $0x1  }
0x782: {  	[tilespmem:s22+$0x400] =	vst.add.f32.msk $0xffff, v16;
	v17 =	vmul.f32 v17, v13  }
0x783: {  	v16 =	vld [tilespmem:s21+$0x410]  }
0x784: {  	[tilespmem:s26+$0x410] =	vst.add.f32.msk $0xffff, v17  }
0x785: {  	v17 =	vld [tilespmem:s4+$0x420];
	_ =	sdelay $0x2  }
0x786: {  	v16 =	vmul.f32 v16, v12;
	_ =	sdelay $0x1  }
0x787: {  	[tilespmem:s22+$0x410] =	vst.add.f32.msk $0xffff, v16;
	v17 =	vmul.f32 v17, v13  }
0x788: {  	v16 =	vld [tilespmem:s21+$0x420]  }
0x789: {  	[tilespmem:s26+$0x420] =	vst.add.f32.msk $0xffff, v17  }
0x78a: {  	v17 =	vld [tilespmem:s4+$0x430];
	_ =	sdelay $0x2  }
0x78b: {  	v16 =	vmul.f32 v16, v12;
	_ =	sdelay $0x1  }
0x78c: {  	[tilespmem:s22+$0x420] =	vst.add.f32.msk $0xffff, v16;
	v17 =	vmul.f32 v17, v13  }
0x78d: {  	v16 =	vld [tilespmem:s21+$0x430]  }
0x78e: {  	[tilespmem:s26+$0x430] =	vst.add.f32.msk $0xffff, v17  }
0x78f: {  	v17 =	vld [tilespmem:s4+$0x440]  }
0x790: {  	v15 =	vmul.f32 v15, v9  }
0x791: {  	v58 =	vld [tilespmem:s15+$0x470]  }
0x792: {  	[tilespmem:s19+$0x440] =	vst.add.f32.msk $0xffff, v15;
	v16 =	vmul.f32 v16, v12  }
0x793: {  	v49 =	vld [tilespmem:s17+$0x450]  }
0x794: {  	[tilespmem:s22+$0x430] =	vst.add.f32.msk $0xffff, v16;
	v48 =	vmul.f32 v17, v13  }
0x795: {  	v16 =	vld [tilespmem:s21+$0x440]  }
0x796: {  	v14 =	vmul.f32 v14, v10;
	[tilespmem:s26+$0x440] =	vst.add.f32.msk $0xffff, v48  }
0x797: {  	v51 =	vld [tilespmem:s4+$0x450]  }
0x798: {  	[tilespmem:s20+$0x450] =	vst.add.f32.msk $0xffff, v14;
	v52 =	vmul.f32 v49, v9  }
0x799: {  	v53 =	vld [tilespmem:s18+$0x460]  }
0x79a: {  	[tilespmem:s19+$0x450] =	vst.add.f32.msk $0xffff, v52;
	v50 =	vmul.f32 v16, v12  }
0x79b: {  	v55 =	vld [tilespmem:s17+$0x460]  }
0x79c: {  	[tilespmem:s22+$0x440] =	vst.add.f32.msk $0xffff, v50;
	v54 =	vmul.f32 v51, v13  }
0x79d: {  	v15 =	vld [tilespmem:s21+$0x450]  }
0x79e: {  	v17 =	vmul.f32 v53, v10;
	[tilespmem:s26+$0x450] =	vst.add.f32.msk $0xffff, v54  }
0x79f: {  	v57 =	vld [tilespmem:s4+$0x460]  }
0x7a0: {  	[tilespmem:s20+$0x460] =	vst.add.f32.msk $0xffff, v17;
	v16 =	vmul.f32 v55, v9  }
0x7a1: {  	v17 =	vld [tilespmem:s18+$0x470]  }
0x7a2: {  	[tilespmem:s19+$0x460] =	vst.add.f32.msk $0xffff, v16;
	v56 =	vmul.f32 v15, v12  }
0x7a3: {  	v59 =	vld [tilespmem:s17+$0x470]  }
0x7a4: {  	[tilespmem:s22+$0x450] =	vst.add.f32.msk $0xffff, v56;
	v15 =	vmul.f32 v57, v13  }
0x7a5: {  	v14 =	vld [tilespmem:s21+$0x460]  }
0x7a6: {  	[tilespmem:s26+$0x460] =	vst.add.f32.msk $0xffff, v15  }
0x7a7: {  	v15 =	vld [tilespmem:s4+$0x470]  }
0x7a8: {  	v8 =	vmul.f32 v58, v8  }
0x7a9: {  	[tilespmem:s14+$0x470] =	vst.add.f32.msk $0xffff, v11;
	v60 =	vmul.f32 v17, v10  }
0x7aa: {  	[tilespmem:s16+$0x470] =	vst.add.f32.msk $0xffff, v8;
	v63 =	vmul.f32 v59, v9  }
0x7ab: {  	[tilespmem:s20+$0x470] =	vst.add.f32.msk $0xffff, v60;
	v14 =	vmul.f32 v14, v12  }
0x7ac: {  	[tilespmem:s19+$0x470] =	vst.add.f32.msk $0xffff, v63;
	v62 =	vmul.f32 v15, v13  }
0x7ad: {  	[tilespmem:s22+$0x460] =	vst.add.f32.msk $0xffff, v14  }
0x7ae: {  	[tilespmem:s26+$0x470] =	vst.add.f32.msk $0xffff, v62  }
0x7af: {  	s8 =	sld [smem:$0x7DD]  }
0x7b0: {  	v61 =	vld [tilespmem:s21+$0x470]  }
0x7b1: {  	s13 =	sadd.s32 $0x1, s13  }
0x7b2: {  	p0 =	slt.s32 s13, s8  }
.Ltmp27:
0x7b3: {  	_ = 	snop;
	(pc) =	sbr.rel @p0 .LBB2_27-.Ltmp27, $3  }
0x7b4: {  	_ = 	snop  }
0x7b5: {  	v8 =	vmul.f32 v61, v12;
	_ =	sdelay $0x1  }
0x7b6: {  	s11 =	sadd.s32 $0x80, s11;
	[tilespmem:s22+$0x470] =	vst.add.f32.msk $0xffff, v8  }
0x7b7: {  	s4 =	sld [smem:$0x7DE]  }
.LBB2_40:
0x7b8: {  	_ =	sdelay $0x1  }
0x7b9: {  	[tilespmem:s4+$0x3900] =	vst v3  }
0x7ba: {  	[tilespmem:s4+$0x4B00] =	vst v3  }
0x7bb: {  	[tilespmem:s4+$0x5D00] =	vst v2  }
0x7bc: {  	[tilespmem:s4+$0x3910] =	vst v3  }
0x7bd: {  	[tilespmem:s4+$0x4B10] =	vst v3  }
0x7be: {  	[tilespmem:s4+$0x5D10] =	vst v2  }
0x7bf: {  	[tilespmem:s4+$0x3920] =	vst v3  }
0x7c0: {  	[tilespmem:s4+$0x4B20] =	vst v3  }
0x7c1: {  	[tilespmem:s4+$0x5D20] =	vst v2  }
0x7c2: {  	[tilespmem:s4+$0x3930] =	vst v3  }
0x7c3: {  	[tilespmem:s4+$0x4B30] =	vst v3  }
0x7c4: {  	[tilespmem:s4+$0x5D30] =	vst v2  }
0x7c5: {  	[tilespmem:s4+$0x3940] =	vst v3  }
0x7c6: {  	[tilespmem:s4+$0x4B40] =	vst v3  }
0x7c7: {  	[tilespmem:s4+$0x5D40] =	vst v2  }
0x7c8: {  	[tilespmem:s4+$0x3950] =	vst v3  }
0x7c9: {  	[tilespmem:s4+$0x4B50] =	vst v3  }
0x7ca: {  	[tilespmem:s4+$0x5D50] =	vst v2  }
0x7cb: {  	[tilespmem:s4+$0x3960] =	vst v3  }
0x7cc: {  	[tilespmem:s4+$0x4B60] =	vst v3  }
0x7cd: {  	[tilespmem:s4+$0x5D60] =	vst v2  }
0x7ce: {  	[tilespmem:s4+$0x3970] =	vst v3  }
0x7cf: {  	[tilespmem:s4+$0x4B70] =	vst v3  }
0x7d0: {  	[tilespmem:s4+$0x5D70] =	vst v2  }
0x7d1: {  	v8 =	vld [tilespmem:s10+$0x4B00];
	_ =	sdelay $0x3  }
0x7d2: {  	s4 =	sand.u32 $0x1, s8  }
0x7d3: {  	p0 =	seq.s32 s4, $0x1;
	v9 =	vshll.u32 v8, $0x1  }
.Ltmp28:
0x7d4: {  	v8 =	vand.u32 $0x7, v8;
	v9 =	vand.u32 $0xFFFFFFF0, v9;
	(pc) =	sbr.rel @p0 .LBB2_42-.Ltmp28, $3  }
0x7d5: {  	v9 =	vor.u32 v8, v9  }
0x7d6: {  	v8 =	vperm.xlane v9, v4;
	v9 =	vperm.xlane v9, v6;
	_ =	sdelay $0x1  }
0x7d7: {  	s0 =	sadd.s32 $0x900, s10;
	v8 =	vadd.s32 v5, v8;
	v9 =	vadd.s32 v5, v9  }
0x7d8: {  	_ =	sdelay $0x2  }
0x7d9: {  	s2 =	simm.s32 $0x6600  }
0x7da: {  	[tilespmem:s2], [sflag:$0x3] =	stream.indirect_vreg.gather [hbm4b:s1+s3], $0x80, v8, vm0, $0xb8;
	[tilespmem:$0x1E600] =	vst v63  }
0x7db: {  	s13 =	simm.s32 $0x6E00  }
0x7dc: {  	[tilespmem:s13], [sflag:$0x3] =	stream.indirect_vreg.gather [hbm4b:s1+s3], $0x80, v9, vm0, $0xb8;
	[tilespmem:$0x1E600] =	vst v63  }
0x7dd: {  	v8 =	vld [tilespmem:s0+$0x4210];
	_ =	sdelay $0x4  }
0x7de: {  	v57 =	vshll.u32 v8, $0x1  }
0x7df: {  	v8 =	vand.u32 $0x7, v8;
	v9 =	vand.u32 $0xFFFFFFF0, v57  }
0x7e0: {  	v8 =	vor.u32 v8, v9  }
0x7e1: {  	v9 =	vperm.xlane v8, v4;
	_ =	sdelay $0x1  }
0x7e2: {  	v8 =	vperm.xlane v8, v6;
	v9 =	vadd.s32 v5, v9;
	_ =	sdelay $0x1  }
0x7e3: {  	v8 =	vadd.s32 v5, v8;
	_ =	sdelay $0x1  }
0x7e4: {  	s14 =	simm.s32 $0x7600  }
0x7e5: {  	[tilespmem:s14], [sflag:$0x3] =	stream.indirect_vreg.gather [hbm4b:s1+s3], $0x80, v9, vm0, $0xb8;
	[tilespmem:$0x1E600] =	vst v63  }
0x7e6: {  	s15 =	simm.s32 $0x7E00  }
0x7e7: {  	[tilespmem:s15], [sflag:$0x3] =	stream.indirect_vreg.gather [hbm4b:s1+s3], $0x80, v8, vm0, $0xb8;
	[tilespmem:$0x1E600] =	vst v63  }
0x7e8: {  	v8 =	vld [tilespmem:s0+$0x4220];
	_ =	sdelay $0x4  }
0x7e9: {  	v58 =	vshll.u32 v8, $0x1  }
0x7ea: {  	v8 =	vand.u32 $0x7, v8;
	v9 =	vand.u32 $0xFFFFFFF0, v58  }
0x7eb: {  	v8 =	vor.u32 v8, v9  }
0x7ec: {  	v9 =	vperm.xlane v8, v4;
	_ =	sdelay $0x1  }
0x7ed: {  	v8 =	vperm.xlane v8, v6;
	v9 =	vadd.s32 v5, v9;
	_ =	sdelay $0x1  }
0x7ee: {  	v8 =	vadd.s32 v5, v8;
	_ =	sdelay $0x1  }
0x7ef: {  	s16 =	simm.s32 $0x8600  }
0x7f0: {  	[tilespmem:s16], [sflag:$0x3] =	stream.indirect_vreg.gather [hbm4b:s1+s3], $0x80, v9, vm0, $0xb8;
	[tilespmem:$0x1E600] =	vst v63  }
0x7f1: {  	s17 =	simm.s32 $0x8E00  }
0x7f2: {  	[tilespmem:s17], [sflag:$0x3] =	stream.indirect_vreg.gather [hbm4b:s1+s3], $0x80, v8, vm0, $0xb8;
	[tilespmem:$0x1E600] =	vst v63  }
0x7f3: {  	v8 =	vld [tilespmem:s0+$0x4230];
	_ =	sdelay $0x4  }
0x7f4: {  	v59 =	vshll.u32 v8, $0x1  }
0x7f5: {  	v8 =	vand.u32 $0x7, v8;
	v9 =	vand.u32 $0xFFFFFFF0, v59  }
0x7f6: {  	v8 =	vor.u32 v8, v9  }
0x7f7: {  	v9 =	vperm.xlane v8, v4;
	_ =	sdelay $0x1  }
0x7f8: {  	v8 =	vperm.xlane v8, v6;
	v9 =	vadd.s32 v5, v9;
	_ =	sdelay $0x1  }
0x7f9: {  	v8 =	vadd.s32 v5, v8;
	_ =	sdelay $0x1  }
0x7fa: {  	s18 =	simm.s32 $0x9600  }
0x7fb: {  	[tilespmem:s18], [sflag:$0x3] =	stream.indirect_vreg.gather [hbm4b:s1+s3], $0x80, v9, vm0, $0xb8;
	[tilespmem:$0x1E600] =	vst v63  }
0x7fc: {  	s19 =	simm.s32 $0x9E00  }
0x7fd: {  	[tilespmem:s19], [sflag:$0x3] =	stream.indirect_vreg.gather [hbm4b:s1+s3], $0x80, v8, vm0, $0xb8;
	[tilespmem:$0x1E600] =	vst v63  }
0x7fe: {  	v8 =	vld [tilespmem:s0+$0x4240];
	_ =	sdelay $0x4  }
0x7ff: {  	v60 =	vshll.u32 v8, $0x1  }
0x800: {  	v8 =	vand.u32 $0x7, v8;
	v9 =	vand.u32 $0xFFFFFFF0, v60  }
0x801: {  	v8 =	vor.u32 v8, v9  }
0x802: {  	v9 =	vperm.xlane v8, v4;
	_ =	sdelay $0x1  }
0x803: {  	v8 =	vperm.xlane v8, v6;
	v9 =	vadd.s32 v5, v9;
	_ =	sdelay $0x1  }
0x804: {  	v8 =	vadd.s32 v5, v8;
	_ =	sdelay $0x1  }
0x805: {  	s20 =	simm.s32 $0xA600  }
0x806: {  	[tilespmem:s20], [sflag:$0x3] =	stream.indirect_vreg.gather [hbm4b:s1+s3], $0x80, v9, vm0, $0xb8;
	[tilespmem:$0x1E600] =	vst v63  }
0x807: {  	s21 =	simm.s32 $0xAE00  }
0x808: {  	[tilespmem:s21], [sflag:$0x3] =	stream.indirect_vreg.gather [hbm4b:s1+s3], $0x80, v8, vm0, $0xb8;
	[tilespmem:$0x1E600] =	vst v63  }
0x809: {  	v8 =	vld [tilespmem:s0+$0x4250];
	_ =	sdelay $0x4  }
0x80a: {  	v61 =	vshll.u32 v8, $0x1  }
0x80b: {  	v8 =	vand.u32 $0x7, v8;
	v9 =	vand.u32 $0xFFFFFFF0, v61  }
0x80c: {  	v8 =	vor.u32 v8, v9  }
0x80d: {  	v9 =	vperm.xlane v8, v4;
	_ =	sdelay $0x1  }
0x80e: {  	v8 =	vperm.xlane v8, v6;
	v9 =	vadd.s32 v5, v9;
	_ =	sdelay $0x1  }
0x80f: {  	v8 =	vadd.s32 v5, v8;
	_ =	sdelay $0x1  }
0x810: {  	s22 =	simm.s32 $0xB600  }
0x811: {  	[tilespmem:s22], [sflag:$0x3] =	stream.indirect_vreg.gather [hbm4b:s1+s3], $0x80, v9, vm0, $0xb8;
	[tilespmem:$0x1E600] =	vst v63  }
0x812: {  	s26 =	simm.s32 $0xBE00  }
0x813: {  	[tilespmem:s26], [sflag:$0x3] =	stream.indirect_vreg.gather [hbm4b:s1+s3], $0x80, v8, vm0, $0xb8;
	[tilespmem:$0x1E600] =	vst v63  }
0x814: {  	v8 =	vld [tilespmem:s0+$0x4260];
	_ =	sdelay $0x4  }
0x815: {  	v62 =	vshll.u32 v8, $0x1  }
0x816: {  	v8 =	vand.u32 $0x7, v8;
	v9 =	vand.u32 $0xFFFFFFF0, v62  }
0x817: {  	v8 =	vor.u32 v8, v9  }
0x818: {  	v9 =	vperm.xlane v8, v4;
	_ =	sdelay $0x1  }
0x819: {  	v8 =	vperm.xlane v8, v6;
	v9 =	vadd.s32 v5, v9;
	_ =	sdelay $0x1  }
0x81a: {  	v8 =	vadd.s32 v5, v8;
	_ =	sdelay $0x1  }
0x81b: {  	s28 =	simm.s32 $0xC600  }
0x81c: {  	[tilespmem:s28], [sflag:$0x3] =	stream.indirect_vreg.gather [hbm4b:s1+s3], $0x80, v9, vm0, $0xb8;
	[tilespmem:$0x1E600] =	vst v63  }
0x81d: {  	s29 =	simm.s32 $0xCE00  }
0x81e: {  	[tilespmem:s29], [sflag:$0x3] =	stream.indirect_vreg.gather [hbm4b:s1+s3], $0x80, v8, vm0, $0xb8;
	[tilespmem:$0x1E600] =	vst v63  }
0x81f: {  	v8 =	vld [tilespmem:s0+$0x4270];
	_ =	sdelay $0x4  }
0x820: {  	v63 =	vshll.u32 v8, $0x1  }
0x821: {  	v8 =	vand.u32 $0x7, v8;
	v9 =	vand.u32 $0xFFFFFFF0, v63  }
0x822: {  	v8 =	vor.u32 v8, v9  }
0x823: {  	v9 =	vperm.xlane v8, v4;
	_ =	sdelay $0x1  }
0x824: {  	v8 =	vperm.xlane v8, v6;
	v9 =	vadd.s32 v5, v9;
	_ =	sdelay $0x1  }
0x825: {  	v8 =	vadd.s32 v5, v8  }
.Ltmp29:
0x826: {  	_ = 	snop;
	(pc) =	sbr.rel .LBB2_43-.Ltmp29, $4  }
0x827: {  	s30 =	simm.s32 $0xD600  }
0x828: {  	[tilespmem:s30], [sflag:$0x3] =	stream.indirect_vreg.gather [hbm4b:s1+s3], $0x80, v9, vm0, $0xb8;
	[tilespmem:$0x1E600] =	vst v63  }
0x829: {  	s31 =	simm.s32 $0xDE00;
	s0 =	simm.s32 $0x3  }
0x82a: {  	[tilespmem:s31], [sflag:$0x3] =	stream.indirect_vreg.gather [hbm4b:s1+s3], $0x80, v8, vm0, $0xb8;
	[tilespmem:$0x1E600] =	vst v63  }
.LBB2_42:
0x82b: {  	_ =	sdelay $0x2  }
0x82c: {  	s2 =	simm.s32 $0xE600  }
0x82d: {  	[tilespmem:s2], [sflag:$0x4] =	stream.indirect_vreg.gather [hbm4b:s1+s3], $0x80, v8, vm0, $0xb8;
	[tilespmem:$0x1E600] =	vst v63  }
0x82e: {  	s13 =	simm.s32 $0xEE00  }
0x82f: {  	[tilespmem:s13], [sflag:$0x4] =	stream.indirect_vreg.gather [hbm4b:s1+s3], $0x80, v9, vm0, $0xb8;
	[tilespmem:$0x1E600] =	vst v63  }
0x830: {  	v8 =	vld [tilespmem:s0+$0x4210];
	_ =	sdelay $0x4  }
0x831: {  	v57 =	vshll.u32 v8, $0x1  }
0x832: {  	v8 =	vand.u32 $0x7, v8;
	v9 =	vand.u32 $0xFFFFFFF0, v57  }
0x833: {  	v8 =	vor.u32 v8, v9  }
0x834: {  	v9 =	vperm.xlane v8, v4;
	_ =	sdelay $0x1  }
0x835: {  	v8 =	vperm.xlane v8, v6;
	v9 =	vadd.s32 v5, v9;
	_ =	sdelay $0x1  }
0x836: {  	v8 =	vadd.s32 v5, v8;
	_ =	sdelay $0x1  }
0x837: {  	s14 =	simm.s32 $0xF600  }
0x838: {  	[tilespmem:s14], [sflag:$0x4] =	stream.indirect_vreg.gather [hbm4b:s1+s3], $0x80, v9, vm0, $0xb8;
	[tilespmem:$0x1E600] =	vst v63  }
0x839: {  	s15 =	simm.s32 $0xFE00  }
0x83a: {  	[tilespmem:s15], [sflag:$0x4] =	stream.indirect_vreg.gather [hbm4b:s1+s3], $0x80, v8, vm0, $0xb8;
	[tilespmem:$0x1E600] =	vst v63  }
0x83b: {  	v8 =	vld [tilespmem:s0+$0x4220];
	_ =	sdelay $0x4  }
0x83c: {  	v58 =	vshll.u32 v8, $0x1  }
0x83d: {  	v8 =	vand.u32 $0x7, v8;
	v9 =	vand.u32 $0xFFFFFFF0, v58  }
0x83e: {  	v8 =	vor.u32 v8, v9  }
0x83f: {  	v9 =	vperm.xlane v8, v4;
	_ =	sdelay $0x1  }
0x840: {  	v8 =	vperm.xlane v8, v6;
	v9 =	vadd.s32 v5, v9;
	_ =	sdelay $0x1  }
0x841: {  	v8 =	vadd.s32 v5, v8;
	_ =	sdelay $0x1  }
0x842: {  	s16 =	simm.s32 $0x10600  }
0x843: {  	[tilespmem:s16], [sflag:$0x4] =	stream.indirect_vreg.gather [hbm4b:s1+s3], $0x80, v9, vm0, $0xb8;
	[tilespmem:$0x1E600] =	vst v63  }
0x844: {  	s17 =	simm.s32 $0x10E00  }
0x845: {  	[tilespmem:s17], [sflag:$0x4] =	stream.indirect_vreg.gather [hbm4b:s1+s3], $0x80, v8, vm0, $0xb8;
	[tilespmem:$0x1E600] =	vst v63  }
0x846: {  	v8 =	vld [tilespmem:s0+$0x4230];
	_ =	sdelay $0x4  }
0x847: {  	v59 =	vshll.u32 v8, $0x1  }
0x848: {  	v8 =	vand.u32 $0x7, v8;
	v9 =	vand.u32 $0xFFFFFFF0, v59  }
0x849: {  	v8 =	vor.u32 v8, v9  }
0x84a: {  	v9 =	vperm.xlane v8, v4;
	_ =	sdelay $0x1  }
0x84b: {  	v8 =	vperm.xlane v8, v6;
	v9 =	vadd.s32 v5, v9;
	_ =	sdelay $0x1  }
0x84c: {  	v8 =	vadd.s32 v5, v8;
	_ =	sdelay $0x1  }
0x84d: {  	s18 =	simm.s32 $0x11600  }
0x84e: {  	[tilespmem:s18], [sflag:$0x4] =	stream.indirect_vreg.gather [hbm4b:s1+s3], $0x80, v9, vm0, $0xb8;
	[tilespmem:$0x1E600] =	vst v63  }
0x84f: {  	s19 =	simm.s32 $0x11E00  }
0x850: {  	[tilespmem:s19], [sflag:$0x4] =	stream.indirect_vreg.gather [hbm4b:s1+s3], $0x80, v8, vm0, $0xb8;
	[tilespmem:$0x1E600] =	vst v63  }
0x851: {  	v8 =	vld [tilespmem:s0+$0x4240];
	_ =	sdelay $0x4  }
0x852: {  	v60 =	vshll.u32 v8, $0x1  }
0x853: {  	v8 =	vand.u32 $0x7, v8;
	v9 =	vand.u32 $0xFFFFFFF0, v60  }
0x854: {  	v8 =	vor.u32 v8, v9  }
0x855: {  	v9 =	vperm.xlane v8, v4;
	_ =	sdelay $0x1  }
0x856: {  	v8 =	vperm.xlane v8, v6;
	v9 =	vadd.s32 v5, v9;
	_ =	sdelay $0x1  }
0x857: {  	v8 =	vadd.s32 v5, v8;
	_ =	sdelay $0x1  }
0x858: {  	s20 =	simm.s32 $0x12600  }
0x859: {  	[tilespmem:s20], [sflag:$0x4] =	stream.indirect_vreg.gather [hbm4b:s1+s3], $0x80, v9, vm0, $0xb8;
	[tilespmem:$0x1E600] =	vst v63  }
0x85a: {  	s21 =	simm.s32 $0x12E00  }
0x85b: {  	[tilespmem:s21], [sflag:$0x4] =	stream.indirect_vreg.gather [hbm4b:s1+s3], $0x80, v8, vm0, $0xb8;
	[tilespmem:$0x1E600] =	vst v63  }
0x85c: {  	v8 =	vld [tilespmem:s0+$0x4250];
	_ =	sdelay $0x4  }
0x85d: {  	v61 =	vshll.u32 v8, $0x1  }
0x85e: {  	v8 =	vand.u32 $0x7, v8;
	v9 =	vand.u32 $0xFFFFFFF0, v61  }
0x85f: {  	v8 =	vor.u32 v8, v9  }
0x860: {  	v9 =	vperm.xlane v8, v4;
	_ =	sdelay $0x1  }
0x861: {  	v8 =	vperm.xlane v8, v6;
	v9 =	vadd.s32 v5, v9;
	_ =	sdelay $0x1  }
0x862: {  	v8 =	vadd.s32 v5, v8;
	_ =	sdelay $0x1  }
0x863: {  	s22 =	simm.s32 $0x13600  }
0x864: {  	[tilespmem:s22], [sflag:$0x4] =	stream.indirect_vreg.gather [hbm4b:s1+s3], $0x80, v9, vm0, $0xb8;
	[tilespmem:$0x1E600] =	vst v63  }
0x865: {  	s26 =	simm.s32 $0x13E00  }
0x866: {  	[tilespmem:s26], [sflag:$0x4] =	stream.indirect_vreg.gather [hbm4b:s1+s3], $0x80, v8, vm0, $0xb8;
	[tilespmem:$0x1E600] =	vst v63  }
0x867: {  	v8 =	vld [tilespmem:s0+$0x4260];
	_ =	sdelay $0x4  }
0x868: {  	v62 =	vshll.u32 v8, $0x1  }
0x869: {  	v8 =	vand.u32 $0x7, v8;
	v9 =	vand.u32 $0xFFFFFFF0, v62  }
0x86a: {  	v8 =	vor.u32 v8, v9  }
0x86b: {  	v9 =	vperm.xlane v8, v4;
	_ =	sdelay $0x1  }
0x86c: {  	v8 =	vperm.xlane v8, v6;
	v9 =	vadd.s32 v5, v9;
	_ =	sdelay $0x1  }
0x86d: {  	v8 =	vadd.s32 v5, v8;
	_ =	sdelay $0x1  }
0x86e: {  	s28 =	simm.s32 $0x14600  }
0x86f: {  	[tilespmem:s28], [sflag:$0x4] =	stream.indirect_vreg.gather [hbm4b:s1+s3], $0x80, v9, vm0, $0xb8;
	[tilespmem:$0x1E600] =	vst v63  }
0x870: {  	s29 =	simm.s32 $0x14E00  }
0x871: {  	[tilespmem:s29], [sflag:$0x4] =	stream.indirect_vreg.gather [hbm4b:s1+s3], $0x80, v8, vm0, $0xb8;
	[tilespmem:$0x1E600] =	vst v63  }
0x872: {  	v8 =	vld [tilespmem:s0+$0x4270];
	_ =	sdelay $0x4  }
0x873: {  	v63 =	vshll.u32 v8, $0x1  }
0x874: {  	v8 =	vand.u32 $0x7, v8;
	v9 =	vand.u32 $0xFFFFFFF0, v63  }
0x875: {  	v8 =	vor.u32 v8, v9  }
0x876: {  	v9 =	vperm.xlane v8, v4;
	_ =	sdelay $0x1  }
0x877: {  	v8 =	vperm.xlane v8, v6;
	v9 =	vadd.s32 v5, v9;
	_ =	sdelay $0x1  }
0x878: {  	v8 =	vadd.s32 v5, v8;
	_ =	sdelay $0x1  }
0x879: {  	s30 =	simm.s32 $0x15600  }
0x87a: {  	[tilespmem:s30], [sflag:$0x4] =	stream.indirect_vreg.gather [hbm4b:s1+s3], $0x80, v9, vm0, $0xb8;
	[tilespmem:$0x1E600] =	vst v63  }
0x87b: {  	s31 =	simm.s32 $0x15E00;
	s0 =	simm.s32 $0x4  }
0x87c: {  	[tilespmem:s31], [sflag:$0x4] =	stream.indirect_vreg.gather [hbm4b:s1+s3], $0x80, v8, vm0, $0xb8;
	[tilespmem:$0x1E600] =	vst v63  }
.LBB2_43:
0x87d: {  	p0 =	por !p2, !p1  }
0x87e: {  	s2 =	simm.s32 $0xFFFFFFFF;
	p0 =	por !p0, !p0  }
0x87f: {  	s2 =	simm.s32 @!p0 $0x0  }
0x880: {  	s5 =	sshll.u32 s12, $0x7;
	s2 =	sshll.u32 s2, $0x7  }
0x881: {  	s2 =	sadd.s32 s2, s5  }
0x882: {  	_ =	swait.ge [sflag:s0], $0x8000;
	[dreg:$0x7] =	wrdreg s2  }
0x883: {  	s2 =	rddreg [dreg:$0x7]  }
0x884: {  	s2 =	sadd.s32 $0xFFFFFFFE, s2  }
0x885: {  	s12 =	sadd.s32 $0x902, s2  }
0x886: {  	v8 =	vmov s12  }
0x887: {  	s2 =	sadd.s32 $0x903, s2;
	v8 =	vand.u32 $0xFFFFFFFE, v8  }
0x888: {  	v9 =	vmov s2;
	v8 =	vbroadcast v8, $0x0;
	_ =	sdelay $0x1  }
0x889: {  	s13 =	sshll.u32 s4, $0xF  }
0x88a: {  	[sflag:s0] =	ssyncset.done $0x0;
	s2 =	sor.u32 $0x6600, s13  }
0x88b: {  	[sflag:s0] =	ssyncadd.s32 $0xFFFF8000;
	[dreg:$0x8] =	wrdreg s2  }
0x88c: {  	v10 =	vld.idx.msk [tilespmem:v9+s23+$0x0], $0xffff  }
0x88d: {  	v11 =	vld.idx.msk [tilespmem:v8+s23+$0x0], $0xffff;
	_ =	sdelay $0x3  }
0x88e: {  	(v2sf) =	vpush v10, $0x0  }
0x88f: {  	(v2sf) =	vpush v11, $0x0;
	_ =	sdelay $0x7  }
0x890: {  	s15 =	simm.s32 $0x0  }
0x891: {  	s16 =	simm.s32 $0x0;
	s2 =	sand.u32 $0x7800, s15;
	s14 =	rddreg [dreg:$0x8]  }
0x892: {  	s4 =	sand.u32 $0x300, s16;
	s0 =	sadd.s32 s2, s14  }
0x893: {  	s6 =	sadd.s32 s4, s0;
	v10 =	vld.idx.msk [tilespmem:v8+s25+$0x0], $0xffff  }
0x894: {  	v8 =	vld [tilespmem:s6+$0x0];
	_ =	sdelay $0x1  }
0x895: {  	s17 =	spop (v2sf)  }
0x896: {  	s18 =	spop (v2sf)  }
0x897: {  	s19 =	sshll.u32 s18, $0x8;
	s4 =	sshll.u32 s18, $0x7  }
0x898: {  	v8 =	vmul.f32 v8, v10;
	s5 =	sand.u32 $0xFFFFF800, s19;
	s4 =	sand.u32 $0x380, s4  }
0x899: {  	s4 =	sor.u32 s4, s5  }
0x89a: {  	s20 =	simm.s32 $0x80;
	[tilespmem:s4+$0x16600] =	vst.add.f32.msk $0xffff, v8  }
0x89b: {  	s5 =	sand.u32 $0x380, s20;
	v8 =	vld [tilespmem:s6+$0x10]  }
0x89c: {  	v11 =	vld.idx.msk [tilespmem:v9+s25+$0x0], $0xffff;
	s15 =	sadd.s32 s5, s0  }
0x89d: {  	v9 =	vld [tilespmem:s15+$0x0];
	_ =	sdelay $0x2  }
0x89e: {  	s11 =	sadd.s32 $0x16600, s4;
	v8 =	vmul.f32 v8, v10  }
0x89f: {  	s22 =	sshll.u32 s17, $0x8;
	s2 =	sshll.u32 s17, $0x7;
	s21 =	sor.u32 $0x10, s11  }
0x8a0: {  	s2 =	sand.u32 $0x380, s2;
	s0 =	sand.u32 $0xFFFFF800, s22;
	v9 =	vmul.f32 v9, v11;
	[tilespmem:s21+$0x0] =	vst.add.f32.msk $0xffff, v8  }
0x8a1: {  	s0 =	sor.u32 s2, s0;
	v8 =	vld [tilespmem:s6+$0x20]  }
0x8a2: {  	[tilespmem:s0+$0x16600] =	vst.add.f32.msk $0xffff, v9  }
0x8a3: {  	v9 =	vld [tilespmem:s15+$0x10];
	_ =	sdelay $0x2  }
0x8a4: {  	v8 =	vmul.f32 v8, v10  }
0x8a5: {  	s26 =	sor.u32 $0x20, s11  }
0x8a6: {  	s8 =	sadd.s32 $0x16600, s0;
	v9 =	vmul.f32 v9, v11;
	[tilespmem:s26+$0x0] =	vst.add.f32.msk $0xffff, v8  }
0x8a7: {  	s0 =	sor.u32 $0x10, s8;
	v8 =	vld [tilespmem:s6+$0x30]  }
0x8a8: {  	[tilespmem:s0+$0x0] =	vst.add.f32.msk $0xffff, v9  }
0x8a9: {  	v9 =	vld [tilespmem:s15+$0x20];
	_ =	sdelay $0x2  }
0x8aa: {  	v8 =	vmul.f32 v8, v10  }
0x8ab: {  	s28 =	sor.u32 $0x30, s11  }
0x8ac: {  	v9 =	vmul.f32 v9, v11;
	[tilespmem:s28+$0x0] =	vst.add.f32.msk $0xffff, v8  }
0x8ad: {  	s29 =	sor.u32 $0x20, s8;
	v8 =	vld [tilespmem:s6+$0x40]  }
0x8ae: {  	[tilespmem:s29+$0x0] =	vst.add.f32.msk $0xffff, v9  }
0x8af: {  	v9 =	vld [tilespmem:s15+$0x30];
	_ =	sdelay $0x2  }
0x8b0: {  	v8 =	vmul.f32 v8, v10  }
0x8b1: {  	s30 =	rddreg [dreg:$0x7];
	s31 =	sor.u32 $0x40, s11  }
0x8b2: {  	s0 =	sadd.s32 $0x0, s30;
	v9 =	vmul.f32 v9, v11;
	[tilespmem:s31+$0x0] =	vst.add.f32.msk $0xffff, v8  }
0x8b3: {  	s5 =	sor.u32 $0x30, s8;
	s4 =	sadd.s32 $0x902, s0;
	s0 =	sadd.s32 $0x903, s0;
	v8 =	vld [tilespmem:s6+$0x50]  }
0x8b4: {  	v12 =	vmov s4;
	[tilespmem:s5+$0x0] =	vst.add.f32.msk $0xffff, v9;
	v9 =	vmov s0  }
0x8b5: {  	v12 =	vand.u32 $0xFFFFFFFE, v12  }
0x8b6: {  	v12 =	vbroadcast v12, $0x0  }
0x8b7: {  	v13 =	vld [tilespmem:s15+$0x40]  }
0x8b8: {  	v8 =	vmul.f32 v8, v10  }
0x8b9: {  	s7 =	sor.u32 $0x50, s11;
	v14 =	vld.idx.msk [tilespmem:v9+s23+$0x0], $0xffff  }
0x8ba: {  	[tilespmem:s7+$0x0] =	vst.add.f32.msk $0xffff, v8  }
0x8bb: {  	v8 =	vld [tilespmem:s6+$0x60]  }
0x8bc: {  	v15 =	vld.idx.msk [tilespmem:v12+s23+$0x0], $0xffff;
	v13 =	vmul.f32 v13, v11  }
0x8bd: {  	s9 =	sor.u32 $0x40, s8  }
0x8be: {  	[tilespmem:s9+$0x0] =	vst.add.f32.msk $0xffff, v13  }
0x8bf: {  	v13 =	vld [tilespmem:s15+$0x50]  }
0x8c0: {  	(v2sf) =	vpush v14, $0x0;
	v8 =	vmul.f32 v8, v10  }
0x8c1: {  	s10 =	sor.u32 $0x60, s11;
	(v2sf) =	vpush v15, $0x0  }
0x8c2: {  	[tilespmem:s10+$0x0] =	vst.add.f32.msk $0xffff, v8  }
0x8c3: {  	v8 =	vld [tilespmem:s6+$0x70]  }
0x8c4: {  	v13 =	vmul.f32 v13, v11  }
0x8c5: {  	s12 =	sor.u32 $0x50, s8  }
0x8c6: {  	[tilespmem:s12+$0x0] =	vst.add.f32.msk $0xffff, v13  }
0x8c7: {  	v13 =	vld [tilespmem:s15+$0x60]  }
0x8c8: {  	v8 =	vmul.f32 v8, v10  }
0x8c9: {  	s16 =	simm.s32 $0x200;
	s14 =	sor.u32 $0x70, s11  }
0x8ca: {  	s13 =	rddreg [dreg:$0x8];
	s17 =	sand.u32 $0x7800, s16;
	s18 =	simm.s32 $0x100;
	[tilespmem:s14+$0x0] =	vst.add.f32.msk $0xffff, v8  }
0x8cb: {  	s4 =	sand.u32 $0x300, s18;
	s0 =	sadd.s32 s17, s13;
	v14 =	vld [tilespmem:s6+$0x400]  }
0x8cc: {  	s4 =	sadd.s32 s4, s0;
	v8 =	vmul.f32 v13, v11;
	v13 =	vld.idx.msk [tilespmem:v12+s25+$0x0], $0xffff  }
0x8cd: {  	s19 =	sor.u32 $0x60, s8;
	v12 =	vld [tilespmem:s4+$0x0]  }
0x8ce: {  	s20 =	simm.s32 $0x180;
	[tilespmem:s19+$0x0] =	vst.add.f32.msk $0xffff, v8  }
0x8cf: {  	s21 =	sand.u32 $0x380, s20;
	s22 =	spop (v2sf);
	v15 =	vld [tilespmem:s15+$0x70]  }
0x8d0: {  	s9 =	sadd.s32 s21, s0;
	v8 =	vld.idx.msk [tilespmem:v9+s25+$0x0], $0xffff;
	s26 =	spop (v2sf);
	v9 =	vmul.f32 v14, v10  }
0x8d1: {  	s28 =	sshll.u32 s26, $0x8;
	s0 =	sshll.u32 s26, $0x7;
	v14 =	vld [tilespmem:s9+$0x0]  }
0x8d2: {  	s2 =	sand.u32 $0xFFFFF800, s28;
	s0 =	sand.u32 $0x380, s0;
	[tilespmem:s11+$0x400] =	vst.add.f32.msk $0xffff, v9;
	v9 =	vmul.f32 v12, v13  }
0x8d3: {  	s0 =	sor.u32 s0, s2;
	v12 =	vld [tilespmem:s6+$0x410]  }
0x8d4: {  	v15 =	vmul.f32 v15, v11;
	[tilespmem:s0+$0x16600] =	vst.add.f32.msk $0xffff, v9  }
0x8d5: {  	s29 =	sor.u32 $0x70, s8;
	s7 =	sshll.u32 s22, $0x8;
	s5 =	sshll.u32 s22, $0x7;
	v9 =	vld [tilespmem:s4+$0x10]  }
0x8d6: {  	s7 =	sand.u32 $0xFFFFF800, s7;
	s5 =	sand.u32 $0x380, s5;
	[tilespmem:s29+$0x0] =	vst.add.f32.msk $0xffff, v15;
	v14 =	vmul.f32 v14, v8  }
0x8d7: {  	s30 =	sor.u32 s5, s7;
	v15 =	vld [tilespmem:s15+$0x400]  }
0x8d8: {  	[tilespmem:s30+$0x16600] =	vst.add.f32.msk $0xffff, v14;
	v12 =	vmul.f32 v12, v10  }
0x8d9: {  	v14 =	vld [tilespmem:s9+$0x10]  }
0x8da: {  	s5 =	sadd.s32 $0x16600, s0;
	[tilespmem:s11+$0x410] =	vst.add.f32.msk $0xffff, v12;
	v9 =	vmul.f32 v9, v13  }
0x8db: {  	s0 =	sor.u32 $0x10, s5;
	v12 =	vld [tilespmem:s6+$0x420]  }
0x8dc: {  	v15 =	vmul.f32 v15, v11;
	[tilespmem:s0+$0x0] =	vst.add.f32.msk $0xffff, v9  }
0x8dd: {  	v9 =	vld [tilespmem:s4+$0x20]  }
0x8de: {  	s10 =	sadd.s32 $0x16600, s30;
	[tilespmem:s8+$0x400] =	vst.add.f32.msk $0xffff, v15;
	v14 =	vmul.f32 v14, v8  }
0x8df: {  	s31 =	sor.u32 $0x10, s10;
	v15 =	vld [tilespmem:s15+$0x410]  }
0x8e0: {  	[tilespmem:s31+$0x0] =	vst.add.f32.msk $0xffff, v14;
	v12 =	vmul.f32 v12, v10  }
0x8e1: {  	v14 =	vld [tilespmem:s9+$0x20]  }
0x8e2: {  	[tilespmem:s11+$0x420] =	vst.add.f32.msk $0xffff, v12;
	v9 =	vmul.f32 v9, v13  }
0x8e3: {  	s2 =	sor.u32 $0x20, s5;
	v12 =	vld [tilespmem:s6+$0x430]  }
0x8e4: {  	v15 =	vmul.f32 v15, v11;
	[tilespmem:s2+$0x0] =	vst.add.f32.msk $0xffff, v9  }
0x8e5: {  	v9 =	vld [tilespmem:s4+$0x30]  }
0x8e6: {  	[tilespmem:s8+$0x410] =	vst.add.f32.msk $0xffff, v15;
	v14 =	vmul.f32 v14, v8  }
0x8e7: {  	s7 =	sor.u32 $0x20, s10;
	v15 =	vld [tilespmem:s15+$0x420]  }
0x8e8: {  	[tilespmem:s7+$0x0] =	vst.add.f32.msk $0xffff, v14;
	v12 =	vmul.f32 v12, v10  }
0x8e9: {  	v14 =	vld [tilespmem:s9+$0x30]  }
0x8ea: {  	[tilespmem:s11+$0x430] =	vst.add.f32.msk $0xffff, v12;
	v9 =	vmul.f32 v9, v13  }
0x8eb: {  	s12 =	sor.u32 $0x30, s5;
	v12 =	vld [tilespmem:s6+$0x440]  }
0x8ec: {  	v15 =	vmul.f32 v15, v11;
	[tilespmem:s12+$0x0] =	vst.add.f32.msk $0xffff, v9  }
0x8ed: {  	v9 =	vld [tilespmem:s4+$0x40]  }
0x8ee: {  	[tilespmem:s8+$0x420] =	vst.add.f32.msk $0xffff, v15;
	v14 =	vmul.f32 v14, v8  }
0x8ef: {  	s13 =	sor.u32 $0x30, s10;
	v15 =	vld [tilespmem:s15+$0x430]  }
0x8f0: {  	[tilespmem:s13+$0x0] =	vst.add.f32.msk $0xffff, v14;
	v12 =	vmul.f32 v12, v10  }
0x8f1: {  	v14 =	vld [tilespmem:s9+$0x40]  }
0x8f2: {  	[tilespmem:s11+$0x440] =	vst.add.f32.msk $0xffff, v12;
	v9 =	vmul.f32 v9, v13  }
0x8f3: {  	s16 =	sor.u32 $0x40, s5;
	v12 =	vld [tilespmem:s6+$0x450]  }
0x8f4: {  	v15 =	vmul.f32 v15, v11;
	[tilespmem:s16+$0x0] =	vst.add.f32.msk $0xffff, v9  }
0x8f5: {  	s14 =	rddreg [dreg:$0x7];
	v9 =	vld [tilespmem:s4+$0x50]  }
0x8f6: {  	s0 =	sadd.s32 $0x2, s14;
	[tilespmem:s8+$0x430] =	vst.add.f32.msk $0xffff, v15;
	v14 =	vmul.f32 v14, v8  }
0x8f7: {  	s17 =	sor.u32 $0x40, s10;
	s18 =	sadd.s32 $0x902, s0;
	v15 =	vld [tilespmem:s15+$0x440]  }
0x8f8: {  	[tilespmem:s17+$0x0] =	vst.add.f32.msk $0xffff, v14;
	v14 =	vmov s18;
	v12 =	vmul.f32 v12, v10  }
0x8f9: {  	s0 =	sadd.s32 $0x903, s0;
	v16 =	vld [tilespmem:s9+$0x50];
	v14 =	vand.u32 $0xFFFFFFFE, v14  }
0x8fa: {  	v17 =	vmov s0;
	[tilespmem:s11+$0x450] =	vst.add.f32.msk $0xffff, v12;
	v12 =	vbroadcast v14, $0x0;
	v9 =	vmul.f32 v9, v13  }
0x8fb: {  	s19 =	sor.u32 $0x50, s5;
	v14 =	vld [tilespmem:s6+$0x460]  }
0x8fc: {  	v15 =	vmul.f32 v15, v11;
	[tilespmem:s19+$0x0] =	vst.add.f32.msk $0xffff, v9  }
0x8fd: {  	v9 =	vld [tilespmem:s4+$0x60]  }
0x8fe: {  	[tilespmem:s8+$0x440] =	vst.add.f32.msk $0xffff, v15  }
0x8ff: {  	v15 =	vld.idx.msk [tilespmem:v17+s23+$0x0], $0xffff  }
0x900: {  	v14 =	vmul.f32 v14, v10;
	v18 =	vld.idx.msk [tilespmem:v12+s23+$0x0], $0xffff  }
0x901: {  	v19 =	vld [tilespmem:s15+$0x450]  }
0x902: {  	[tilespmem:s11+$0x460] =	vst.add.f32.msk $0xffff, v14;
	v9 =	vmul.f32 v9, v13  }
0x903: {  	s20 =	sor.u32 $0x60, s5;
	v14 =	vld [tilespmem:s6+$0x470]  }
0x904: {  	v16 =	vmul.f32 v16, v8;
	(v2sf) =	vpush v15, $0x0;
	[tilespmem:s20+$0x0] =	vst.add.f32.msk $0xffff, v9  }
0x905: {  	s21 =	sor.u32 $0x50, s10;
	(v2sf) =	vpush v18, $0x0;
	v15 =	vld [tilespmem:s4+$0x70]  }
0x906: {  	[tilespmem:s21+$0x0] =	vst.add.f32.msk $0xffff, v16  }
0x907: {  	v16 =	vld [tilespmem:s9+$0x60]  }
0x908: {  	v18 =	vmul.f32 v19, v11  }
0x909: {  	v9 =	vld.idx.msk [tilespmem:v17+s25+$0x0], $0xffff;
	v10 =	vmul.f32 v14, v10  }
0x90a: {  	[tilespmem:s8+$0x450] =	vst.add.f32.msk $0xffff, v18;
	v14 =	vmul.f32 v15, v13  }
0x90b: {  	s22 =	sor.u32 $0x70, s5;
	[tilespmem:s11+$0x470] =	vst.add.f32.msk $0xffff, v10  }
0x90c: {  	v10 =	vmul.f32 v16, v8;
	[tilespmem:s22+$0x0] =	vst.add.f32.msk $0xffff, v14  }
0x90d: {  	s28 =	sor.u32 $0x60, s10;
	s29 =	simm.s32 $0x400;
	v14 =	vld [tilespmem:s4+$0x400]  }
0x90e: {  	s26 =	rddreg [dreg:$0x8];
	s30 =	simm.s32 $0x200;
	s6 =	sand.u32 $0x7800, s29;
	[tilespmem:s28+$0x0] =	vst.add.f32.msk $0xffff, v10  }
0x90f: {  	s31 =	sand.u32 $0x300, s30;
	s2 =	sadd.s32 s6, s26;
	v15 =	vld [tilespmem:s9+$0x70]  }
0x910: {  	s7 =	simm.s32 $0x280;
	s12 =	sadd.s32 s31, s2;
	v10 =	vld.idx.msk [tilespmem:v12+s25+$0x0], $0xffff  }
0x911: {  	s11 =	sand.u32 $0x380, s7;
	v12 =	vld [tilespmem:s12+$0x0]  }
0x912: {  	v16 =	vld [tilespmem:s15+$0x460];
	s11 =	sadd.s32 s11, s2;
	v14 =	vmul.f32 v14, v13  }
0x913: {  	v17 =	vld [tilespmem:s11+$0x0];
	s13 =	spop (v2sf)  }
0x914: {  	s14 =	spop (v2sf);
	[tilespmem:s5+$0x400] =	vst.add.f32.msk $0xffff, v14;
	v14 =	vmul.f32 v15, v8  }
0x915: {  	s16 =	sor.u32 $0x70, s10;
	s17 =	sshll.u32 s14, $0x8;
	s2 =	sshll.u32 s14, $0x7;
	v15 =	vld [tilespmem:s4+$0x410]  }
0x916: {  	v12 =	vmul.f32 v12, v10;
	s7 =	sand.u32 $0xFFFFF800, s17;
	s2 =	sand.u32 $0x380, s2;
	[tilespmem:s16+$0x0] =	vst.add.f32.msk $0xffff, v14  }
0x917: {  	s18 =	sshll.u32 s13, $0x8;
	s0 =	sshll.u32 s13, $0x7;
	s2 =	sor.u32 s2, s7;
	v14 =	vld [tilespmem:s9+$0x400]  }
0x918: {  	v17 =	vmul.f32 v17, v9;
	s6 =	sand.u32 $0xFFFFF800, s18;
	s0 =	sand.u32 $0x380, s0;
	[tilespmem:s2+$0x16600] =	vst.add.f32.msk $0xffff, v12  }
0x919: {  	s0 =	sor.u32 s0, s6;
	v12 =	vld [tilespmem:s12+$0x10]  }
0x91a: {  	[tilespmem:s0+$0x16600] =	vst.add.f32.msk $0xffff, v17;
	v15 =	vmul.f32 v15, v13  }
0x91b: {  	v17 =	vld [tilespmem:s11+$0x10]  }
0x91c: {  	[tilespmem:s5+$0x410] =	vst.add.f32.msk $0xffff, v15;
	v14 =	vmul.f32 v14, v8  }
0x91d: {  	v15 =	vld [tilespmem:s4+$0x420]  }
0x91e: {  	s14 =	sadd.s32 $0x16600, s2;
	v12 =	vmul.f32 v12, v10;
	[tilespmem:s10+$0x400] =	vst.add.f32.msk $0xffff, v14  }
0x91f: {  	s2 =	sor.u32 $0x10, s14;
	v14 =	vld [tilespmem:s9+$0x410]  }
0x920: {  	s13 =	sadd.s32 $0x16600, s0;
	[tilespmem:s2+$0x0] =	vst.add.f32.msk $0xffff, v12;
	v12 =	vmul.f32 v17, v9  }
0x921: {  	s0 =	sor.u32 $0x10, s13;
	v17 =	vld [tilespmem:s12+$0x20]  }
0x922: {  	[tilespmem:s0+$0x0] =	vst.add.f32.msk $0xffff, v12;
	v12 =	vmul.f32 v15, v13  }
0x923: {  	v15 =	vld [tilespmem:s11+$0x20]  }
0x924: {  	[tilespmem:s5+$0x420] =	vst.add.f32.msk $0xffff, v12;
	v12 =	vmul.f32 v14, v8  }
0x925: {  	v14 =	vld [tilespmem:s4+$0x430]  }
0x926: {  	v17 =	vmul.f32 v17, v10;
	[tilespmem:s10+$0x410] =	vst.add.f32.msk $0xffff, v12  }
0x927: {  	s19 =	sor.u32 $0x20, s14;
	v12 =	vld [tilespmem:s9+$0x420]  }
0x928: {  	[tilespmem:s19+$0x0] =	vst.add.f32.msk $0xffff, v17;
	v15 =	vmul.f32 v15, v9  }
0x929: {  	s20 =	sor.u32 $0x20, s13;
	v17 =	vld [tilespmem:s12+$0x30]  }
0x92a: {  	[tilespmem:s20+$0x0] =	vst.add.f32.msk $0xffff, v15;
	v14 =	vmul.f32 v14, v13  }
0x92b: {  	v15 =	vld [tilespmem:s11+$0x30]  }
0x92c: {  	[tilespmem:s5+$0x430] =	vst.add.f32.msk $0xffff, v14;
	v12 =	vmul.f32 v12, v8  }
0x92d: {  	v14 =	vld [tilespmem:s4+$0x440]  }
0x92e: {  	v17 =	vmul.f32 v17, v10;
	[tilespmem:s10+$0x420] =	vst.add.f32.msk $0xffff, v12  }
0x92f: {  	s21 =	sor.u32 $0x30, s14;
	v12 =	vld [tilespmem:s9+$0x430]  }
0x930: {  	[tilespmem:s21+$0x0] =	vst.add.f32.msk $0xffff, v17;
	v15 =	vmul.f32 v15, v9  }
0x931: {  	s22 =	sor.u32 $0x30, s13;
	v17 =	vld [tilespmem:s12+$0x40]  }
0x932: {  	[tilespmem:s22+$0x0] =	vst.add.f32.msk $0xffff, v15;
	v14 =	vmul.f32 v14, v13  }
0x933: {  	v15 =	vld [tilespmem:s11+$0x40]  }
0x934: {  	[tilespmem:s5+$0x440] =	vst.add.f32.msk $0xffff, v14;
	v12 =	vmul.f32 v12, v8  }
0x935: {  	v14 =	vld [tilespmem:s4+$0x450]  }
0x936: {  	v17 =	vmul.f32 v17, v10;
	[tilespmem:s10+$0x430] =	vst.add.f32.msk $0xffff, v12  }
0x937: {  	s28 =	sor.u32 $0x40, s14;
	v12 =	vld [tilespmem:s9+$0x440]  }
0x938: {  	v16 =	vmul.f32 v16, v11;
	[tilespmem:s28+$0x0] =	vst.add.f32.msk $0xffff, v17  }
0x939: {  	s26 =	rddreg [dreg:$0x7];
	v15 =	vmul.f32 v15, v9;
	v17 =	vld [tilespmem:s12+$0x50]  }
0x93a: {  	[tilespmem:s8+$0x460] =	vst.add.f32.msk $0xffff, v16;
	s29 =	sor.u32 $0x40, s13;
	s0 =	sadd.s32 $0x4, s26  }
0x93b: {  	s30 =	sadd.s32 $0x902, s0;
	[tilespmem:s29+$0x0] =	vst.add.f32.msk $0xffff, v15;
	v14 =	vmul.f32 v14, v13  }
0x93c: {  	v15 =	vmov s30;
	v16 =	vld [tilespmem:s11+$0x50]  }
0x93d: {  	s0 =	sadd.s32 $0x903, s0;
	v15 =	vand.u32 $0xFFFFFFFE, v15;
	[tilespmem:s5+$0x450] =	vst.add.f32.msk $0xffff, v14;
	v12 =	vmul.f32 v12, v8  }
0x93e: {  	v14 =	vmov s0;
	v15 =	vbroadcast v15, $0x0;
	v18 =	vld [tilespmem:s4+$0x460];
	v17 =	vmul.f32 v17, v10  }
0x93f: {  	s31 =	sor.u32 $0x50, s14;
	[tilespmem:s10+$0x440] =	vst.add.f32.msk $0xffff, v12  }
0x940: {  	[tilespmem:s31+$0x0] =	vst.add.f32.msk $0xffff, v17  }
0x941: {  	v12 =	vld [tilespmem:s12+$0x60]  }
0x942: {  	v17 =	vld [tilespmem:s9+$0x450]  }
0x943: {  	v19 =	vld.idx.msk [tilespmem:v14+s23+$0x0], $0xffff;
	v18 =	vmul.f32 v18, v13  }
0x944: {  	v20 =	vld.idx.msk [tilespmem:v15+s23+$0x0], $0xffff  }
0x945: {  	[tilespmem:s5+$0x460] =	vst.add.f32.msk $0xffff, v18  }
0x946: {  	v18 =	vld [tilespmem:s4+$0x470];
	v21 =	vmul.f32 v12, v10  }
0x947: {  	s2 =	sor.u32 $0x60, s14;
	v12 =	vld.idx.msk [tilespmem:v14+s25+$0x0], $0xffff  }
0x948: {  	v14 =	vmul.f32 v16, v9;
	(v2sf) =	vpush v19, $0x0;
	[tilespmem:s2+$0x0] =	vst.add.f32.msk $0xffff, v21  }
0x949: {  	s4 =	sor.u32 $0x50, s13;
	(v2sf) =	vpush v20, $0x0;
	v16 =	vld [tilespmem:s12+$0x70]  }
0x94a: {  	v17 =	vmul.f32 v17, v8;
	[tilespmem:s4+$0x0] =	vst.add.f32.msk $0xffff, v14  }
0x94b: {  	v14 =	vld [tilespmem:s11+$0x60]  }
0x94c: {  	[tilespmem:s10+$0x450] =	vst.add.f32.msk $0xffff, v17;
	v13 =	vmul.f32 v18, v13  }
0x94d: {  	v17 =	vld [tilespmem:s9+$0x460]  }
0x94e: {  	[tilespmem:s5+$0x470] =	vst.add.f32.msk $0xffff, v13;
	v13 =	vmul.f32 v16, v10  }
0x94f: {  	v18 =	vld [tilespmem:s15+$0x470];
	s5 =	sor.u32 $0x70, s14  }
0x950: {  	v14 =	vmul.f32 v14, v9;
	[tilespmem:s5+$0x0] =	vst.add.f32.msk $0xffff, v13  }
0x951: {  	s7 =	sor.u32 $0x60, s13;
	s4 =	simm.s32 $0x600;
	v16 =	vld [tilespmem:s12+$0x400]  }
0x952: {  	s6 =	rddreg [dreg:$0x8];
	s16 =	simm.s32 $0x300;
	s15 =	sand.u32 $0x7800, s4;
	[tilespmem:s7+$0x0] =	vst.add.f32.msk $0xffff, v14  }
0x953: {  	s17 =	sand.u32 $0x300, s16;
	s2 =	sadd.s32 s15, s6;
	v14 =	vld [tilespmem:s11+$0x70]  }
0x954: {  	s16 =	sadd.s32 s17, s2;
	s5 =	simm.s32 $0x380;
	v13 =	vld.idx.msk [tilespmem:v15+s25+$0x0], $0xffff;
	v15 =	vmul.f32 v17, v8  }
0x955: {  	v17 =	vld [tilespmem:s16+$0x0];
	s18 =	sand.u32 $0x380, s5  }
0x956: {  	s15 =	sadd.s32 s18, s2;
	[tilespmem:s10+$0x460] =	vst.add.f32.msk $0xffff, v15;
	v16 =	vmul.f32 v16, v10  }
0x957: {  	v19 =	vld [tilespmem:s15+$0x0];
	s19 =	spop (v2sf)  }
0x958: {  	s20 =	spop (v2sf);
	v14 =	vmul.f32 v14, v9;
	[tilespmem:s14+$0x400] =	vst.add.f32.msk $0xffff, v16  }
0x959: {  	s21 =	sor.u32 $0x70, s13;
	s22 =	sshll.u32 s20, $0x8;
	s2 =	sshll.u32 s20, $0x7;
	v15 =	vld [tilespmem:s12+$0x410]  }
0x95a: {  	v16 =	vmul.f32 v17, v13;
	s7 =	sand.u32 $0xFFFFF800, s22;
	s2 =	sand.u32 $0x380, s2;
	[tilespmem:s21+$0x0] =	vst.add.f32.msk $0xffff, v14  }
0x95b: {  	s26 =	sshll.u32 s19, $0x8;
	s0 =	sshll.u32 s19, $0x7;
	s2 =	sor.u32 s2, s7;
	v14 =	vld [tilespmem:s11+$0x400]  }
0x95c: {  	s6 =	sand.u32 $0xFFFFF800, s26;
	s0 =	sand.u32 $0x380, s0;
	v17 =	vmul.f32 v19, v12;
	[tilespmem:s2+$0x16600] =	vst.add.f32.msk $0xffff, v16  }
0x95d: {  	s0 =	sor.u32 s0, s6;
	v16 =	vld [tilespmem:s16+$0x10]  }
0x95e: {  	[tilespmem:s0+$0x16600] =	vst.add.f32.msk $0xffff, v17;
	v15 =	vmul.f32 v15, v10  }
0x95f: {  	v17 =	vld [tilespmem:s15+$0x10]  }
0x960: {  	v14 =	vmul.f32 v14, v9;
	[tilespmem:s14+$0x410] =	vst.add.f32.msk $0xffff, v15  }
0x961: {  	v15 =	vld [tilespmem:s12+$0x420]  }
0x962: {  	s17 =	sadd.s32 $0x16600, s2;
	v16 =	vmul.f32 v16, v13;
	[tilespmem:s13+$0x400] =	vst.add.f32.msk $0xffff, v14  }
0x963: {  	s2 =	sor.u32 $0x10, s17;
	v14 =	vld [tilespmem:s11+$0x410]  }
0x964: {  	s6 =	sadd.s32 $0x16600, s0;
	[tilespmem:s2+$0x0] =	vst.add.f32.msk $0xffff, v16;
	v16 =	vmul.f32 v17, v12  }
0x965: {  	s0 =	sor.u32 $0x10, s6;
	v17 =	vld [tilespmem:s16+$0x20]  }
0x966: {  	[tilespmem:s0+$0x0] =	vst.add.f32.msk $0xffff, v16;
	v15 =	vmul.f32 v15, v10  }
0x967: {  	v16 =	vld [tilespmem:s15+$0x20]  }
0x968: {  	v14 =	vmul.f32 v14, v9;
	[tilespmem:s14+$0x420] =	vst.add.f32.msk $0xffff, v15  }
0x969: {  	v15 =	vld [tilespmem:s12+$0x430]  }
0x96a: {  	v17 =	vmul.f32 v17, v13;
	[tilespmem:s13+$0x410] =	vst.add.f32.msk $0xffff, v14  }
0x96b: {  	s28 =	sor.u32 $0x20, s17;
	v14 =	vld [tilespmem:s11+$0x420]  }
0x96c: {  	[tilespmem:s28+$0x0] =	vst.add.f32.msk $0xffff, v17;
	v16 =	vmul.f32 v16, v12  }
0x96d: {  	s29 =	sor.u32 $0x20, s6;
	v17 =	vld [tilespmem:s16+$0x30]  }
0x96e: {  	[tilespmem:s29+$0x0] =	vst.add.f32.msk $0xffff, v16;
	v15 =	vmul.f32 v15, v10  }
0x96f: {  	v16 =	vld [tilespmem:s15+$0x30]  }
0x970: {  	v14 =	vmul.f32 v14, v9;
	[tilespmem:s14+$0x430] =	vst.add.f32.msk $0xffff, v15  }
0x971: {  	v15 =	vld [tilespmem:s12+$0x440]  }
0x972: {  	v17 =	vmul.f32 v17, v13;
	[tilespmem:s13+$0x420] =	vst.add.f32.msk $0xffff, v14  }
0x973: {  	s30 =	sor.u32 $0x30, s17;
	v14 =	vld [tilespmem:s11+$0x430]  }
0x974: {  	[tilespmem:s30+$0x0] =	vst.add.f32.msk $0xffff, v17;
	v16 =	vmul.f32 v16, v12  }
0x975: {  	s31 =	sor.u32 $0x30, s6;
	v17 =	vld [tilespmem:s16+$0x40]  }
0x976: {  	[tilespmem:s31+$0x0] =	vst.add.f32.msk $0xffff, v16;
	v15 =	vmul.f32 v15, v10  }
0x977: {  	v16 =	vld [tilespmem:s15+$0x40]  }
0x978: {  	s18 =	simm.s32 $0x6;
	s21 =	sor.u32 $0x50, s6;
	[tilespmem:s14+$0x440] =	vst.add.f32.msk $0xffff, v15  }
0x979: {  	v11 =	vmul.f32 v18, v11;
	s20 =	sor.u32 $0x60, s6;
	s19 =	sor.u32 $0x70, s6;
	s0 =	sor.u32 $0x40, s6;
	v15 =	vmul.f32 v14, v9;
	v14 =	vld [tilespmem:s12+$0x450]  }
.LBB2_44:
0x97a: {  	_ = 	snop  }
0x97b: {  	[tilespmem:s13+$0x430] =	vst.add.f32.msk $0xffff, v15;
	v17 =	vmul.f32 v17, v13  }
0x97c: {  	s22 =	sor.u32 $0x40, s17;
	v15 =	vld [tilespmem:s11+$0x440]  }
0x97d: {  	s2 =	rddreg [dreg:$0x7];
	s7 =	smov.u32 s18;
	v16 =	vmul.f32 v16, v12;
	[tilespmem:s22+$0x0] =	vst.add.f32.msk $0xffff, v17  }
0x97e: {  	s2 =	sadd.s32 s7, s2;
	v14 =	vmul.f32 v14, v10;
	v17 =	vld [tilespmem:s16+$0x50]  }
0x97f: {  	s7 =	sadd.s32 $0x902, s2;
	[tilespmem:s0+$0x0] =	vst.add.f32.msk $0xffff, v16  }
0x980: {  	v16 =	vmov s7;
	[tilespmem:s14+$0x450] =	vst.add.f32.msk $0xffff, v14  }
0x981: {  	s2 =	sadd.s32 $0x903, s2;
	v19 =	vld [tilespmem:s15+$0x50];
	v16 =	vand.u32 $0xFFFFFFFE, v16;
	v14 =	vmul.f32 v15, v9  }
0x982: {  	v18 =	vmov s2;
	v15 =	vbroadcast v16, $0x0;
	v16 =	vld [tilespmem:s12+$0x460]  }
0x983: {  	[tilespmem:s13+$0x440] =	vst.add.f32.msk $0xffff, v14;
	v17 =	vmul.f32 v17, v13  }
0x984: {  	s30 =	sor.u32 $0x50, s17;
	v14 =	vld [tilespmem:s11+$0x450]  }
0x985: {  	[tilespmem:s30+$0x0] =	vst.add.f32.msk $0xffff, v17  }
0x986: {  	v17 =	vmul.f32 v19, v12;
	v19 =	vld [tilespmem:s16+$0x60]  }
0x987: {  	v20 =	vld.idx.msk [tilespmem:v18+s23+$0x0], $0xffff  }
0x988: {  	v16 =	vmul.f32 v16, v10;
	v21 =	vld.idx.msk [tilespmem:v15+s23+$0x0], $0xffff  }
0x989: {  	v18 =	vld.idx.msk [tilespmem:v18+s25+$0x0], $0xffff  }
0x98a: {  	[tilespmem:s14+$0x460] =	vst.add.f32.msk $0xffff, v16  }
0x98b: {  	v16 =	vld [tilespmem:s12+$0x470];
	v19 =	vmul.f32 v19, v13  }
0x98c: {  	s31 =	sor.u32 $0x60, s17;
	[tilespmem:s21+$0x0] =	vst.add.f32.msk $0xffff, v17;
	(v2sf) =	vpush v20, $0x0  }
0x98d: {  	s12 =	smov.u32 s16;
	(v2sf) =	vpush v21, $0x0;
	[tilespmem:s31+$0x0] =	vst.add.f32.msk $0xffff, v19  }
0x98e: {  	v14 =	vmul.f32 v14, v9;
	v17 =	vld [tilespmem:s12+$0x70]  }
0x98f: {  	v19 =	vld [tilespmem:s15+$0x60]  }
0x990: {  	v16 =	vmul.f32 v16, v10;
	[tilespmem:s13+$0x450] =	vst.add.f32.msk $0xffff, v14  }
0x991: {  	v10 =	vmov v13;
	v13 =	vld [tilespmem:s11+$0x460]  }
0x992: {  	[tilespmem:s14+$0x470] =	vst.add.f32.msk $0xffff, v16  }
0x993: {  	s5 =	sadd.s32 $0x100, s5;
	s14 =	smov.u32 s17;
	v16 =	vld [tilespmem:s9+$0x470];
	v14 =	vmul.f32 v17, v10  }
0x994: {  	s4 =	sadd.s32 $0x200, s4;
	s7 =	rddreg [dreg:$0x8];
	[tilespmem:s8+$0x470] =	vst.add.f32.msk $0xffff, v11;
	s2 =	sor.u32 $0x70, s14;
	v17 =	vmul.f32 v19, v12  }
0x995: {  	s16 =	sadd.s32 $0xFFFFFF80, s5;
	s9 =	smov.u32 s11;
	s11 =	smov.u32 s15;
	[tilespmem:s2+$0x0] =	vst.add.f32.msk $0xffff, v14  }
0x996: {  	s8 =	smov.u32 s10;
	s10 =	smov.u32 s13;
	s15 =	sand.u32 $0x7800, s4;
	[tilespmem:s20+$0x0] =	vst.add.f32.msk $0xffff, v17  }
0x997: {  	s13 =	smov.u32 s6;
	s6 =	sand.u32 $0x300, s16;
	s0 =	sadd.s32 s15, s7;
	v14 =	vld [tilespmem:s12+$0x400]  }
0x998: {  	s16 =	sadd.s32 s6, s0;
	v17 =	vmul.f32 v13, v9;
	v13 =	vld.idx.msk [tilespmem:v15+s25+$0x0], $0xffff  }
0x999: {  	v15 =	vld [tilespmem:s16+$0x0]  }
0x99a: {  	s17 =	sand.u32 $0x380, s5;
	v19 =	vld [tilespmem:s11+$0x70]  }
0x99b: {  	s15 =	sadd.s32 s17, s0;
	s20 =	spop (v2sf)  }
0x99c: {  	v11 =	vmul.f32 v16, v8;
	v16 =	vld [tilespmem:s15+$0x0];
	s22 =	spop (v2sf);
	v14 =	vmul.f32 v14, v10  }
0x99d: {  	[tilespmem:s10+$0x460] =	vst.add.f32.msk $0xffff, v17;
	s26 =	sshll.u32 s22, $0x8;
	s6 =	sshll.u32 s22, $0x7  }
0x99e: {  	v8 =	vmov v9;
	v9 =	vmov v12;
	v15 =	vmul.f32 v15, v13;
	s7 =	sand.u32 $0xFFFFF800, s26;
	s6 =	sand.u32 $0x380, s6;
	[tilespmem:s14+$0x400] =	vst.add.f32.msk $0xffff, v14  }
0x99f: {  	v14 =	vmul.f32 v19, v9;
	s7 =	sor.u32 s6, s7;
	v17 =	vld [tilespmem:s12+$0x410]  }
0x9a0: {  	[tilespmem:s7+$0x16600] =	vst.add.f32.msk $0xffff, v15  }
0x9a1: {  	[tilespmem:s19+$0x0] =	vst.add.f32.msk $0xffff, v14  }
0x9a2: {  	v12 =	vmov v18;
	s21 =	sshll.u32 s20, $0x8;
	s0 =	sshll.u32 s20, $0x7;
	v15 =	vld [tilespmem:s16+$0x10]  }
0x9a3: {  	s2 =	sand.u32 $0xFFFFF800, s21;
	s0 =	sand.u32 $0x380, s0;
	v14 =	vmul.f32 v16, v12;
	v16 =	vld [tilespmem:s11+$0x400]  }
0x9a4: {  	s0 =	sor.u32 s0, s2  }
0x9a5: {  	[tilespmem:s0+$0x16600] =	vst.add.f32.msk $0xffff, v14;
	v14 =	vmul.f32 v17, v10  }
0x9a6: {  	v17 =	vld [tilespmem:s15+$0x10]  }
0x9a7: {  	s17 =	sadd.s32 $0x16600, s7;
	v15 =	vmul.f32 v15, v13;
	[tilespmem:s14+$0x410] =	vst.add.f32.msk $0xffff, v14  }
0x9a8: {  	s7 =	sor.u32 $0x10, s17;
	v14 =	vmul.f32 v16, v9;
	v16 =	vld [tilespmem:s12+$0x420]  }
0x9a9: {  	[tilespmem:s7+$0x0] =	vst.add.f32.msk $0xffff, v15  }
0x9aa: {  	[tilespmem:s13+$0x400] =	vst.add.f32.msk $0xffff, v14  }
0x9ab: {  	v14 =	vld [tilespmem:s11+$0x410]  }
0x9ac: {  	s6 =	sadd.s32 $0x16600, s0;
	v15 =	vmul.f32 v17, v12;
	v17 =	vld [tilespmem:s16+$0x20]  }
0x9ad: {  	s28 =	sor.u32 $0x10, s6  }
0x9ae: {  	[tilespmem:s28+$0x0] =	vst.add.f32.msk $0xffff, v15;
	v15 =	vmul.f32 v16, v10  }
0x9af: {  	v16 =	vld [tilespmem:s15+$0x20]  }
0x9b0: {  	[tilespmem:s14+$0x420] =	vst.add.f32.msk $0xffff, v15;
	v14 =	vmul.f32 v14, v9  }
0x9b1: {  	v17 =	vmul.f32 v17, v13;
	v15 =	vld [tilespmem:s12+$0x430]  }
0x9b2: {  	s30 =	sor.u32 $0x20, s17;
	[tilespmem:s13+$0x410] =	vst.add.f32.msk $0xffff, v14  }
0x9b3: {  	[tilespmem:s30+$0x0] =	vst.add.f32.msk $0xffff, v17  }
0x9b4: {  	v14 =	vld [tilespmem:s11+$0x420]  }
0x9b5: {  	v16 =	vmul.f32 v16, v12;
	v17 =	vld [tilespmem:s16+$0x30]  }
0x9b6: {  	s26 =	sor.u32 $0x20, s6  }
0x9b7: {  	[tilespmem:s26+$0x0] =	vst.add.f32.msk $0xffff, v16;
	v15 =	vmul.f32 v15, v10  }
0x9b8: {  	v16 =	vld [tilespmem:s15+$0x30]  }
0x9b9: {  	[tilespmem:s14+$0x430] =	vst.add.f32.msk $0xffff, v15;
	v14 =	vmul.f32 v14, v9  }
0x9ba: {  	v17 =	vmul.f32 v17, v13;
	v15 =	vld [tilespmem:s12+$0x440]  }
0x9bb: {  	s31 =	sor.u32 $0x30, s17;
	[tilespmem:s13+$0x420] =	vst.add.f32.msk $0xffff, v14  }
0x9bc: {  	s18 =	sadd.s32 $0x2, s18;
	[tilespmem:s31+$0x0] =	vst.add.f32.msk $0xffff, v17  }
0x9bd: {  	p0 =	slt.u32 s18, $0x7E;
	v14 =	vld [tilespmem:s11+$0x430];
	v16 =	vmul.f32 v16, v12  }
.Ltmp30:
0x9be: {  	s29 =	sor.u32 $0x30, s6;
	v17 =	vld [tilespmem:s16+$0x40];
	(pc) =	sbr.rel @p0 .LBB2_44-.Ltmp30, $4  }
0x9bf: {  	[tilespmem:s29+$0x0] =	vst.add.f32.msk $0xffff, v16;
	v15 =	vmul.f32 v15, v10  }
0x9c0: {  	v16 =	vld [tilespmem:s15+$0x40]  }
0x9c1: {  	s21 =	sor.u32 $0x50, s6;
	[tilespmem:s14+$0x440] =	vst.add.f32.msk $0xffff, v15  }
0x9c2: {  	s20 =	sor.u32 $0x60, s6;
	s19 =	sor.u32 $0x70, s6;
	s0 =	sor.u32 $0x40, s6;
	v15 =	vmul.f32 v14, v9;
	v14 =	vld [tilespmem:s12+$0x450]  }
0x9c3: {  	v17 =	vmul.f32 v17, v13  }
0x9c4: {  	s2 =	sor.u32 $0x40, s17  }
0x9c5: {  	[tilespmem:s2+$0x0] =	vst.add.f32.msk $0xffff, v17;
	v16 =	vmul.f32 v16, v12  }
0x9c6: {  	v17 =	vld [tilespmem:s16+$0x50]  }
0x9c7: {  	[tilespmem:s0+$0x0] =	vst.add.f32.msk $0xffff, v16  }
0x9c8: {  	v16 =	vld [tilespmem:s15+$0x50];
	_ =	sdelay $0x2  }
0x9c9: {  	v17 =	vmul.f32 v17, v13  }
0x9ca: {  	s22 =	sor.u32 $0x50, s17  }
0x9cb: {  	[tilespmem:s22+$0x0] =	vst.add.f32.msk $0xffff, v17;
	v16 =	vmul.f32 v16, v12  }
0x9cc: {  	v17 =	vld [tilespmem:s16+$0x60]  }
0x9cd: {  	[tilespmem:s21+$0x0] =	vst.add.f32.msk $0xffff, v16  }
0x9ce: {  	v16 =	vld [tilespmem:s15+$0x60];
	_ =	sdelay $0x2  }
0x9cf: {  	v17 =	vmul.f32 v17, v13  }
0x9d0: {  	s26 =	sor.u32 $0x60, s17  }
0x9d1: {  	[tilespmem:s26+$0x0] =	vst.add.f32.msk $0xffff, v17;
	v16 =	vmul.f32 v16, v12  }
0x9d2: {  	v17 =	vld [tilespmem:s16+$0x70]  }
0x9d3: {  	[tilespmem:s20+$0x0] =	vst.add.f32.msk $0xffff, v16  }
0x9d4: {  	v16 =	vld [tilespmem:s15+$0x70];
	_ =	sdelay $0x2  }
0x9d5: {  	v17 =	vmul.f32 v17, v13  }
0x9d6: {  	s28 =	sor.u32 $0x70, s17  }
0x9d7: {  	[tilespmem:s28+$0x0] =	vst.add.f32.msk $0xffff, v17;
	v16 =	vmul.f32 v16, v12  }
0x9d8: {  	v17 =	vld [tilespmem:s16+$0x400]  }
0x9d9: {  	[tilespmem:s19+$0x0] =	vst.add.f32.msk $0xffff, v16  }
0x9da: {  	v16 =	vld [tilespmem:s15+$0x400];
	_ =	sdelay $0x2  }
0x9db: {  	v17 =	vmul.f32 v17, v13;
	_ =	sdelay $0x1  }
0x9dc: {  	[tilespmem:s17+$0x400] =	vst.add.f32.msk $0xffff, v17;
	v16 =	vmul.f32 v16, v12  }
0x9dd: {  	v17 =	vld [tilespmem:s16+$0x410]  }
0x9de: {  	[tilespmem:s6+$0x400] =	vst.add.f32.msk $0xffff, v16  }
0x9df: {  	v16 =	vld [tilespmem:s15+$0x410];
	_ =	sdelay $0x2  }
0x9e0: {  	v17 =	vmul.f32 v17, v13;
	_ =	sdelay $0x1  }
0x9e1: {  	[tilespmem:s17+$0x410] =	vst.add.f32.msk $0xffff, v17;
	v16 =	vmul.f32 v16, v12  }
0x9e2: {  	v17 =	vld [tilespmem:s16+$0x420]  }
0x9e3: {  	[tilespmem:s6+$0x410] =	vst.add.f32.msk $0xffff, v16  }
0x9e4: {  	v16 =	vld [tilespmem:s15+$0x420];
	_ =	sdelay $0x2  }
0x9e5: {  	v17 =	vmul.f32 v17, v13;
	_ =	sdelay $0x1  }
0x9e6: {  	[tilespmem:s17+$0x420] =	vst.add.f32.msk $0xffff, v17;
	v16 =	vmul.f32 v16, v12  }
0x9e7: {  	v17 =	vld [tilespmem:s16+$0x430]  }
0x9e8: {  	[tilespmem:s6+$0x420] =	vst.add.f32.msk $0xffff, v16  }
0x9e9: {  	v16 =	vld [tilespmem:s15+$0x430];
	_ =	sdelay $0x2  }
0x9ea: {  	[tilespmem:s13+$0x430] =	vst.add.f32.msk $0xffff, v15;
	v48 =	vmul.f32 v17, v13  }
0x9eb: {  	v49 =	vld [tilespmem:s11+$0x440]  }
0x9ec: {  	[tilespmem:s17+$0x430] =	vst.add.f32.msk $0xffff, v48;
	v50 =	vmul.f32 v16, v12  }
0x9ed: {  	v51 =	vld [tilespmem:s16+$0x440]  }
0x9ee: {  	[tilespmem:s6+$0x430] =	vst.add.f32.msk $0xffff, v50  }
0x9ef: {  	v15 =	vld [tilespmem:s15+$0x440]  }
0x9f0: {  	v17 =	vmul.f32 v49, v9  }
0x9f1: {  	v58 =	vld [tilespmem:s9+$0x470]  }
0x9f2: {  	[tilespmem:s13+$0x440] =	vst.add.f32.msk $0xffff, v17;
	v16 =	vmul.f32 v51, v13  }
0x9f3: {  	v17 =	vld [tilespmem:s11+$0x450]  }
0x9f4: {  	[tilespmem:s17+$0x440] =	vst.add.f32.msk $0xffff, v16;
	v15 =	vmul.f32 v15, v12  }
0x9f5: {  	v16 =	vld [tilespmem:s16+$0x450]  }
0x9f6: {  	v14 =	vmul.f32 v14, v10;
	[tilespmem:s6+$0x440] =	vst.add.f32.msk $0xffff, v15  }
0x9f7: {  	v15 =	vld [tilespmem:s15+$0x450]  }
0x9f8: {  	[tilespmem:s14+$0x450] =	vst.add.f32.msk $0xffff, v14;
	v52 =	vmul.f32 v17, v9  }
0x9f9: {  	v53 =	vld [tilespmem:s12+$0x460]  }
0x9fa: {  	[tilespmem:s13+$0x450] =	vst.add.f32.msk $0xffff, v52;
	v54 =	vmul.f32 v16, v13  }
0x9fb: {  	v55 =	vld [tilespmem:s11+$0x460]  }
0x9fc: {  	[tilespmem:s17+$0x450] =	vst.add.f32.msk $0xffff, v54;
	v56 =	vmul.f32 v15, v12  }
0x9fd: {  	v57 =	vld [tilespmem:s16+$0x460]  }
0x9fe: {  	v17 =	vmul.f32 v53, v10;
	[tilespmem:s6+$0x450] =	vst.add.f32.msk $0xffff, v56  }
0x9ff: {  	v14 =	vld [tilespmem:s15+$0x460]  }
0xa00: {  	[tilespmem:s14+$0x460] =	vst.add.f32.msk $0xffff, v17;
	v16 =	vmul.f32 v55, v9  }
0xa01: {  	v17 =	vld [tilespmem:s12+$0x470]  }
0xa02: {  	[tilespmem:s13+$0x460] =	vst.add.f32.msk $0xffff, v16;
	v15 =	vmul.f32 v57, v13  }
0xa03: {  	v59 =	vld [tilespmem:s11+$0x470]  }
0xa04: {  	[tilespmem:s17+$0x460] =	vst.add.f32.msk $0xffff, v15;
	v14 =	vmul.f32 v14, v12  }
0xa05: {  	v15 =	vld [tilespmem:s16+$0x470]  }
0xa06: {  	[tilespmem:s6+$0x460] =	vst.add.f32.msk $0xffff, v14  }
0xa07: {  	v61 =	vld [tilespmem:s15+$0x470]  }
0xa08: {  	v8 =	vmul.f32 v58, v8  }
0xa09: {  	[tilespmem:s8+$0x470] =	vst.add.f32.msk $0xffff, v11;
	v60 =	vmul.f32 v17, v10  }
0xa0a: {  	[tilespmem:s10+$0x470] =	vst.add.f32.msk $0xffff, v8;
	v63 =	vmul.f32 v59, v9  }
0xa0b: {  	[tilespmem:s14+$0x470] =	vst.add.f32.msk $0xffff, v60;
	v62 =	vmul.f32 v15, v13  }
0xa0c: {  	[tilespmem:s13+$0x470] =	vst.add.f32.msk $0xffff, v63;
	v8 =	vmul.f32 v61, v12  }
0xa0d: {  	[tilespmem:s17+$0x470] =	vst.add.f32.msk $0xffff, v62  }
0xa0e: {  	[tilespmem:s6+$0x470] =	vst.add.f32.msk $0xffff, v8  }
0xa0f: {  	s29 =	simm.s32 $0x16600;
	s30 =	simm.s32 $0x5;
	s0 =	rddreg [dreg:$0xc]  }
0xa10: {  	[hbm4b:s0+s3] =	stream.linear.scatter [tilespmem:s29], [sflag:$0x5], $0x8000, $0x38;
	[tilespmem:$0x1E600] =	vst v63  }
0xa11: {  	_ =	swait.ge [sflag:s30], $0x8000  }
0xa12: {  	s4 =	sld [smem:$0x7E2];
	_ =	sdelay $0x2  }
0xa13: {  	s31 =	rddreg [dreg:$0xd];
	s4 =	sadd.s32 $0x1, s4  }
0xa14: {  	p0 =	sne.s32 s4, s31  }
.Ltmp31:
0xa15: {  	_ = 	snop;
	(pc) =	sbr.rel @p0 .LBB2_1-.Ltmp31, $3  }
0xa16: {  	_ =	sdelay $0x1  }
0xa17: {  	[sflag:s30] =	ssyncset.done $0x0  }
0xa18: {  	[sflag:s30] =	ssyncadd.s32 $0xFFFF8000  }
0xa19: {  	_ =	sfence.sel $0x180000  }
0xa1a: {  	[bflag:$0x0] =	sbarrier.arrive $0xFFFF  }
0xa1b: {  	_ =	strace $0x90000047  }
0xa1c: {  	s0 =	stileid.u32;
	[bflag:$0x2] =	sbarrier.arrive $0xFFFF  }
0xa1d: {  	p0 =	sne.s32 s0, $0x0;
	s0 =	rddreg [dreg:$0x2]  }
0xa1e: {  	s0 =	sadd.s32 @!p0 $0x100000, s0  }
0xa1f: {  	[sflag:s0] =	ssyncadd.tile.s32 @!p0 $0x1;
	_ =	shalt  }
.Lfunc_end2:
_tile_overlayer_lowered:
.L_overlay_start_2:
0xa20: {  	(tag) =	ssettag $0x2  }
0xa21: {  	s0 =	rddreg [dreg:$0x0];
	s2 =	stileid.u32  }
0xa22: {  	s1 =	rddreg [dreg:$0x1];
	p0 =	sne.s32 s2, $0x0  }
0xa23: {  	s3 =	rddreg [dreg:$0x2];
	[bflag:$0x3] =	sbarrier.arrive $0xFFFF;
	s2 =	simm.s32 @!p0 $0x1C05  }
0xa24: {  	[timem:s3], [sflag:s2] =	dma.local @!p0 [hbm:s0], s1  }
0xa25: {  	s0 =	simm.s32 @!p0 $0x5  }
0xa26: {  	_ =	swait.ge @!p0 [sflag:s0], s1  }
0xa27: {  	s1 =	ssub.s32 @!p0 $0x0, s1;
	[sflag:s0] =	ssyncset.done @!p0 $0x0  }
0xa28: {  	[sflag:s0] =	ssyncadd.s32 @!p0 s1  }
0xa29: {  	[bflag:$0x3] =	sbarrier.arrive $0xFFFF  }
0xa2a: {  	_ =	shalt  }

</sc_bundles>
